<compile_context>
chip_gen: v7x
topology: tpu7x:2x2x1
jax: 0.10.2.dev20260603
libtpu: 0.0.44.dev20260713+nightly
codegen_flags: <defaults>
</compile_context>

<pallas_src>
import jax
import jax.numpy as jnp
from jax import lax
from jax.experimental import pallas as pl
from jax.experimental.pallas import tpu as pltpu
from jax.experimental.pallas import tpu_sc as plsc


N = 10000
E = 320000
EH = E // 2
D = 64
DP = 128
SW = DP
NC, NS, L = 2, 16, 16
TILES = NC * NS
EPT = E // TILES
C = 40
NCHUNK = EPT // C
ISUP = 50
NSUP = NCHUNK // ISUP
NBUF = 2


def _node_body(nf, wn, bn, wa, x_out, xa_out):
    h = jnp.dot(nf[...], wn[...], preferred_element_type=jnp.float32) + bn[...]
    xx = jnp.maximum(h * jax.nn.sigmoid(h), 0.0)
    x_out[...] = xx
    xad = jnp.dot(xx, wa[...], preferred_element_type=jnp.float32)
    pad = (lax.broadcasted_iota(jnp.int32, (xx.shape[0], DP - D), 1) == 0)
    xa_out[...] = jnp.concatenate([xad, pad.astype(jnp.float32)], axis=1)


def _edge_body(ef0, ef1, we, be, wb, bm, ebb_out):
    def enc(ef):
        h = jnp.dot(ef, we[...], preferred_element_type=jnp.float32) + be[...]
        ee = jnp.maximum(h * jax.nn.sigmoid(h), 0.0)
        return jnp.dot(ee, wb[...], preferred_element_type=jnp.float32) + bm[...]
    ebb_out[...] = jnp.concatenate([enc(ef0[...]), enc(ef1[...])], axis=1)


def _final_body(s2, x, wm2, bm2, wua, wux, bu, wo, bo, out):
    stot = s2[0] + s2[1]
    aggr = (jnp.dot(stot[:, :D], wm2[...], preferred_element_type=jnp.float32)
            + stot[:, D:D + 1] * bm2[...])
    h = (jnp.dot(aggr, wua[...], preferred_element_type=jnp.float32)
         + jnp.dot(x[...], wux[...], preferred_element_type=jnp.float32)
         + bu[...])
    h = jnp.maximum(h * jax.nn.sigmoid(h), 0.0)
    out[...] = jnp.dot(h, wo[...], preferred_element_type=jnp.float32) + bo[...]


def _sc_edge_kernel(xa_hbm, gidx_hbm, ebb_hbm, zeros_hbm, out_hbm,
                    s_sh, gidx_v, ebb_v, gv, vv, sems):
    cid = lax.axis_index("c")
    sid = lax.axis_index("s")
    tile = cid * NS + sid
    base = tile * EPT
    bbase = sid * EPT
    ecol = cid * D

    @pl.when(sid == 0)
    def _():
        pltpu.sync_copy(zeros_hbm, s_sh)

    plsc.subcore_barrier()

    def super_body(s, carry):
        srow = tile * NSUP + s
        pltpu.sync_copy(gidx_hbm.at[srow], gidx_v)

        def _loads(cix, b, issue):
            boffs = bbase + (s * ISUP + cix) * C
            mk = pltpu.async_copy if issue else pltpu.make_async_copy
            cps = [
                mk(ebb_hbm.at[pl.ds(boffs, C)], ebb_v.at[b], sems.at[b]),
                mk(xa_hbm.at[gidx_v.at[cix]], gv.at[b], sems.at[b]),
            ]
            if not issue:
                for cp in cps:
                    cp.wait()

        def _process(cix, b):
            _loads(cix, b, issue=False)

            def compute(ecol_static):
                @plsc.parallel_loop(0, C, 1, unroll=2)
                def row_body(r):
                    for j in range(D // L):
                        sl = pl.ds(j * L, L)
                        eb = ebb_v[b, r, pl.ds(ecol_static + j * L, L)]
                        u0 = gv[b, r, sl] + eb
                        u1 = gv[b, C + r, sl] + eb
                        vv[C + r, sl] = u0 / (1.0 + jnp.exp(-u0))
                        vv[r, sl] = u1 / (1.0 + jnp.exp(-u1))

            @pl.when(cid == 0)
            def _():
                compute(0)

            @pl.when(cid == 1)
            def _():
                compute(D)

            pltpu.sync_copy(vv, s_sh.at[gidx_v.at[cix]], add=True)

            more = cix + NBUF < ISUP
            if more is not False:
                @pl.when(more)
                def _():
                    _loads(cix + NBUF, b, issue=True)

        for b in range(NBUF):
            _loads(b, b, issue=True)

        def pair_body(p, carry2):
            for b in range(NBUF):
                _process(p * NBUF + b, b)
            return carry2

        lax.fori_loop(0, ISUP // NBUF, pair_body, 0)
        for t in range(ISUP - ISUP % NBUF, ISUP):
            _process(t, t % NBUF)
        return carry

    lax.fori_loop(0, NSUP, super_body, 0)

    plsc.subcore_barrier()

    @pl.when(sid == 0)
    def _():
        pltpu.sync_copy(s_sh, out_hbm.at[cid])


def kernel(node_features, edge_index, edge_features,
           W_n, b_n, W_e, b_e, Wm1, bm1, Wm2, bm2, Wu, bu, Wo, bo):
    nd = node_features.shape[1]
    ed = edge_features.shape[1]
    og = Wo.shape[1]

    wa = Wm1[:D]
    wb = Wm1[D:]
    bn2 = b_n.reshape(1, -1)
    be2 = b_e.reshape(1, -1)
    bm1r = bm1.reshape(1, -1)
    bm2r = bm2.reshape(1, -1)
    bu2 = bu.reshape(1, -1)
    wo_pad = jnp.zeros((D, 128), jnp.float32).at[:, :og].set(Wo)
    bo_pad = jnp.zeros((1, 128), jnp.float32).at[0, :og].set(bo)

    BN = 2000
    x, xa = pl.pallas_call(
        _node_body,
        grid=(N // BN,),
        in_specs=[pl.BlockSpec((BN, nd), lambda i: (i, 0)),
                  pl.BlockSpec((nd, D), lambda i: (0, 0)),
                  pl.BlockSpec((1, D), lambda i: (0, 0)),
                  pl.BlockSpec((D, D), lambda i: (0, 0))],
        out_specs=[pl.BlockSpec((BN, D), lambda i: (i, 0)),
                   pl.BlockSpec((BN, DP), lambda i: (i, 0))],
        out_shape=[jax.ShapeDtypeStruct((N, D), jnp.float32),
                   jax.ShapeDtypeStruct((N, DP), jnp.float32)],
    )(node_features, W_n, bn2, wa)

    BE = 8000
    nblk = (EH // BE)
    ebb = pl.pallas_call(
        _edge_body,
        grid=(nblk,),
        in_specs=[pl.BlockSpec((BE, ed), lambda i: (i, 0)),
                  pl.BlockSpec((BE, ed), lambda i: (i + nblk, 0)),
                  pl.BlockSpec((ed, ed), lambda i: (0, 0)),
                  pl.BlockSpec((1, ed), lambda i: (0, 0)),
                  pl.BlockSpec((ed, D), lambda i: (0, 0)),
                  pl.BlockSpec((1, D), lambda i: (0, 0))],
        out_specs=pl.BlockSpec((BE, 2 * D), lambda i: (i, 0)),
        out_shape=jax.ShapeDtypeStruct((EH, 2 * D), jnp.float32),
    )(edge_features, edge_features, W_e, be2, wb, bm1r)

    row3 = edge_index[0].reshape(-1, C)
    col3 = edge_index[1].reshape(-1, C)
    gidx = jnp.concatenate([row3, col3], axis=1).reshape(TILES * NSUP, ISUP, 2 * C)
    zeros = jnp.zeros((N, SW), jnp.float32)

    mesh = plsc.VectorSubcoreMesh(core_axis_name="c", subcore_axis_name="s",
                                  num_cores=NC, num_subcores=NS)
    s2 = pl.kernel(
        _sc_edge_kernel,
        out_type=jax.ShapeDtypeStruct((NC, N, SW), jnp.float32),
        mesh=mesh,
        scratch_types=[
            pltpu.VMEM_SHARED((N, SW), jnp.float32),
            pltpu.VMEM((ISUP, 2 * C), jnp.int32),
            pltpu.VMEM((NBUF, C, 2 * D), jnp.float32),
            pltpu.VMEM((NBUF, 2 * C, DP), jnp.float32),
            pltpu.VMEM((2 * C, DP), jnp.float32),
            pltpu.SemaphoreType.DMA((NBUF,)),
        ],
    )(xa, gidx, ebb, zeros)

    out_pad = pl.pallas_call(
        _final_body,
        grid=(N // BN,),
        in_specs=[pl.BlockSpec((NC, BN, SW), lambda i: (0, i, 0)),
                  pl.BlockSpec((BN, D), lambda i: (i, 0)),
                  pl.BlockSpec((D, D), lambda i: (0, 0)),
                  pl.BlockSpec((1, D), lambda i: (0, 0)),
                  pl.BlockSpec((D, D), lambda i: (0, 0)),
                  pl.BlockSpec((D, D), lambda i: (0, 0)),
                  pl.BlockSpec((1, D), lambda i: (0, 0)),
                  pl.BlockSpec((D, 128), lambda i: (0, 0)),
                  pl.BlockSpec((1, 128), lambda i: (0, 0))],
        out_specs=pl.BlockSpec((BN, 128), lambda i: (i, 0)),
        out_shape=jax.ShapeDtypeStruct((N, 128), jnp.float32),
    )(s2, x, Wm2, bm2r, Wu[:D], Wu[D:], bu2, wo_pad, bo_pad)

    return out_pad[:, :og]

# --- scband reference (transcript-rebuilt; emitter-appended) ---
"""Pipeline reference for scband-gnn-996432413615 (READ-ONLY COPY).

The authoritative reference and input builder live on the scoring server;
editing this copy changes nothing except your own understanding.
"""

import jax, jax.numpy as jnp
import numpy as np

def silu(x):
    return x * jax.nn.sigmoid(x)

def setup_inputs(seed: int = 0):
    key = jax.random.key(seed)
    ks = jax.random.split(key, 20)
    N, E = 10000, 320000
    node_dim, edge_dim = 128, 16
    out_n, out_e, hid, out_g = 64, 16, 64, 3
    node_features = jax.random.normal(ks[0], (N, node_dim), dtype=jnp.float32)
    edge_index = jax.random.randint(ks[1], (2, E), 0, N)
    edge_features = jax.random.normal(ks[2], (E, edge_dim), dtype=jnp.float32)
    s = 0.05
    W_n = jax.random.normal(ks[3], (node_dim, out_n), dtype=jnp.float32) * s
    b_n = jnp.zeros((out_n,), dtype=jnp.float32)
    W_e = jax.random.normal(ks[4], (edge_dim, out_e), dtype=jnp.float32) * s
    b_e = jnp.zeros((out_e,), dtype=jnp.float32)
    Wm1 = jax.random.normal(ks[5], (out_n + out_e, hid), dtype=jnp.float32) * s
    bm1 = jnp.zeros((hid,), dtype=jnp.float32)
    Wm2 = jax.random.normal(ks[6], (hid, hid), dtype=jnp.float32) * s
    bm2 = jnp.zeros((hid,), dtype=jnp.float32)
    Wu = jax.random.normal(ks[7], (hid + out_n, hid), dtype=jnp.float32) * s
    bu = jnp.zeros((hid,), dtype=jnp.float32)
    Wo = jax.random.normal(ks[8], (hid, out_g), dtype=jnp.float32) * s
    bo = jnp.zeros((out_g,), dtype=jnp.float32)
    return {"node_features": node_features, "edge_index": edge_index, "edge_features": edge_features,
            "W_n": W_n, "b_n": b_n, "W_e": W_e, "b_e": b_e,
            "Wm1": Wm1, "bm1": bm1, "Wm2": Wm2, "bm2": bm2,
            "Wu": Wu, "bu": bu, "Wo": Wo, "bo": bo}

def reference(node_features, edge_index, edge_features, W_n, b_n, W_e, b_e, Wm1, bm1, Wm2, bm2, Wu, bu, Wo, bo):
    # node/edge feature combiners: Linear -> SiLU, then outer relu
    x = jax.nn.relu(silu(node_features @ W_n + b_n))
    e = jax.nn.relu(silu(edge_features @ W_e + b_e))
    # make_undirected: append flipped edges and duplicate edge attrs
    ei_full = jnp.concatenate([edge_index, edge_index[::-1]], axis=1)
    e_full = jnp.concatenate([e, e], axis=0)
    row, col = ei_full[0], ei_full[1]  # PyG source_to_target: x_j = x[row], aggregate at col
    x_j = jnp.take(x, row, axis=0)
    msg = jnp.concatenate([x_j, e_full], axis=-1)
    msg = silu(msg @ Wm1 + bm1)
    msg = msg @ Wm2 + bm2
    aggr = jax.ops.segment_sum(msg, col, num_segments=x.shape[0])
    h = silu(jnp.concatenate([aggr, x], axis=-1) @ Wu + bu)
    h = jax.nn.relu(h)
    displacement = h @ Wo + bo
    return displacement

if __name__ == "__main__":
    import jax
    _d = setup_inputs()
    print(jax.jit(kernel)(*tuple(_d.values())))

</pallas_src>

<mosaic_0001>
#map = affine_map<(d0, d1) -> (0, 0)>
#map1 = affine_map<(d0, d1) -> (0, 0, 0)>
module attributes {stable_mosaic.version = 14 : i64} {
  func.func @_sc_edge_kernel(%arg0: i32, %arg1: i32, %arg2: memref<10000x128xf32, #tpu.memory_space<hbm>>, %arg3: memref<160x50x80xi32, #tpu.memory_space<hbm>>, %arg4: memref<160000x128xf32, #tpu.memory_space<hbm>>, %arg5: memref<10000x128xf32, #tpu.memory_space<hbm>>, %arg6: memref<2x10000x128xf32, #tpu.memory_space<hbm>>, %arg7: memref<10000x128xf32, #tpu.memory_space<vmem_shared>>, %arg8: memref<50x80xi32, #tpu.memory_space<vmem>>, %arg9: memref<2x40x128xf32, #tpu.memory_space<vmem>>, %arg10: memref<2x80x128xf32, #tpu.memory_space<vmem>>, %arg11: memref<80x128xf32, #tpu.memory_space<vmem>>, %arg12: memref<2x!tpu.dma_semaphore, #tpu.memory_space<semaphore_mem>>) attributes {dimension_semantics = [#tpu.dimension_semantics<core_parallel>, #tpu.dimension_semantics<subcore_parallel>], iteration_bounds = array<i64: 2, 16>, scalar_prefetch = 0 : i64, scratch_operands = 6 : i64, tpu.core_type = #tpu.core_type<sc_vector_subcore>, window_params = [{transform_indices = #map}, {transform_indices = #map1}, {transform_indices = #map}, {transform_indices = #map}, {transform_indices = #map1}]} {
    %mul3A = arith.constant 16 : i32
    %mul3A_0 = arith.muli %arg0, %mul3A : i32
    %add3A = arith.addi %mul3A_0, %arg1 : i32
    %mul3A_1 = arith.constant 10000 : i32
    %mul3A_2 = arith.muli %add3A, %mul3A_1 : i32
    %mul3A_3 = arith.constant 10000 : i32
    %mul3A_4 = arith.muli %arg1, %mul3A_3 : i32
    %mul3A_5 = arith.constant 64 : i32
    %mul3A_6 = arith.muli %arg0, %mul3A_5 : i32
    %eq3A = arith.constant 0 : i32
    %eq3A_7 = arith.cmpi eq, %arg1, %eq3A : i32
    %convert_element_type3A = arith.extui %eq3A_7 : i1 to i32
    %cond3A = arith.constant 0 : i32
    %cond3A_8 = arith.cmpi ne, %convert_element_type3A, %cond3A : i32
    scf.if %cond3A_8 {
      "tpu.region"() ({
        %run_scoped3A = tpu.sem_alloc : memref<!tpu.dma_semaphore, #tpu.memory_space<semaphore_mem>>
        tpu.enqueue_dma source(%arg5 : memref<10000x128xf32, #tpu.memory_space<hbm>>) target(%arg7 : memref<10000x128xf32, #tpu.memory_space<vmem_shared>>) target_semaphore(%run_scoped3A : memref<!tpu.dma_semaphore, #tpu.memory_space<semaphore_mem>>)
        tpu.wait_dma2 semaphore(%run_scoped3A : memref<!tpu.dma_semaphore, #tpu.memory_space<semaphore_mem>>) src(%arg5 : memref<10000x128xf32, #tpu.memory_space<hbm>>) dst(%arg7 : memref<10000x128xf32, #tpu.memory_space<vmem_shared>>)
        tpu.yield
      }) : () -> ()
    } else {
    }
    %barrier3A = arith.constant 0 : index
    tpu.barrier barrier_id(%barrier3A)
    %scan3A = arith.constant 0 : i32
    %scan3A_9 = arith.constant 0 : i32
    %scan3A_10 = arith.constant 5 : i32
    %scan3A_11 = arith.addi %scan3A_9, %scan3A_10 : i32
    %scan3A_12 = arith.constant 1 : i32
    scf.for %scan3A_20 = %scan3A_9 to %scan3A_11 step %scan3A_12  : i32 {
      %mul3A_21 = arith.constant 5 : i32
      %mul3A_22 = arith.muli %add3A, %mul3A_21 : i32
      %add3A_23 = arith.addi %mul3A_22, %scan3A_20 : i32
      "tpu.region"() ({
        %run_scoped3A = tpu.sem_alloc : memref<!tpu.dma_semaphore, #tpu.memory_space<semaphore_mem>>
        %dma_start3A_105 = arith.constant 0 : i32
        %dma_start3A_106 = arith.constant 0 : i32
        %dma_start3A_107 = tpu.memref_slice %arg3[%add3A_23, %dma_start3A_105, %dma_start3A_106] : memref<160x50x80xi32, #tpu.memory_space<hbm>> -> memref<1x50x80xi32, #tpu.memory_space<hbm>>
        %dma_start3A_108 = tpu.memref_squeeze %dma_start3A_107 : memref<1x50x80xi32, #tpu.memory_space<hbm>> -> memref<50x80xi32, #tpu.memory_space<hbm>>
        %dma_start3A_109 = arith.constant 0 : i32
        %dma_start3A_110 = arith.constant 0 : i32
        %dma_start3A_111 = tpu.memref_slice %arg3[%add3A_23, %dma_start3A_109, %dma_start3A_110] : memref<160x50x80xi32, #tpu.memory_space<hbm>> -> memref<1x50x80xi32, #tpu.memory_space<hbm>>
        %dma_start3A_112 = tpu.memref_squeeze %dma_start3A_111 : memref<1x50x80xi32, #tpu.memory_space<hbm>> -> memref<50x80xi32, #tpu.memory_space<hbm>>
        tpu.enqueue_dma source(%dma_start3A_112 : memref<50x80xi32, #tpu.memory_space<hbm>>) target(%arg8 : memref<50x80xi32, #tpu.memory_space<vmem>>) target_semaphore(%run_scoped3A : memref<!tpu.dma_semaphore, #tpu.memory_space<semaphore_mem>>)
        %dma_wait3A = arith.constant 0 : i32
        %dma_wait3A_113 = arith.constant 0 : i32
        %dma_wait3A_114 = tpu.memref_slice %arg3[%add3A_23, %dma_wait3A, %dma_wait3A_113] : memref<160x50x80xi32, #tpu.memory_space<hbm>> -> memref<1x50x80xi32, #tpu.memory_space<hbm>>
        %dma_wait3A_115 = tpu.memref_squeeze %dma_wait3A_114 : memref<1x50x80xi32, #tpu.memory_space<hbm>> -> memref<50x80xi32, #tpu.memory_space<hbm>>
        %dma_wait3A_116 = arith.constant 0 : i32
        %dma_wait3A_117 = arith.constant 0 : i32
        %dma_wait3A_118 = tpu.memref_slice %arg3[%add3A_23, %dma_wait3A_116, %dma_wait3A_117] : memref<160x50x80xi32, #tpu.memory_space<hbm>> -> memref<1x50x80xi32, #tpu.memory_space<hbm>>
        %dma_wait3A_119 = tpu.memref_squeeze %dma_wait3A_118 : memref<1x50x80xi32, #tpu.memory_space<hbm>> -> memref<50x80xi32, #tpu.memory_space<hbm>>
        tpu.wait_dma2 semaphore(%run_scoped3A : memref<!tpu.dma_semaphore, #tpu.memory_space<semaphore_mem>>) src(%dma_wait3A_119 : memref<50x80xi32, #tpu.memory_space<hbm>>) dst(%arg8 : memref<50x80xi32, #tpu.memory_space<vmem>>)
        tpu.yield
      }) : () -> ()
      %mul3A_24 = arith.constant 50 : i32
      %mul3A_25 = arith.muli %scan3A_20, %mul3A_24 : i32
      %add3A_26 = arith.constant 0 : i32
      %add3A_27 = arith.addi %mul3A_25, %add3A_26 : i32
      %mul3A_28 = arith.constant 40 : i32
      %mul3A_29 = arith.muli %add3A_27, %mul3A_28 : i32
      %add3A_30 = arith.addi %mul3A_4, %mul3A_29 : i32
      %dma_start3A = arith.constant 0 : i32
      %dma_start3A_31 = arith.constant 0 : i32
      %dma_start3A_32 = arith.constant 0 : i32
      %dma_start3A_33 = arith.constant 0 : i32
      %dma_start3A_34 = tpu.memref_slice %arg9[%dma_start3A, %dma_start3A_32, %dma_start3A_33] : memref<2x40x128xf32, #tpu.memory_space<vmem>> -> memref<1x40x128xf32, #tpu.memory_space<vmem>>
      %dma_start3A_35 = tpu.memref_squeeze %dma_start3A_34 : memref<1x40x128xf32, #tpu.memory_space<vmem>> -> memref<40x128xf32, #tpu.memory_space<vmem>>
      %dma_start3A_36 = arith.constant 0 : i32
      %dma_start3A_37 = tpu.memref_slice %arg4[%add3A_30, %dma_start3A_36] : memref<160000x128xf32, #tpu.memory_space<hbm>> -> memref<40x128xf32, #tpu.memory_space<hbm>>
      %dma_start3A_38 = tpu.memref_slice %arg12[%dma_start3A_31] : memref<2x!tpu.dma_semaphore, #tpu.memory_space<semaphore_mem>> -> memref<1x!tpu.dma_semaphore, #tpu.memory_space<semaphore_mem>>
      %dma_start3A_39 = tpu.memref_squeeze %dma_start3A_38 : memref<1x!tpu.dma_semaphore, #tpu.memory_space<semaphore_mem>> -> memref<!tpu.dma_semaphore, #tpu.memory_space<semaphore_mem>>
      %dma_start3A_40 = arith.constant 0 : i32
      %dma_start3A_41 = arith.constant 0 : i32
      %dma_start3A_42 = tpu.memref_slice %arg9[%dma_start3A, %dma_start3A_40, %dma_start3A_41] : memref<2x40x128xf32, #tpu.memory_space<vmem>> -> memref<1x40x128xf32, #tpu.memory_space<vmem>>
      %dma_start3A_43 = tpu.memref_squeeze %dma_start3A_42 : memref<1x40x128xf32, #tpu.memory_space<vmem>> -> memref<40x128xf32, #tpu.memory_space<vmem>>
      %dma_start3A_44 = arith.constant 0 : i32
      %dma_start3A_45 = tpu.memref_slice %arg4[%add3A_30, %dma_start3A_44] : memref<160000x128xf32, #tpu.memory_space<hbm>> -> memref<40x128xf32, #tpu.memory_space<hbm>>
      tpu.enqueue_dma source(%dma_start3A_45 : memref<40x128xf32, #tpu.memory_space<hbm>>) target(%dma_start3A_43 : memref<40x128xf32, #tpu.memory_space<vmem>>) target_semaphore(%dma_start3A_39 : memref<!tpu.dma_semaphore, #tpu.memory_space<semaphore_mem>>)
      %dma_start3A_46 = arith.constant 0 : i32
      %dma_start3A_47 = arith.constant 0 : i32
      %dma_start3A_48 = arith.constant 0 : i32
      %dma_start3A_49 = arith.constant 0 : i32
      %dma_start3A_50 = arith.constant 0 : i32
      %dma_start3A_51 = tpu.memref_slice %arg10[%dma_start3A_47, %dma_start3A_49, %dma_start3A_50] : memref<2x80x128xf32, #tpu.memory_space<vmem>> -> memref<1x80x128xf32, #tpu.memory_space<vmem>>
      %dma_start3A_52 = tpu.memref_squeeze %dma_start3A_51 : memref<1x80x128xf32, #tpu.memory_space<vmem>> -> memref<80x128xf32, #tpu.memory_space<vmem>>
      %dma_start3A_53 = arith.constant 0 : i32
      %dma_start3A_54 = tpu.memref_slice %arg8[%dma_start3A_46, %dma_start3A_53] : memref<50x80xi32, #tpu.memory_space<vmem>> -> memref<1x80xi32, #tpu.memory_space<vmem>>
      %dma_start3A_55 = tpu.memref_squeeze %dma_start3A_54 : memref<1x80xi32, #tpu.memory_space<vmem>> -> memref<80xi32, #tpu.memory_space<vmem>>
      %dma_start3A_56 = arith.constant 0 : i32
      %dma_start3A_57 = arith.constant 0 : i32
      %dma_start3A_58 = tpu.memref_slice %arg2[%dma_start3A_56, %dma_start3A_57] : memref<10000x128xf32, #tpu.memory_space<hbm>> -> memref<10000x128xf32, #tpu.memory_space<hbm>>
      %dma_start3A_59 = tpu.memref_slice %arg12[%dma_start3A_48] : memref<2x!tpu.dma_semaphore, #tpu.memory_space<semaphore_mem>> -> memref<1x!tpu.dma_semaphore, #tpu.memory_space<semaphore_mem>>
      %dma_start3A_60 = tpu.memref_squeeze %dma_start3A_59 : memref<1x!tpu.dma_semaphore, #tpu.memory_space<semaphore_mem>> -> memref<!tpu.dma_semaphore, #tpu.memory_space<semaphore_mem>>
      tpu.enqueue_indirect_dma source(%dma_start3A_58 : memref<10000x128xf32, #tpu.memory_space<hbm>>) target(%dma_start3A_52 : memref<80x128xf32, #tpu.memory_space<vmem>>) offsets(%dma_start3A_55 : memref<80xi32, #tpu.memory_space<vmem>>) semaphore(%dma_start3A_60 : memref<!tpu.dma_semaphore, #tpu.memory_space<semaphore_mem>>)
      %mul3A_61 = arith.constant 50 : i32
      %mul3A_62 = arith.muli %scan3A_20, %mul3A_61 : i32
      %add3A_63 = arith.constant 1 : i32
      %add3A_64 = arith.addi %mul3A_62, %add3A_63 : i32
      %mul3A_65 = arith.constant 40 : i32
      %mul3A_66 = arith.muli %add3A_64, %mul3A_65 : i32
      %add3A_67 = arith.addi %mul3A_4, %mul3A_66 : i32
      %dma_start3A_68 = arith.constant 1 : i32
      %dma_start3A_69 = arith.constant 1 : i32
      %dma_start3A_70 = arith.constant 0 : i32
      %dma_start3A_71 = arith.constant 0 : i32
      %dma_start3A_72 = tpu.memref_slice %arg9[%dma_start3A_68, %dma_start3A_70, %dma_start3A_71] : memref<2x40x128xf32, #tpu.memory_space<vmem>> -> memref<1x40x128xf32, #tpu.memory_space<vmem>>
      %dma_start3A_73 = tpu.memref_squeeze %dma_start3A_72 : memref<1x40x128xf32, #tpu.memory_space<vmem>> -> memref<40x128xf32, #tpu.memory_space<vmem>>
      %dma_start3A_74 = arith.constant 0 : i32
      %dma_start3A_75 = tpu.memref_slice %arg4[%add3A_67, %dma_start3A_74] : memref<160000x128xf32, #tpu.memory_space<hbm>> -> memref<40x128xf32, #tpu.memory_space<hbm>>
      %dma_start3A_76 = tpu.memref_slice %arg12[%dma_start3A_69] : memref<2x!tpu.dma_semaphore, #tpu.memory_space<semaphore_mem>> -> memref<1x!tpu.dma_semaphore, #tpu.memory_space<semaphore_mem>>
      %dma_start3A_77 = tpu.memref_squeeze %dma_start3A_76 : memref<1x!tpu.dma_semaphore, #tpu.memory_space<semaphore_mem>> -> memref<!tpu.dma_semaphore, #tpu.memory_space<semaphore_mem>>
      %dma_start3A_78 = arith.constant 0 : i32
      %dma_start3A_79 = arith.constant 0 : i32
      %dma_start3A_80 = tpu.memref_slice %arg9[%dma_start3A_68, %dma_start3A_78, %dma_start3A_79] : memref<2x40x128xf32, #tpu.memory_space<vmem>> -> memref<1x40x128xf32, #tpu.memory_space<vmem>>
      %dma_start3A_81 = tpu.memref_squeeze %dma_start3A_80 : memref<1x40x128xf32, #tpu.memory_space<vmem>> -> memref<40x128xf32, #tpu.memory_space<vmem>>
      %dma_start3A_82 = arith.constant 0 : i32
      %dma_start3A_83 = tpu.memref_slice %arg4[%add3A_67, %dma_start3A_82] : memref<160000x128xf32, #tpu.memory_space<hbm>> -> memref<40x128xf32, #tpu.memory_space<hbm>>
      tpu.enqueue_dma source(%dma_start3A_83 : memref<40x128xf32, #tpu.memory_space<hbm>>) target(%dma_start3A_81 : memref<40x128xf32, #tpu.memory_space<vmem>>) target_semaphore(%dma_start3A_77 : memref<!tpu.dma_semaphore, #tpu.memory_space<semaphore_mem>>)
      %dma_start3A_84 = arith.constant 1 : i32
      %dma_start3A_85 = arith.constant 1 : i32
      %dma_start3A_86 = arith.constant 1 : i32
      %dma_start3A_87 = arith.constant 0 : i32
      %dma_start3A_88 = arith.constant 0 : i32
      %dma_start3A_89 = tpu.memref_slice %arg10[%dma_start3A_85, %dma_start3A_87, %dma_start3A_88] : memref<2x80x128xf32, #tpu.memory_space<vmem>> -> memref<1x80x128xf32, #tpu.memory_space<vmem>>
      %dma_start3A_90 = tpu.memref_squeeze %dma_start3A_89 : memref<1x80x128xf32, #tpu.memory_space<vmem>> -> memref<80x128xf32, #tpu.memory_space<vmem>>
      %dma_start3A_91 = arith.constant 0 : i32
      %dma_start3A_92 = tpu.memref_slice %arg8[%dma_start3A_84, %dma_start3A_91] : memref<50x80xi32, #tpu.memory_space<vmem>> -> memref<1x80xi32, #tpu.memory_space<vmem>>
      %dma_start3A_93 = tpu.memref_squeeze %dma_start3A_92 : memref<1x80xi32, #tpu.memory_space<vmem>> -> memref<80xi32, #tpu.memory_space<vmem>>
      %dma_start3A_94 = arith.constant 0 : i32
      %dma_start3A_95 = arith.constant 0 : i32
      %dma_start3A_96 = tpu.memref_slice %arg2[%dma_start3A_94, %dma_start3A_95] : memref<10000x128xf32, #tpu.memory_space<hbm>> -> memref<10000x128xf32, #tpu.memory_space<hbm>>
      %dma_start3A_97 = tpu.memref_slice %arg12[%dma_start3A_86] : memref<2x!tpu.dma_semaphore, #tpu.memory_space<semaphore_mem>> -> memref<1x!tpu.dma_semaphore, #tpu.memory_space<semaphore_mem>>
      %dma_start3A_98 = tpu.memref_squeeze %dma_start3A_97 : memref<1x!tpu.dma_semaphore, #tpu.memory_space<semaphore_mem>> -> memref<!tpu.dma_semaphore, #tpu.memory_space<semaphore_mem>>
      tpu.enqueue_indirect_dma source(%dma_start3A_96 : memref<10000x128xf32, #tpu.memory_space<hbm>>) target(%dma_start3A_90 : memref<80x128xf32, #tpu.memory_space<vmem>>) offsets(%dma_start3A_93 : memref<80xi32, #tpu.memory_space<vmem>>) semaphore(%dma_start3A_98 : memref<!tpu.dma_semaphore, #tpu.memory_space<semaphore_mem>>)
      %scan3A_99 = arith.constant 0 : i32
      %scan3A_100 = arith.constant 0 : i32
      %scan3A_101 = arith.constant 25 : i32
      %scan3A_102 = arith.addi %scan3A_100, %scan3A_101 : i32
      %scan3A_103 = arith.constant 1 : i32
      scf.for %scan3A_105 = %scan3A_100 to %scan3A_102 step %scan3A_103  : i32 {
        %mul3A_106 = arith.constant 2 : i32
        %mul3A_107 = arith.muli %scan3A_105, %mul3A_106 : i32
        %add3A_108 = arith.constant 0 : i32
        %add3A_109 = arith.addi %mul3A_107, %add3A_108 : i32
        %mul3A_110 = arith.constant 50 : i32
        %mul3A_111 = arith.muli %scan3A_20, %mul3A_110 : i32
        %add3A_112 = arith.addi %mul3A_111, %add3A_109 : i32
        %mul3A_113 = arith.constant 40 : i32
        %mul3A_114 = arith.muli %add3A_112, %mul3A_113 : i32
        %add3A_115 = arith.addi %mul3A_4, %mul3A_114 : i32
        %dma_wait3A = arith.constant 0 : i32
        %dma_wait3A_116 = arith.constant 0 : i32
        %dma_wait3A_117 = arith.constant 0 : i32
        %dma_wait3A_118 = arith.constant 0 : i32
        %dma_wait3A_119 = tpu.memref_slice %arg9[%dma_wait3A, %dma_wait3A_117, %dma_wait3A_118] : memref<2x40x128xf32, #tpu.memory_space<vmem>> -> memref<1x40x128xf32, #tpu.memory_space<vmem>>
        %dma_wait3A_120 = tpu.memref_squeeze %dma_wait3A_119 : memref<1x40x128xf32, #tpu.memory_space<vmem>> -> memref<40x128xf32, #tpu.memory_space<vmem>>
        %dma_wait3A_121 = arith.constant 0 : i32
        %dma_wait3A_122 = tpu.memref_slice %arg4[%add3A_115, %dma_wait3A_121] : memref<160000x128xf32, #tpu.memory_space<hbm>> -> memref<40x128xf32, #tpu.memory_space<hbm>>
        %dma_wait3A_123 = tpu.memref_slice %arg12[%dma_wait3A_116] : memref<2x!tpu.dma_semaphore, #tpu.memory_space<semaphore_mem>> -> memref<1x!tpu.dma_semaphore, #tpu.memory_space<semaphore_mem>>
        %dma_wait3A_124 = tpu.memref_squeeze %dma_wait3A_123 : memref<1x!tpu.dma_semaphore, #tpu.memory_space<semaphore_mem>> -> memref<!tpu.dma_semaphore, #tpu.memory_space<semaphore_mem>>
        %dma_wait3A_125 = arith.constant 0 : i32
        %dma_wait3A_126 = arith.constant 0 : i32
        %dma_wait3A_127 = tpu.memref_slice %arg9[%dma_wait3A, %dma_wait3A_125, %dma_wait3A_126] : memref<2x40x128xf32, #tpu.memory_space<vmem>> -> memref<1x40x128xf32, #tpu.memory_space<vmem>>
        %dma_wait3A_128 = tpu.memref_squeeze %dma_wait3A_127 : memref<1x40x128xf32, #tpu.memory_space<vmem>> -> memref<40x128xf32, #tpu.memory_space<vmem>>
        %dma_wait3A_129 = arith.constant 0 : i32
        %dma_wait3A_130 = tpu.memref_slice %arg4[%add3A_115, %dma_wait3A_129] : memref<160000x128xf32, #tpu.memory_space<hbm>> -> memref<40x128xf32, #tpu.memory_space<hbm>>
        tpu.wait_dma2 semaphore(%dma_wait3A_124 : memref<!tpu.dma_semaphore, #tpu.memory_space<semaphore_mem>>) src(%dma_wait3A_130 : memref<40x128xf32, #tpu.memory_space<hbm>>) dst(%dma_wait3A_128 : memref<40x128xf32, #tpu.memory_space<vmem>>)
        %dma_wait3A_131 = arith.constant 0 : i32
        %dma_wait3A_132 = arith.constant 0 : i32
        %dma_wait3A_133 = arith.constant 0 : i32
        %dma_wait3A_134 = arith.constant 0 : i32
        %dma_wait3A_135 = tpu.memref_slice %arg10[%dma_wait3A_131, %dma_wait3A_133, %dma_wait3A_134] : memref<2x80x128xf32, #tpu.memory_space<vmem>> -> memref<1x80x128xf32, #tpu.memory_space<vmem>>
        %dma_wait3A_136 = tpu.memref_squeeze %dma_wait3A_135 : memref<1x80x128xf32, #tpu.memory_space<vmem>> -> memref<80x128xf32, #tpu.memory_space<vmem>>
        %dma_wait3A_137 = arith.constant 0 : i32
        %dma_wait3A_138 = tpu.memref_slice %arg8[%add3A_109, %dma_wait3A_137] : memref<50x80xi32, #tpu.memory_space<vmem>> -> memref<1x80xi32, #tpu.memory_space<vmem>>
        %dma_wait3A_139 = tpu.memref_squeeze %dma_wait3A_138 : memref<1x80xi32, #tpu.memory_space<vmem>> -> memref<80xi32, #tpu.memory_space<vmem>>
        %dma_wait3A_140 = arith.constant 0 : i32
        %dma_wait3A_141 = arith.constant 0 : i32
        %dma_wait3A_142 = tpu.memref_slice %arg2[%dma_wait3A_140, %dma_wait3A_141] : memref<10000x128xf32, #tpu.memory_space<hbm>> -> memref<10000x128xf32, #tpu.memory_space<hbm>>
        %dma_wait3A_143 = tpu.memref_slice %arg12[%dma_wait3A_132] : memref<2x!tpu.dma_semaphore, #tpu.memory_space<semaphore_mem>> -> memref<1x!tpu.dma_semaphore, #tpu.memory_space<semaphore_mem>>
        %dma_wait3A_144 = tpu.memref_squeeze %dma_wait3A_143 : memref<1x!tpu.dma_semaphore, #tpu.memory_space<semaphore_mem>> -> memref<!tpu.dma_semaphore, #tpu.memory_space<semaphore_mem>>
        tpu.wait_indirect_dma semaphore(%dma_wait3A_144 : memref<!tpu.dma_semaphore, #tpu.memory_space<semaphore_mem>>) src(%dma_wait3A_142 : memref<10000x128xf32, #tpu.memory_space<hbm>>) dst(%dma_wait3A_136 : memref<80x128xf32, #tpu.memory_space<vmem>>)
        %eq3A_145 = arith.constant 0 : i32
        %eq3A_146 = arith.cmpi eq, %arg0, %eq3A_145 : i32
        %convert_element_type3A_147 = arith.extui %eq3A_146 : i1 to i32
        %cond3A_148 = arith.constant 0 : i32
        %cond3A_149 = arith.cmpi ne, %convert_element_type3A_147, %cond3A_148 : i32
        scf.if %cond3A_149 {
          %parallel_loop3A = arith.constant 0 : i32
          %parallel_loop3A_218 = arith.constant 40 : i32
          %parallel_loop3A_219 = arith.constant 1 : i32
          scf.for %parallel_loop3A_220 = %parallel_loop3A to %parallel_loop3A_218 step %parallel_loop3A_219  : i32 {
            %parallel_loop3A_221 = arith.constant 0 : i32
            %parallel_loop3A_222 = arith.index_cast %parallel_loop3A_221 : i32 to index
            %parallel_loop3A_223 = arith.index_cast %parallel_loop3A_220 : i32 to index
            %parallel_loop3A_224 = arith.constant 0 : index
            %parallel_loop3A_225 = tpu.vector_load %arg9[%parallel_loop3A_222, %parallel_loop3A_223, %parallel_loop3A_224] {strides = array<i32>} : memref<2x40x128xf32, #tpu.memory_space<vmem>>, vector<1x1x16xf32>,
            %parallel_loop3A_226 = vector.shape_cast %parallel_loop3A_225 : vector<1x1x16xf32> to vector<16xf32>
            %parallel_loop3A_227 = arith.constant 0 : i32
            %parallel_loop3A_228 = arith.index_cast %parallel_loop3A_227 : i32 to index
            %parallel_loop3A_229 = arith.index_cast %parallel_loop3A_220 : i32 to index
            %parallel_loop3A_230 = arith.constant 0 : index
            %parallel_loop3A_231 = tpu.vector_load %arg10[%parallel_loop3A_228, %parallel_loop3A_229, %parallel_loop3A_230] {strides = array<i32>} : memref<2x80x128xf32, #tpu.memory_space<vmem>>, vector<1x1x16xf32>,
            %parallel_loop3A_232 = vector.shape_cast %parallel_loop3A_231 : vector<1x1x16xf32> to vector<16xf32>
            %parallel_loop3A_233 = arith.addf %parallel_loop3A_232, %parallel_loop3A_226 : vector<16xf32>
            %parallel_loop3A_234 = arith.constant 40 : i32
            %parallel_loop3A_235 = arith.addi %parallel_loop3A_234, %parallel_loop3A_220 : i32
            %parallel_loop3A_236 = arith.constant 0 : i32
            %parallel_loop3A_237 = arith.index_cast %parallel_loop3A_236 : i32 to index
            %parallel_loop3A_238 = arith.index_cast %parallel_loop3A_235 : i32 to index
            %parallel_loop3A_239 = arith.constant 0 : index
            %parallel_loop3A_240 = tpu.vector_load %arg10[%parallel_loop3A_237, %parallel_loop3A_238, %parallel_loop3A_239] {strides = array<i32>} : memref<2x80x128xf32, #tpu.memory_space<vmem>>, vector<1x1x16xf32>,
            %parallel_loop3A_241 = vector.shape_cast %parallel_loop3A_240 : vector<1x1x16xf32> to vector<16xf32>
            %parallel_loop3A_242 = arith.addf %parallel_loop3A_241, %parallel_loop3A_226 : vector<16xf32>
            %parallel_loop3A_243 = arith.constant 0.000000e+00 : f32
            %parallel_loop3A_244 = vector.broadcast %parallel_loop3A_243 : f32 to vector<16xf32>
            %parallel_loop3A_245 = arith.subf %parallel_loop3A_244, %parallel_loop3A_233 : vector<16xf32>
            %parallel_loop3A_246 = math.exp %parallel_loop3A_245 : vector<16xf32>
            %parallel_loop3A_247 = arith.constant 1.000000e+00 : f32
            %parallel_loop3A_248 = vector.broadcast %parallel_loop3A_247 : f32 to vector<16xf32>
            %parallel_loop3A_249 = arith.addf %parallel_loop3A_248, %parallel_loop3A_246 : vector<16xf32>
            %parallel_loop3A_250 = arith.divf %parallel_loop3A_233, %parallel_loop3A_249 : vector<16xf32>
            %parallel_loop3A_251 = arith.constant 40 : i32
            %parallel_loop3A_252 = arith.addi %parallel_loop3A_251, %parallel_loop3A_220 : i32
            %parallel_loop3A_253 = arith.index_cast %parallel_loop3A_252 : i32 to index
            %parallel_loop3A_254 = arith.constant 0 : index
            %parallel_loop3A_255 = tpu.vector_load %arg11[%parallel_loop3A_253, %parallel_loop3A_254] {strides = array<i32>} : memref<80x128xf32, #tpu.memory_space<vmem>>, vector<1x16xf32>,
            %parallel_loop3A_256 = vector.shape_cast %parallel_loop3A_255 : vector<1x16xf32> to vector<16xf32>
            %parallel_loop3A_257 = vector.shape_cast %parallel_loop3A_250 : vector<16xf32> to vector<1x16xf32>
            tpu.vector_store %arg11[%parallel_loop3A_253, %parallel_loop3A_254], %parallel_loop3A_257 {strides = array<i32>} : memref<80x128xf32, #tpu.memory_space<vmem>>, vector<1x16xf32>,
            %parallel_loop3A_258 = arith.constant 0.000000e+00 : f32
            %parallel_loop3A_259 = vector.broadcast %parallel_loop3A_258 : f32 to vector<16xf32>
            %parallel_loop3A_260 = arith.subf %parallel_loop3A_259, %parallel_loop3A_242 : vector<16xf32>
            %parallel_loop3A_261 = math.exp %parallel_loop3A_260 : vector<16xf32>
            %parallel_loop3A_262 = arith.constant 1.000000e+00 : f32
            %parallel_loop3A_263 = vector.broadcast %parallel_loop3A_262 : f32 to vector<16xf32>
            %parallel_loop3A_264 = arith.addf %parallel_loop3A_263, %parallel_loop3A_261 : vector<16xf32>
            %parallel_loop3A_265 = arith.divf %parallel_loop3A_242, %parallel_loop3A_264 : vector<16xf32>
            %parallel_loop3A_266 = arith.index_cast %parallel_loop3A_220 : i32 to index
            %parallel_loop3A_267 = arith.constant 0 : index
            %parallel_loop3A_268 = tpu.vector_load %arg11[%parallel_loop3A_266, %parallel_loop3A_267] {strides = array<i32>} : memref<80x128xf32, #tpu.memory_space<vmem>>, vector<1x16xf32>,
            %parallel_loop3A_269 = vector.shape_cast %parallel_loop3A_268 : vector<1x16xf32> to vector<16xf32>
            %parallel_loop3A_270 = vector.shape_cast %parallel_loop3A_265 : vector<16xf32> to vector<1x16xf32>
            tpu.vector_store %arg11[%parallel_loop3A_266, %parallel_loop3A_267], %parallel_loop3A_270 {strides = array<i32>} : memref<80x128xf32, #tpu.memory_space<vmem>>, vector<1x16xf32>,
            %parallel_loop3A_271 = arith.constant 0 : i32
            %parallel_loop3A_272 = arith.index_cast %parallel_loop3A_271 : i32 to index
            %parallel_loop3A_273 = arith.index_cast %parallel_loop3A_220 : i32 to index
            %parallel_loop3A_274 = arith.constant 16 : index
            %parallel_loop3A_275 = tpu.vector_load %arg9[%parallel_loop3A_272, %parallel_loop3A_273, %parallel_loop3A_274] {strides = array<i32>} : memref<2x40x128xf32, #tpu.memory_space<vmem>>, vector<1x1x16xf32>,
            %parallel_loop3A_276 = vector.shape_cast %parallel_loop3A_275 : vector<1x1x16xf32> to vector<16xf32>
            %parallel_loop3A_277 = arith.constant 0 : i32
            %parallel_loop3A_278 = arith.index_cast %parallel_loop3A_277 : i32 to index
            %parallel_loop3A_279 = arith.index_cast %parallel_loop3A_220 : i32 to index
            %parallel_loop3A_280 = arith.constant 16 : index
            %parallel_loop3A_281 = tpu.vector_load %arg10[%parallel_loop3A_278, %parallel_loop3A_279, %parallel_loop3A_280] {strides = array<i32>} : memref<2x80x128xf32, #tpu.memory_space<vmem>>, vector<1x1x16xf32>,
            %parallel_loop3A_282 = vector.shape_cast %parallel_loop3A_281 : vector<1x1x16xf32> to vector<16xf32>
            %parallel_loop3A_283 = arith.addf %parallel_loop3A_282, %parallel_loop3A_276 : vector<16xf32>
            %parallel_loop3A_284 = arith.constant 40 : i32
            %parallel_loop3A_285 = arith.addi %parallel_loop3A_284, %parallel_loop3A_220 : i32
            %parallel_loop3A_286 = arith.constant 0 : i32
            %parallel_loop3A_287 = arith.index_cast %parallel_loop3A_286 : i32 to index
            %parallel_loop3A_288 = arith.index_cast %parallel_loop3A_285 : i32 to index
            %parallel_loop3A_289 = arith.constant 16 : index
            %parallel_loop3A_290 = tpu.vector_load %arg10[%parallel_loop3A_287, %parallel_loop3A_288, %parallel_loop3A_289] {strides = array<i32>} : memref<2x80x128xf32, #tpu.memory_space<vmem>>, vector<1x1x16xf32>,
            %parallel_loop3A_291 = vector.shape_cast %parallel_loop3A_290 : vector<1x1x16xf32> to vector<16xf32>
            %parallel_loop3A_292 = arith.addf %parallel_loop3A_291, %parallel_loop3A_276 : vector<16xf32>
            %parallel_loop3A_293 = arith.constant 0.000000e+00 : f32
            %parallel_loop3A_294 = vector.broadcast %parallel_loop3A_293 : f32 to vector<16xf32>
            %parallel_loop3A_295 = arith.subf %parallel_loop3A_294, %parallel_loop3A_283 : vector<16xf32>
            %parallel_loop3A_296 = math.exp %parallel_loop3A_295 : vector<16xf32>
            %parallel_loop3A_297 = arith.constant 1.000000e+00 : f32
            %parallel_loop3A_298 = vector.broadcast %parallel_loop3A_297 : f32 to vector<16xf32>
            %parallel_loop3A_299 = arith.addf %parallel_loop3A_298, %parallel_loop3A_296 : vector<16xf32>
            %parallel_loop3A_300 = arith.divf %parallel_loop3A_283, %parallel_loop3A_299 : vector<16xf32>
            %parallel_loop3A_301 = arith.constant 40 : i32
            %parallel_loop3A_302 = arith.addi %parallel_loop3A_301, %parallel_loop3A_220 : i32
            %parallel_loop3A_303 = arith.index_cast %parallel_loop3A_302 : i32 to index
            %parallel_loop3A_304 = arith.constant 16 : index
            %parallel_loop3A_305 = tpu.vector_load %arg11[%parallel_loop3A_303, %parallel_loop3A_304] {strides = array<i32>} : memref<80x128xf32, #tpu.memory_space<vmem>>, vector<1x16xf32>,
            %parallel_loop3A_306 = vector.shape_cast %parallel_loop3A_305 : vector<1x16xf32> to vector<16xf32>
            %parallel_loop3A_307 = vector.shape_cast %parallel_loop3A_300 : vector<16xf32> to vector<1x16xf32>
            tpu.vector_store %arg11[%parallel_loop3A_303, %parallel_loop3A_304], %parallel_loop3A_307 {strides = array<i32>} : memref<80x128xf32, #tpu.memory_space<vmem>>, vector<1x16xf32>,
            %parallel_loop3A_308 = arith.constant 0.000000e+00 : f32
            %parallel_loop3A_309 = vector.broadcast %parallel_loop3A_308 : f32 to vector<16xf32>
            %parallel_loop3A_310 = arith.subf %parallel_loop3A_309, %parallel_loop3A_292 : vector<16xf32>
            %parallel_loop3A_311 = math.exp %parallel_loop3A_310 : vector<16xf32>
            %parallel_loop3A_312 = arith.constant 1.000000e+00 : f32
            %parallel_loop3A_313 = vector.broadcast %parallel_loop3A_312 : f32 to vector<16xf32>
            %parallel_loop3A_314 = arith.addf %parallel_loop3A_313, %parallel_loop3A_311 : vector<16xf32>
            %parallel_loop3A_315 = arith.divf %parallel_loop3A_292, %parallel_loop3A_314 : vector<16xf32>
            %parallel_loop3A_316 = arith.index_cast %parallel_loop3A_220 : i32 to index
            %parallel_loop3A_317 = arith.constant 16 : index
            %parallel_loop3A_318 = tpu.vector_load %arg11[%parallel_loop3A_316, %parallel_loop3A_317] {strides = array<i32>} : memref<80x128xf32, #tpu.memory_space<vmem>>, vector<1x16xf32>,
            %parallel_loop3A_319 = vector.shape_cast %parallel_loop3A_318 : vector<1x16xf32> to vector<16xf32>
            %parallel_loop3A_320 = vector.shape_cast %parallel_loop3A_315 : vector<16xf32> to vector<1x16xf32>
            tpu.vector_store %arg11[%parallel_loop3A_316, %parallel_loop3A_317], %parallel_loop3A_320 {strides = array<i32>} : memref<80x128xf32, #tpu.memory_space<vmem>>, vector<1x16xf32>,
            %parallel_loop3A_321 = arith.constant 0 : i32
            %parallel_loop3A_322 = arith.index_cast %parallel_loop3A_321 : i32 to index
            %parallel_loop3A_323 = arith.index_cast %parallel_loop3A_220 : i32 to index
            %parallel_loop3A_324 = arith.constant 32 : index
            %parallel_loop3A_325 = tpu.vector_load %arg9[%parallel_loop3A_322, %parallel_loop3A_323, %parallel_loop3A_324] {strides = array<i32>} : memref<2x40x128xf32, #tpu.memory_space<vmem>>, vector<1x1x16xf32>,
            %parallel_loop3A_326 = vector.shape_cast %parallel_loop3A_325 : vector<1x1x16xf32> to vector<16xf32>
            %parallel_loop3A_327 = arith.constant 0 : i32
            %parallel_loop3A_328 = arith.index_cast %parallel_loop3A_327 : i32 to index
            %parallel_loop3A_329 = arith.index_cast %parallel_loop3A_220 : i32 to index
            %parallel_loop3A_330 = arith.constant 32 : index
            %parallel_loop3A_331 = tpu.vector_load %arg10[%parallel_loop3A_328, %parallel_loop3A_329, %parallel_loop3A_330] {strides = array<i32>} : memref<2x80x128xf32, #tpu.memory_space<vmem>>, vector<1x1x16xf32>,
            %parallel_loop3A_332 = vector.shape_cast %parallel_loop3A_331 : vector<1x1x16xf32> to vector<16xf32>
            %parallel_loop3A_333 = arith.addf %parallel_loop3A_332, %parallel_loop3A_326 : vector<16xf32>
            %parallel_loop3A_334 = arith.constant 40 : i32
            %parallel_loop3A_335 = arith.addi %parallel_loop3A_334, %parallel_loop3A_220 : i32
            %parallel_loop3A_336 = arith.constant 0 : i32
            %parallel_loop3A_337 = arith.index_cast %parallel_loop3A_336 : i32 to index
            %parallel_loop3A_338 = arith.index_cast %parallel_loop3A_335 : i32 to index
            %parallel_loop3A_339 = arith.constant 32 : index
            %parallel_loop3A_340 = tpu.vector_load %arg10[%parallel_loop3A_337, %parallel_loop3A_338, %parallel_loop3A_339] {strides = array<i32>} : memref<2x80x128xf32, #tpu.memory_space<vmem>>, vector<1x1x16xf32>,
            %parallel_loop3A_341 = vector.shape_cast %parallel_loop3A_340 : vector<1x1x16xf32> to vector<16xf32>
            %parallel_loop3A_342 = arith.addf %parallel_loop3A_341, %parallel_loop3A_326 : vector<16xf32>
            %parallel_loop3A_343 = arith.constant 0.000000e+00 : f32
            %parallel_loop3A_344 = vector.broadcast %parallel_loop3A_343 : f32 to vector<16xf32>
            %parallel_loop3A_345 = arith.subf %parallel_loop3A_344, %parallel_loop3A_333 : vector<16xf32>
            %parallel_loop3A_346 = math.exp %parallel_loop3A_345 : vector<16xf32>
            %parallel_loop3A_347 = arith.constant 1.000000e+00 : f32
            %parallel_loop3A_348 = vector.broadcast %parallel_loop3A_347 : f32 to vector<16xf32>
            %parallel_loop3A_349 = arith.addf %parallel_loop3A_348, %parallel_loop3A_346 : vector<16xf32>
            %parallel_loop3A_350 = arith.divf %parallel_loop3A_333, %parallel_loop3A_349 : vector<16xf32>
            %parallel_loop3A_351 = arith.constant 40 : i32
            %parallel_loop3A_352 = arith.addi %parallel_loop3A_351, %parallel_loop3A_220 : i32
            %parallel_loop3A_353 = arith.index_cast %parallel_loop3A_352 : i32 to index
            %parallel_loop3A_354 = arith.constant 32 : index
            %parallel_loop3A_355 = tpu.vector_load %arg11[%parallel_loop3A_353, %parallel_loop3A_354] {strides = array<i32>} : memref<80x128xf32, #tpu.memory_space<vmem>>, vector<1x16xf32>,
            %parallel_loop3A_356 = vector.shape_cast %parallel_loop3A_355 : vector<1x16xf32> to vector<16xf32>
            %parallel_loop3A_357 = vector.shape_cast %parallel_loop3A_350 : vector<16xf32> to vector<1x16xf32>
            tpu.vector_store %arg11[%parallel_loop3A_353, %parallel_loop3A_354], %parallel_loop3A_357 {strides = array<i32>} : memref<80x128xf32, #tpu.memory_space<vmem>>, vector<1x16xf32>,
            %parallel_loop3A_358 = arith.constant 0.000000e+00 : f32
            %parallel_loop3A_359 = vector.broadcast %parallel_loop3A_358 : f32 to vector<16xf32>
            %parallel_loop3A_360 = arith.subf %parallel_loop3A_359, %parallel_loop3A_342 : vector<16xf32>
            %parallel_loop3A_361 = math.exp %parallel_loop3A_360 : vector<16xf32>
            %parallel_loop3A_362 = arith.constant 1.000000e+00 : f32
            %parallel_loop3A_363 = vector.broadcast %parallel_loop3A_362 : f32 to vector<16xf32>
            %parallel_loop3A_364 = arith.addf %parallel_loop3A_363, %parallel_loop3A_361 : vector<16xf32>
            %parallel_loop3A_365 = arith.divf %parallel_loop3A_342, %parallel_loop3A_364 : vector<16xf32>
            %parallel_loop3A_366 = arith.index_cast %parallel_loop3A_220 : i32 to index
            %parallel_loop3A_367 = arith.constant 32 : index
            %parallel_loop3A_368 = tpu.vector_load %arg11[%parallel_loop3A_366, %parallel_loop3A_367] {strides = array<i32>} : memref<80x128xf32, #tpu.memory_space<vmem>>, vector<1x16xf32>,
            %parallel_loop3A_369 = vector.shape_cast %parallel_loop3A_368 : vector<1x16xf32> to vector<16xf32>
            %parallel_loop3A_370 = vector.shape_cast %parallel_loop3A_365 : vector<16xf32> to vector<1x16xf32>
            tpu.vector_store %arg11[%parallel_loop3A_366, %parallel_loop3A_367], %parallel_loop3A_370 {strides = array<i32>} : memref<80x128xf32, #tpu.memory_space<vmem>>, vector<1x16xf32>,
            %parallel_loop3A_371 = arith.constant 0 : i32
            %parallel_loop3A_372 = arith.index_cast %parallel_loop3A_371 : i32 to index
            %parallel_loop3A_373 = arith.index_cast %parallel_loop3A_220 : i32 to index
            %parallel_loop3A_374 = arith.constant 48 : index
            %parallel_loop3A_375 = tpu.vector_load %arg9[%parallel_loop3A_372, %parallel_loop3A_373, %parallel_loop3A_374] {strides = array<i32>} : memref<2x40x128xf32, #tpu.memory_space<vmem>>, vector<1x1x16xf32>,
            %parallel_loop3A_376 = vector.shape_cast %parallel_loop3A_375 : vector<1x1x16xf32> to vector<16xf32>
            %parallel_loop3A_377 = arith.constant 0 : i32
            %parallel_loop3A_378 = arith.index_cast %parallel_loop3A_377 : i32 to index
            %parallel_loop3A_379 = arith.index_cast %parallel_loop3A_220 : i32 to index
            %parallel_loop3A_380 = arith.constant 48 : index
            %parallel_loop3A_381 = tpu.vector_load %arg10[%parallel_loop3A_378, %parallel_loop3A_379, %parallel_loop3A_380] {strides = array<i32>} : memref<2x80x128xf32, #tpu.memory_space<vmem>>, vector<1x1x16xf32>,
            %parallel_loop3A_382 = vector.shape_cast %parallel_loop3A_381 : vector<1x1x16xf32> to vector<16xf32>
            %parallel_loop3A_383 = arith.addf %parallel_loop3A_382, %parallel_loop3A_376 : vector<16xf32>
            %parallel_loop3A_384 = arith.constant 40 : i32
            %parallel_loop3A_385 = arith.addi %parallel_loop3A_384, %parallel_loop3A_220 : i32
            %parallel_loop3A_386 = arith.constant 0 : i32
            %parallel_loop3A_387 = arith.index_cast %parallel_loop3A_386 : i32 to index
            %parallel_loop3A_388 = arith.index_cast %parallel_loop3A_385 : i32 to index
            %parallel_loop3A_389 = arith.constant 48 : index
            %parallel_loop3A_390 = tpu.vector_load %arg10[%parallel_loop3A_387, %parallel_loop3A_388, %parallel_loop3A_389] {strides = array<i32>} : memref<2x80x128xf32, #tpu.memory_space<vmem>>, vector<1x1x16xf32>,
            %parallel_loop3A_391 = vector.shape_cast %parallel_loop3A_390 : vector<1x1x16xf32> to vector<16xf32>
            %parallel_loop3A_392 = arith.addf %parallel_loop3A_391, %parallel_loop3A_376 : vector<16xf32>
            %parallel_loop3A_393 = arith.constant 0.000000e+00 : f32
            %parallel_loop3A_394 = vector.broadcast %parallel_loop3A_393 : f32 to vector<16xf32>
            %parallel_loop3A_395 = arith.subf %parallel_loop3A_394, %parallel_loop3A_383 : vector<16xf32>
            %parallel_loop3A_396 = math.exp %parallel_loop3A_395 : vector<16xf32>
            %parallel_loop3A_397 = arith.constant 1.000000e+00 : f32
            %parallel_loop3A_398 = vector.broadcast %parallel_loop3A_397 : f32 to vector<16xf32>
            %parallel_loop3A_399 = arith.addf %parallel_loop3A_398, %parallel_loop3A_396 : vector<16xf32>
            %parallel_loop3A_400 = arith.divf %parallel_loop3A_383, %parallel_loop3A_399 : vector<16xf32>
            %parallel_loop3A_401 = arith.constant 40 : i32
            %parallel_loop3A_402 = arith.addi %parallel_loop3A_401, %parallel_loop3A_220 : i32
            %parallel_loop3A_403 = arith.index_cast %parallel_loop3A_402 : i32 to index
            %parallel_loop3A_404 = arith.constant 48 : index
            %parallel_loop3A_405 = tpu.vector_load %arg11[%parallel_loop3A_403, %parallel_loop3A_404] {strides = array<i32>} : memref<80x128xf32, #tpu.memory_space<vmem>>, vector<1x16xf32>,
            %parallel_loop3A_406 = vector.shape_cast %parallel_loop3A_405 : vector<1x16xf32> to vector<16xf32>
            %parallel_loop3A_407 = vector.shape_cast %parallel_loop3A_400 : vector<16xf32> to vector<1x16xf32>
            tpu.vector_store %arg11[%parallel_loop3A_403, %parallel_loop3A_404], %parallel_loop3A_407 {strides = array<i32>} : memref<80x128xf32, #tpu.memory_space<vmem>>, vector<1x16xf32>,
            %parallel_loop3A_408 = arith.constant 0.000000e+00 : f32
            %parallel_loop3A_409 = vector.broadcast %parallel_loop3A_408 : f32 to vector<16xf32>
            %parallel_loop3A_410 = arith.subf %parallel_loop3A_409, %parallel_loop3A_392 : vector<16xf32>
            %parallel_loop3A_411 = math.exp %parallel_loop3A_410 : vector<16xf32>
            %parallel_loop3A_412 = arith.constant 1.000000e+00 : f32
            %parallel_loop3A_413 = vector.broadcast %parallel_loop3A_412 : f32 to vector<16xf32>
            %parallel_loop3A_414 = arith.addf %parallel_loop3A_413, %parallel_loop3A_411 : vector<16xf32>
            %parallel_loop3A_415 = arith.divf %parallel_loop3A_392, %parallel_loop3A_414 : vector<16xf32>
            %parallel_loop3A_416 = arith.index_cast %parallel_loop3A_220 : i32 to index
            %parallel_loop3A_417 = arith.constant 48 : index
            %parallel_loop3A_418 = tpu.vector_load %arg11[%parallel_loop3A_416, %parallel_loop3A_417] {strides = array<i32>} : memref<80x128xf32, #tpu.memory_space<vmem>>, vector<1x16xf32>,
            %parallel_loop3A_419 = vector.shape_cast %parallel_loop3A_418 : vector<1x16xf32> to vector<16xf32>
            %parallel_loop3A_420 = vector.shape_cast %parallel_loop3A_415 : vector<16xf32> to vector<1x16xf32>
            tpu.vector_store %arg11[%parallel_loop3A_416, %parallel_loop3A_417], %parallel_loop3A_420 {strides = array<i32>} : memref<80x128xf32, #tpu.memory_space<vmem>>, vector<1x16xf32>,
          } {sc.loop_unroll_factor = 2 : i64, sc.parallel_access}
        } else {
        }
        %eq3A_150 = arith.constant 1 : i32
        %eq3A_151 = arith.cmpi eq, %arg0, %eq3A_150 : i32
        %convert_element_type3A_152 = arith.extui %eq3A_151 : i1 to i32
        %cond3A_153 = arith.constant 0 : i32
        %cond3A_154 = arith.cmpi ne, %convert_element_type3A_152, %cond3A_153 : i32
        scf.if %cond3A_154 {
          %parallel_loop3A = arith.constant 0 : i32
          %parallel_loop3A_218 = arith.constant 40 : i32
          %parallel_loop3A_219 = arith.constant 1 : i32
          scf.for %parallel_loop3A_220 = %parallel_loop3A to %parallel_loop3A_218 step %parallel_loop3A_219  : i32 {
            %parallel_loop3A_221 = arith.constant 0 : i32
            %parallel_loop3A_222 = arith.index_cast %parallel_loop3A_221 : i32 to index
            %parallel_loop3A_223 = arith.index_cast %parallel_loop3A_220 : i32 to index
            %parallel_loop3A_224 = arith.constant 64 : index
            %parallel_loop3A_225 = tpu.vector_load %arg9[%parallel_loop3A_222, %parallel_loop3A_223, %parallel_loop3A_224] {strides = array<i32>} : memref<2x40x128xf32, #tpu.memory_space<vmem>>, vector<1x1x16xf32>,
            %parallel_loop3A_226 = vector.shape_cast %parallel_loop3A_225 : vector<1x1x16xf32> to vector<16xf32>
            %parallel_loop3A_227 = arith.constant 0 : i32
            %parallel_loop3A_228 = arith.index_cast %parallel_loop3A_227 : i32 to index
            %parallel_loop3A_229 = arith.index_cast %parallel_loop3A_220 : i32 to index
            %parallel_loop3A_230 = arith.constant 0 : index
            %parallel_loop3A_231 = tpu.vector_load %arg10[%parallel_loop3A_228, %parallel_loop3A_229, %parallel_loop3A_230] {strides = array<i32>} : memref<2x80x128xf32, #tpu.memory_space<vmem>>, vector<1x1x16xf32>,
            %parallel_loop3A_232 = vector.shape_cast %parallel_loop3A_231 : vector<1x1x16xf32> to vector<16xf32>
            %parallel_loop3A_233 = arith.addf %parallel_loop3A_232, %parallel_loop3A_226 : vector<16xf32>
            %parallel_loop3A_234 = arith.constant 40 : i32
            %parallel_loop3A_235 = arith.addi %parallel_loop3A_234, %parallel_loop3A_220 : i32
            %parallel_loop3A_236 = arith.constant 0 : i32
            %parallel_loop3A_237 = arith.index_cast %parallel_loop3A_236 : i32 to index
            %parallel_loop3A_238 = arith.index_cast %parallel_loop3A_235 : i32 to index
            %parallel_loop3A_239 = arith.constant 0 : index
            %parallel_loop3A_240 = tpu.vector_load %arg10[%parallel_loop3A_237, %parallel_loop3A_238, %parallel_loop3A_239] {strides = array<i32>} : memref<2x80x128xf32, #tpu.memory_space<vmem>>, vector<1x1x16xf32>,
            %parallel_loop3A_241 = vector.shape_cast %parallel_loop3A_240 : vector<1x1x16xf32> to vector<16xf32>
            %parallel_loop3A_242 = arith.addf %parallel_loop3A_241, %parallel_loop3A_226 : vector<16xf32>
            %parallel_loop3A_243 = arith.constant 0.000000e+00 : f32
            %parallel_loop3A_244 = vector.broadcast %parallel_loop3A_243 : f32 to vector<16xf32>
            %parallel_loop3A_245 = arith.subf %parallel_loop3A_244, %parallel_loop3A_233 : vector<16xf32>
            %parallel_loop3A_246 = math.exp %parallel_loop3A_245 : vector<16xf32>
            %parallel_loop3A_247 = arith.constant 1.000000e+00 : f32
            %parallel_loop3A_248 = vector.broadcast %parallel_loop3A_247 : f32 to vector<16xf32>
            %parallel_loop3A_249 = arith.addf %parallel_loop3A_248, %parallel_loop3A_246 : vector<16xf32>
            %parallel_loop3A_250 = arith.divf %parallel_loop3A_233, %parallel_loop3A_249 : vector<16xf32>
            %parallel_loop3A_251 = arith.constant 40 : i32
            %parallel_loop3A_252 = arith.addi %parallel_loop3A_251, %parallel_loop3A_220 : i32
            %parallel_loop3A_253 = arith.index_cast %parallel_loop3A_252 : i32 to index
            %parallel_loop3A_254 = arith.constant 0 : index
            %parallel_loop3A_255 = tpu.vector_load %arg11[%parallel_loop3A_253, %parallel_loop3A_254] {strides = array<i32>} : memref<80x128xf32, #tpu.memory_space<vmem>>, vector<1x16xf32>,
            %parallel_loop3A_256 = vector.shape_cast %parallel_loop3A_255 : vector<1x16xf32> to vector<16xf32>
            %parallel_loop3A_257 = vector.shape_cast %parallel_loop3A_250 : vector<16xf32> to vector<1x16xf32>
            tpu.vector_store %arg11[%parallel_loop3A_253, %parallel_loop3A_254], %parallel_loop3A_257 {strides = array<i32>} : memref<80x128xf32, #tpu.memory_space<vmem>>, vector<1x16xf32>,
            %parallel_loop3A_258 = arith.constant 0.000000e+00 : f32
            %parallel_loop3A_259 = vector.broadcast %parallel_loop3A_258 : f32 to vector<16xf32>
            %parallel_loop3A_260 = arith.subf %parallel_loop3A_259, %parallel_loop3A_242 : vector<16xf32>
            %parallel_loop3A_261 = math.exp %parallel_loop3A_260 : vector<16xf32>
            %parallel_loop3A_262 = arith.constant 1.000000e+00 : f32
            %parallel_loop3A_263 = vector.broadcast %parallel_loop3A_262 : f32 to vector<16xf32>
            %parallel_loop3A_264 = arith.addf %parallel_loop3A_263, %parallel_loop3A_261 : vector<16xf32>
            %parallel_loop3A_265 = arith.divf %parallel_loop3A_242, %parallel_loop3A_264 : vector<16xf32>
            %parallel_loop3A_266 = arith.index_cast %parallel_loop3A_220 : i32 to index
            %parallel_loop3A_267 = arith.constant 0 : index
            %parallel_loop3A_268 = tpu.vector_load %arg11[%parallel_loop3A_266, %parallel_loop3A_267] {strides = array<i32>} : memref<80x128xf32, #tpu.memory_space<vmem>>, vector<1x16xf32>,
            %parallel_loop3A_269 = vector.shape_cast %parallel_loop3A_268 : vector<1x16xf32> to vector<16xf32>
            %parallel_loop3A_270 = vector.shape_cast %parallel_loop3A_265 : vector<16xf32> to vector<1x16xf32>
            tpu.vector_store %arg11[%parallel_loop3A_266, %parallel_loop3A_267], %parallel_loop3A_270 {strides = array<i32>} : memref<80x128xf32, #tpu.memory_space<vmem>>, vector<1x16xf32>,
            %parallel_loop3A_271 = arith.constant 0 : i32
            %parallel_loop3A_272 = arith.index_cast %parallel_loop3A_271 : i32 to index
            %parallel_loop3A_273 = arith.index_cast %parallel_loop3A_220 : i32 to index
            %parallel_loop3A_274 = arith.constant 80 : index
            %parallel_loop3A_275 = tpu.vector_load %arg9[%parallel_loop3A_272, %parallel_loop3A_273, %parallel_loop3A_274] {strides = array<i32>} : memref<2x40x128xf32, #tpu.memory_space<vmem>>, vector<1x1x16xf32>,
            %parallel_loop3A_276 = vector.shape_cast %parallel_loop3A_275 : vector<1x1x16xf32> to vector<16xf32>
            %parallel_loop3A_277 = arith.constant 0 : i32
            %parallel_loop3A_278 = arith.index_cast %parallel_loop3A_277 : i32 to index
            %parallel_loop3A_279 = arith.index_cast %parallel_loop3A_220 : i32 to index
            %parallel_loop3A_280 = arith.constant 16 : index
            %parallel_loop3A_281 = tpu.vector_load %arg10[%parallel_loop3A_278, %parallel_loop3A_279, %parallel_loop3A_280] {strides = array<i32>} : memref<2x80x128xf32, #tpu.memory_space<vmem>>, vector<1x1x16xf32>,
            %parallel_loop3A_282 = vector.shape_cast %parallel_loop3A_281 : vector<1x1x16xf32> to vector<16xf32>
            %parallel_loop3A_283 = arith.addf %parallel_loop3A_282, %parallel_loop3A_276 : vector<16xf32>
            %parallel_loop3A_284 = arith.constant 40 : i32
            %parallel_loop3A_285 = arith.addi %parallel_loop3A_284, %parallel_loop3A_220 : i32
            %parallel_loop3A_286 = arith.constant 0 : i32
            %parallel_loop3A_287 = arith.index_cast %parallel_loop3A_286 : i32 to index
            %parallel_loop3A_288 = arith.index_cast %parallel_loop3A_285 : i32 to index
            %parallel_loop3A_289 = arith.constant 16 : index
            %parallel_loop3A_290 = tpu.vector_load %arg10[%parallel_loop3A_287, %parallel_loop3A_288, %parallel_loop3A_289] {strides = array<i32>} : memref<2x80x128xf32, #tpu.memory_space<vmem>>, vector<1x1x16xf32>,
            %parallel_loop3A_291 = vector.shape_cast %parallel_loop3A_290 : vector<1x1x16xf32> to vector<16xf32>
            %parallel_loop3A_292 = arith.addf %parallel_loop3A_291, %parallel_loop3A_276 : vector<16xf32>
            %parallel_loop3A_293 = arith.constant 0.000000e+00 : f32
            %parallel_loop3A_294 = vector.broadcast %parallel_loop3A_293 : f32 to vector<16xf32>
            %parallel_loop3A_295 = arith.subf %parallel_loop3A_294, %parallel_loop3A_283 : vector<16xf32>
            %parallel_loop3A_296 = math.exp %parallel_loop3A_295 : vector<16xf32>
            %parallel_loop3A_297 = arith.constant 1.000000e+00 : f32
            %parallel_loop3A_298 = vector.broadcast %parallel_loop3A_297 : f32 to vector<16xf32>
            %parallel_loop3A_299 = arith.addf %parallel_loop3A_298, %parallel_loop3A_296 : vector<16xf32>
            %parallel_loop3A_300 = arith.divf %parallel_loop3A_283, %parallel_loop3A_299 : vector<16xf32>
            %parallel_loop3A_301 = arith.constant 40 : i32
            %parallel_loop3A_302 = arith.addi %parallel_loop3A_301, %parallel_loop3A_220 : i32
            %parallel_loop3A_303 = arith.index_cast %parallel_loop3A_302 : i32 to index
            %parallel_loop3A_304 = arith.constant 16 : index
            %parallel_loop3A_305 = tpu.vector_load %arg11[%parallel_loop3A_303, %parallel_loop3A_304] {strides = array<i32>} : memref<80x128xf32, #tpu.memory_space<vmem>>, vector<1x16xf32>,
            %parallel_loop3A_306 = vector.shape_cast %parallel_loop3A_305 : vector<1x16xf32> to vector<16xf32>
            %parallel_loop3A_307 = vector.shape_cast %parallel_loop3A_300 : vector<16xf32> to vector<1x16xf32>
            tpu.vector_store %arg11[%parallel_loop3A_303, %parallel_loop3A_304], %parallel_loop3A_307 {strides = array<i32>} : memref<80x128xf32, #tpu.memory_space<vmem>>, vector<1x16xf32>,
            %parallel_loop3A_308 = arith.constant 0.000000e+00 : f32
            %parallel_loop3A_309 = vector.broadcast %parallel_loop3A_308 : f32 to vector<16xf32>
            %parallel_loop3A_310 = arith.subf %parallel_loop3A_309, %parallel_loop3A_292 : vector<16xf32>
            %parallel_loop3A_311 = math.exp %parallel_loop3A_310 : vector<16xf32>
            %parallel_loop3A_312 = arith.constant 1.000000e+00 : f32
            %parallel_loop3A_313 = vector.broadcast %parallel_loop3A_312 : f32 to vector<16xf32>
            %parallel_loop3A_314 = arith.addf %parallel_loop3A_313, %parallel_loop3A_311 : vector<16xf32>
            %parallel_loop3A_315 = arith.divf %parallel_loop3A_292, %parallel_loop3A_314 : vector<16xf32>
            %parallel_loop3A_316 = arith.index_cast %parallel_loop3A_220 : i32 to index
            %parallel_loop3A_317 = arith.constant 16 : index
            %parallel_loop3A_318 = tpu.vector_load %arg11[%parallel_loop3A_316, %parallel_loop3A_317] {strides = array<i32>} : memref<80x128xf32, #tpu.memory_space<vmem>>, vector<1x16xf32>,
            %parallel_loop3A_319 = vector.shape_cast %parallel_loop3A_318 : vector<1x16xf32> to vector<16xf32>
            %parallel_loop3A_320 = vector.shape_cast %parallel_loop3A_315 : vector<16xf32> to vector<1x16xf32>
            tpu.vector_store %arg11[%parallel_loop3A_316, %parallel_loop3A_317], %parallel_loop3A_320 {strides = array<i32>} : memref<80x128xf32, #tpu.memory_space<vmem>>, vector<1x16xf32>,
            %parallel_loop3A_321 = arith.constant 0 : i32
            %parallel_loop3A_322 = arith.index_cast %parallel_loop3A_321 : i32 to index
            %parallel_loop3A_323 = arith.index_cast %parallel_loop3A_220 : i32 to index
            %parallel_loop3A_324 = arith.constant 96 : index
            %parallel_loop3A_325 = tpu.vector_load %arg9[%parallel_loop3A_322, %parallel_loop3A_323, %parallel_loop3A_324] {strides = array<i32>} : memref<2x40x128xf32, #tpu.memory_space<vmem>>, vector<1x1x16xf32>,
            %parallel_loop3A_326 = vector.shape_cast %parallel_loop3A_325 : vector<1x1x16xf32> to vector<16xf32>
            %parallel_loop3A_327 = arith.constant 0 : i32
            %parallel_loop3A_328 = arith.index_cast %parallel_loop3A_327 : i32 to index
            %parallel_loop3A_329 = arith.index_cast %parallel_loop3A_220 : i32 to index
            %parallel_loop3A_330 = arith.constant 32 : index
            %parallel_loop3A_331 = tpu.vector_load %arg10[%parallel_loop3A_328, %parallel_loop3A_329, %parallel_loop3A_330] {strides = array<i32>} : memref<2x80x128xf32, #tpu.memory_space<vmem>>, vector<1x1x16xf32>,
            %parallel_loop3A_332 = vector.shape_cast %parallel_loop3A_331 : vector<1x1x16xf32> to vector<16xf32>
            %parallel_loop3A_333 = arith.addf %parallel_loop3A_332, %parallel_loop3A_326 : vector<16xf32>
            %parallel_loop3A_334 = arith.constant 40 : i32
            %parallel_loop3A_335 = arith.addi %parallel_loop3A_334, %parallel_loop3A_220 : i32
            %parallel_loop3A_336 = arith.constant 0 : i32
            %parallel_loop3A_337 = arith.index_cast %parallel_loop3A_336 : i32 to index
            %parallel_loop3A_338 = arith.index_cast %parallel_loop3A_335 : i32 to index
            %parallel_loop3A_339 = arith.constant 32 : index
            %parallel_loop3A_340 = tpu.vector_load %arg10[%parallel_loop3A_337, %parallel_loop3A_338, %parallel_loop3A_339] {strides = array<i32>} : memref<2x80x128xf32, #tpu.memory_space<vmem>>, vector<1x1x16xf32>,
            %parallel_loop3A_341 = vector.shape_cast %parallel_loop3A_340 : vector<1x1x16xf32> to vector<16xf32>
            %parallel_loop3A_342 = arith.addf %parallel_loop3A_341, %parallel_loop3A_326 : vector<16xf32>
            %parallel_loop3A_343 = arith.constant 0.000000e+00 : f32
            %parallel_loop3A_344 = vector.broadcast %parallel_loop3A_343 : f32 to vector<16xf32>
            %parallel_loop3A_345 = arith.subf %parallel_loop3A_344, %parallel_loop3A_333 : vector<16xf32>
            %parallel_loop3A_346 = math.exp %parallel_loop3A_345 : vector<16xf32>
            %parallel_loop3A_347 = arith.constant 1.000000e+00 : f32
            %parallel_loop3A_348 = vector.broadcast %parallel_loop3A_347 : f32 to vector<16xf32>
            %parallel_loop3A_349 = arith.addf %parallel_loop3A_348, %parallel_loop3A_346 : vector<16xf32>
            %parallel_loop3A_350 = arith.divf %parallel_loop3A_333, %parallel_loop3A_349 : vector<16xf32>
            %parallel_loop3A_351 = arith.constant 40 : i32
            %parallel_loop3A_352 = arith.addi %parallel_loop3A_351, %parallel_loop3A_220 : i32
            %parallel_loop3A_353 = arith.index_cast %parallel_loop3A_352 : i32 to index
            %parallel_loop3A_354 = arith.constant 32 : index
            %parallel_loop3A_355 = tpu.vector_load %arg11[%parallel_loop3A_353, %parallel_loop3A_354] {strides = array<i32>} : memref<80x128xf32, #tpu.memory_space<vmem>>, vector<1x16xf32>,
            %parallel_loop3A_356 = vector.shape_cast %parallel_loop3A_355 : vector<1x16xf32> to vector<16xf32>
            %parallel_loop3A_357 = vector.shape_cast %parallel_loop3A_350 : vector<16xf32> to vector<1x16xf32>
            tpu.vector_store %arg11[%parallel_loop3A_353, %parallel_loop3A_354], %parallel_loop3A_357 {strides = array<i32>} : memref<80x128xf32, #tpu.memory_space<vmem>>, vector<1x16xf32>,
            %parallel_loop3A_358 = arith.constant 0.000000e+00 : f32
            %parallel_loop3A_359 = vector.broadcast %parallel_loop3A_358 : f32 to vector<16xf32>
            %parallel_loop3A_360 = arith.subf %parallel_loop3A_359, %parallel_loop3A_342 : vector<16xf32>
            %parallel_loop3A_361 = math.exp %parallel_loop3A_360 : vector<16xf32>
            %parallel_loop3A_362 = arith.constant 1.000000e+00 : f32
            %parallel_loop3A_363 = vector.broadcast %parallel_loop3A_362 : f32 to vector<16xf32>
            %parallel_loop3A_364 = arith.addf %parallel_loop3A_363, %parallel_loop3A_361 : vector<16xf32>
            %parallel_loop3A_365 = arith.divf %parallel_loop3A_342, %parallel_loop3A_364 : vector<16xf32>
            %parallel_loop3A_366 = arith.index_cast %parallel_loop3A_220 : i32 to index
            %parallel_loop3A_367 = arith.constant 32 : index
            %parallel_loop3A_368 = tpu.vector_load %arg11[%parallel_loop3A_366, %parallel_loop3A_367] {strides = array<i32>} : memref<80x128xf32, #tpu.memory_space<vmem>>, vector<1x16xf32>,
            %parallel_loop3A_369 = vector.shape_cast %parallel_loop3A_368 : vector<1x16xf32> to vector<16xf32>
            %parallel_loop3A_370 = vector.shape_cast %parallel_loop3A_365 : vector<16xf32> to vector<1x16xf32>
            tpu.vector_store %arg11[%parallel_loop3A_366, %parallel_loop3A_367], %parallel_loop3A_370 {strides = array<i32>} : memref<80x128xf32, #tpu.memory_space<vmem>>, vector<1x16xf32>,
            %parallel_loop3A_371 = arith.constant 0 : i32
            %parallel_loop3A_372 = arith.index_cast %parallel_loop3A_371 : i32 to index
            %parallel_loop3A_373 = arith.index_cast %parallel_loop3A_220 : i32 to index
            %parallel_loop3A_374 = arith.constant 112 : index
            %parallel_loop3A_375 = tpu.vector_load %arg9[%parallel_loop3A_372, %parallel_loop3A_373, %parallel_loop3A_374] {strides = array<i32>} : memref<2x40x128xf32, #tpu.memory_space<vmem>>, vector<1x1x16xf32>,
            %parallel_loop3A_376 = vector.shape_cast %parallel_loop3A_375 : vector<1x1x16xf32> to vector<16xf32>
            %parallel_loop3A_377 = arith.constant 0 : i32
            %parallel_loop3A_378 = arith.index_cast %parallel_loop3A_377 : i32 to index
            %parallel_loop3A_379 = arith.index_cast %parallel_loop3A_220 : i32 to index
            %parallel_loop3A_380 = arith.constant 48 : index
            %parallel_loop3A_381 = tpu.vector_load %arg10[%parallel_loop3A_378, %parallel_loop3A_379, %parallel_loop3A_380] {strides = array<i32>} : memref<2x80x128xf32, #tpu.memory_space<vmem>>, vector<1x1x16xf32>,
            %parallel_loop3A_382 = vector.shape_cast %parallel_loop3A_381 : vector<1x1x16xf32> to vector<16xf32>
            %parallel_loop3A_383 = arith.addf %parallel_loop3A_382, %parallel_loop3A_376 : vector<16xf32>
            %parallel_loop3A_384 = arith.constant 40 : i32
            %parallel_loop3A_385 = arith.addi %parallel_loop3A_384, %parallel_loop3A_220 : i32
            %parallel_loop3A_386 = arith.constant 0 : i32
            %parallel_loop3A_387 = arith.index_cast %parallel_loop3A_386 : i32 to index
            %parallel_loop3A_388 = arith.index_cast %parallel_loop3A_385 : i32 to index
            %parallel_loop3A_389 = arith.constant 48 : index
            %parallel_loop3A_390 = tpu.vector_load %arg10[%parallel_loop3A_387, %parallel_loop3A_388, %parallel_loop3A_389] {strides = array<i32>} : memref<2x80x128xf32, #tpu.memory_space<vmem>>, vector<1x1x16xf32>,
            %parallel_loop3A_391 = vector.shape_cast %parallel_loop3A_390 : vector<1x1x16xf32> to vector<16xf32>
            %parallel_loop3A_392 = arith.addf %parallel_loop3A_391, %parallel_loop3A_376 : vector<16xf32>
            %parallel_loop3A_393 = arith.constant 0.000000e+00 : f32
            %parallel_loop3A_394 = vector.broadcast %parallel_loop3A_393 : f32 to vector<16xf32>
            %parallel_loop3A_395 = arith.subf %parallel_loop3A_394, %parallel_loop3A_383 : vector<16xf32>
            %parallel_loop3A_396 = math.exp %parallel_loop3A_395 : vector<16xf32>
            %parallel_loop3A_397 = arith.constant 1.000000e+00 : f32
            %parallel_loop3A_398 = vector.broadcast %parallel_loop3A_397 : f32 to vector<16xf32>
            %parallel_loop3A_399 = arith.addf %parallel_loop3A_398, %parallel_loop3A_396 : vector<16xf32>
            %parallel_loop3A_400 = arith.divf %parallel_loop3A_383, %parallel_loop3A_399 : vector<16xf32>
            %parallel_loop3A_401 = arith.constant 40 : i32
            %parallel_loop3A_402 = arith.addi %parallel_loop3A_401, %parallel_loop3A_220 : i32
            %parallel_loop3A_403 = arith.index_cast %parallel_loop3A_402 : i32 to index
            %parallel_loop3A_404 = arith.constant 48 : index
            %parallel_loop3A_405 = tpu.vector_load %arg11[%parallel_loop3A_403, %parallel_loop3A_404] {strides = array<i32>} : memref<80x128xf32, #tpu.memory_space<vmem>>, vector<1x16xf32>,
            %parallel_loop3A_406 = vector.shape_cast %parallel_loop3A_405 : vector<1x16xf32> to vector<16xf32>
            %parallel_loop3A_407 = vector.shape_cast %parallel_loop3A_400 : vector<16xf32> to vector<1x16xf32>
            tpu.vector_store %arg11[%parallel_loop3A_403, %parallel_loop3A_404], %parallel_loop3A_407 {strides = array<i32>} : memref<80x128xf32, #tpu.memory_space<vmem>>, vector<1x16xf32>,
            %parallel_loop3A_408 = arith.constant 0.000000e+00 : f32
            %parallel_loop3A_409 = vector.broadcast %parallel_loop3A_408 : f32 to vector<16xf32>
            %parallel_loop3A_410 = arith.subf %parallel_loop3A_409, %parallel_loop3A_392 : vector<16xf32>
            %parallel_loop3A_411 = math.exp %parallel_loop3A_410 : vector<16xf32>
            %parallel_loop3A_412 = arith.constant 1.000000e+00 : f32
            %parallel_loop3A_413 = vector.broadcast %parallel_loop3A_412 : f32 to vector<16xf32>
            %parallel_loop3A_414 = arith.addf %parallel_loop3A_413, %parallel_loop3A_411 : vector<16xf32>
            %parallel_loop3A_415 = arith.divf %parallel_loop3A_392, %parallel_loop3A_414 : vector<16xf32>
            %parallel_loop3A_416 = arith.index_cast %parallel_loop3A_220 : i32 to index
            %parallel_loop3A_417 = arith.constant 48 : index
            %parallel_loop3A_418 = tpu.vector_load %arg11[%parallel_loop3A_416, %parallel_loop3A_417] {strides = array<i32>} : memref<80x128xf32, #tpu.memory_space<vmem>>, vector<1x16xf32>,
            %parallel_loop3A_419 = vector.shape_cast %parallel_loop3A_418 : vector<1x16xf32> to vector<16xf32>
            %parallel_loop3A_420 = vector.shape_cast %parallel_loop3A_415 : vector<16xf32> to vector<1x16xf32>
            tpu.vector_store %arg11[%parallel_loop3A_416, %parallel_loop3A_417], %parallel_loop3A_420 {strides = array<i32>} : memref<80x128xf32, #tpu.memory_space<vmem>>, vector<1x16xf32>,
          } {sc.loop_unroll_factor = 2 : i64, sc.parallel_access}
        } else {
        }
        "tpu.region"() ({
          %run_scoped3A = tpu.sem_alloc : memref<!tpu.dma_semaphore, #tpu.memory_space<semaphore_mem>>
          %dma_start3A_218 = arith.constant 0 : i32
          %dma_start3A_219 = tpu.memref_slice %arg8[%add3A_109, %dma_start3A_218] : memref<50x80xi32, #tpu.memory_space<vmem>> -> memref<1x80xi32, #tpu.memory_space<vmem>>
          %dma_start3A_220 = tpu.memref_squeeze %dma_start3A_219 : memref<1x80xi32, #tpu.memory_space<vmem>> -> memref<80xi32, #tpu.memory_space<vmem>>
          %dma_start3A_221 = arith.constant 0 : i32
          %dma_start3A_222 = arith.constant 0 : i32
          %dma_start3A_223 = tpu.memref_slice %arg7[%dma_start3A_221, %dma_start3A_222] : memref<10000x128xf32, #tpu.memory_space<vmem_shared>> -> memref<10000x128xf32, #tpu.memory_space<vmem_shared>>
          tpu.enqueue_indirect_dma source(%arg11 : memref<80x128xf32, #tpu.memory_space<vmem>>) target(%dma_start3A_223 : memref<10000x128xf32, #tpu.memory_space<vmem_shared>>) offsets(%dma_start3A_220 : memref<80xi32, #tpu.memory_space<vmem>>) semaphore(%run_scoped3A : memref<!tpu.dma_semaphore, #tpu.memory_space<semaphore_mem>>) {add = true}
          %dma_wait3A_224 = arith.constant 0 : i32
          %dma_wait3A_225 = tpu.memref_slice %arg8[%add3A_109, %dma_wait3A_224] : memref<50x80xi32, #tpu.memory_space<vmem>> -> memref<1x80xi32, #tpu.memory_space<vmem>>
          %dma_wait3A_226 = tpu.memref_squeeze %dma_wait3A_225 : memref<1x80xi32, #tpu.memory_space<vmem>> -> memref<80xi32, #tpu.memory_space<vmem>>
          %dma_wait3A_227 = arith.constant 0 : i32
          %dma_wait3A_228 = arith.constant 0 : i32
          %dma_wait3A_229 = tpu.memref_slice %arg7[%dma_wait3A_227, %dma_wait3A_228] : memref<10000x128xf32, #tpu.memory_space<vmem_shared>> -> memref<10000x128xf32, #tpu.memory_space<vmem_shared>>
          tpu.wait_indirect_dma semaphore(%run_scoped3A : memref<!tpu.dma_semaphore, #tpu.memory_space<semaphore_mem>>) src(%arg11 : memref<80x128xf32, #tpu.memory_space<vmem>>) dst(%dma_wait3A_229 : memref<10000x128xf32, #tpu.memory_space<vmem_shared>>)
          tpu.yield
        }) : () -> ()
        %add3A_155 = arith.constant 2 : i32
        %add3A_156 = arith.addi %add3A_109, %add3A_155 : i32
        %lt3A = arith.constant 50 : i32
        %lt3A_157 = arith.cmpi slt, %add3A_156, %lt3A : i32
        %convert_element_type3A_158 = arith.extui %lt3A_157 : i1 to i32
        %cond3A_159 = arith.constant 0 : i32
        %cond3A_160 = arith.cmpi ne, %convert_element_type3A_158, %cond3A_159 : i32
        scf.if %cond3A_160 {
          %add3A_218 = arith.constant 2 : i32
          %add3A_219 = arith.addi %add3A_109, %add3A_218 : i32
          %mul3A_220 = arith.constant 50 : i32
          %mul3A_221 = arith.muli %scan3A_20, %mul3A_220 : i32
          %add3A_222 = arith.addi %mul3A_221, %add3A_219 : i32
          %mul3A_223 = arith.constant 40 : i32
          %mul3A_224 = arith.muli %add3A_222, %mul3A_223 : i32
          %add3A_225 = arith.addi %mul3A_4, %mul3A_224 : i32
          %dma_start3A_226 = arith.constant 0 : i32
          %dma_start3A_227 = arith.constant 0 : i32
          %dma_start3A_228 = arith.constant 0 : i32
          %dma_start3A_229 = arith.constant 0 : i32
          %dma_start3A_230 = tpu.memref_slice %arg9[%dma_start3A_226, %dma_start3A_228, %dma_start3A_229] : memref<2x40x128xf32, #tpu.memory_space<vmem>> -> memref<1x40x128xf32, #tpu.memory_space<vmem>>
          %dma_start3A_231 = tpu.memref_squeeze %dma_start3A_230 : memref<1x40x128xf32, #tpu.memory_space<vmem>> -> memref<40x128xf32, #tpu.memory_space<vmem>>
          %dma_start3A_232 = arith.constant 0 : i32
          %dma_start3A_233 = tpu.memref_slice %arg4[%add3A_225, %dma_start3A_232] : memref<160000x128xf32, #tpu.memory_space<hbm>> -> memref<40x128xf32, #tpu.memory_space<hbm>>
          %dma_start3A_234 = tpu.memref_slice %arg12[%dma_start3A_227] : memref<2x!tpu.dma_semaphore, #tpu.memory_space<semaphore_mem>> -> memref<1x!tpu.dma_semaphore, #tpu.memory_space<semaphore_mem>>
          %dma_start3A_235 = tpu.memref_squeeze %dma_start3A_234 : memref<1x!tpu.dma_semaphore, #tpu.memory_space<semaphore_mem>> -> memref<!tpu.dma_semaphore, #tpu.memory_space<semaphore_mem>>
          %dma_start3A_236 = arith.constant 0 : i32
          %dma_start3A_237 = arith.constant 0 : i32
          %dma_start3A_238 = tpu.memref_slice %arg9[%dma_start3A_226, %dma_start3A_236, %dma_start3A_237] : memref<2x40x128xf32, #tpu.memory_space<vmem>> -> memref<1x40x128xf32, #tpu.memory_space<vmem>>
          %dma_start3A_239 = tpu.memref_squeeze %dma_start3A_238 : memref<1x40x128xf32, #tpu.memory_space<vmem>> -> memref<40x128xf32, #tpu.memory_space<vmem>>
          %dma_start3A_240 = arith.constant 0 : i32
          %dma_start3A_241 = tpu.memref_slice %arg4[%add3A_225, %dma_start3A_240] : memref<160000x128xf32, #tpu.memory_space<hbm>> -> memref<40x128xf32, #tpu.memory_space<hbm>>
          tpu.enqueue_dma source(%dma_start3A_241 : memref<40x128xf32, #tpu.memory_space<hbm>>) target(%dma_start3A_239 : memref<40x128xf32, #tpu.memory_space<vmem>>) target_semaphore(%dma_start3A_235 : memref<!tpu.dma_semaphore, #tpu.memory_space<semaphore_mem>>)
          %dma_start3A_242 = arith.constant 0 : i32
          %dma_start3A_243 = arith.constant 0 : i32
          %dma_start3A_244 = arith.constant 0 : i32
          %dma_start3A_245 = arith.constant 0 : i32
          %dma_start3A_246 = tpu.memref_slice %arg10[%dma_start3A_242, %dma_start3A_244, %dma_start3A_245] : memref<2x80x128xf32, #tpu.memory_space<vmem>> -> memref<1x80x128xf32, #tpu.memory_space<vmem>>
          %dma_start3A_247 = tpu.memref_squeeze %dma_start3A_246 : memref<1x80x128xf32, #tpu.memory_space<vmem>> -> memref<80x128xf32, #tpu.memory_space<vmem>>
          %dma_start3A_248 = arith.constant 0 : i32
          %dma_start3A_249 = tpu.memref_slice %arg8[%add3A_219, %dma_start3A_248] : memref<50x80xi32, #tpu.memory_space<vmem>> -> memref<1x80xi32, #tpu.memory_space<vmem>>
          %dma_start3A_250 = tpu.memref_squeeze %dma_start3A_249 : memref<1x80xi32, #tpu.memory_space<vmem>> -> memref<80xi32, #tpu.memory_space<vmem>>
          %dma_start3A_251 = arith.constant 0 : i32
          %dma_start3A_252 = arith.constant 0 : i32
          %dma_start3A_253 = tpu.memref_slice %arg2[%dma_start3A_251, %dma_start3A_252] : memref<10000x128xf32, #tpu.memory_space<hbm>> -> memref<10000x128xf32, #tpu.memory_space<hbm>>
          %dma_start3A_254 = tpu.memref_slice %arg12[%dma_start3A_243] : memref<2x!tpu.dma_semaphore, #tpu.memory_space<semaphore_mem>> -> memref<1x!tpu.dma_semaphore, #tpu.memory_space<semaphore_mem>>
          %dma_start3A_255 = tpu.memref_squeeze %dma_start3A_254 : memref<1x!tpu.dma_semaphore, #tpu.memory_space<semaphore_mem>> -> memref<!tpu.dma_semaphore, #tpu.memory_space<semaphore_mem>>
          tpu.enqueue_indirect_dma source(%dma_start3A_253 : memref<10000x128xf32, #tpu.memory_space<hbm>>) target(%dma_start3A_247 : memref<80x128xf32, #tpu.memory_space<vmem>>) offsets(%dma_start3A_250 : memref<80xi32, #tpu.memory_space<vmem>>) semaphore(%dma_start3A_255 : memref<!tpu.dma_semaphore, #tpu.memory_space<semaphore_mem>>)
        } else {
        }
        %mul3A_161 = arith.constant 2 : i32
        %mul3A_162 = arith.muli %scan3A_105, %mul3A_161 : i32
        %add3A_163 = arith.constant 1 : i32
        %add3A_164 = arith.addi %mul3A_162, %add3A_163 : i32
        %mul3A_165 = arith.constant 50 : i32
        %mul3A_166 = arith.muli %scan3A_20, %mul3A_165 : i32
        %add3A_167 = arith.addi %mul3A_166, %add3A_164 : i32
        %mul3A_168 = arith.constant 40 : i32
        %mul3A_169 = arith.muli %add3A_167, %mul3A_168 : i32
        %add3A_170 = arith.addi %mul3A_4, %mul3A_169 : i32
        %dma_wait3A_171 = arith.constant 1 : i32
        %dma_wait3A_172 = arith.constant 1 : i32
        %dma_wait3A_173 = arith.constant 0 : i32
        %dma_wait3A_174 = arith.constant 0 : i32
        %dma_wait3A_175 = tpu.memref_slice %arg9[%dma_wait3A_171, %dma_wait3A_173, %dma_wait3A_174] : memref<2x40x128xf32, #tpu.memory_space<vmem>> -> memref<1x40x128xf32, #tpu.memory_space<vmem>>
        %dma_wait3A_176 = tpu.memref_squeeze %dma_wait3A_175 : memref<1x40x128xf32, #tpu.memory_space<vmem>> -> memref<40x128xf32, #tpu.memory_space<vmem>>
        %dma_wait3A_177 = arith.constant 0 : i32
        %dma_wait3A_178 = tpu.memref_slice %arg4[%add3A_170, %dma_wait3A_177] : memref<160000x128xf32, #tpu.memory_space<hbm>> -> memref<40x128xf32, #tpu.memory_space<hbm>>
        %dma_wait3A_179 = tpu.memref_slice %arg12[%dma_wait3A_172] : memref<2x!tpu.dma_semaphore, #tpu.memory_space<semaphore_mem>> -> memref<1x!tpu.dma_semaphore, #tpu.memory_space<semaphore_mem>>
        %dma_wait3A_180 = tpu.memref_squeeze %dma_wait3A_179 : memref<1x!tpu.dma_semaphore, #tpu.memory_space<semaphore_mem>> -> memref<!tpu.dma_semaphore, #tpu.memory_space<semaphore_mem>>
        %dma_wait3A_181 = arith.constant 0 : i32
        %dma_wait3A_182 = arith.constant 0 : i32
        %dma_wait3A_183 = tpu.memref_slice %arg9[%dma_wait3A_171, %dma_wait3A_181, %dma_wait3A_182] : memref<2x40x128xf32, #tpu.memory_space<vmem>> -> memref<1x40x128xf32, #tpu.memory_space<vmem>>
        %dma_wait3A_184 = tpu.memref_squeeze %dma_wait3A_183 : memref<1x40x128xf32, #tpu.memory_space<vmem>> -> memref<40x128xf32, #tpu.memory_space<vmem>>
        %dma_wait3A_185 = arith.constant 0 : i32
        %dma_wait3A_186 = tpu.memref_slice %arg4[%add3A_170, %dma_wait3A_185] : memref<160000x128xf32, #tpu.memory_space<hbm>> -> memref<40x128xf32, #tpu.memory_space<hbm>>
        tpu.wait_dma2 semaphore(%dma_wait3A_180 : memref<!tpu.dma_semaphore, #tpu.memory_space<semaphore_mem>>) src(%dma_wait3A_186 : memref<40x128xf32, #tpu.memory_space<hbm>>) dst(%dma_wait3A_184 : memref<40x128xf32, #tpu.memory_space<vmem>>)
        %dma_wait3A_187 = arith.constant 1 : i32
        %dma_wait3A_188 = arith.constant 1 : i32
        %dma_wait3A_189 = arith.constant 0 : i32
        %dma_wait3A_190 = arith.constant 0 : i32
        %dma_wait3A_191 = tpu.memref_slice %arg10[%dma_wait3A_187, %dma_wait3A_189, %dma_wait3A_190] : memref<2x80x128xf32, #tpu.memory_space<vmem>> -> memref<1x80x128xf32, #tpu.memory_space<vmem>>
        %dma_wait3A_192 = tpu.memref_squeeze %dma_wait3A_191 : memref<1x80x128xf32, #tpu.memory_space<vmem>> -> memref<80x128xf32, #tpu.memory_space<vmem>>
        %dma_wait3A_193 = arith.constant 0 : i32
        %dma_wait3A_194 = tpu.memref_slice %arg8[%add3A_164, %dma_wait3A_193] : memref<50x80xi32, #tpu.memory_space<vmem>> -> memref<1x80xi32, #tpu.memory_space<vmem>>
        %dma_wait3A_195 = tpu.memref_squeeze %dma_wait3A_194 : memref<1x80xi32, #tpu.memory_space<vmem>> -> memref<80xi32, #tpu.memory_space<vmem>>
        %dma_wait3A_196 = arith.constant 0 : i32
        %dma_wait3A_197 = arith.constant 0 : i32
        %dma_wait3A_198 = tpu.memref_slice %arg2[%dma_wait3A_196, %dma_wait3A_197] : memref<10000x128xf32, #tpu.memory_space<hbm>> -> memref<10000x128xf32, #tpu.memory_space<hbm>>
        %dma_wait3A_199 = tpu.memref_slice %arg12[%dma_wait3A_188] : memref<2x!tpu.dma_semaphore, #tpu.memory_space<semaphore_mem>> -> memref<1x!tpu.dma_semaphore, #tpu.memory_space<semaphore_mem>>
        %dma_wait3A_200 = tpu.memref_squeeze %dma_wait3A_199 : memref<1x!tpu.dma_semaphore, #tpu.memory_space<semaphore_mem>> -> memref<!tpu.dma_semaphore, #tpu.memory_space<semaphore_mem>>
        tpu.wait_indirect_dma semaphore(%dma_wait3A_200 : memref<!tpu.dma_semaphore, #tpu.memory_space<semaphore_mem>>) src(%dma_wait3A_198 : memref<10000x128xf32, #tpu.memory_space<hbm>>) dst(%dma_wait3A_192 : memref<80x128xf32, #tpu.memory_space<vmem>>)
        %eq3A_201 = arith.constant 0 : i32
        %eq3A_202 = arith.cmpi eq, %arg0, %eq3A_201 : i32
        %convert_element_type3A_203 = arith.extui %eq3A_202 : i1 to i32
        %cond3A_204 = arith.constant 0 : i32
        %cond3A_205 = arith.cmpi ne, %convert_element_type3A_203, %cond3A_204 : i32
        scf.if %cond3A_205 {
          %parallel_loop3A = arith.constant 0 : i32
          %parallel_loop3A_218 = arith.constant 40 : i32
          %parallel_loop3A_219 = arith.constant 1 : i32
          scf.for %parallel_loop3A_220 = %parallel_loop3A to %parallel_loop3A_218 step %parallel_loop3A_219  : i32 {
            %parallel_loop3A_221 = arith.constant 1 : i32
            %parallel_loop3A_222 = arith.index_cast %parallel_loop3A_221 : i32 to index
            %parallel_loop3A_223 = arith.index_cast %parallel_loop3A_220 : i32 to index
            %parallel_loop3A_224 = arith.constant 0 : index
            %parallel_loop3A_225 = tpu.vector_load %arg9[%parallel_loop3A_222, %parallel_loop3A_223, %parallel_loop3A_224] {strides = array<i32>} : memref<2x40x128xf32, #tpu.memory_space<vmem>>, vector<1x1x16xf32>,
            %parallel_loop3A_226 = vector.shape_cast %parallel_loop3A_225 : vector<1x1x16xf32> to vector<16xf32>
            %parallel_loop3A_227 = arith.constant 1 : i32
            %parallel_loop3A_228 = arith.index_cast %parallel_loop3A_227 : i32 to index
            %parallel_loop3A_229 = arith.index_cast %parallel_loop3A_220 : i32 to index
            %parallel_loop3A_230 = arith.constant 0 : index
            %parallel_loop3A_231 = tpu.vector_load %arg10[%parallel_loop3A_228, %parallel_loop3A_229, %parallel_loop3A_230] {strides = array<i32>} : memref<2x80x128xf32, #tpu.memory_space<vmem>>, vector<1x1x16xf32>,
            %parallel_loop3A_232 = vector.shape_cast %parallel_loop3A_231 : vector<1x1x16xf32> to vector<16xf32>
            %parallel_loop3A_233 = arith.addf %parallel_loop3A_232, %parallel_loop3A_226 : vector<16xf32>
            %parallel_loop3A_234 = arith.constant 40 : i32
            %parallel_loop3A_235 = arith.addi %parallel_loop3A_234, %parallel_loop3A_220 : i32
            %parallel_loop3A_236 = arith.constant 1 : i32
            %parallel_loop3A_237 = arith.index_cast %parallel_loop3A_236 : i32 to index
            %parallel_loop3A_238 = arith.index_cast %parallel_loop3A_235 : i32 to index
            %parallel_loop3A_239 = arith.constant 0 : index
            %parallel_loop3A_240 = tpu.vector_load %arg10[%parallel_loop3A_237, %parallel_loop3A_238, %parallel_loop3A_239] {strides = array<i32>} : memref<2x80x128xf32, #tpu.memory_space<vmem>>, vector<1x1x16xf32>,
            %parallel_loop3A_241 = vector.shape_cast %parallel_loop3A_240 : vector<1x1x16xf32> to vector<16xf32>
            %parallel_loop3A_242 = arith.addf %parallel_loop3A_241, %parallel_loop3A_226 : vector<16xf32>
            %parallel_loop3A_243 = arith.constant 0.000000e+00 : f32
            %parallel_loop3A_244 = vector.broadcast %parallel_loop3A_243 : f32 to vector<16xf32>
            %parallel_loop3A_245 = arith.subf %parallel_loop3A_244, %parallel_loop3A_233 : vector<16xf32>
            %parallel_loop3A_246 = math.exp %parallel_loop3A_245 : vector<16xf32>
            %parallel_loop3A_247 = arith.constant 1.000000e+00 : f32
            %parallel_loop3A_248 = vector.broadcast %parallel_loop3A_247 : f32 to vector<16xf32>
            %parallel_loop3A_249 = arith.addf %parallel_loop3A_248, %parallel_loop3A_246 : vector<16xf32>
            %parallel_loop3A_250 = arith.divf %parallel_loop3A_233, %parallel_loop3A_249 : vector<16xf32>
            %parallel_loop3A_251 = arith.constant 40 : i32
            %parallel_loop3A_252 = arith.addi %parallel_loop3A_251, %parallel_loop3A_220 : i32
            %parallel_loop3A_253 = arith.index_cast %parallel_loop3A_252 : i32 to index
            %parallel_loop3A_254 = arith.constant 0 : index
            %parallel_loop3A_255 = tpu.vector_load %arg11[%parallel_loop3A_253, %parallel_loop3A_254] {strides = array<i32>} : memref<80x128xf32, #tpu.memory_space<vmem>>, vector<1x16xf32>,
            %parallel_loop3A_256 = vector.shape_cast %parallel_loop3A_255 : vector<1x16xf32> to vector<16xf32>
            %parallel_loop3A_257 = vector.shape_cast %parallel_loop3A_250 : vector<16xf32> to vector<1x16xf32>
            tpu.vector_store %arg11[%parallel_loop3A_253, %parallel_loop3A_254], %parallel_loop3A_257 {strides = array<i32>} : memref<80x128xf32, #tpu.memory_space<vmem>>, vector<1x16xf32>,
            %parallel_loop3A_258 = arith.constant 0.000000e+00 : f32
            %parallel_loop3A_259 = vector.broadcast %parallel_loop3A_258 : f32 to vector<16xf32>
            %parallel_loop3A_260 = arith.subf %parallel_loop3A_259, %parallel_loop3A_242 : vector<16xf32>
            %parallel_loop3A_261 = math.exp %parallel_loop3A_260 : vector<16xf32>
            %parallel_loop3A_262 = arith.constant 1.000000e+00 : f32
            %parallel_loop3A_263 = vector.broadcast %parallel_loop3A_262 : f32 to vector<16xf32>
            %parallel_loop3A_264 = arith.addf %parallel_loop3A_263, %parallel_loop3A_261 : vector<16xf32>
            %parallel_loop3A_265 = arith.divf %parallel_loop3A_242, %parallel_loop3A_264 : vector<16xf32>
            %parallel_loop3A_266 = arith.index_cast %parallel_loop3A_220 : i32 to index
            %parallel_loop3A_267 = arith.constant 0 : index
            %parallel_loop3A_268 = tpu.vector_load %arg11[%parallel_loop3A_266, %parallel_loop3A_267] {strides = array<i32>} : memref<80x128xf32, #tpu.memory_space<vmem>>, vector<1x16xf32>,
            %parallel_loop3A_269 = vector.shape_cast %parallel_loop3A_268 : vector<1x16xf32> to vector<16xf32>
            %parallel_loop3A_270 = vector.shape_cast %parallel_loop3A_265 : vector<16xf32> to vector<1x16xf32>
            tpu.vector_store %arg11[%parallel_loop3A_266, %parallel_loop3A_267], %parallel_loop3A_270 {strides = array<i32>} : memref<80x128xf32, #tpu.memory_space<vmem>>, vector<1x16xf32>,
            %parallel_loop3A_271 = arith.constant 1 : i32
            %parallel_loop3A_272 = arith.index_cast %parallel_loop3A_271 : i32 to index
            %parallel_loop3A_273 = arith.index_cast %parallel_loop3A_220 : i32 to index
            %parallel_loop3A_274 = arith.constant 16 : index
            %parallel_loop3A_275 = tpu.vector_load %arg9[%parallel_loop3A_272, %parallel_loop3A_273, %parallel_loop3A_274] {strides = array<i32>} : memref<2x40x128xf32, #tpu.memory_space<vmem>>, vector<1x1x16xf32>,
            %parallel_loop3A_276 = vector.shape_cast %parallel_loop3A_275 : vector<1x1x16xf32> to vector<16xf32>
            %parallel_loop3A_277 = arith.constant 1 : i32
            %parallel_loop3A_278 = arith.index_cast %parallel_loop3A_277 : i32 to index
            %parallel_loop3A_279 = arith.index_cast %parallel_loop3A_220 : i32 to index
            %parallel_loop3A_280 = arith.constant 16 : index
            %parallel_loop3A_281 = tpu.vector_load %arg10[%parallel_loop3A_278, %parallel_loop3A_279, %parallel_loop3A_280] {strides = array<i32>} : memref<2x80x128xf32, #tpu.memory_space<vmem>>, vector<1x1x16xf32>,
            %parallel_loop3A_282 = vector.shape_cast %parallel_loop3A_281 : vector<1x1x16xf32> to vector<16xf32>
            %parallel_loop3A_283 = arith.addf %parallel_loop3A_282, %parallel_loop3A_276 : vector<16xf32>
            %parallel_loop3A_284 = arith.constant 40 : i32
            %parallel_loop3A_285 = arith.addi %parallel_loop3A_284, %parallel_loop3A_220 : i32
            %parallel_loop3A_286 = arith.constant 1 : i32
            %parallel_loop3A_287 = arith.index_cast %parallel_loop3A_286 : i32 to index
            %parallel_loop3A_288 = arith.index_cast %parallel_loop3A_285 : i32 to index
            %parallel_loop3A_289 = arith.constant 16 : index
            %parallel_loop3A_290 = tpu.vector_load %arg10[%parallel_loop3A_287, %parallel_loop3A_288, %parallel_loop3A_289] {strides = array<i32>} : memref<2x80x128xf32, #tpu.memory_space<vmem>>, vector<1x1x16xf32>,
            %parallel_loop3A_291 = vector.shape_cast %parallel_loop3A_290 : vector<1x1x16xf32> to vector<16xf32>
            %parallel_loop3A_292 = arith.addf %parallel_loop3A_291, %parallel_loop3A_276 : vector<16xf32>
            %parallel_loop3A_293 = arith.constant 0.000000e+00 : f32
            %parallel_loop3A_294 = vector.broadcast %parallel_loop3A_293 : f32 to vector<16xf32>
            %parallel_loop3A_295 = arith.subf %parallel_loop3A_294, %parallel_loop3A_283 : vector<16xf32>
            %parallel_loop3A_296 = math.exp %parallel_loop3A_295 : vector<16xf32>
            %parallel_loop3A_297 = arith.constant 1.000000e+00 : f32
            %parallel_loop3A_298 = vector.broadcast %parallel_loop3A_297 : f32 to vector<16xf32>
            %parallel_loop3A_299 = arith.addf %parallel_loop3A_298, %parallel_loop3A_296 : vector<16xf32>
            %parallel_loop3A_300 = arith.divf %parallel_loop3A_283, %parallel_loop3A_299 : vector<16xf32>
            %parallel_loop3A_301 = arith.constant 40 : i32
            %parallel_loop3A_302 = arith.addi %parallel_loop3A_301, %parallel_loop3A_220 : i32
            %parallel_loop3A_303 = arith.index_cast %parallel_loop3A_302 : i32 to index
            %parallel_loop3A_304 = arith.constant 16 : index
            %parallel_loop3A_305 = tpu.vector_load %arg11[%parallel_loop3A_303, %parallel_loop3A_304] {strides = array<i32>} : memref<80x128xf32, #tpu.memory_space<vmem>>, vector<1x16xf32>,
            %parallel_loop3A_306 = vector.shape_cast %parallel_loop3A_305 : vector<1x16xf32> to vector<16xf32>
            %parallel_loop3A_307 = vector.shape_cast %parallel_loop3A_300 : vector<16xf32> to vector<1x16xf32>
            tpu.vector_store %arg11[%parallel_loop3A_303, %parallel_loop3A_304], %parallel_loop3A_307 {strides = array<i32>} : memref<80x128xf32, #tpu.memory_space<vmem>>, vector<1x16xf32>,
            %parallel_loop3A_308 = arith.constant 0.000000e+00 : f32
            %parallel_loop3A_309 = vector.broadcast %parallel_loop3A_308 : f32 to vector<16xf32>
            %parallel_loop3A_310 = arith.subf %parallel_loop3A_309, %parallel_loop3A_292 : vector<16xf32>
            %parallel_loop3A_311 = math.exp %parallel_loop3A_310 : vector<16xf32>
            %parallel_loop3A_312 = arith.constant 1.000000e+00 : f32
            %parallel_loop3A_313 = vector.broadcast %parallel_loop3A_312 : f32 to vector<16xf32>
            %parallel_loop3A_314 = arith.addf %parallel_loop3A_313, %parallel_loop3A_311 : vector<16xf32>
            %parallel_loop3A_315 = arith.divf %parallel_loop3A_292, %parallel_loop3A_314 : vector<16xf32>
            %parallel_loop3A_316 = arith.index_cast %parallel_loop3A_220 : i32 to index
            %parallel_loop3A_317 = arith.constant 16 : index
            %parallel_loop3A_318 = tpu.vector_load %arg11[%parallel_loop3A_316, %parallel_loop3A_317] {strides = array<i32>} : memref<80x128xf32, #tpu.memory_space<vmem>>, vector<1x16xf32>,
            %parallel_loop3A_319 = vector.shape_cast %parallel_loop3A_318 : vector<1x16xf32> to vector<16xf32>
            %parallel_loop3A_320 = vector.shape_cast %parallel_loop3A_315 : vector<16xf32> to vector<1x16xf32>
            tpu.vector_store %arg11[%parallel_loop3A_316, %parallel_loop3A_317], %parallel_loop3A_320 {strides = array<i32>} : memref<80x128xf32, #tpu.memory_space<vmem>>, vector<1x16xf32>,
            %parallel_loop3A_321 = arith.constant 1 : i32
            %parallel_loop3A_322 = arith.index_cast %parallel_loop3A_321 : i32 to index
            %parallel_loop3A_323 = arith.index_cast %parallel_loop3A_220 : i32 to index
            %parallel_loop3A_324 = arith.constant 32 : index
            %parallel_loop3A_325 = tpu.vector_load %arg9[%parallel_loop3A_322, %parallel_loop3A_323, %parallel_loop3A_324] {strides = array<i32>} : memref<2x40x128xf32, #tpu.memory_space<vmem>>, vector<1x1x16xf32>,
            %parallel_loop3A_326 = vector.shape_cast %parallel_loop3A_325 : vector<1x1x16xf32> to vector<16xf32>
            %parallel_loop3A_327 = arith.constant 1 : i32
            %parallel_loop3A_328 = arith.index_cast %parallel_loop3A_327 : i32 to index
            %parallel_loop3A_329 = arith.index_cast %parallel_loop3A_220 : i32 to index
            %parallel_loop3A_330 = arith.constant 32 : index
            %parallel_loop3A_331 = tpu.vector_load %arg10[%parallel_loop3A_328, %parallel_loop3A_329, %parallel_loop3A_330] {strides = array<i32>} : memref<2x80x128xf32, #tpu.memory_space<vmem>>, vector<1x1x16xf32>,
            %parallel_loop3A_332 = vector.shape_cast %parallel_loop3A_331 : vector<1x1x16xf32> to vector<16xf32>
            %parallel_loop3A_333 = arith.addf %parallel_loop3A_332, %parallel_loop3A_326 : vector<16xf32>
            %parallel_loop3A_334 = arith.constant 40 : i32
            %parallel_loop3A_335 = arith.addi %parallel_loop3A_334, %parallel_loop3A_220 : i32
            %parallel_loop3A_336 = arith.constant 1 : i32
            %parallel_loop3A_337 = arith.index_cast %parallel_loop3A_336 : i32 to index
            %parallel_loop3A_338 = arith.index_cast %parallel_loop3A_335 : i32 to index
            %parallel_loop3A_339 = arith.constant 32 : index
            %parallel_loop3A_340 = tpu.vector_load %arg10[%parallel_loop3A_337, %parallel_loop3A_338, %parallel_loop3A_339] {strides = array<i32>} : memref<2x80x128xf32, #tpu.memory_space<vmem>>, vector<1x1x16xf32>,
            %parallel_loop3A_341 = vector.shape_cast %parallel_loop3A_340 : vector<1x1x16xf32> to vector<16xf32>
            %parallel_loop3A_342 = arith.addf %parallel_loop3A_341, %parallel_loop3A_326 : vector<16xf32>
            %parallel_loop3A_343 = arith.constant 0.000000e+00 : f32
            %parallel_loop3A_344 = vector.broadcast %parallel_loop3A_343 : f32 to vector<16xf32>
            %parallel_loop3A_345 = arith.subf %parallel_loop3A_344, %parallel_loop3A_333 : vector<16xf32>
            %parallel_loop3A_346 = math.exp %parallel_loop3A_345 : vector<16xf32>
            %parallel_loop3A_347 = arith.constant 1.000000e+00 : f32
            %parallel_loop3A_348 = vector.broadcast %parallel_loop3A_347 : f32 to vector<16xf32>
            %parallel_loop3A_349 = arith.addf %parallel_loop3A_348, %parallel_loop3A_346 : vector<16xf32>
            %parallel_loop3A_350 = arith.divf %parallel_loop3A_333, %parallel_loop3A_349 : vector<16xf32>
            %parallel_loop3A_351 = arith.constant 40 : i32
            %parallel_loop3A_352 = arith.addi %parallel_loop3A_351, %parallel_loop3A_220 : i32
            %parallel_loop3A_353 = arith.index_cast %parallel_loop3A_352 : i32 to index
            %parallel_loop3A_354 = arith.constant 32 : index
            %parallel_loop3A_355 = tpu.vector_load %arg11[%parallel_loop3A_353, %parallel_loop3A_354] {strides = array<i32>} : memref<80x128xf32, #tpu.memory_space<vmem>>, vector<1x16xf32>,
            %parallel_loop3A_356 = vector.shape_cast %parallel_loop3A_355 : vector<1x16xf32> to vector<16xf32>
            %parallel_loop3A_357 = vector.shape_cast %parallel_loop3A_350 : vector<16xf32> to vector<1x16xf32>
            tpu.vector_store %arg11[%parallel_loop3A_353, %parallel_loop3A_354], %parallel_loop3A_357 {strides = array<i32>} : memref<80x128xf32, #tpu.memory_space<vmem>>, vector<1x16xf32>,
            %parallel_loop3A_358 = arith.constant 0.000000e+00 : f32
            %parallel_loop3A_359 = vector.broadcast %parallel_loop3A_358 : f32 to vector<16xf32>
            %parallel_loop3A_360 = arith.subf %parallel_loop3A_359, %parallel_loop3A_342 : vector<16xf32>
            %parallel_loop3A_361 = math.exp %parallel_loop3A_360 : vector<16xf32>
            %parallel_loop3A_362 = arith.constant 1.000000e+00 : f32
            %parallel_loop3A_363 = vector.broadcast %parallel_loop3A_362 : f32 to vector<16xf32>
            %parallel_loop3A_364 = arith.addf %parallel_loop3A_363, %parallel_loop3A_361 : vector<16xf32>
            %parallel_loop3A_365 = arith.divf %parallel_loop3A_342, %parallel_loop3A_364 : vector<16xf32>
            %parallel_loop3A_366 = arith.index_cast %parallel_loop3A_220 : i32 to index
            %parallel_loop3A_367 = arith.constant 32 : index
            %parallel_loop3A_368 = tpu.vector_load %arg11[%parallel_loop3A_366, %parallel_loop3A_367] {strides = array<i32>} : memref<80x128xf32, #tpu.memory_space<vmem>>, vector<1x16xf32>,
            %parallel_loop3A_369 = vector.shape_cast %parallel_loop3A_368 : vector<1x16xf32> to vector<16xf32>
            %parallel_loop3A_370 = vector.shape_cast %parallel_loop3A_365 : vector<16xf32> to vector<1x16xf32>
            tpu.vector_store %arg11[%parallel_loop3A_366, %parallel_loop3A_367], %parallel_loop3A_370 {strides = array<i32>} : memref<80x128xf32, #tpu.memory_space<vmem>>, vector<1x16xf32>,
            %parallel_loop3A_371 = arith.constant 1 : i32
            %parallel_loop3A_372 = arith.index_cast %parallel_loop3A_371 : i32 to index
            %parallel_loop3A_373 = arith.index_cast %parallel_loop3A_220 : i32 to index
            %parallel_loop3A_374 = arith.constant 48 : index
            %parallel_loop3A_375 = tpu.vector_load %arg9[%parallel_loop3A_372, %parallel_loop3A_373, %parallel_loop3A_374] {strides = array<i32>} : memref<2x40x128xf32, #tpu.memory_space<vmem>>, vector<1x1x16xf32>,
            %parallel_loop3A_376 = vector.shape_cast %parallel_loop3A_375 : vector<1x1x16xf32> to vector<16xf32>
            %parallel_loop3A_377 = arith.constant 1 : i32
            %parallel_loop3A_378 = arith.index_cast %parallel_loop3A_377 : i32 to index
            %parallel_loop3A_379 = arith.index_cast %parallel_loop3A_220 : i32 to index
            %parallel_loop3A_380 = arith.constant 48 : index
            %parallel_loop3A_381 = tpu.vector_load %arg10[%parallel_loop3A_378, %parallel_loop3A_379, %parallel_loop3A_380] {strides = array<i32>} : memref<2x80x128xf32, #tpu.memory_space<vmem>>, vector<1x1x16xf32>,
            %parallel_loop3A_382 = vector.shape_cast %parallel_loop3A_381 : vector<1x1x16xf32> to vector<16xf32>
            %parallel_loop3A_383 = arith.addf %parallel_loop3A_382, %parallel_loop3A_376 : vector<16xf32>
            %parallel_loop3A_384 = arith.constant 40 : i32
            %parallel_loop3A_385 = arith.addi %parallel_loop3A_384, %parallel_loop3A_220 : i32
            %parallel_loop3A_386 = arith.constant 1 : i32
            %parallel_loop3A_387 = arith.index_cast %parallel_loop3A_386 : i32 to index
            %parallel_loop3A_388 = arith.index_cast %parallel_loop3A_385 : i32 to index
            %parallel_loop3A_389 = arith.constant 48 : index
            %parallel_loop3A_390 = tpu.vector_load %arg10[%parallel_loop3A_387, %parallel_loop3A_388, %parallel_loop3A_389] {strides = array<i32>} : memref<2x80x128xf32, #tpu.memory_space<vmem>>, vector<1x1x16xf32>,
            %parallel_loop3A_391 = vector.shape_cast %parallel_loop3A_390 : vector<1x1x16xf32> to vector<16xf32>
            %parallel_loop3A_392 = arith.addf %parallel_loop3A_391, %parallel_loop3A_376 : vector<16xf32>
            %parallel_loop3A_393 = arith.constant 0.000000e+00 : f32
            %parallel_loop3A_394 = vector.broadcast %parallel_loop3A_393 : f32 to vector<16xf32>
            %parallel_loop3A_395 = arith.subf %parallel_loop3A_394, %parallel_loop3A_383 : vector<16xf32>
            %parallel_loop3A_396 = math.exp %parallel_loop3A_395 : vector<16xf32>
            %parallel_loop3A_397 = arith.constant 1.000000e+00 : f32
            %parallel_loop3A_398 = vector.broadcast %parallel_loop3A_397 : f32 to vector<16xf32>
            %parallel_loop3A_399 = arith.addf %parallel_loop3A_398, %parallel_loop3A_396 : vector<16xf32>
            %parallel_loop3A_400 = arith.divf %parallel_loop3A_383, %parallel_loop3A_399 : vector<16xf32>
            %parallel_loop3A_401 = arith.constant 40 : i32
            %parallel_loop3A_402 = arith.addi %parallel_loop3A_401, %parallel_loop3A_220 : i32
            %parallel_loop3A_403 = arith.index_cast %parallel_loop3A_402 : i32 to index
            %parallel_loop3A_404 = arith.constant 48 : index
            %parallel_loop3A_405 = tpu.vector_load %arg11[%parallel_loop3A_403, %parallel_loop3A_404] {strides = array<i32>} : memref<80x128xf32, #tpu.memory_space<vmem>>, vector<1x16xf32>,
            %parallel_loop3A_406 = vector.shape_cast %parallel_loop3A_405 : vector<1x16xf32> to vector<16xf32>
            %parallel_loop3A_407 = vector.shape_cast %parallel_loop3A_400 : vector<16xf32> to vector<1x16xf32>
            tpu.vector_store %arg11[%parallel_loop3A_403, %parallel_loop3A_404], %parallel_loop3A_407 {strides = array<i32>} : memref<80x128xf32, #tpu.memory_space<vmem>>, vector<1x16xf32>,
            %parallel_loop3A_408 = arith.constant 0.000000e+00 : f32
            %parallel_loop3A_409 = vector.broadcast %parallel_loop3A_408 : f32 to vector<16xf32>
            %parallel_loop3A_410 = arith.subf %parallel_loop3A_409, %parallel_loop3A_392 : vector<16xf32>
            %parallel_loop3A_411 = math.exp %parallel_loop3A_410 : vector<16xf32>
            %parallel_loop3A_412 = arith.constant 1.000000e+00 : f32
            %parallel_loop3A_413 = vector.broadcast %parallel_loop3A_412 : f32 to vector<16xf32>
            %parallel_loop3A_414 = arith.addf %parallel_loop3A_413, %parallel_loop3A_411 : vector<16xf32>
            %parallel_loop3A_415 = arith.divf %parallel_loop3A_392, %parallel_loop3A_414 : vector<16xf32>
            %parallel_loop3A_416 = arith.index_cast %parallel_loop3A_220 : i32 to index
            %parallel_loop3A_417 = arith.constant 48 : index
            %parallel_loop3A_418 = tpu.vector_load %arg11[%parallel_loop3A_416, %parallel_loop3A_417] {strides = array<i32>} : memref<80x128xf32, #tpu.memory_space<vmem>>, vector<1x16xf32>,
            %parallel_loop3A_419 = vector.shape_cast %parallel_loop3A_418 : vector<1x16xf32> to vector<16xf32>
            %parallel_loop3A_420 = vector.shape_cast %parallel_loop3A_415 : vector<16xf32> to vector<1x16xf32>
            tpu.vector_store %arg11[%parallel_loop3A_416, %parallel_loop3A_417], %parallel_loop3A_420 {strides = array<i32>} : memref<80x128xf32, #tpu.memory_space<vmem>>, vector<1x16xf32>,
          } {sc.loop_unroll_factor = 2 : i64, sc.parallel_access}
        } else {
        }
        %eq3A_206 = arith.constant 1 : i32
        %eq3A_207 = arith.cmpi eq, %arg0, %eq3A_206 : i32
        %convert_element_type3A_208 = arith.extui %eq3A_207 : i1 to i32
        %cond3A_209 = arith.constant 0 : i32
        %cond3A_210 = arith.cmpi ne, %convert_element_type3A_208, %cond3A_209 : i32
        scf.if %cond3A_210 {
          %parallel_loop3A = arith.constant 0 : i32
          %parallel_loop3A_218 = arith.constant 40 : i32
          %parallel_loop3A_219 = arith.constant 1 : i32
          scf.for %parallel_loop3A_220 = %parallel_loop3A to %parallel_loop3A_218 step %parallel_loop3A_219  : i32 {
            %parallel_loop3A_221 = arith.constant 1 : i32
            %parallel_loop3A_222 = arith.index_cast %parallel_loop3A_221 : i32 to index
            %parallel_loop3A_223 = arith.index_cast %parallel_loop3A_220 : i32 to index
            %parallel_loop3A_224 = arith.constant 64 : index
            %parallel_loop3A_225 = tpu.vector_load %arg9[%parallel_loop3A_222, %parallel_loop3A_223, %parallel_loop3A_224] {strides = array<i32>} : memref<2x40x128xf32, #tpu.memory_space<vmem>>, vector<1x1x16xf32>,
            %parallel_loop3A_226 = vector.shape_cast %parallel_loop3A_225 : vector<1x1x16xf32> to vector<16xf32>
            %parallel_loop3A_227 = arith.constant 1 : i32
            %parallel_loop3A_228 = arith.index_cast %parallel_loop3A_227 : i32 to index
            %parallel_loop3A_229 = arith.index_cast %parallel_loop3A_220 : i32 to index
            %parallel_loop3A_230 = arith.constant 0 : index
            %parallel_loop3A_231 = tpu.vector_load %arg10[%parallel_loop3A_228, %parallel_loop3A_229, %parallel_loop3A_230] {strides = array<i32>} : memref<2x80x128xf32, #tpu.memory_space<vmem>>, vector<1x1x16xf32>,
            %parallel_loop3A_232 = vector.shape_cast %parallel_loop3A_231 : vector<1x1x16xf32> to vector<16xf32>
            %parallel_loop3A_233 = arith.addf %parallel_loop3A_232, %parallel_loop3A_226 : vector<16xf32>
            %parallel_loop3A_234 = arith.constant 40 : i32
            %parallel_loop3A_235 = arith.addi %parallel_loop3A_234, %parallel_loop3A_220 : i32
            %parallel_loop3A_236 = arith.constant 1 : i32
            %parallel_loop3A_237 = arith.index_cast %parallel_loop3A_236 : i32 to index
            %parallel_loop3A_238 = arith.index_cast %parallel_loop3A_235 : i32 to index
            %parallel_loop3A_239 = arith.constant 0 : index
            %parallel_loop3A_240 = tpu.vector_load %arg10[%parallel_loop3A_237, %parallel_loop3A_238, %parallel_loop3A_239] {strides = array<i32>} : memref<2x80x128xf32, #tpu.memory_space<vmem>>, vector<1x1x16xf32>,
            %parallel_loop3A_241 = vector.shape_cast %parallel_loop3A_240 : vector<1x1x16xf32> to vector<16xf32>
            %parallel_loop3A_242 = arith.addf %parallel_loop3A_241, %parallel_loop3A_226 : vector<16xf32>
            %parallel_loop3A_243 = arith.constant 0.000000e+00 : f32
            %parallel_loop3A_244 = vector.broadcast %parallel_loop3A_243 : f32 to vector<16xf32>
            %parallel_loop3A_245 = arith.subf %parallel_loop3A_244, %parallel_loop3A_233 : vector<16xf32>
            %parallel_loop3A_246 = math.exp %parallel_loop3A_245 : vector<16xf32>
            %parallel_loop3A_247 = arith.constant 1.000000e+00 : f32
            %parallel_loop3A_248 = vector.broadcast %parallel_loop3A_247 : f32 to vector<16xf32>
            %parallel_loop3A_249 = arith.addf %parallel_loop3A_248, %parallel_loop3A_246 : vector<16xf32>
            %parallel_loop3A_250 = arith.divf %parallel_loop3A_233, %parallel_loop3A_249 : vector<16xf32>
            %parallel_loop3A_251 = arith.constant 40 : i32
            %parallel_loop3A_252 = arith.addi %parallel_loop3A_251, %parallel_loop3A_220 : i32
            %parallel_loop3A_253 = arith.index_cast %parallel_loop3A_252 : i32 to index
            %parallel_loop3A_254 = arith.constant 0 : index
            %parallel_loop3A_255 = tpu.vector_load %arg11[%parallel_loop3A_253, %parallel_loop3A_254] {strides = array<i32>} : memref<80x128xf32, #tpu.memory_space<vmem>>, vector<1x16xf32>,
            %parallel_loop3A_256 = vector.shape_cast %parallel_loop3A_255 : vector<1x16xf32> to vector<16xf32>
            %parallel_loop3A_257 = vector.shape_cast %parallel_loop3A_250 : vector<16xf32> to vector<1x16xf32>
            tpu.vector_store %arg11[%parallel_loop3A_253, %parallel_loop3A_254], %parallel_loop3A_257 {strides = array<i32>} : memref<80x128xf32, #tpu.memory_space<vmem>>, vector<1x16xf32>,
            %parallel_loop3A_258 = arith.constant 0.000000e+00 : f32
            %parallel_loop3A_259 = vector.broadcast %parallel_loop3A_258 : f32 to vector<16xf32>
            %parallel_loop3A_260 = arith.subf %parallel_loop3A_259, %parallel_loop3A_242 : vector<16xf32>
            %parallel_loop3A_261 = math.exp %parallel_loop3A_260 : vector<16xf32>
            %parallel_loop3A_262 = arith.constant 1.000000e+00 : f32
            %parallel_loop3A_263 = vector.broadcast %parallel_loop3A_262 : f32 to vector<16xf32>
            %parallel_loop3A_264 = arith.addf %parallel_loop3A_263, %parallel_loop3A_261 : vector<16xf32>
            %parallel_loop3A_265 = arith.divf %parallel_loop3A_242, %parallel_loop3A_264 : vector<16xf32>
            %parallel_loop3A_266 = arith.index_cast %parallel_loop3A_220 : i32 to index
            %parallel_loop3A_267 = arith.constant 0 : index
            %parallel_loop3A_268 = tpu.vector_load %arg11[%parallel_loop3A_266, %parallel_loop3A_267] {strides = array<i32>} : memref<80x128xf32, #tpu.memory_space<vmem>>, vector<1x16xf32>,
            %parallel_loop3A_269 = vector.shape_cast %parallel_loop3A_268 : vector<1x16xf32> to vector<16xf32>
            %parallel_loop3A_270 = vector.shape_cast %parallel_loop3A_265 : vector<16xf32> to vector<1x16xf32>
            tpu.vector_store %arg11[%parallel_loop3A_266, %parallel_loop3A_267], %parallel_loop3A_270 {strides = array<i32>} : memref<80x128xf32, #tpu.memory_space<vmem>>, vector<1x16xf32>,
            %parallel_loop3A_271 = arith.constant 1 : i32
            %parallel_loop3A_272 = arith.index_cast %parallel_loop3A_271 : i32 to index
            %parallel_loop3A_273 = arith.index_cast %parallel_loop3A_220 : i32 to index
            %parallel_loop3A_274 = arith.constant 80 : index
            %parallel_loop3A_275 = tpu.vector_load %arg9[%parallel_loop3A_272, %parallel_loop3A_273, %parallel_loop3A_274] {strides = array<i32>} : memref<2x40x128xf32, #tpu.memory_space<vmem>>, vector<1x1x16xf32>,
            %parallel_loop3A_276 = vector.shape_cast %parallel_loop3A_275 : vector<1x1x16xf32> to vector<16xf32>
            %parallel_loop3A_277 = arith.constant 1 : i32
            %parallel_loop3A_278 = arith.index_cast %parallel_loop3A_277 : i32 to index
            %parallel_loop3A_279 = arith.index_cast %parallel_loop3A_220 : i32 to index
            %parallel_loop3A_280 = arith.constant 16 : index
            %parallel_loop3A_281 = tpu.vector_load %arg10[%parallel_loop3A_278, %parallel_loop3A_279, %parallel_loop3A_280] {strides = array<i32>} : memref<2x80x128xf32, #tpu.memory_space<vmem>>, vector<1x1x16xf32>,
            %parallel_loop3A_282 = vector.shape_cast %parallel_loop3A_281 : vector<1x1x16xf32> to vector<16xf32>
            %parallel_loop3A_283 = arith.addf %parallel_loop3A_282, %parallel_loop3A_276 : vector<16xf32>
            %parallel_loop3A_284 = arith.constant 40 : i32
            %parallel_loop3A_285 = arith.addi %parallel_loop3A_284, %parallel_loop3A_220 : i32
            %parallel_loop3A_286 = arith.constant 1 : i32
            %parallel_loop3A_287 = arith.index_cast %parallel_loop3A_286 : i32 to index
            %parallel_loop3A_288 = arith.index_cast %parallel_loop3A_285 : i32 to index
            %parallel_loop3A_289 = arith.constant 16 : index
            %parallel_loop3A_290 = tpu.vector_load %arg10[%parallel_loop3A_287, %parallel_loop3A_288, %parallel_loop3A_289] {strides = array<i32>} : memref<2x80x128xf32, #tpu.memory_space<vmem>>, vector<1x1x16xf32>,
            %parallel_loop3A_291 = vector.shape_cast %parallel_loop3A_290 : vector<1x1x16xf32> to vector<16xf32>
            %parallel_loop3A_292 = arith.addf %parallel_loop3A_291, %parallel_loop3A_276 : vector<16xf32>
            %parallel_loop3A_293 = arith.constant 0.000000e+00 : f32
            %parallel_loop3A_294 = vector.broadcast %parallel_loop3A_293 : f32 to vector<16xf32>
            %parallel_loop3A_295 = arith.subf %parallel_loop3A_294, %parallel_loop3A_283 : vector<16xf32>
            %parallel_loop3A_296 = math.exp %parallel_loop3A_295 : vector<16xf32>
            %parallel_loop3A_297 = arith.constant 1.000000e+00 : f32
            %parallel_loop3A_298 = vector.broadcast %parallel_loop3A_297 : f32 to vector<16xf32>
            %parallel_loop3A_299 = arith.addf %parallel_loop3A_298, %parallel_loop3A_296 : vector<16xf32>
            %parallel_loop3A_300 = arith.divf %parallel_loop3A_283, %parallel_loop3A_299 : vector<16xf32>
            %parallel_loop3A_301 = arith.constant 40 : i32
            %parallel_loop3A_302 = arith.addi %parallel_loop3A_301, %parallel_loop3A_220 : i32
            %parallel_loop3A_303 = arith.index_cast %parallel_loop3A_302 : i32 to index
            %parallel_loop3A_304 = arith.constant 16 : index
            %parallel_loop3A_305 = tpu.vector_load %arg11[%parallel_loop3A_303, %parallel_loop3A_304] {strides = array<i32>} : memref<80x128xf32, #tpu.memory_space<vmem>>, vector<1x16xf32>,
            %parallel_loop3A_306 = vector.shape_cast %parallel_loop3A_305 : vector<1x16xf32> to vector<16xf32>
            %parallel_loop3A_307 = vector.shape_cast %parallel_loop3A_300 : vector<16xf32> to vector<1x16xf32>
            tpu.vector_store %arg11[%parallel_loop3A_303, %parallel_loop3A_304], %parallel_loop3A_307 {strides = array<i32>} : memref<80x128xf32, #tpu.memory_space<vmem>>, vector<1x16xf32>,
            %parallel_loop3A_308 = arith.constant 0.000000e+00 : f32
            %parallel_loop3A_309 = vector.broadcast %parallel_loop3A_308 : f32 to vector<16xf32>
            %parallel_loop3A_310 = arith.subf %parallel_loop3A_309, %parallel_loop3A_292 : vector<16xf32>
            %parallel_loop3A_311 = math.exp %parallel_loop3A_310 : vector<16xf32>
            %parallel_loop3A_312 = arith.constant 1.000000e+00 : f32
            %parallel_loop3A_313 = vector.broadcast %parallel_loop3A_312 : f32 to vector<16xf32>
            %parallel_loop3A_314 = arith.addf %parallel_loop3A_313, %parallel_loop3A_311 : vector<16xf32>
            %parallel_loop3A_315 = arith.divf %parallel_loop3A_292, %parallel_loop3A_314 : vector<16xf32>
            %parallel_loop3A_316 = arith.index_cast %parallel_loop3A_220 : i32 to index
            %parallel_loop3A_317 = arith.constant 16 : index
            %parallel_loop3A_318 = tpu.vector_load %arg11[%parallel_loop3A_316, %parallel_loop3A_317] {strides = array<i32>} : memref<80x128xf32, #tpu.memory_space<vmem>>, vector<1x16xf32>,
            %parallel_loop3A_319 = vector.shape_cast %parallel_loop3A_318 : vector<1x16xf32> to vector<16xf32>
            %parallel_loop3A_320 = vector.shape_cast %parallel_loop3A_315 : vector<16xf32> to vector<1x16xf32>
            tpu.vector_store %arg11[%parallel_loop3A_316, %parallel_loop3A_317], %parallel_loop3A_320 {strides = array<i32>} : memref<80x128xf32, #tpu.memory_space<vmem>>, vector<1x16xf32>,
            %parallel_loop3A_321 = arith.constant 1 : i32
            %parallel_loop3A_322 = arith.index_cast %parallel_loop3A_321 : i32 to index
            %parallel_loop3A_323 = arith.index_cast %parallel_loop3A_220 : i32 to index
            %parallel_loop3A_324 = arith.constant 96 : index
            %parallel_loop3A_325 = tpu.vector_load %arg9[%parallel_loop3A_322, %parallel_loop3A_323, %parallel_loop3A_324] {strides = array<i32>} : memref<2x40x128xf32, #tpu.memory_space<vmem>>, vector<1x1x16xf32>,
            %parallel_loop3A_326 = vector.shape_cast %parallel_loop3A_325 : vector<1x1x16xf32> to vector<16xf32>
            %parallel_loop3A_327 = arith.constant 1 : i32
            %parallel_loop3A_328 = arith.index_cast %parallel_loop3A_327 : i32 to index
            %parallel_loop3A_329 = arith.index_cast %parallel_loop3A_220 : i32 to index
            %parallel_loop3A_330 = arith.constant 32 : index
            %parallel_loop3A_331 = tpu.vector_load %arg10[%parallel_loop3A_328, %parallel_loop3A_329, %parallel_loop3A_330] {strides = array<i32>} : memref<2x80x128xf32, #tpu.memory_space<vmem>>, vector<1x1x16xf32>,
            %parallel_loop3A_332 = vector.shape_cast %parallel_loop3A_331 : vector<1x1x16xf32> to vector<16xf32>
            %parallel_loop3A_333 = arith.addf %parallel_loop3A_332, %parallel_loop3A_326 : vector<16xf32>
            %parallel_loop3A_334 = arith.constant 40 : i32
            %parallel_loop3A_335 = arith.addi %parallel_loop3A_334, %parallel_loop3A_220 : i32
            %parallel_loop3A_336 = arith.constant 1 : i32
            %parallel_loop3A_337 = arith.index_cast %parallel_loop3A_336 : i32 to index
            %parallel_loop3A_338 = arith.index_cast %parallel_loop3A_335 : i32 to index
            %parallel_loop3A_339 = arith.constant 32 : index
            %parallel_loop3A_340 = tpu.vector_load %arg10[%parallel_loop3A_337, %parallel_loop3A_338, %parallel_loop3A_339] {strides = array<i32>} : memref<2x80x128xf32, #tpu.memory_space<vmem>>, vector<1x1x16xf32>,
            %parallel_loop3A_341 = vector.shape_cast %parallel_loop3A_340 : vector<1x1x16xf32> to vector<16xf32>
            %parallel_loop3A_342 = arith.addf %parallel_loop3A_341, %parallel_loop3A_326 : vector<16xf32>
            %parallel_loop3A_343 = arith.constant 0.000000e+00 : f32
            %parallel_loop3A_344 = vector.broadcast %parallel_loop3A_343 : f32 to vector<16xf32>
            %parallel_loop3A_345 = arith.subf %parallel_loop3A_344, %parallel_loop3A_333 : vector<16xf32>
            %parallel_loop3A_346 = math.exp %parallel_loop3A_345 : vector<16xf32>
            %parallel_loop3A_347 = arith.constant 1.000000e+00 : f32
            %parallel_loop3A_348 = vector.broadcast %parallel_loop3A_347 : f32 to vector<16xf32>
            %parallel_loop3A_349 = arith.addf %parallel_loop3A_348, %parallel_loop3A_346 : vector<16xf32>
            %parallel_loop3A_350 = arith.divf %parallel_loop3A_333, %parallel_loop3A_349 : vector<16xf32>
            %parallel_loop3A_351 = arith.constant 40 : i32
            %parallel_loop3A_352 = arith.addi %parallel_loop3A_351, %parallel_loop3A_220 : i32
            %parallel_loop3A_353 = arith.index_cast %parallel_loop3A_352 : i32 to index
            %parallel_loop3A_354 = arith.constant 32 : index
            %parallel_loop3A_355 = tpu.vector_load %arg11[%parallel_loop3A_353, %parallel_loop3A_354] {strides = array<i32>} : memref<80x128xf32, #tpu.memory_space<vmem>>, vector<1x16xf32>,
            %parallel_loop3A_356 = vector.shape_cast %parallel_loop3A_355 : vector<1x16xf32> to vector<16xf32>
            %parallel_loop3A_357 = vector.shape_cast %parallel_loop3A_350 : vector<16xf32> to vector<1x16xf32>
            tpu.vector_store %arg11[%parallel_loop3A_353, %parallel_loop3A_354], %parallel_loop3A_357 {strides = array<i32>} : memref<80x128xf32, #tpu.memory_space<vmem>>, vector<1x16xf32>,
            %parallel_loop3A_358 = arith.constant 0.000000e+00 : f32
            %parallel_loop3A_359 = vector.broadcast %parallel_loop3A_358 : f32 to vector<16xf32>
            %parallel_loop3A_360 = arith.subf %parallel_loop3A_359, %parallel_loop3A_342 : vector<16xf32>
            %parallel_loop3A_361 = math.exp %parallel_loop3A_360 : vector<16xf32>
            %parallel_loop3A_362 = arith.constant 1.000000e+00 : f32
            %parallel_loop3A_363 = vector.broadcast %parallel_loop3A_362 : f32 to vector<16xf32>
            %parallel_loop3A_364 = arith.addf %parallel_loop3A_363, %parallel_loop3A_361 : vector<16xf32>
            %parallel_loop3A_365 = arith.divf %parallel_loop3A_342, %parallel_loop3A_364 : vector<16xf32>
            %parallel_loop3A_366 = arith.index_cast %parallel_loop3A_220 : i32 to index
            %parallel_loop3A_367 = arith.constant 32 : index
            %parallel_loop3A_368 = tpu.vector_load %arg11[%parallel_loop3A_366, %parallel_loop3A_367] {strides = array<i32>} : memref<80x128xf32, #tpu.memory_space<vmem>>, vector<1x16xf32>,
            %parallel_loop3A_369 = vector.shape_cast %parallel_loop3A_368 : vector<1x16xf32> to vector<16xf32>
            %parallel_loop3A_370 = vector.shape_cast %parallel_loop3A_365 : vector<16xf32> to vector<1x16xf32>
            tpu.vector_store %arg11[%parallel_loop3A_366, %parallel_loop3A_367], %parallel_loop3A_370 {strides = array<i32>} : memref<80x128xf32, #tpu.memory_space<vmem>>, vector<1x16xf32>,
            %parallel_loop3A_371 = arith.constant 1 : i32
            %parallel_loop3A_372 = arith.index_cast %parallel_loop3A_371 : i32 to index
            %parallel_loop3A_373 = arith.index_cast %parallel_loop3A_220 : i32 to index
            %parallel_loop3A_374 = arith.constant 112 : index
            %parallel_loop3A_375 = tpu.vector_load %arg9[%parallel_loop3A_372, %parallel_loop3A_373, %parallel_loop3A_374] {strides = array<i32>} : memref<2x40x128xf32, #tpu.memory_space<vmem>>, vector<1x1x16xf32>,
            %parallel_loop3A_376 = vector.shape_cast %parallel_loop3A_375 : vector<1x1x16xf32> to vector<16xf32>
            %parallel_loop3A_377 = arith.constant 1 : i32
            %parallel_loop3A_378 = arith.index_cast %parallel_loop3A_377 : i32 to index
            %parallel_loop3A_379 = arith.index_cast %parallel_loop3A_220 : i32 to index
            %parallel_loop3A_380 = arith.constant 48 : index
            %parallel_loop3A_381 = tpu.vector_load %arg10[%parallel_loop3A_378, %parallel_loop3A_379, %parallel_loop3A_380] {strides = array<i32>} : memref<2x80x128xf32, #tpu.memory_space<vmem>>, vector<1x1x16xf32>,
            %parallel_loop3A_382 = vector.shape_cast %parallel_loop3A_381 : vector<1x1x16xf32> to vector<16xf32>
            %parallel_loop3A_383 = arith.addf %parallel_loop3A_382, %parallel_loop3A_376 : vector<16xf32>
            %parallel_loop3A_384 = arith.constant 40 : i32
            %parallel_loop3A_385 = arith.addi %parallel_loop3A_384, %parallel_loop3A_220 : i32
            %parallel_loop3A_386 = arith.constant 1 : i32
            %parallel_loop3A_387 = arith.index_cast %parallel_loop3A_386 : i32 to index
            %parallel_loop3A_388 = arith.index_cast %parallel_loop3A_385 : i32 to index
            %parallel_loop3A_389 = arith.constant 48 : index
            %parallel_loop3A_390 = tpu.vector_load %arg10[%parallel_loop3A_387, %parallel_loop3A_388, %parallel_loop3A_389] {strides = array<i32>} : memref<2x80x128xf32, #tpu.memory_space<vmem>>, vector<1x1x16xf32>,
            %parallel_loop3A_391 = vector.shape_cast %parallel_loop3A_390 : vector<1x1x16xf32> to vector<16xf32>
            %parallel_loop3A_392 = arith.addf %parallel_loop3A_391, %parallel_loop3A_376 : vector<16xf32>
            %parallel_loop3A_393 = arith.constant 0.000000e+00 : f32
            %parallel_loop3A_394 = vector.broadcast %parallel_loop3A_393 : f32 to vector<16xf32>
            %parallel_loop3A_395 = arith.subf %parallel_loop3A_394, %parallel_loop3A_383 : vector<16xf32>
            %parallel_loop3A_396 = math.exp %parallel_loop3A_395 : vector<16xf32>
            %parallel_loop3A_397 = arith.constant 1.000000e+00 : f32
            %parallel_loop3A_398 = vector.broadcast %parallel_loop3A_397 : f32 to vector<16xf32>
            %parallel_loop3A_399 = arith.addf %parallel_loop3A_398, %parallel_loop3A_396 : vector<16xf32>
            %parallel_loop3A_400 = arith.divf %parallel_loop3A_383, %parallel_loop3A_399 : vector<16xf32>
            %parallel_loop3A_401 = arith.constant 40 : i32
            %parallel_loop3A_402 = arith.addi %parallel_loop3A_401, %parallel_loop3A_220 : i32
            %parallel_loop3A_403 = arith.index_cast %parallel_loop3A_402 : i32 to index
            %parallel_loop3A_404 = arith.constant 48 : index
            %parallel_loop3A_405 = tpu.vector_load %arg11[%parallel_loop3A_403, %parallel_loop3A_404] {strides = array<i32>} : memref<80x128xf32, #tpu.memory_space<vmem>>, vector<1x16xf32>,
            %parallel_loop3A_406 = vector.shape_cast %parallel_loop3A_405 : vector<1x16xf32> to vector<16xf32>
            %parallel_loop3A_407 = vector.shape_cast %parallel_loop3A_400 : vector<16xf32> to vector<1x16xf32>
            tpu.vector_store %arg11[%parallel_loop3A_403, %parallel_loop3A_404], %parallel_loop3A_407 {strides = array<i32>} : memref<80x128xf32, #tpu.memory_space<vmem>>, vector<1x16xf32>,
            %parallel_loop3A_408 = arith.constant 0.000000e+00 : f32
            %parallel_loop3A_409 = vector.broadcast %parallel_loop3A_408 : f32 to vector<16xf32>
            %parallel_loop3A_410 = arith.subf %parallel_loop3A_409, %parallel_loop3A_392 : vector<16xf32>
            %parallel_loop3A_411 = math.exp %parallel_loop3A_410 : vector<16xf32>
            %parallel_loop3A_412 = arith.constant 1.000000e+00 : f32
            %parallel_loop3A_413 = vector.broadcast %parallel_loop3A_412 : f32 to vector<16xf32>
            %parallel_loop3A_414 = arith.addf %parallel_loop3A_413, %parallel_loop3A_411 : vector<16xf32>
            %parallel_loop3A_415 = arith.divf %parallel_loop3A_392, %parallel_loop3A_414 : vector<16xf32>
            %parallel_loop3A_416 = arith.index_cast %parallel_loop3A_220 : i32 to index
            %parallel_loop3A_417 = arith.constant 48 : index
            %parallel_loop3A_418 = tpu.vector_load %arg11[%parallel_loop3A_416, %parallel_loop3A_417] {strides = array<i32>} : memref<80x128xf32, #tpu.memory_space<vmem>>, vector<1x16xf32>,
            %parallel_loop3A_419 = vector.shape_cast %parallel_loop3A_418 : vector<1x16xf32> to vector<16xf32>
            %parallel_loop3A_420 = vector.shape_cast %parallel_loop3A_415 : vector<16xf32> to vector<1x16xf32>
            tpu.vector_store %arg11[%parallel_loop3A_416, %parallel_loop3A_417], %parallel_loop3A_420 {strides = array<i32>} : memref<80x128xf32, #tpu.memory_space<vmem>>, vector<1x16xf32>,
          } {sc.loop_unroll_factor = 2 : i64, sc.parallel_access}
        } else {
        }
        "tpu.region"() ({
          %run_scoped3A = tpu.sem_alloc : memref<!tpu.dma_semaphore, #tpu.memory_space<semaphore_mem>>
          %dma_start3A_218 = arith.constant 0 : i32
          %dma_start3A_219 = tpu.memref_slice %arg8[%add3A_164, %dma_start3A_218] : memref<50x80xi32, #tpu.memory_space<vmem>> -> memref<1x80xi32, #tpu.memory_space<vmem>>
          %dma_start3A_220 = tpu.memref_squeeze %dma_start3A_219 : memref<1x80xi32, #tpu.memory_space<vmem>> -> memref<80xi32, #tpu.memory_space<vmem>>
          %dma_start3A_221 = arith.constant 0 : i32
          %dma_start3A_222 = arith.constant 0 : i32
          %dma_start3A_223 = tpu.memref_slice %arg7[%dma_start3A_221, %dma_start3A_222] : memref<10000x128xf32, #tpu.memory_space<vmem_shared>> -> memref<10000x128xf32, #tpu.memory_space<vmem_shared>>
          tpu.enqueue_indirect_dma source(%arg11 : memref<80x128xf32, #tpu.memory_space<vmem>>) target(%dma_start3A_223 : memref<10000x128xf32, #tpu.memory_space<vmem_shared>>) offsets(%dma_start3A_220 : memref<80xi32, #tpu.memory_space<vmem>>) semaphore(%run_scoped3A : memref<!tpu.dma_semaphore, #tpu.memory_space<semaphore_mem>>) {add = true}
          %dma_wait3A_224 = arith.constant 0 : i32
          %dma_wait3A_225 = tpu.memref_slice %arg8[%add3A_164, %dma_wait3A_224] : memref<50x80xi32, #tpu.memory_space<vmem>> -> memref<1x80xi32, #tpu.memory_space<vmem>>
          %dma_wait3A_226 = tpu.memref_squeeze %dma_wait3A_225 : memref<1x80xi32, #tpu.memory_space<vmem>> -> memref<80xi32, #tpu.memory_space<vmem>>
          %dma_wait3A_227 = arith.constant 0 : i32
          %dma_wait3A_228 = arith.constant 0 : i32
          %dma_wait3A_229 = tpu.memref_slice %arg7[%dma_wait3A_227, %dma_wait3A_228] : memref<10000x128xf32, #tpu.memory_space<vmem_shared>> -> memref<10000x128xf32, #tpu.memory_space<vmem_shared>>
          tpu.wait_indirect_dma semaphore(%run_scoped3A : memref<!tpu.dma_semaphore, #tpu.memory_space<semaphore_mem>>) src(%arg11 : memref<80x128xf32, #tpu.memory_space<vmem>>) dst(%dma_wait3A_229 : memref<10000x128xf32, #tpu.memory_space<vmem_shared>>)
          tpu.yield
        }) : () -> ()
        %add3A_211 = arith.constant 2 : i32
        %add3A_212 = arith.addi %add3A_164, %add3A_211 : i32
        %lt3A_213 = arith.constant 50 : i32
        %lt3A_214 = arith.cmpi slt, %add3A_212, %lt3A_213 : i32
        %convert_element_type3A_215 = arith.extui %lt3A_214 : i1 to i32
        %cond3A_216 = arith.constant 0 : i32
        %cond3A_217 = arith.cmpi ne, %convert_element_type3A_215, %cond3A_216 : i32
        scf.if %cond3A_217 {
          %add3A_218 = arith.constant 2 : i32
          %add3A_219 = arith.addi %add3A_164, %add3A_218 : i32
          %mul3A_220 = arith.constant 50 : i32
          %mul3A_221 = arith.muli %scan3A_20, %mul3A_220 : i32
          %add3A_222 = arith.addi %mul3A_221, %add3A_219 : i32
          %mul3A_223 = arith.constant 40 : i32
          %mul3A_224 = arith.muli %add3A_222, %mul3A_223 : i32
          %add3A_225 = arith.addi %mul3A_4, %mul3A_224 : i32
          %dma_start3A_226 = arith.constant 1 : i32
          %dma_start3A_227 = arith.constant 1 : i32
          %dma_start3A_228 = arith.constant 0 : i32
          %dma_start3A_229 = arith.constant 0 : i32
          %dma_start3A_230 = tpu.memref_slice %arg9[%dma_start3A_226, %dma_start3A_228, %dma_start3A_229] : memref<2x40x128xf32, #tpu.memory_space<vmem>> -> memref<1x40x128xf32, #tpu.memory_space<vmem>>
          %dma_start3A_231 = tpu.memref_squeeze %dma_start3A_230 : memref<1x40x128xf32, #tpu.memory_space<vmem>> -> memref<40x128xf32, #tpu.memory_space<vmem>>
          %dma_start3A_232 = arith.constant 0 : i32
          %dma_start3A_233 = tpu.memref_slice %arg4[%add3A_225, %dma_start3A_232] : memref<160000x128xf32, #tpu.memory_space<hbm>> -> memref<40x128xf32, #tpu.memory_space<hbm>>
          %dma_start3A_234 = tpu.memref_slice %arg12[%dma_start3A_227] : memref<2x!tpu.dma_semaphore, #tpu.memory_space<semaphore_mem>> -> memref<1x!tpu.dma_semaphore, #tpu.memory_space<semaphore_mem>>
          %dma_start3A_235 = tpu.memref_squeeze %dma_start3A_234 : memref<1x!tpu.dma_semaphore, #tpu.memory_space<semaphore_mem>> -> memref<!tpu.dma_semaphore, #tpu.memory_space<semaphore_mem>>
          %dma_start3A_236 = arith.constant 0 : i32
          %dma_start3A_237 = arith.constant 0 : i32
          %dma_start3A_238 = tpu.memref_slice %arg9[%dma_start3A_226, %dma_start3A_236, %dma_start3A_237] : memref<2x40x128xf32, #tpu.memory_space<vmem>> -> memref<1x40x128xf32, #tpu.memory_space<vmem>>
          %dma_start3A_239 = tpu.memref_squeeze %dma_start3A_238 : memref<1x40x128xf32, #tpu.memory_space<vmem>> -> memref<40x128xf32, #tpu.memory_space<vmem>>
          %dma_start3A_240 = arith.constant 0 : i32
          %dma_start3A_241 = tpu.memref_slice %arg4[%add3A_225, %dma_start3A_240] : memref<160000x128xf32, #tpu.memory_space<hbm>> -> memref<40x128xf32, #tpu.memory_space<hbm>>
          tpu.enqueue_dma source(%dma_start3A_241 : memref<40x128xf32, #tpu.memory_space<hbm>>) target(%dma_start3A_239 : memref<40x128xf32, #tpu.memory_space<vmem>>) target_semaphore(%dma_start3A_235 : memref<!tpu.dma_semaphore, #tpu.memory_space<semaphore_mem>>)
          %dma_start3A_242 = arith.constant 1 : i32
          %dma_start3A_243 = arith.constant 1 : i32
          %dma_start3A_244 = arith.constant 0 : i32
          %dma_start3A_245 = arith.constant 0 : i32
          %dma_start3A_246 = tpu.memref_slice %arg10[%dma_start3A_242, %dma_start3A_244, %dma_start3A_245] : memref<2x80x128xf32, #tpu.memory_space<vmem>> -> memref<1x80x128xf32, #tpu.memory_space<vmem>>
          %dma_start3A_247 = tpu.memref_squeeze %dma_start3A_246 : memref<1x80x128xf32, #tpu.memory_space<vmem>> -> memref<80x128xf32, #tpu.memory_space<vmem>>
          %dma_start3A_248 = arith.constant 0 : i32
          %dma_start3A_249 = tpu.memref_slice %arg8[%add3A_219, %dma_start3A_248] : memref<50x80xi32, #tpu.memory_space<vmem>> -> memref<1x80xi32, #tpu.memory_space<vmem>>
          %dma_start3A_250 = tpu.memref_squeeze %dma_start3A_249 : memref<1x80xi32, #tpu.memory_space<vmem>> -> memref<80xi32, #tpu.memory_space<vmem>>
          %dma_start3A_251 = arith.constant 0 : i32
          %dma_start3A_252 = arith.constant 0 : i32
          %dma_start3A_253 = tpu.memref_slice %arg2[%dma_start3A_251, %dma_start3A_252] : memref<10000x128xf32, #tpu.memory_space<hbm>> -> memref<10000x128xf32, #tpu.memory_space<hbm>>
          %dma_start3A_254 = tpu.memref_slice %arg12[%dma_start3A_243] : memref<2x!tpu.dma_semaphore, #tpu.memory_space<semaphore_mem>> -> memref<1x!tpu.dma_semaphore, #tpu.memory_space<semaphore_mem>>
          %dma_start3A_255 = tpu.memref_squeeze %dma_start3A_254 : memref<1x!tpu.dma_semaphore, #tpu.memory_space<semaphore_mem>> -> memref<!tpu.dma_semaphore, #tpu.memory_space<semaphore_mem>>
          tpu.enqueue_indirect_dma source(%dma_start3A_253 : memref<10000x128xf32, #tpu.memory_space<hbm>>) target(%dma_start3A_247 : memref<80x128xf32, #tpu.memory_space<vmem>>) offsets(%dma_start3A_250 : memref<80xi32, #tpu.memory_space<vmem>>) semaphore(%dma_start3A_255 : memref<!tpu.dma_semaphore, #tpu.memory_space<semaphore_mem>>)
        } else {
        }
      }
      %scan3A_104 = arith.constant 25 : i32
    }
    %scan3A_13 = arith.constant 5 : i32
    %barrier3A_14 = arith.constant 0 : index
    tpu.barrier barrier_id(%barrier3A_14)
    %eq3A_15 = arith.constant 0 : i32
    %eq3A_16 = arith.cmpi eq, %arg1, %eq3A_15 : i32
    %convert_element_type3A_17 = arith.extui %eq3A_16 : i1 to i32
    %cond3A_18 = arith.constant 0 : i32
    %cond3A_19 = arith.cmpi ne, %convert_element_type3A_17, %cond3A_18 : i32
    scf.if %cond3A_19 {
      "tpu.region"() ({
        %run_scoped3A = tpu.sem_alloc : memref<!tpu.dma_semaphore, #tpu.memory_space<semaphore_mem>>
        %dma_start3A = arith.constant 0 : i32
        %dma_start3A_20 = arith.constant 0 : i32
        %dma_start3A_21 = tpu.memref_slice %arg6[%arg0, %dma_start3A, %dma_start3A_20] : memref<2x10000x128xf32, #tpu.memory_space<hbm>> -> memref<1x10000x128xf32, #tpu.memory_space<hbm>>
        %dma_start3A_22 = tpu.memref_squeeze %dma_start3A_21 : memref<1x10000x128xf32, #tpu.memory_space<hbm>> -> memref<10000x128xf32, #tpu.memory_space<hbm>>
        tpu.enqueue_dma source(%arg7 : memref<10000x128xf32, #tpu.memory_space<vmem_shared>>) target(%dma_start3A_22 : memref<10000x128xf32, #tpu.memory_space<hbm>>) target_semaphore(%run_scoped3A : memref<!tpu.dma_semaphore, #tpu.memory_space<semaphore_mem>>)
        %dma_wait3A = arith.constant 0 : i32
        %dma_wait3A_23 = arith.constant 0 : i32
        %dma_wait3A_24 = tpu.memref_slice %arg6[%arg0, %dma_wait3A, %dma_wait3A_23] : memref<2x10000x128xf32, #tpu.memory_space<hbm>> -> memref<1x10000x128xf32, #tpu.memory_space<hbm>>
        %dma_wait3A_25 = tpu.memref_squeeze %dma_wait3A_24 : memref<1x10000x128xf32, #tpu.memory_space<hbm>> -> memref<10000x128xf32, #tpu.memory_space<hbm>>
        tpu.wait_dma2 semaphore(%run_scoped3A : memref<!tpu.dma_semaphore, #tpu.memory_space<semaphore_mem>>) src(%arg7 : memref<10000x128xf32, #tpu.memory_space<vmem_shared>>) dst(%dma_wait3A_25 : memref<10000x128xf32, #tpu.memory_space<hbm>>)
        tpu.yield
      }) : () -> ()
    } else {
    }
    return
  }
}

module attributes {stable_mosaic.version = 14 : i64} {
  func.func @_node_body(%arg0: i32, %arg1: memref<2000x128xf32, #tpu.memory_space<vmem>>, %arg2: memref<128x64xf32, #tpu.memory_space<vmem>>, %arg3: memref<1x64xf32, #tpu.memory_space<vmem>>, %arg4: memref<64x64xf32, #tpu.memory_space<vmem>>, %arg5: memref<2000x64xf32, #tpu.memory_space<vmem>>, %arg6: memref<2000x128xf32, #tpu.memory_space<vmem>>) attributes {dimension_semantics = [#tpu.dimension_semantics<arbitrary>], iteration_bounds = array<i64: 5>, scalar_prefetch = 0 : i64, scratch_operands = 0 : i64, tpu.core_type = #tpu.core_type<tc>, window_params = [{transform_indices = @transform_0, window_bounds = array<i64: 2000, 128>}, {pipeline_mode = #tpu.pipeline_mode<synchronous>, transform_indices = @transform_1, window_bounds = array<i64: 128, 64>}, {pipeline_mode = #tpu.pipeline_mode<synchronous>, transform_indices = @transform_2, window_bounds = array<i64: 1, 64>}, {pipeline_mode = #tpu.pipeline_mode<synchronous>, transform_indices = @transform_3, window_bounds = array<i64: 64, 64>}, {transform_indices = @transform_4, window_bounds = array<i64: 2000, 64>}, {transform_indices = @transform_5, window_bounds = array<i64: 2000, 128>}]} {
    %get3A = arith.constant 0 : index
    %get3A_0 = arith.constant 0 : index
    %get3A_1 = vector.load %arg1[%get3A, %get3A_0] : memref<2000x128xf32, #tpu.memory_space<vmem>>, vector<2000x128xf32>
    %get3A_2 = arith.constant 0 : index
    %get3A_3 = arith.constant 0 : index
    %get3A_4 = vector.load %arg2[%get3A_2, %get3A_3] : memref<128x64xf32, #tpu.memory_space<vmem>>, vector<128x64xf32>
    %dot_general3A = arith.constant dense<0.000000e+00> : vector<2000x64xf32>
    %dot_general3A_5 = tpu.matmul %get3A_1, %get3A_4, %dot_general3A {dimension_numbers = #tpu.dot_dimension_numbers<[1], [0], [0], [1], [0, 0, 1, 1], [], []>, transpose_lhs_hint = false} : vector<2000x128xf32>, vector<128x64xf32>, vector<2000x64xf32> -> vector<2000x64xf32>
    %get3A_6 = arith.constant 0 : index
    %get3A_7 = arith.constant 0 : index
    %get3A_8 = vector.load %arg3[%get3A_6, %get3A_7] : memref<1x64xf32, #tpu.memory_space<vmem>>, vector<1x64xf32>
    %add3A = vector.broadcast %get3A_8 : vector<1x64xf32> to vector<2000x64xf32>
    %add3A_9 = arith.addf %dot_general3A_5, %add3A : vector<2000x64xf32>
    %logistic3A = arith.negf %add3A_9 : vector<2000x64xf32>
    %logistic3A_10 = math.exp %logistic3A : vector<2000x64xf32>
    %logistic3A_11 = arith.constant 1.000000e+00 : f32
    %logistic3A_12 = vector.broadcast %logistic3A_11 : f32 to vector<2000x64xf32>
    %logistic3A_13 = arith.addf %logistic3A_12, %logistic3A_10 : vector<2000x64xf32>
    %logistic3A_14 = arith.divf %logistic3A_12, %logistic3A_13 : vector<2000x64xf32>
    %mul3A = arith.mulf %add3A_9, %logistic3A_14 : vector<2000x64xf32>
    %max3A = arith.constant 0.000000e+00 : f32
    %max3A_15 = vector.broadcast %max3A : f32 to vector<2000x64xf32>
    %max3A_16 = arith.maximumf %mul3A, %max3A_15 : vector<2000x64xf32>
    %swap3A = arith.constant 0 : index
    %swap3A_17 = arith.constant 0 : index
    %swap3A_18 = vector.load %arg5[%swap3A, %swap3A_17] : memref<2000x64xf32, #tpu.memory_space<vmem>>, vector<2000x64xf32>
    tpu.vector_store %arg5[%swap3A, %swap3A_17], %max3A_16 {strides = array<i32>} : memref<2000x64xf32, #tpu.memory_space<vmem>>, vector<2000x64xf32>,
    %get3A_19 = arith.constant 0 : index
    %get3A_20 = arith.constant 0 : index
    %get3A_21 = vector.load %arg4[%get3A_19, %get3A_20] : memref<64x64xf32, #tpu.memory_space<vmem>>, vector<64x64xf32>
    %dot_general3A_22 = arith.constant dense<0.000000e+00> : vector<2000x64xf32>
    %dot_general3A_23 = tpu.matmul %max3A_16, %get3A_21, %dot_general3A_22 {dimension_numbers = #tpu.dot_dimension_numbers<[1], [0], [0], [1], [0, 0, 1, 1], [], []>, transpose_lhs_hint = false} : vector<2000x64xf32>, vector<64x64xf32>, vector<2000x64xf32> -> vector<2000x64xf32>
    %iota3A = tpu.iota {dimensions = array<i32: 1>} : vector<2000x64xi32>
    %eq3A = arith.constant 0 : i32
    %eq3A_24 = vector.broadcast %eq3A : i32 to vector<2000x64xi32>
    %eq3A_25 = arith.cmpi eq, %iota3A, %eq3A_24 : vector<2000x64xi32>
    %convert_element_type3A = arith.extui %eq3A_25 : vector<2000x64xi1> to vector<2000x64xi32>
    %convert_element_type3A_26 = arith.sitofp %convert_element_type3A : vector<2000x64xi32> to vector<2000x64xf32>
    %concatenate3A = tpu.concatenate %dot_general3A_23, %convert_element_type3A_26 in 1 : vector<2000x64xf32>, vector<2000x64xf32> -> vector<2000x128xf32>
    %swap3A_27 = arith.constant 0 : index
    %swap3A_28 = arith.constant 0 : index
    %swap3A_29 = vector.load %arg6[%swap3A_27, %swap3A_28] : memref<2000x128xf32, #tpu.memory_space<vmem>>, vector<2000x128xf32>
    tpu.vector_store %arg6[%swap3A_27, %swap3A_28], %concatenate3A {strides = array<i32>} : memref<2000x128xf32, #tpu.memory_space<vmem>>, vector<2000x128xf32>,
    return
  }
  func.func @transform_0(%arg0: i32) -> (i32, i32) {
    %c0_i32 = arith.constant 0 : i32
    %c0_i32_0 = arith.constant 0 : i32
    return %arg0, %c0_i32 : i32, i32
  }
  func.func @transform_1(%arg0: i32) -> (i32, i32) {
    %c0_i32 = arith.constant 0 : i32
    %c0_i32_0 = arith.constant 0 : i32
    %c0_i32_1 = arith.constant 0 : i32
    return %c0_i32, %c0_i32_0 : i32, i32
  }
  func.func @transform_2(%arg0: i32) -> (i32, i32) {
    %c0_i32 = arith.constant 0 : i32
    %c0_i32_0 = arith.constant 0 : i32
    %c0_i32_1 = arith.constant 0 : i32
    return %c0_i32, %c0_i32_0 : i32, i32
  }
  func.func @transform_3(%arg0: i32) -> (i32, i32) {
    %c0_i32 = arith.constant 0 : i32
    %c0_i32_0 = arith.constant 0 : i32
    %c0_i32_1 = arith.constant 0 : i32
    return %c0_i32, %c0_i32_0 : i32, i32
  }
  func.func @transform_4(%arg0: i32) -> (i32, i32) {
    %c0_i32 = arith.constant 0 : i32
    %c0_i32_0 = arith.constant 0 : i32
    return %arg0, %c0_i32 : i32, i32
  }
  func.func @transform_5(%arg0: i32) -> (i32, i32) {
    %c0_i32 = arith.constant 0 : i32
    %c0_i32_0 = arith.constant 0 : i32
    return %arg0, %c0_i32 : i32, i32
  }
}

module attributes {stable_mosaic.version = 14 : i64} {
  func.func @_edge_body(%arg0: i32, %arg1: memref<8000x16xf32, #tpu.memory_space<vmem>>, %arg2: memref<8000x16xf32, #tpu.memory_space<vmem>>, %arg3: memref<16x16xf32, #tpu.memory_space<vmem>>, %arg4: memref<1x16xf32, #tpu.memory_space<vmem>>, %arg5: memref<16x64xf32, #tpu.memory_space<vmem>>, %arg6: memref<1x64xf32, #tpu.memory_space<vmem>>, %arg7: memref<8000x128xf32, #tpu.memory_space<vmem>>) attributes {dimension_semantics = [#tpu.dimension_semantics<arbitrary>], iteration_bounds = array<i64: 20>, scalar_prefetch = 0 : i64, scratch_operands = 0 : i64, tpu.core_type = #tpu.core_type<tc>, window_params = [{transform_indices = @transform_0, window_bounds = array<i64: 8000, 16>}, {transform_indices = @transform_1, window_bounds = array<i64: 8000, 16>}, {pipeline_mode = #tpu.pipeline_mode<synchronous>, transform_indices = @transform_2, window_bounds = array<i64: 16, 16>}, {pipeline_mode = #tpu.pipeline_mode<synchronous>, transform_indices = @transform_3, window_bounds = array<i64: 1, 16>}, {pipeline_mode = #tpu.pipeline_mode<synchronous>, transform_indices = @transform_4, window_bounds = array<i64: 16, 64>}, {pipeline_mode = #tpu.pipeline_mode<synchronous>, transform_indices = @transform_5, window_bounds = array<i64: 1, 64>}, {transform_indices = @transform_6, window_bounds = array<i64: 8000, 128>}]} {
    %get3A = arith.constant 0 : index
    %get3A_0 = arith.constant 0 : index
    %get3A_1 = vector.load %arg1[%get3A, %get3A_0] : memref<8000x16xf32, #tpu.memory_space<vmem>>, vector<8000x16xf32>
    %get3A_2 = arith.constant 0 : index
    %get3A_3 = arith.constant 0 : index
    %get3A_4 = vector.load %arg3[%get3A_2, %get3A_3] : memref<16x16xf32, #tpu.memory_space<vmem>>, vector<16x16xf32>
    %dot_general3A = arith.constant dense<0.000000e+00> : vector<8000x16xf32>
    %dot_general3A_5 = tpu.matmul %get3A_1, %get3A_4, %dot_general3A {dimension_numbers = #tpu.dot_dimension_numbers<[1], [0], [0], [1], [0, 0, 1, 1], [], []>, transpose_lhs_hint = false} : vector<8000x16xf32>, vector<16x16xf32>, vector<8000x16xf32> -> vector<8000x16xf32>
    %get3A_6 = arith.constant 0 : index
    %get3A_7 = arith.constant 0 : index
    %get3A_8 = vector.load %arg4[%get3A_6, %get3A_7] : memref<1x16xf32, #tpu.memory_space<vmem>>, vector<1x16xf32>
    %add3A = vector.broadcast %get3A_8 : vector<1x16xf32> to vector<8000x16xf32>
    %add3A_9 = arith.addf %dot_general3A_5, %add3A : vector<8000x16xf32>
    %logistic3A = arith.negf %add3A_9 : vector<8000x16xf32>
    %logistic3A_10 = math.exp %logistic3A : vector<8000x16xf32>
    %logistic3A_11 = arith.constant 1.000000e+00 : f32
    %logistic3A_12 = vector.broadcast %logistic3A_11 : f32 to vector<8000x16xf32>
    %logistic3A_13 = arith.addf %logistic3A_12, %logistic3A_10 : vector<8000x16xf32>
    %logistic3A_14 = arith.divf %logistic3A_12, %logistic3A_13 : vector<8000x16xf32>
    %mul3A = arith.mulf %add3A_9, %logistic3A_14 : vector<8000x16xf32>
    %max3A = arith.constant 0.000000e+00 : f32
    %max3A_15 = vector.broadcast %max3A : f32 to vector<8000x16xf32>
    %max3A_16 = arith.maximumf %mul3A, %max3A_15 : vector<8000x16xf32>
    %get3A_17 = arith.constant 0 : index
    %get3A_18 = arith.constant 0 : index
    %get3A_19 = vector.load %arg5[%get3A_17, %get3A_18] : memref<16x64xf32, #tpu.memory_space<vmem>>, vector<16x64xf32>
    %dot_general3A_20 = arith.constant dense<0.000000e+00> : vector<8000x64xf32>
    %dot_general3A_21 = tpu.matmul %max3A_16, %get3A_19, %dot_general3A_20 {dimension_numbers = #tpu.dot_dimension_numbers<[1], [0], [0], [1], [0, 0, 1, 1], [], []>, transpose_lhs_hint = false} : vector<8000x16xf32>, vector<16x64xf32>, vector<8000x64xf32> -> vector<8000x64xf32>
    %get3A_22 = arith.constant 0 : index
    %get3A_23 = arith.constant 0 : index
    %get3A_24 = vector.load %arg6[%get3A_22, %get3A_23] : memref<1x64xf32, #tpu.memory_space<vmem>>, vector<1x64xf32>
    %add3A_25 = vector.broadcast %get3A_24 : vector<1x64xf32> to vector<8000x64xf32>
    %add3A_26 = arith.addf %dot_general3A_21, %add3A_25 : vector<8000x64xf32>
    %get3A_27 = arith.constant 0 : index
    %get3A_28 = arith.constant 0 : index
    %get3A_29 = vector.load %arg2[%get3A_27, %get3A_28] : memref<8000x16xf32, #tpu.memory_space<vmem>>, vector<8000x16xf32>
    %get3A_30 = arith.constant 0 : index
    %get3A_31 = arith.constant 0 : index
    %get3A_32 = vector.load %arg3[%get3A_30, %get3A_31] : memref<16x16xf32, #tpu.memory_space<vmem>>, vector<16x16xf32>
    %dot_general3A_33 = arith.constant dense<0.000000e+00> : vector<8000x16xf32>
    %dot_general3A_34 = tpu.matmul %get3A_29, %get3A_32, %dot_general3A_33 {dimension_numbers = #tpu.dot_dimension_numbers<[1], [0], [0], [1], [0, 0, 1, 1], [], []>, transpose_lhs_hint = false} : vector<8000x16xf32>, vector<16x16xf32>, vector<8000x16xf32> -> vector<8000x16xf32>
    %get3A_35 = arith.constant 0 : index
    %get3A_36 = arith.constant 0 : index
    %get3A_37 = vector.load %arg4[%get3A_35, %get3A_36] : memref<1x16xf32, #tpu.memory_space<vmem>>, vector<1x16xf32>
    %add3A_38 = vector.broadcast %get3A_37 : vector<1x16xf32> to vector<8000x16xf32>
    %add3A_39 = arith.addf %dot_general3A_34, %add3A_38 : vector<8000x16xf32>
    %logistic3A_40 = arith.negf %add3A_39 : vector<8000x16xf32>
    %logistic3A_41 = math.exp %logistic3A_40 : vector<8000x16xf32>
    %logistic3A_42 = arith.constant 1.000000e+00 : f32
    %logistic3A_43 = vector.broadcast %logistic3A_42 : f32 to vector<8000x16xf32>
    %logistic3A_44 = arith.addf %logistic3A_43, %logistic3A_41 : vector<8000x16xf32>
    %logistic3A_45 = arith.divf %logistic3A_43, %logistic3A_44 : vector<8000x16xf32>
    %mul3A_46 = arith.mulf %add3A_39, %logistic3A_45 : vector<8000x16xf32>
    %max3A_47 = arith.constant 0.000000e+00 : f32
    %max3A_48 = vector.broadcast %max3A_47 : f32 to vector<8000x16xf32>
    %max3A_49 = arith.maximumf %mul3A_46, %max3A_48 : vector<8000x16xf32>
    %get3A_50 = arith.constant 0 : index
    %get3A_51 = arith.constant 0 : index
    %get3A_52 = vector.load %arg5[%get3A_50, %get3A_51] : memref<16x64xf32, #tpu.memory_space<vmem>>, vector<16x64xf32>
    %dot_general3A_53 = arith.constant dense<0.000000e+00> : vector<8000x64xf32>
    %dot_general3A_54 = tpu.matmul %max3A_49, %get3A_52, %dot_general3A_53 {dimension_numbers = #tpu.dot_dimension_numbers<[1], [0], [0], [1], [0, 0, 1, 1], [], []>, transpose_lhs_hint = false} : vector<8000x16xf32>, vector<16x64xf32>, vector<8000x64xf32> -> vector<8000x64xf32>
    %get3A_55 = arith.constant 0 : index
    %get3A_56 = arith.constant 0 : index
    %get3A_57 = vector.load %arg6[%get3A_55, %get3A_56] : memref<1x64xf32, #tpu.memory_space<vmem>>, vector<1x64xf32>
    %add3A_58 = vector.broadcast %get3A_57 : vector<1x64xf32> to vector<8000x64xf32>
    %add3A_59 = arith.addf %dot_general3A_54, %add3A_58 : vector<8000x64xf32>
    %concatenate3A = tpu.concatenate %add3A_26, %add3A_59 in 1 : vector<8000x64xf32>, vector<8000x64xf32> -> vector<8000x128xf32>
    %swap3A = arith.constant 0 : index
    %swap3A_60 = arith.constant 0 : index
    %swap3A_61 = vector.load %arg7[%swap3A, %swap3A_60] : memref<8000x128xf32, #tpu.memory_space<vmem>>, vector<8000x128xf32>
    tpu.vector_store %arg7[%swap3A, %swap3A_60], %concatenate3A {strides = array<i32>} : memref<8000x128xf32, #tpu.memory_space<vmem>>, vector<8000x128xf32>,
    return
  }
  func.func @transform_0(%arg0: i32) -> (i32, i32) {
    %c0_i32 = arith.constant 0 : i32
    %c0_i32_0 = arith.constant 0 : i32
    return %arg0, %c0_i32 : i32, i32
  }
  func.func @transform_1(%arg0: i32) -> (i32, i32) {
    %add3A = arith.constant 20 : i32
    %add3A_0 = arith.addi %arg0, %add3A : i32
    %c0_i32 = arith.constant 0 : i32
    %c0_i32_1 = arith.constant 0 : i32
    return %add3A_0, %c0_i32 : i32, i32
  }
  func.func @transform_2(%arg0: i32) -> (i32, i32) {
    %c0_i32 = arith.constant 0 : i32
    %c0_i32_0 = arith.constant 0 : i32
    %c0_i32_1 = arith.constant 0 : i32
    return %c0_i32, %c0_i32_0 : i32, i32
  }
  func.func @transform_3(%arg0: i32) -> (i32, i32) {
    %c0_i32 = arith.constant 0 : i32
    %c0_i32_0 = arith.constant 0 : i32
    %c0_i32_1 = arith.constant 0 : i32
    return %c0_i32, %c0_i32_0 : i32, i32
  }
  func.func @transform_4(%arg0: i32) -> (i32, i32) {
    %c0_i32 = arith.constant 0 : i32
    %c0_i32_0 = arith.constant 0 : i32
    %c0_i32_1 = arith.constant 0 : i32
    return %c0_i32, %c0_i32_0 : i32, i32
  }
  func.func @transform_5(%arg0: i32) -> (i32, i32) {
    %c0_i32 = arith.constant 0 : i32
    %c0_i32_0 = arith.constant 0 : i32
    %c0_i32_1 = arith.constant 0 : i32
    return %c0_i32, %c0_i32_0 : i32, i32
  }
  func.func @transform_6(%arg0: i32) -> (i32, i32) {
    %c0_i32 = arith.constant 0 : i32
    %c0_i32_0 = arith.constant 0 : i32
    return %arg0, %c0_i32 : i32, i32
  }
}

module attributes {stable_mosaic.version = 14 : i64} {
  func.func @_final_body(%arg0: i32, %arg1: memref<2x2000x128xf32, #tpu.memory_space<vmem>>, %arg2: memref<2000x64xf32, #tpu.memory_space<vmem>>, %arg3: memref<64x64xf32, #tpu.memory_space<vmem>>, %arg4: memref<1x64xf32, #tpu.memory_space<vmem>>, %arg5: memref<64x64xf32, #tpu.memory_space<vmem>>, %arg6: memref<64x64xf32, #tpu.memory_space<vmem>>, %arg7: memref<1x64xf32, #tpu.memory_space<vmem>>, %arg8: memref<64x128xf32, #tpu.memory_space<vmem>>, %arg9: memref<1x128xf32, #tpu.memory_space<vmem>>, %arg10: memref<2000x128xf32, #tpu.memory_space<vmem>>) attributes {dimension_semantics = [#tpu.dimension_semantics<arbitrary>], iteration_bounds = array<i64: 5>, scalar_prefetch = 0 : i64, scratch_operands = 0 : i64, tpu.core_type = #tpu.core_type<tc>, window_params = [{transform_indices = @transform_0, window_bounds = array<i64: 2, 2000, 128>}, {transform_indices = @transform_1, window_bounds = array<i64: 2000, 64>}, {pipeline_mode = #tpu.pipeline_mode<synchronous>, transform_indices = @transform_2, window_bounds = array<i64: 64, 64>}, {pipeline_mode = #tpu.pipeline_mode<synchronous>, transform_indices = @transform_3, window_bounds = array<i64: 1, 64>}, {pipeline_mode = #tpu.pipeline_mode<synchronous>, transform_indices = @transform_4, window_bounds = array<i64: 64, 64>}, {pipeline_mode = #tpu.pipeline_mode<synchronous>, transform_indices = @transform_5, window_bounds = array<i64: 64, 64>}, {pipeline_mode = #tpu.pipeline_mode<synchronous>, transform_indices = @transform_6, window_bounds = array<i64: 1, 64>}, {pipeline_mode = #tpu.pipeline_mode<synchronous>, transform_indices = @transform_7, window_bounds = array<i64: 64, 128>}, {pipeline_mode = #tpu.pipeline_mode<synchronous>, transform_indices = @transform_8, window_bounds = array<i64: 1, 128>}, {transform_indices = @transform_9, window_bounds = array<i64: 2000, 128>}]} {
    %get3A = arith.constant 0 : index
    %get3A_0 = arith.constant 0 : index
    %get3A_1 = arith.constant 0 : index
    %get3A_2 = vector.load %arg1[%get3A, %get3A_0, %get3A_1] : memref<2x2000x128xf32, #tpu.memory_space<vmem>>, vector<1x2000x128xf32>
    %get3A_3 = vector.shape_cast %get3A_2 : vector<1x2000x128xf32> to vector<2000x128xf32>
    %get3A_4 = arith.constant 1 : index
    %get3A_5 = arith.constant 0 : index
    %get3A_6 = arith.constant 0 : index
    %get3A_7 = vector.load %arg1[%get3A_4, %get3A_5, %get3A_6] : memref<2x2000x128xf32, #tpu.memory_space<vmem>>, vector<1x2000x128xf32>
    %get3A_8 = vector.shape_cast %get3A_7 : vector<1x2000x128xf32> to vector<2000x128xf32>
    %add3A = arith.addf %get3A_3, %get3A_8 : vector<2000x128xf32>
    %slice3A = vector.extract_strided_slice %add3A {offsets = [0, 0], sizes = [2000, 64], strides = [1, 1]} : vector<2000x128xf32> to vector<2000x64xf32>
    %get3A_9 = arith.constant 0 : index
    %get3A_10 = arith.constant 0 : index
    %get3A_11 = vector.load %arg3[%get3A_9, %get3A_10] : memref<64x64xf32, #tpu.memory_space<vmem>>, vector<64x64xf32>
    %dot_general3A = arith.constant dense<0.000000e+00> : vector<2000x64xf32>
    %dot_general3A_12 = tpu.matmul %slice3A, %get3A_11, %dot_general3A {dimension_numbers = #tpu.dot_dimension_numbers<[1], [0], [0], [1], [0, 0, 1, 1], [], []>, transpose_lhs_hint = false} : vector<2000x64xf32>, vector<64x64xf32>, vector<2000x64xf32> -> vector<2000x64xf32>
    %slice3A_13 = vector.extract_strided_slice %add3A {offsets = [0, 64], sizes = [2000, 1], strides = [1, 1]} : vector<2000x128xf32> to vector<2000x1xf32>
    %get3A_14 = arith.constant 0 : index
    %get3A_15 = arith.constant 0 : index
    %get3A_16 = vector.load %arg4[%get3A_14, %get3A_15] : memref<1x64xf32, #tpu.memory_space<vmem>>, vector<1x64xf32>
    %mul3A = vector.broadcast %slice3A_13 : vector<2000x1xf32> to vector<2000x64xf32>
    %mul3A_17 = vector.broadcast %get3A_16 : vector<1x64xf32> to vector<2000x64xf32>
    %mul3A_18 = arith.mulf %mul3A, %mul3A_17 : vector<2000x64xf32>
    %add3A_19 = arith.addf %dot_general3A_12, %mul3A_18 : vector<2000x64xf32>
    %get3A_20 = arith.constant 0 : index
    %get3A_21 = arith.constant 0 : index
    %get3A_22 = vector.load %arg5[%get3A_20, %get3A_21] : memref<64x64xf32, #tpu.memory_space<vmem>>, vector<64x64xf32>
    %dot_general3A_23 = arith.constant dense<0.000000e+00> : vector<2000x64xf32>
    %dot_general3A_24 = tpu.matmul %add3A_19, %get3A_22, %dot_general3A_23 {dimension_numbers = #tpu.dot_dimension_numbers<[1], [0], [0], [1], [0, 0, 1, 1], [], []>, transpose_lhs_hint = false} : vector<2000x64xf32>, vector<64x64xf32>, vector<2000x64xf32> -> vector<2000x64xf32>
    %get3A_25 = arith.constant 0 : index
    %get3A_26 = arith.constant 0 : index
    %get3A_27 = vector.load %arg2[%get3A_25, %get3A_26] : memref<2000x64xf32, #tpu.memory_space<vmem>>, vector<2000x64xf32>
    %get3A_28 = arith.constant 0 : index
    %get3A_29 = arith.constant 0 : index
    %get3A_30 = vector.load %arg6[%get3A_28, %get3A_29] : memref<64x64xf32, #tpu.memory_space<vmem>>, vector<64x64xf32>
    %dot_general3A_31 = arith.constant dense<0.000000e+00> : vector<2000x64xf32>
    %dot_general3A_32 = tpu.matmul %get3A_27, %get3A_30, %dot_general3A_31 {dimension_numbers = #tpu.dot_dimension_numbers<[1], [0], [0], [1], [0, 0, 1, 1], [], []>, transpose_lhs_hint = false} : vector<2000x64xf32>, vector<64x64xf32>, vector<2000x64xf32> -> vector<2000x64xf32>
    %add3A_33 = arith.addf %dot_general3A_24, %dot_general3A_32 : vector<2000x64xf32>
    %get3A_34 = arith.constant 0 : index
    %get3A_35 = arith.constant 0 : index
    %get3A_36 = vector.load %arg7[%get3A_34, %get3A_35] : memref<1x64xf32, #tpu.memory_space<vmem>>, vector<1x64xf32>
    %add3A_37 = vector.broadcast %get3A_36 : vector<1x64xf32> to vector<2000x64xf32>
    %add3A_38 = arith.addf %add3A_33, %add3A_37 : vector<2000x64xf32>
    %logistic3A = arith.negf %add3A_38 : vector<2000x64xf32>
    %logistic3A_39 = math.exp %logistic3A : vector<2000x64xf32>
    %logistic3A_40 = arith.constant 1.000000e+00 : f32
    %logistic3A_41 = vector.broadcast %logistic3A_40 : f32 to vector<2000x64xf32>
    %logistic3A_42 = arith.addf %logistic3A_41, %logistic3A_39 : vector<2000x64xf32>
    %logistic3A_43 = arith.divf %logistic3A_41, %logistic3A_42 : vector<2000x64xf32>
    %mul3A_44 = arith.mulf %add3A_38, %logistic3A_43 : vector<2000x64xf32>
    %max3A = arith.constant 0.000000e+00 : f32
    %max3A_45 = vector.broadcast %max3A : f32 to vector<2000x64xf32>
    %max3A_46 = arith.maximumf %mul3A_44, %max3A_45 : vector<2000x64xf32>
    %get3A_47 = arith.constant 0 : index
    %get3A_48 = arith.constant 0 : index
    %get3A_49 = vector.load %arg8[%get3A_47, %get3A_48] : memref<64x128xf32, #tpu.memory_space<vmem>>, vector<64x128xf32>
    %dot_general3A_50 = arith.constant dense<0.000000e+00> : vector<2000x128xf32>
    %dot_general3A_51 = tpu.matmul %max3A_46, %get3A_49, %dot_general3A_50 {dimension_numbers = #tpu.dot_dimension_numbers<[1], [0], [0], [1], [0, 0, 1, 1], [], []>, transpose_lhs_hint = false} : vector<2000x64xf32>, vector<64x128xf32>, vector<2000x128xf32> -> vector<2000x128xf32>
    %get3A_52 = arith.constant 0 : index
    %get3A_53 = arith.constant 0 : index
    %get3A_54 = vector.load %arg9[%get3A_52, %get3A_53] : memref<1x128xf32, #tpu.memory_space<vmem>>, vector<1x128xf32>
    %add3A_55 = vector.broadcast %get3A_54 : vector<1x128xf32> to vector<2000x128xf32>
    %add3A_56 = arith.addf %dot_general3A_51, %add3A_55 : vector<2000x128xf32>
    %swap3A = arith.constant 0 : index
    %swap3A_57 = arith.constant 0 : index
    %swap3A_58 = vector.load %arg10[%swap3A, %swap3A_57] : memref<2000x128xf32, #tpu.memory_space<vmem>>, vector<2000x128xf32>
    tpu.vector_store %arg10[%swap3A, %swap3A_57], %add3A_56 {strides = array<i32>} : memref<2000x128xf32, #tpu.memory_space<vmem>>, vector<2000x128xf32>,
    return
  }
  func.func @transform_0(%arg0: i32) -> (i32, i32, i32) {
    %c0_i32 = arith.constant 0 : i32
    %c0_i32_0 = arith.constant 0 : i32
    %c0_i32_1 = arith.constant 0 : i32
    return %c0_i32, %arg0, %c0_i32_0 : i32, i32, i32
  }
  func.func @transform_1(%arg0: i32) -> (i32, i32) {
    %c0_i32 = arith.constant 0 : i32
    %c0_i32_0 = arith.constant 0 : i32
    return %arg0, %c0_i32 : i32, i32
  }
  func.func @transform_2(%arg0: i32) -> (i32, i32) {
    %c0_i32 = arith.constant 0 : i32
    %c0_i32_0 = arith.constant 0 : i32
    %c0_i32_1 = arith.constant 0 : i32
    return %c0_i32, %c0_i32_0 : i32, i32
  }
  func.func @transform_3(%arg0: i32) -> (i32, i32) {
    %c0_i32 = arith.constant 0 : i32
    %c0_i32_0 = arith.constant 0 : i32
    %c0_i32_1 = arith.constant 0 : i32
    return %c0_i32, %c0_i32_0 : i32, i32
  }
  func.func @transform_4(%arg0: i32) -> (i32, i32) {
    %c0_i32 = arith.constant 0 : i32
    %c0_i32_0 = arith.constant 0 : i32
    %c0_i32_1 = arith.constant 0 : i32
    return %c0_i32, %c0_i32_0 : i32, i32
  }
  func.func @transform_5(%arg0: i32) -> (i32, i32) {
    %c0_i32 = arith.constant 0 : i32
    %c0_i32_0 = arith.constant 0 : i32
    %c0_i32_1 = arith.constant 0 : i32
    return %c0_i32, %c0_i32_0 : i32, i32
  }
  func.func @transform_6(%arg0: i32) -> (i32, i32) {
    %c0_i32 = arith.constant 0 : i32
    %c0_i32_0 = arith.constant 0 : i32
    %c0_i32_1 = arith.constant 0 : i32
    return %c0_i32, %c0_i32_0 : i32, i32
  }
  func.func @transform_7(%arg0: i32) -> (i32, i32) {
    %c0_i32 = arith.constant 0 : i32
    %c0_i32_0 = arith.constant 0 : i32
    %c0_i32_1 = arith.constant 0 : i32
    return %c0_i32, %c0_i32_0 : i32, i32
  }
  func.func @transform_8(%arg0: i32) -> (i32, i32) {
    %c0_i32 = arith.constant 0 : i32
    %c0_i32_0 = arith.constant 0 : i32
    %c0_i32_1 = arith.constant 0 : i32
    return %c0_i32, %c0_i32_0 : i32, i32
  }
  func.func @transform_9(%arg0: i32) -> (i32, i32) {
    %c0_i32 = arith.constant 0 : i32
    %c0_i32_0 = arith.constant 0 : i32
    return %arg0, %c0_i32 : i32, i32
  }
}

</mosaic_0001>

<sc_bundles>
// kernel: kernel.6.cloned.1.call-start
scs
__scs_entry_jumppad:
0x0: {  	(pc) =	sbr.rel $0x88, $3  }
0x1: {  	(tag) =	ssettag $0x0;
	lr =	simm.s32 $0x1  }
0x2: {  	[smem:$0x3F92] =	sst lr;
	_ =	strace $0xD0000000  }
0x3: {  	_ = 	snop  }
0x4: {  	_ = 	snop  }
0x5: {  	_ = 	snop  }
0x6: {  	_ = 	snop  }
0x7: {  	_ = 	snop  }
__scs_overlays_trampoline_lowered:
0x8: {  	[smem:$0x3FA1] =	sst s0  }
0x9: {  	[smem:$0x3FA2] =	sst s1  }
0xa: {  	[smem:$0x3FA3] =	sst s2  }
0xb: {  	[smem:$0x3FA4] =	sst s3  }
0xc: {  	[smem:$0x3FA5] =	sst s4  }
0xd: {  	[smem:$0x3FA6] =	sst s5  }
0xe: {  	[smem:$0x3FA7] =	sst s6  }
0xf: {  	[smem:$0x3FA8] =	sst s7  }
0x10: {  	[smem:$0x3FA9] =	sst s8  }
0x11: {  	[smem:$0x3FAA] =	sst s9;
	s0 =	simm.s32 @!p0 $0x0  }
0x12: {  	s1 =	sld [smem:$0x3F90];
	s0 =	simm.s32 @p0 $0x1  }
0x13: {  	[smem:$0x3FAB] =	sst s0;
	s0 =	simm.s32 @!p1 $0x0  }
0x14: {  	s2 =	sld [smem:$0x3F8F];
	s0 =	simm.s32 @p1 $0x1  }
0x15: {  	[smem:$0x3FAC] =	sst s0;
	s0 =	simm.s32 @!p2 $0x0  }
0x16: {  	s3 =	sld [smem:$0x3FDB];
	s0 =	simm.s32 @p2 $0x1  }
0x17: {  	s4 =	simm.s32 $0x1BF5;
	[smem:$0x3FAE] =	sst s0  }
0x18: {  	s0 =	sld [smem:$0x3F91];
	_ =	swait.ge [sflag:s4], $0x0  }
0x19: {  	s7 =	sld [smem:$0x3F92]  }
0x1a: {  	s8 =	sadd.s32 $0xFFFFE003, lr  }
0x1b: {  	s9 =	sadd.s32 $0xFFFFFEF7, lr;
	s5 =	simm.s32 $0xFFFFFFFF;
	p2 =	slt.u32 s8, $0xFFFFF086  }
0x1c: {  	p1 =	slt.u32 s9, $0xF7A;
	s5 =	simm.s32 @!p2 $0x0  }
0x1d: {  	s5 =	simm.s32 @p1 $0x1;
	p0 =	seq.s32 s7, s2  }
0x1e: {  	s7 =	smul.u32 @!p0 $0xF7A, s2;
	p2 =	seq.s32 @!p0 s5, $0x0  }
0x1f: {  	s9 =	smul.u32 $0xF7A, s1;
	s8 =	simm.s32 @!p0 $0x1BF5;
	p2 =	por !p2, p0  }
0x20: {  	[sflag:s8] =	ssyncset.s32 @!p0 $0xFFFFF086;
	s6 =	sadd.s32 @!p0 s3, s7;
	s7 =	simm.s32 @!p0 $0x108  }
0x21: {  	s3 =	sadd.s32 s3, s9;
	s6 =	sadd.s32 @!p0 $0x88, s6;
	s7 =	simm.s32 @p2 $0x1082  }
0x22: {  	[simem:s7], [sflag:s8] =	dma.local @!p0 [hbm:s6], $0xF7A  }
0x23: {  	s9 =	sor.u32 $0xD0000000, s2;
	s6 =	simm.s32 $0x108;
	_ =	swait.ge @!p0 [sflag:s8], $0x0  }
0x24: {  	s3 =	sadd.s32 $0x88, s3;
	s6 =	simm.s32 @!p1 $0x1082;
	[sflag:s4] =	ssyncset.s32 $0xFFFFF086  }
0x25: {  	[simem:s6], [sflag:s4] =	dma.local [hbm:s3], $0xF7A  }
0x26: {  	[smem:$0x3F92] =	sst s1;
	(tag) =	ssettag s2;
	_ =	strace s9  }
0x27: {  	s1 =	sld [smem:$0x3FA2]  }
0x28: {  	s2 =	sld [smem:$0x3FA3]  }
0x29: {  	s4 =	sld [smem:$0x3FA5]  }
0x2a: {  	p0 =	seq.s32 s5, $0x0;
	s5 =	sld [smem:$0x3FA6]  }
0x2b: {  	s6 =	sld [smem:$0x3FA7]  }
0x2c: {  	s7 =	sld [smem:$0x3FA8]  }
0x2d: {  	s3 =	simm.s32 $0x108;
	s8 =	sld [smem:$0x3FA9]  }
0x2e: {  	s3 =	simm.s32 @!p0 $0x1082;
	s9 =	sld [smem:$0x3FAA]  }
0x2f: {  	lr =	sadd.s32 s0, s3;
	s0 =	sld [smem:$0x3FA1]  }
0x30: {  	s3 =	sld [smem:$0x3FA4]  }
0x31: {  	[smem:$0x3FAD] =	sst s10  }
0x32: {  	s10 =	sld [smem:$0x3FAB];
	_ =	sdelay $0x3  }
0x33: {  	p0 =	seq.s32 s10, $0x1;
	s10 =	sld [smem:$0x3FAD];
	_ =	sdelay $0x3  }
0x34: {  	[smem:$0x3FAD] =	sst s10  }
0x35: {  	s10 =	sld [smem:$0x3FAC];
	_ =	sdelay $0x3  }
0x36: {  	p1 =	seq.s32 s10, $0x1;
	s10 =	sld [smem:$0x3FAD];
	_ =	sdelay $0x3  }
0x37: {  	[smem:$0x3FAD] =	sst s10  }
0x38: {  	s10 =	sld [smem:$0x3FAE]  }
0x39: {  	_ = 	snop;
	(pc) =	sbr.ind lr, $3  }
0x3a: {  	_ = 	snop  }
0x3b: {  	_ = 	snop  }
0x3c: {  	p2 =	seq.s32 s10, $0x1;
	s10 =	sld [smem:$0x3FAD]  }
0x3d: {  	_ =	shalt  }
0x3e: {  	_ =	shalt  }
0x3f: {  	_ =	shalt  }
0x40: {  	_ =	shalt  }
0x41: {  	_ =	shalt  }
0x42: {  	_ =	shalt  }
0x43: {  	_ =	shalt  }
0x44: {  	_ =	shalt  }
0x45: {  	_ =	shalt  }
0x46: {  	_ =	shalt  }
0x47: {  	_ =	shalt  }
0x48: {  	_ =	shalt  }
0x49: {  	_ =	shalt  }
0x4a: {  	_ =	shalt  }
0x4b: {  	_ =	shalt  }
0x4c: {  	_ =	shalt  }
0x4d: {  	_ =	shalt  }
0x4e: {  	_ =	shalt  }
0x4f: {  	_ =	shalt  }
0x50: {  	_ =	shalt  }
0x51: {  	_ =	shalt  }
0x52: {  	_ =	shalt  }
0x53: {  	_ =	shalt  }
0x54: {  	_ =	shalt  }
0x55: {  	_ =	shalt  }
0x56: {  	_ =	shalt  }
0x57: {  	_ =	shalt  }
0x58: {  	_ =	shalt  }
0x59: {  	_ =	shalt  }
0x5a: {  	_ =	shalt  }
0x5b: {  	_ =	shalt  }
0x5c: {  	_ =	shalt  }
0x5d: {  	_ =	shalt  }
0x5e: {  	_ =	shalt  }
0x5f: {  	_ =	shalt  }
0x60: {  	_ =	shalt  }
0x61: {  	_ =	shalt  }
0x62: {  	_ =	shalt  }
0x63: {  	_ =	shalt  }
0x64: {  	_ =	shalt  }
0x65: {  	_ =	shalt  }
0x66: {  	_ =	shalt  }
0x67: {  	_ =	shalt  }
0x68: {  	_ =	shalt  }
0x69: {  	_ =	shalt  }
0x6a: {  	_ =	shalt  }
0x6b: {  	_ =	shalt  }
0x6c: {  	_ =	shalt  }
0x6d: {  	_ =	shalt  }
0x6e: {  	_ =	shalt  }
0x6f: {  	_ =	shalt  }
0x70: {  	_ =	shalt  }
0x71: {  	_ =	shalt  }
0x72: {  	_ =	shalt  }
0x73: {  	_ =	shalt  }
0x74: {  	_ =	shalt  }
0x75: {  	_ =	shalt  }
0x76: {  	_ =	shalt  }
0x77: {  	_ =	shalt  }
0x78: {  	_ =	shalt  }
0x79: {  	_ =	shalt  }
0x7a: {  	_ =	shalt  }
0x7b: {  	_ =	shalt  }
0x7c: {  	_ =	shalt  }
0x7d: {  	_ =	shalt  }
0x7e: {  	_ =	shalt  }
0x7f: {  	_ =	shalt  }
0x80: {  	_ =	shalt  }
0x81: {  	_ =	shalt  }
0x82: {  	_ =	shalt  }
0x83: {  	_ =	shalt  }
0x84: {  	_ =	shalt  }
0x85: {  	_ =	shalt  }
0x86: {  	_ =	shalt  }
0x87: {  	_ =	shalt  }
.Lfunc_end0:
.L_simem_size_0:
called_computation_lowered:
.L_overlay_start_0:
0x88: {  	s2 =	sld [smem:$0x3FD9]  }
0x89: {  	s3 =	sld [smem:$0x3FFE];
	_ =	sdelay $0x1  }
0x8a: {  	s1 =	srdreg.scid  }
0x8b: {  	s0 =	sand.u32 $0x1, s1  }
0x8c: {  	s16 =	sshll.u32 s0, $0xA;
	s2 =	sadd.s32 s3, s2  }
0x8d: {  	s2 =	sadd.s32 s2, s16  }
0x8e: {  	[smem:$0x3FB9] =	sst s2  }
0x8f: {  	_ = 	snop  }
0x90: {  	(tm) =	ssettm $0x1  }
0x91: {  	s17 =	sld [smem:$0x3FFB];
	_ =	sdelay $0x3  }
0x92: {  	_ =	strace s17  }
0x93: {  	s2 =	sld [smem:$0x3FFC];
	_ =	sdelay $0x3  }
0x94: {  	_ =	strace s2  }
0x95: {  	s2 =	sld [smem:$0x3FFD];
	_ =	sdelay $0x3  }
0x96: {  	_ =	strace s2  }
0x97: {  	_ =	strace $0x8FFFFFFF  }
0x98: {  	s18 =	sld [smem:$0x3FDB];
	_ =	sdelay $0x1  }
0x99: {  	s19 =	simm.s32 $_scs_section_size  }
0x9a: {  	s4 =	simm.s32 $_size__tile_overlayer_lowered;
	s5 =	simm.s32 $_tile_overlayer_lowered  }
0x9b: {  	s22 =	simm.s32 $0x1BFF;
	s21 =	sshll.u32 s5, $0x1;
	s2 =	sadd.s32 s19, s18  }
0x9c: {  	s6 =	simm.s32 $0x0;
	s20 =	sshll.u32 s4, $0x1;
	s4 =	sadd.s32 s21, s2  }
0x9d: {  	[timem:s6], [sflag:s22] =	dma.local [hbm:s4], s20  }
0x9e: {  	_ =	swait.ge [sflag:s22], s20  }
0x9f: {  	s3 =	ssub.s32 $0x0, s20;
	[sflag:s22] =	ssyncset.done $0x0  }
0xa0: {  	[sflag:s22] =	ssyncadd.s32 s3;
	_ =	sdelay $0x1  }
0xa1: {  	s23 =	simm.s32 $0x1B8B  }
0xa2: {  	_ =	swait.ge [sflag:s23], $0x1  }
0xa3: {  	[sflag:s23] =	ssyncset.done $0x0  }
0xa4: {  	s25 =	simm.s32 $0x1B8E;
	s24 =	sld [smem:$0x3FFE];
	[sflag:s23] =	ssyncadd.s32 $0xFFFFFFFF  }
0xa5: {  	s26 =	simm.s32 $execute0_lowered;
	[smem:$0x3FD2] =	sst s25  }
0xa6: {  	s4 =	sshll.u32 s26, $0x1;
	_ =	strace $0x80000046;
	[dreg:$0x1] =	wrdreg $0xFFFFFFFF  }
0xa7: {  	s28 =	simm.s32 $_size_execute0_lowered;
	s2 =	sadd.s32 s2, s4;
	[dreg:$0x0] =	wrdreg $0x0  }
0xa8: {  	s4 =	sshll.u32 s28, $0x1;
	[dreg:$0x2] =	wrdreg s2  }
0xa9: {  	[dreg:$0x3] =	wrdreg s4  }
0xaa: {  	[dreg:$0x4] =	wrdreg $0xC0  }
0xab: {  	_ =	task [dreg:s6], $0x5FFFF  }
0xac: {  	[dreg:$0x1] =	wrdreg $0xFFFFFFFF  }
0xad: {  	[dreg:$0x0] =	wrdreg $0x60  }
0xae: {  	[dreg:$0x2] =	wrdreg s24  }
0xaf: {  	[dreg:$0x3] =	wrdreg $0x0  }
0xb0: {  	[dreg:$0x4] =	wrdreg $0x9  }
0xb1: {  	_ =	task.clear_ibuf [dreg:s6], $0x5FFFF;
	_ =	strace $0x90000046  }
0xb2: {  	s29 =	simm.s32 $0x9;
	_ =	strace $0x80000048  }
0xb3: {  	_ =	swait.ge [sflag:s29], $0x1  }
0xb4: {  	[sflag:s29] =	ssyncadd.s32 $0xFFFFFFFF  }
0xb5: {  	_ =	strace $0x90000048  }
0xb6: {  	_ =	sfence  }
0xb7: {  	s30 =	sld [smem:$0x0];
	_ =	sdelay $0x2  }
0xb8: {  	s31 =	sshll.u32 s1, $0xD;
	s1 =	sshrl.u32 s1, $0x2  }
0xb9: {  	s3 =	sand.u32 $0x4000, s31;
	s1 =	sadd.s32 s1, s30  }
0xba: {  	s0 =	sor.u32 s3, s0;
	s1 =	sshll.u32 s1, $0x11  }
0xbb: {  	s0 =	sor.u32 s1, s0  }
0xbc: {  	s0 =	sadd.s32 $0x8F2B, s0  }
0xbd: {  	[sflag:s0] =	ssyncadd.remote.s32 $0x1  }
0xbe: {  	_ =	sfence.sel $0xFFFF  }
0xbf: {  	[dreg:$0x0] =	wrdreg $0xFFFFFFFF;
	(pc) =	sbr.abs _section_cstart, $3  }
0xc0: {  	[dreg:$0x1] =	wrdreg $0xFFFFFFFF  }
0xc1: {  	_ =	task.clear_ibuf [dreg:s6], $0x2FFFF;
	_ =	strace $0x9FFFFFFF  }
0xc2: {  	(tm) =	ssettm $0x7FFFFFFF  }
0xc3: {  	_ =	shalt  }
tec
execute0_lowered:
.L_overlay_start_1:
0x0: {  	(tag) =	ssettag $0x1  }
0x1: {  	s0 =	rddreg [dreg:$0x0]  }
0x2: {  	s1 =	rddreg [dreg:$0x1]  }
0x3: {  	s2 =	simm.s32 $0x0;
	s24 =	srdreg.scid;
	s6 =	stileid.u32  }
0x4: {  	s14 =	simm.s32 $0x3;
	s16 =	simm.s32 $0x50;
	s21 =	simm.s32 $0x1  }
0x5: {  	s22 =	simm.s32 $0x1CC80;
	[smem:$0x7FF] =	sst s2;
	s3 =	sadd.s32 $0x507800, s0  }
0x6: {  	s4 =	sadd.s32 $0x4E4800, s0;
	s2 =	sand.u32 $0x1, s24;
	s5 =	sadd.s32 $0x555C00, s0  }
0x7: {  	s25 =	sadd.s32 $0x2800, s0;
	p0 =	sne.s32 s6, $0x0;
	_ =	strace $0x80000047  }
0x8: {  	[dreg:$0x3] =	wrdreg s4;
	s26 =	smul.u32 $0x27100, s2;
	s7 =	sshll.u32 s2, $0x4  }
0x9: {  	[dreg:$0x4] =	wrdreg s25;
	s10 =	sor.u32 s6, s7;
	s7 =	smul.u32 $0x2710, s6  }
0xa: {  	s8 =	ssub.s32 $0x2, s2;
	s4 =	sshrl.u32 @!p0 s1, $0x3;
	s29 =	smul.u32 $0x5, s10  }
.Ltmp0:
0xb: {  	s9 =	sshrl.u32 s8, $0x1;
	[dreg:$0x9] =	wrdreg s4;
	(pc) =	sbr.rel .LBB2_1-.Ltmp0, $4  }
0xc: {  	s0 =	sadd.s32 s26, s0;
	s30 =	sadd.s32 $0x28, s7;
	[dreg:$0x5] =	wrdreg s29  }
0xd: {  	s28 =	ssub.s32 s8, s9;
	s0 =	sadd.s32 $0x29A00, s0;
	[dreg:$0x6] =	wrdreg s30  }
0xe: {  	s23 =	simm.s32 $0x2;
	s31 =	smax.u32 s28, $0x1;
	[dreg:$0x7] =	wrdreg s0  }
0xf: {  	p1 =	sne.s32 s2, $0x0;
	s6 =	simm.s32 $0x0;
	[dreg:$0x8] =	wrdreg s31  }
.LBB2_20:
0x10: {  	[bflag:$0x0] =	sbarrier.arrive $0xFFFF  }
0x11: {  	s2 =	rddreg [dreg:$0x7]  }
0x12: {  	s0 =	simm.s32 @!p0 $0x1C03;
	s4 =	rddreg [dreg:$0x9]  }
0x13: {  	[hbm:s2], [sflag:s0] =	dma.local @!p0 [spmem:s4], $0x27100  }
0x14: {  	s0 =	simm.s32 @!p0 $0x3  }
0x15: {  	_ =	swait.ge @!p0 [sflag:s0], $0x27100  }
0x16: {  	s6 =	rddreg [dreg:$0xa]  }
0x17: {  	s31 =	rddreg [dreg:$0x8];
	s6 =	sadd.s32 $0x1, s6  }
0x18: {  	p2 =	sne.s32 s6, s31  }
.Ltmp1:
0x19: {  	_ = 	snop;
	(pc) =	sbr.rel @!p2 .LBB2_21-.Ltmp1, $3  }
0x1a: {  	_ =	sdelay $0x1  }
0x1b: {  	[sflag:s0] =	ssyncset.done @!p0 $0x0  }
0x1c: {  	[sflag:s0] =	ssyncadd.s32 @!p0 $0xFFFD8F00  }
.LBB2_1:
0x1d: {  	[dreg:$0xa] =	wrdreg s6  }
0x1e: {  	s0 =	simm.s32 @!p0 $0x1C03;
	s2 =	rddreg [dreg:$0x4]  }
0x1f: {  	[spmem:s4], [sflag:s0] =	dma.local @!p0 [hbm:s2], $0x27100  }
0x20: {  	s0 =	simm.s32 @!p0 $0x3  }
.Ltmp2:
0x21: {  	_ =	swait.ge @!p0 [sflag:s0], $0x27100;
	(pc) =	sbr.rel .LBB2_2-.Ltmp2, $4  }
0x22: {  	[sflag:s0] =	ssyncset.done @!p0 $0x0  }
0x23: {  	[sflag:s0] =	ssyncadd.s32 @!p0 $0xFFFD8F00  }
0x24: {  	[bflag:$0x0] =	sbarrier.arrive $0xFFFF  }
0x25: {  	s8 =	simm.s32 $0x0  }
.LBB2_19:
0x26: {  	s8 =	rddreg [dreg:$0xb]  }
0x27: {  	s8 =	sadd.s32 $0x1, s8  }
0x28: {  	p2 =	sne.s32 s8, $0x5  }
.Ltmp3:
0x29: {  	_ = 	snop;
	(pc) =	sbr.rel @!p2 .LBB2_20-.Ltmp3, $1  }
0x2a: {  	_ =	sdelay $0x3  }
.LBB2_2:
0x2b: {  	s0 =	rddreg [dreg:$0x5]  }
0x2c: {  	s0 =	sadd.s32 s0, s8  }
0x2d: {  	s0 =	smul.u32 $0x380, s0  }
0x2e: {  	s2 =	rddreg [dreg:$0x3];
	s26 =	simm.s32 $0x0  }
0x2f: {  	s19 =	smul.u32 $0x7D0, s8;
	s4 =	simm.s32 $0x13880;
	s0 =	sadd.s32 s2, s0  }
0x30: {  	[tilespmem:s4], [sflag:$0x3] =	stream.linear.gather [hbm4b:s0+s26], $0x1900, $0x38;
	[tilespmem:$0x1F480] =	vst v63  }
0x31: {  	s20 =	sadd.s32 s7, s19;
	_ =	swait.ge [sflag:s14], $0x1900  }
0x32: {  	s6 =	simm.s32 $0x15480;
	s0 =	sshll.u32 s20, $0x4;
	[sflag:s14] =	ssyncset.done $0x0  }
0x33: {  	s0 =	sadd.s32 s5, s0;
	s25 =	rddreg [dreg:$0x6];
	[sflag:s14] =	ssyncadd.s32 $0xFFFFE700  }
0x34: {  	[tilespmem:s6], [sflag:$0x1] =	stream.linear.gather [hbm4b:s0+s26], $0x1400, $0x38;
	[tilespmem:$0x1F480] =	vst v63  }
0x35: {  	s0 =	sadd.s32 s19, s25  }
0x36: {  	s24 =	simm.s32 $0x17C80;
	s0 =	sshll.u32 s0, $0x4  }
0x37: {  	[tilespmem:s24], [sflag:$0x1] =	stream.indirect.gather [hbm4b:s3+s16], $0x80, s4, s16, $0xb8;
	[tilespmem:$0x1F480] =	vst v63  }
0x38: {  	s29 =	simm.s32 $0x16880;
	s30 =	simm.s32 $0x13900;
	s0 =	sadd.s32 s5, s0  }
0x39: {  	[tilespmem:s29], [sflag:$0x2] =	stream.linear.gather [hbm4b:s0+s26], $0x1400, $0x38;
	[tilespmem:$0x1F480] =	vst v63  }
0x3a: {  	s31 =	simm.s32 $0x1A480;
	s28 =	smul.u32 $0x32, s8;
	[dreg:$0xb] =	wrdreg s8  }
0x3b: {  	[tilespmem:s31], [sflag:$0x2] =	stream.indirect.gather [hbm4b:s3+s16], $0x80, s30, s16, $0xb8;
	[tilespmem:$0x1F480] =	vst v63  }
.LBB2_3:
0x3c: {  	_ =	swait.ge [sflag:s21], $0x1400  }
.Ltmp4:
0x3d: {  	[sflag:s21] =	ssyncset.done $0x0;
	(pc) =	sbr.rel @p1 .LBB2_7-.Ltmp4, $4  }
0x3e: {  	[sflag:s21] =	ssyncadd.s32 $0xFFFFEC00  }
0x3f: {  	_ =	swait.ge [sflag:s21], $0x2800  }
0x40: {  	s17 =	simm.s32 $0x15540;
	s19 =	simm.s32 $0x15500;
	[sflag:s21] =	ssyncset.done $0x0  }
0x41: {  	s10 =	simm.s32 $0x19130;
	s29 =	simm.s32 $0x1E130;
	[sflag:s21] =	ssyncadd.s32 $0xFFFFD800  }
0x42: {  	v0 =	vld [tilespmem:s19+$0x0]  }
0x43: {  	v1 =	vld [tilespmem:s10+$0xFFFFEBD0]  }
0x44: {  	v2 =	vld [tilespmem:s10+$0xFFFFFFD0];
	_ =	sdelay $0x3  }
0x45: {  	v1 =	vadd.f32 v1, v0  }
0x46: {  	v3 =	vld [tilespmem:s10+$0xFFFFEB50];
	v0 =	vadd.f32 v2, v0  }
0x47: {  	v5 =	vld [tilespmem:s19+$0xFFFFFF80];
	v2 =	vsub.f32 $0.0e+00, v1  }
0x48: {  	v6 =	vld [tilespmem:s10+$0xFFFFFF50];
	v4 =	vsub.f32 $0.0e+00, v0  }
0x49: {  	v2 =	vmul.f32 $1.442695020e+00, v2  }
0x4a: {  	v4 =	vmul.f32 $1.442695020e+00, v4  }
0x4b: {  	(erf) = vpow2.f32 v2  }
0x4c: {  	v2 =	vadd.f32 v3, v5;
	(erf) = vpow2.f32 v4  }
0x4d: {  	v3 =	vadd.f32 v6, v5  }
0x4e: {  	v4 =	vsub.f32 $0.0e+00, v2  }
0x4f: {  	v5 =	vsub.f32 $0.0e+00, v3  }
0x50: {  	v4 =	vmul.f32 $1.442695020e+00, v4  }
0x51: {  	v5 =	vmul.f32 $1.442695020e+00, v5  }
0x52: {  	(erf) = vpow2.f32 v4;
	_ =	sdelay $0x1  }
0x53: {  	(erf) = vpow2.f32 v5;
	v4 =	vpop (erf)  }
0x54: {  	v4 =	vadd.f32 $1.000000000e+00, v4;
	v5 =	vpop (erf)  }
0x55: {  	v5 =	vadd.f32 $1.000000000e+00, v5  }
0x56: {  	(erf) = vrcp.f32 v4  }
0x57: {  	(erf) = vrcp.f32 v5;
	_ =	sdelay $0x2  }
0x58: {  	v4 =	vpop (erf)  }
0x59: {  	v4 =	vadd.f32 $1.000000000e+00, v4  }
0x5a: {  	v5 =	vpop (erf)  }
0x5b: {  	v5 =	vadd.f32 $1.000000000e+00, v5  }
0x5c: {  	(erf) = vrcp.f32 v4  }
0x5d: {  	(erf) = vrcp.f32 v5;
	v4 =	vpop (erf)  }
0x5e: {  	s8 =	simm.s32 $0x15600;
	v1 =	vmul.f32 v4, v1;
	v4 =	vpop (erf)  }
0x5f: {  	s4 =	simm.s32 $0x19230;
	v5 =	vld [tilespmem:s8+$0x0];
	v0 =	vmul.f32 v4, v0  }
0x60: {  	[tilespmem:s29+$0xFFFFFFD0] =	vst v1;
	v1 =	vld [tilespmem:s4+$0xFFFFEBD0]  }
0x61: {  	[tilespmem:s29+$0xFFFFEBD0] =	vst v0;
	v0 =	vld [tilespmem:s4+$0xFFFFFFD0]  }
0x62: {  	v4 =	vld [tilespmem:s19+$0x10]  }
0x63: {  	v6 =	vld [tilespmem:s10+$0xFFFFEBE0]  }
0x64: {  	v7 =	vld [tilespmem:s10+$0xFFFFFFE0]  }
0x65: {  	v8 =	vpop (erf);
	v1 =	vadd.f32 v1, v5  }
0x66: {  	v2 =	vmul.f32 v8, v2;
	v8 =	vpop (erf)  }
0x67: {  	v9 =	vld [tilespmem:s4+$0xFFFFFF50];
	v3 =	vmul.f32 v8, v3;
	v0 =	vadd.f32 v0, v5;
	v8 =	vsub.f32 $0.0e+00, v1  }
0x68: {  	v5 =	vld [tilespmem:s4+$0xFFFFEB50];
	[tilespmem:s29+$0xFFFFFF50] =	vst v2;
	v6 =	vadd.f32 v6, v4  }
0x69: {  	v4 =	vadd.f32 v7, v4;
	[tilespmem:s29+$0xFFFFEB50] =	vst v3;
	v3 =	vld [tilespmem:s8+$0xFFFFFF80];
	v2 =	vsub.f32 $0.0e+00, v0;
	v7 =	vmul.f32 $1.442695020e+00, v8  }
0x6a: {  	v10 =	vld [tilespmem:s19+$0xFFFFFF90];
	v8 =	vsub.f32 $0.0e+00, v6  }
0x6b: {  	v11 =	vsub.f32 $0.0e+00, v4;
	v2 =	vmul.f32 $1.442695020e+00, v2;
	(erf) = vpow2.f32 v7;
	v7 =	vld [tilespmem:s10+$0xFFFFEB60]  }
0x6c: {  	v8 =	vmul.f32 $1.442695020e+00, v8  }
0x6d: {  	(erf) = vpow2.f32 v2;
	v2 =	vmul.f32 $1.442695020e+00, v11  }
0x6e: {  	v5 =	vadd.f32 v5, v3;
	(erf) = vpow2.f32 v8  }
0x6f: {  	(erf) = vpow2.f32 v2;
	v2 =	vadd.f32 v9, v3  }
0x70: {  	v3 =	vsub.f32 $0.0e+00, v5;
	v7 =	vadd.f32 v7, v10  }
0x71: {  	v8 =	vsub.f32 $0.0e+00, v2  }
0x72: {  	v3 =	vmul.f32 $1.442695020e+00, v3;
	v9 =	vsub.f32 $0.0e+00, v7  }
0x73: {  	v8 =	vmul.f32 $1.442695020e+00, v8  }
0x74: {  	v9 =	vmul.f32 $1.442695020e+00, v9;
	_ =	sdelay $0x1  }
0x75: {  	(erf) = vpow2.f32 v3;
	v3 =	vpop (erf)  }
0x76: {  	(erf) = vpow2.f32 v8;
	v3 =	vadd.f32 $1.000000000e+00, v3;
	v8 =	vpop (erf)  }
0x77: {  	v11 =	vld [tilespmem:s10+$0xFFFFFF60];
	(erf) = vpow2.f32 v9;
	v8 =	vadd.f32 $1.000000000e+00, v8;
	v9 =	vpop (erf)  }
0x78: {  	(erf) = vrcp.f32 v3;
	v3 =	vadd.f32 $1.000000000e+00, v9;
	v9 =	vpop (erf)  }
0x79: {  	(erf) = vrcp.f32 v8;
	v8 =	vadd.f32 $1.000000000e+00, v9  }
0x7a: {  	(erf) = vrcp.f32 v3  }
0x7b: {  	(erf) = vrcp.f32 v8  }
0x7c: {  	v3 =	vadd.f32 v11, v10;
	_ =	sdelay $0x1  }
0x7d: {  	v9 =	vpop (erf);
	v8 =	vsub.f32 $0.0e+00, v3  }
0x7e: {  	v9 =	vadd.f32 $1.000000000e+00, v9;
	v10 =	vpop (erf)  }
0x7f: {  	v8 =	vmul.f32 $1.442695020e+00, v8;
	v11 =	vpop (erf)  }
0x80: {  	v12 =	vpop (erf)  }
0x81: {  	(erf) = vpow2.f32 v8;
	v8 =	vadd.f32 $1.000000000e+00, v10;
	v1 =	vmul.f32 v12, v1;
	v10 =	vpop (erf)  }
0x82: {  	s13 =	simm.s32 $0x15700;
	s30 =	simm.s32 $0x1E230;
	(erf) = vrcp.f32 v9;
	v0 =	vmul.f32 v10, v0;
	v9 =	vpop (erf)  }
0x83: {  	s9 =	simm.s32 $0x19330;
	(erf) = vrcp.f32 v8;
	v8 =	vld [tilespmem:s13+$0x0];
	[tilespmem:s30+$0xFFFFFFD0] =	vst v1;
	v1 =	vmul.f32 v9, v6;
	v6 =	vpop (erf)  }
0x84: {  	v9 =	vld [tilespmem:s9+$0xFFFFEBD0];
	[tilespmem:s30+$0xFFFFEBD0] =	vst v0;
	v0 =	vmul.f32 v6, v4  }
0x85: {  	v4 =	vld [tilespmem:s9+$0xFFFFFFD0];
	[tilespmem:s29+$0xFFFFFFE0] =	vst v1  }
0x86: {  	v13 =	vld [tilespmem:s4+$0xFFFFEBE0];
	[tilespmem:s29+$0xFFFFEBE0] =	vst v0  }
0x87: {  	v10 =	vadd.f32 $1.000000000e+00, v11;
	v0 =	vld [tilespmem:s19+$0x20]  }
0x88: {  	v6 =	vld [tilespmem:s10+$0xFFFFEBF0]  }
0x89: {  	v11 =	vld [tilespmem:s10+$0xFFFFFFF0]  }
0x8a: {  	v1 =	vld [tilespmem:s8+$0x10];
	v12 =	vpop (erf)  }
0x8b: {  	(erf) = vrcp.f32 v10;
	v14 =	vld [tilespmem:s4+$0xFFFFFFE0];
	v9 =	vadd.f32 v9, v8;
	v10 =	vpop (erf)  }
0x8c: {  	v12 =	vadd.f32 $1.000000000e+00, v12;
	v4 =	vadd.f32 v4, v8;
	v5 =	vmul.f32 v10, v5;
	v10 =	vpop (erf)  }
0x8d: {  	v8 =	vld [tilespmem:s9+$0xFFFFEB50];
	v2 =	vmul.f32 v10, v2;
	v10 =	vsub.f32 $0.0e+00, v9;
	v6 =	vadd.f32 v6, v0  }
0x8e: {  	(erf) = vrcp.f32 v12;
	[tilespmem:s30+$0xFFFFFF50] =	vst v5;
	v5 =	vsub.f32 $0.0e+00, v4;
	v11 =	vadd.f32 v11, v0;
	v0 =	vld [tilespmem:s13+$0xFFFFFF80]  }
0x8f: {  	[tilespmem:s30+$0xFFFFEB50] =	vst v2;
	v2 =	vmul.f32 $1.442695020e+00, v10;
	v10 =	vadd.f32 v13, v1;
	v13 =	vsub.f32 $0.0e+00, v6  }
0x90: {  	v14 =	vadd.f32 v14, v1;
	v12 =	vld [tilespmem:s9+$0xFFFFFF50];
	v5 =	vmul.f32 $1.442695020e+00, v5;
	v1 =	vsub.f32 $0.0e+00, v11  }
0x91: {  	v15 =	vld [tilespmem:s8+$0xFFFFFF90];
	(erf) = vpow2.f32 v2;
	v13 =	vmul.f32 $1.442695020e+00, v13  }
0x92: {  	v2 =	vld [tilespmem:s4+$0xFFFFEB60];
	(erf) = vpow2.f32 v5;
	v1 =	vmul.f32 $1.442695020e+00, v1  }
0x93: {  	v16 =	vsub.f32 $0.0e+00, v10;
	(erf) = vpow2.f32 v13;
	v13 =	vadd.f32 v8, v0  }
0x94: {  	v5 =	vsub.f32 $0.0e+00, v14  }
0x95: {  	v16 =	vmul.f32 $1.442695020e+00, v16;
	v12 =	vadd.f32 v12, v0;
	v0 =	vsub.f32 $0.0e+00, v13  }
0x96: {  	v5 =	vmul.f32 $1.442695020e+00, v5;
	(erf) = vpow2.f32 v1;
	v1 =	vpop (erf)  }
0x97: {  	v2 =	vadd.f32 v2, v15;
	v1 =	vmul.f32 v1, v7;
	v7 =	vpop (erf);
	v0 =	vmul.f32 $1.442695020e+00, v0  }
0x98: {  	(erf) = vpow2.f32 v16;
	v3 =	vmul.f32 v7, v3  }
0x99: {  	(erf) = vpow2.f32 v5;
	v8 =	vsub.f32 $0.0e+00, v2  }
0x9a: {  	v5 =	vsub.f32 $0.0e+00, v12  }
0x9b: {  	(erf) = vpow2.f32 v0;
	v7 =	vmul.f32 $1.442695020e+00, v8;
	v0 =	vpop (erf)  }
0x9c: {  	v5 =	vmul.f32 $1.442695020e+00, v5;
	[tilespmem:s29+$0xFFFFEB60] =	vst v3;
	v3 =	vpop (erf)  }
0x9d: {  	[tilespmem:s29+$0xFFFFFF60] =	vst v1;
	v1 =	vld [tilespmem:s4+$0xFFFFFF60];
	v3 =	vadd.f32 $1.000000000e+00, v3  }
0x9e: {  	(erf) = vpow2.f32 v5;
	v0 =	vadd.f32 $1.000000000e+00, v0  }
0x9f: {  	(erf) = vpow2.f32 v7;
	v7 =	vpop (erf)  }
0xa0: {  	(erf) = vrcp.f32 v0;
	v0 =	vadd.f32 $1.000000000e+00, v7;
	v7 =	vpop (erf)  }
0xa1: {  	(erf) = vrcp.f32 v3;
	v3 =	vpop (erf)  }
0xa2: {  	v5 =	vld [tilespmem:s19+$0xFFFFFFA0];
	v15 =	vadd.f32 v1, v15;
	v1 =	vadd.f32 $1.000000000e+00, v3;
	v3 =	vpop (erf)  }
0xa3: {  	v8 =	vld [tilespmem:s10+$0xFFFFEB70];
	v7 =	vadd.f32 $1.000000000e+00, v7;
	v3 =	vadd.f32 $1.000000000e+00, v3  }
0xa4: {  	(erf) = vrcp.f32 v0  }
0xa5: {  	(erf) = vrcp.f32 v7;
	v7 =	vsub.f32 $0.0e+00, v15  }
0xa6: {  	(erf) = vrcp.f32 v1  }
0xa7: {  	v1 =	vmul.f32 $1.442695020e+00, v7;
	(erf) = vrcp.f32 v3;
	v3 =	vpop (erf)  }
0xa8: {  	v0 =	vadd.f32 v8, v5;
	v3 =	vadd.f32 $1.000000000e+00, v3;
	v8 =	vpop (erf)  }
0xa9: {  	(erf) = vpow2.f32 v1;
	v1 =	vadd.f32 $1.000000000e+00, v8  }
0xaa: {  	v7 =	vsub.f32 $0.0e+00, v0  }
0xab: {  	v8 =	vpop (erf)  }
0xac: {  	v16 =	vld [tilespmem:s10+$0xFFFFFF70];
	v7 =	vmul.f32 $1.442695020e+00, v7;
	(erf) = vrcp.f32 v3;
	v3 =	vpop (erf)  }
0xad: {  	v8 =	vadd.f32 $1.000000000e+00, v8;
	(erf) = vrcp.f32 v1;
	v3 =	vmul.f32 v3, v9;
	v1 =	vpop (erf)  }
0xae: {  	s31 =	simm.s32 $0x15800;
	s0 =	simm.s32 $0x1E330;
	v1 =	vmul.f32 v1, v4;
	v4 =	vpop (erf)  }
0xaf: {  	s11 =	simm.s32 $0x19430;
	(erf) = vrcp.f32 v8;
	v9 =	vld [tilespmem:s31+$0x0];
	[tilespmem:s0+$0xFFFFFFD0] =	vst v3;
	v3 =	vmul.f32 v4, v6;
	v4 =	vpop (erf)  }
0xb0: {  	(erf) = vpow2.f32 v7;
	v6 =	vld [tilespmem:s11+$0xFFFFEBD0];
	[tilespmem:s0+$0xFFFFEBD0] =	vst v1;
	v7 =	vpop (erf);
	v4 =	vmul.f32 v4, v11  }
0xb1: {  	v1 =	vadd.f32 v16, v5;
	v5 =	vld [tilespmem:s11+$0xFFFFFFD0];
	v8 =	vpop (erf);
	[tilespmem:s29+$0xFFFFFFF0] =	vst v3  }
0xb2: {  	v7 =	vmul.f32 v7, v10;
	v3 =	vld [tilespmem:s13+$0x10];
	v10 =	vmul.f32 v8, v14;
	[tilespmem:s29+$0xFFFFEBF0] =	vst v4  }
0xb3: {  	v4 =	vsub.f32 $0.0e+00, v1;
	v8 =	vld [tilespmem:s19+$0x30]  }
0xb4: {  	[tilespmem:s30+$0xFFFFEBE0] =	vst v10;
	v10 =	vld [tilespmem:s10+$0x0]  }
0xb5: {  	[tilespmem:s30+$0xFFFFFFE0] =	vst v7;
	v4 =	vmul.f32 $1.442695020e+00, v4;
	v19 =	vadd.f32 v6, v9;
	v6 =	vld [tilespmem:s9+$0xFFFFEBE0]  }
0xb6: {  	v7 =	vpop (erf);
	v14 =	vld [tilespmem:s8+$0x20]  }
0xb7: {  	v17 =	vld [tilespmem:s4+$0xFFFFEBF0];
	v9 =	vadd.f32 v5, v9;
	v11 =	vpop (erf);
	(erf) = vpow2.f32 v4;
	v4 =	vadd.f32 $1.000000000e+00, v7  }
0xb8: {  	v7 =	vld [tilespmem:s4+$0xFFFFFFF0];
	v16 =	vpop (erf)  }
0xb9: {  	v11 =	vmul.f32 v11, v13;
	v20 =	vsub.f32 $0.0e+00, v9;
	v18 =	vpop (erf);
	(erf) = vrcp.f32 v4  }
0xba: {  	v4 =	vld [tilespmem:s9+$0xFFFFFFE0];
	v13 =	vpop (erf);
	v5 =	vadd.f32 v10, v8;
	v10 =	vmul.f32 v16, v12;
	v16 =	vsub.f32 $0.0e+00, v19  }
0xbb: {  	v12 =	vld [tilespmem:s11+$0xFFFFEB50];
	v22 =	vadd.f32 v6, v3;
	v13 =	vadd.f32 $1.000000000e+00, v13  }
0xbc: {  	v17 =	vadd.f32 v17, v14;
	v21 =	vsub.f32 $0.0e+00, v5;
	[tilespmem:s0+$0xFFFFEB50] =	vst v10;
	v10 =	vld [tilespmem:s31+$0xFFFFFF80]  }
0xbd: {  	v14 =	vadd.f32 v7, v14;
	(erf) = vrcp.f32 v13;
	v13 =	vmul.f32 $1.442695020e+00, v16  }
0xbe: {  	[tilespmem:s0+$0xFFFFFF50] =	vst v11;
	v11 =	vld [tilespmem:s11+$0xFFFFFF50];
	v16 =	vmul.f32 $1.442695020e+00, v20;
	v6 =	vsub.f32 $0.0e+00, v17;
	v7 =	vmul.f32 $1.442695020e+00, v21  }
0xbf: {  	v21 =	vadd.f32 v4, v3;
	v3 =	vsub.f32 $0.0e+00, v14;
	(erf) = vpow2.f32 v13  }
0xc0: {  	v20 =	vld [tilespmem:s13+$0xFFFFFF90];
	v4 =	vsub.f32 $0.0e+00, v22;
	v6 =	vmul.f32 $1.442695020e+00, v6;
	(erf) = vpow2.f32 v7  }
0xc1: {  	v13 =	vld [tilespmem:s9+$0xFFFFEB60];
	v3 =	vmul.f32 $1.442695020e+00, v3;
	(erf) = vpow2.f32 v16;
	v12 =	vadd.f32 v12, v10  }
0xc2: {  	v4 =	vmul.f32 $1.442695020e+00, v4;
	(erf) = vpow2.f32 v6  }
0xc3: {  	v10 =	vadd.f32 v11, v10;
	(erf) = vpow2.f32 v3;
	v3 =	vsub.f32 $0.0e+00, v12  }
0xc4: {  	v7 =	vsub.f32 $0.0e+00, v21  }
0xc5: {  	(erf) = vpow2.f32 v4;
	v4 =	vsub.f32 $0.0e+00, v10;
	v3 =	vmul.f32 $1.442695020e+00, v3  }
0xc6: {  	v6 =	vmul.f32 $1.442695020e+00, v7;
	v7 =	vadd.f32 v13, v20;
	v13 =	vpop (erf)  }
0xc7: {  	v11 =	vpop (erf);
	v4 =	vmul.f32 $1.442695020e+00, v4  }
0xc8: {  	(erf) = vpow2.f32 v6;
	v6 =	vmul.f32 v18, v2;
	v2 =	vpop (erf)  }
0xc9: {  	v16 =	vsub.f32 $0.0e+00, v7;
	(erf) = vpow2.f32 v3;
	v3 =	vpop (erf)  }
0xca: {  	v11 =	vmul.f32 v11, v15;
	v3 =	vadd.f32 $1.000000000e+00, v3  }
0xcb: {  	v15 =	vld [tilespmem:s9+$0xFFFFFF60];
	v16 =	vmul.f32 $1.442695020e+00, v16;
	(erf) = vpow2.f32 v4;
	v4 =	vpop (erf)  }
0xcc: {  	v4 =	vadd.f32 $1.000000000e+00, v4  }
0xcd: {  	[tilespmem:s30+$0xFFFFFF60] =	vst v6;
	(erf) = vpow2.f32 v16;
	v6 =	vpop (erf)  }
0xce: {  	(erf) = vrcp.f32 v3;
	v3 =	vpop (erf)  }
0xcf: {  	v6 =	vadd.f32 $1.000000000e+00, v6;
	v23 =	vpop (erf)  }
0xd0: {  	[tilespmem:s30+$0xFFFFEB60] =	vst v11;
	v11 =	vadd.f32 v15, v20;
	(erf) = vrcp.f32 v4;
	v3 =	vadd.f32 $1.000000000e+00, v3;
	v4 =	vpop (erf)  }
0xd1: {  	(erf) = vrcp.f32 v6;
	v6 =	vadd.f32 $1.000000000e+00, v23;
	v15 =	vpop (erf)  }
0xd2: {  	(erf) = vrcp.f32 v3;
	v3 =	vsub.f32 $0.0e+00, v11;
	v15 =	vadd.f32 $1.000000000e+00, v15  }
0xd3: {  	v18 =	vld [tilespmem:s4+$0xFFFFEB70];
	v4 =	vadd.f32 $1.000000000e+00, v4  }
0xd4: {  	v16 =	vld [tilespmem:s8+$0xFFFFFFA0];
	(erf) = vrcp.f32 v6;
	v3 =	vmul.f32 $1.442695020e+00, v3  }
0xd5: {  	v13 =	vadd.f32 $1.000000000e+00, v13;
	(erf) = vrcp.f32 v4;
	v6 =	vpop (erf)  }
0xd6: {  	(erf) = vrcp.f32 v15;
	v6 =	vadd.f32 $1.000000000e+00, v6;
	v15 =	vpop (erf)  }
0xd7: {  	v15 =	vadd.f32 $1.000000000e+00, v15  }
0xd8: {  	(erf) = vpow2.f32 v3;
	v3 =	vpop (erf)  }
0xd9: {  	v4 =	vadd.f32 v18, v16;
	(erf) = vrcp.f32 v13;
	v13 =	vpop (erf)  }
0xda: {  	(erf) = vrcp.f32 v6;
	v3 =	vadd.f32 $1.000000000e+00, v3;
	v6 =	vpop (erf)  }
0xdb: {  	v20 =	vld [tilespmem:s4+$0xFFFFFF70];
	v18 =	vsub.f32 $0.0e+00, v4;
	(erf) = vrcp.f32 v15;
	v15 =	vpop (erf)  }
0xdc: {  	v9 =	vmul.f32 v15, v9  }
0xdd: {  	v18 =	vmul.f32 $1.442695020e+00, v18;
	v13 =	vmul.f32 v13, v19  }
0xde: {  	s12 =	simm.s32 $0x15900;
	s6 =	simm.s32 $0x1E430;
	(erf) = vrcp.f32 v3;
	v3 =	vpop (erf)  }
0xdf: {  	v19 =	vld [tilespmem:s12+$0x0];
	[tilespmem:s6+$0xFFFFFFD0] =	vst v13;
	v13 =	vmul.f32 v3, v17;
	v15 =	vpop (erf)  }
0xe0: {  	s15 =	simm.s32 $0x19530;
	v17 =	vld [tilespmem:s10+$0xFFFFEC00];
	v3 =	vadd.f32 v20, v16;
	[tilespmem:s6+$0xFFFFEBD0] =	vst v9;
	v14 =	vmul.f32 v15, v14;
	v9 =	vpop (erf)  }
0xe1: {  	(erf) = vpow2.f32 v18;
	v16 =	vld [tilespmem:s15+$0xFFFFEBD0];
	[tilespmem:s30+$0xFFFFFFF0] =	vst v13;
	v9 =	vmul.f32 v9, v22;
	v18 =	vpop (erf)  }
0xe2: {  	v15 =	vld [tilespmem:s15+$0xFFFFFFD0];
	v20 =	vsub.f32 $0.0e+00, v3;
	[tilespmem:s30+$0xFFFFEBF0] =	vst v14;
	v18 =	vmul.f32 v18, v21  }
0xe3: {  	v13 =	vld [tilespmem:s8+$0x30];
	[tilespmem:s0+$0xFFFFFFE0] =	vst v9  }
0xe4: {  	v20 =	vmul.f32 $1.442695020e+00, v20;
	v14 =	vpop (erf);
	[tilespmem:s0+$0xFFFFEBE0] =	vst v18;
	v18 =	vld [tilespmem:s4+$0x0]  }
0xe5: {  	v21 =	vpop (erf);
	v9 =	vadd.f32 v17, v8;
	v8 =	vadd.f32 $1.000000000e+00, v14;
	v17 =	vld [tilespmem:s13+$0x20]  }
0xe6: {  	v14 =	vpop (erf);
	v23 =	vld [tilespmem:s9+$0xFFFFEBF0]  }
0xe7: {  	v26 =	vadd.f32 v16, v19;
	v12 =	vmul.f32 v14, v12;
	v14 =	vld [tilespmem:s9+$0xFFFFFFF0]  }
0xe8: {  	v22 =	vld [tilespmem:s31+$0x10];
	(erf) = vpow2.f32 v20;
	v19 =	vadd.f32 v15, v19;
	v20 =	vpop (erf);
	v24 =	vsub.f32 $0.0e+00, v9  }
0xe9: {  	v15 =	vld [tilespmem:s11+$0xFFFFEBE0];
	v27 =	vsub.f32 $0.0e+00, v26;
	(erf) = vrcp.f32 v8;
	v8 =	vpop (erf)  }
0xea: {  	v28 =	vsub.f32 $0.0e+00, v19;
	v20 =	vmul.f32 v20, v10;
	v16 =	vmul.f32 $1.442695020e+00, v24;
	v24 =	vld [tilespmem:s11+$0xFFFFFFE0];
	v25 =	vpop (erf)  }
0xeb: {  	v25 =	vadd.f32 $1.000000000e+00, v25;
	v10 =	vadd.f32 v18, v13  }
0xec: {  	[tilespmem:s6+$0xFFFFEB50] =	vst v20;
	v20 =	vld [tilespmem:s12+$0xFFFFFF80];
	(erf) = vpow2.f32 v16;
	v23 =	vadd.f32 v23, v17;
	v17 =	vadd.f32 v14, v17  }
0xed: {  	v18 =	vld [tilespmem:s15+$0xFFFFEB50];
	v16 =	vsub.f32 $0.0e+00, v10;
	(erf) = vrcp.f32 v25;
	v25 =	vmul.f32 $1.442695020e+00, v27  }
0xee: {  	v27 =	vmul.f32 $1.442695020e+00, v28;
	v28 =	vadd.f32 v15, v22;
	v15 =	vsub.f32 $0.0e+00, v23  }
0xef: {  	[tilespmem:s6+$0xFFFFFF50] =	vst v12;
	v12 =	vld [tilespmem:s15+$0xFFFFFF50];
	v22 =	vadd.f32 v24, v22;
	v24 =	vsub.f32 $0.0e+00, v17;
	v16 =	vmul.f32 $1.442695020e+00, v16  }
0xf0: {  	(erf) = vpow2.f32 v25;
	v15 =	vmul.f32 $1.442695020e+00, v15  }
0xf1: {  	v29 =	vsub.f32 $0.0e+00, v28;
	v24 =	vmul.f32 $1.442695020e+00, v24;
	(erf) = vpow2.f32 v16  }
0xf2: {  	v14 =	vld [tilespmem:s31+$0xFFFFFF90];
	v16 =	vadd.f32 v18, v20;
	(erf) = vpow2.f32 v27;
	v27 =	vsub.f32 $0.0e+00, v22  }
0xf3: {  	v25 =	vld [tilespmem:s11+$0xFFFFEB60];
	v18 =	vmul.f32 $1.442695020e+00, v29;
	(erf) = vpow2.f32 v15  }
0xf4: {  	v15 =	vadd.f32 v12, v20;
	v20 =	vmul.f32 $1.442695020e+00, v27;
	v27 =	vsub.f32 $0.0e+00, v16  }
0xf5: {  	v7 =	vmul.f32 v8, v7  }
0xf6: {  	(erf) = vpow2.f32 v24;
	v24 =	vpop (erf);
	v8 =	vmul.f32 $1.442695020e+00, v27  }
0xf7: {  	(erf) = vpow2.f32 v18;
	v18 =	vpop (erf)  }
0xf8: {  	v12 =	vadd.f32 v25, v14;
	(erf) = vpow2.f32 v20;
	v20 =	vpop (erf)  }
0xf9: {  	v25 =	vsub.f32 $0.0e+00, v15;
	v29 =	vpop (erf)  }
0xfa: {  	v27 =	vsub.f32 $0.0e+00, v12;
	(erf) = vpow2.f32 v8;
	v8 =	vpop (erf)  }
0xfb: {  	[tilespmem:s0+$0xFFFFFF60] =	vst v7;
	v11 =	vmul.f32 v18, v11;
	v18 =	vmul.f32 $1.442695020e+00, v25;
	v25 =	vld [tilespmem:s11+$0xFFFFFF60];
	v7 =	vadd.f32 $1.000000000e+00, v8  }
0xfc: {  	v27 =	vmul.f32 $1.442695020e+00, v27  }
0xfd: {  	v1 =	vmul.f32 v21, v1;
	(erf) = vpow2.f32 v18;
	v8 =	vpop (erf)  }
0xfe: {  	v0 =	vmul.f32 v2, v0;
	[tilespmem:s0+$0xFFFFEB60] =	vst v11;
	(erf) = vpow2.f32 v27;
	v2 =	vpop (erf);
	v8 =	vadd.f32 $1.000000000e+00, v8  }
0xff: {  	v18 =	vld [tilespmem:s13+$0xFFFFFFA0];
	v2 =	vadd.f32 $1.000000000e+00, v2;
	(erf) = vrcp.f32 v7;
	v7 =	vpop (erf)  }
0x100: {  	[tilespmem:s29+$0xFFFFFF70] =	vst v0;
	v0 =	vld [tilespmem:s9+$0xFFFFEB70];
	v14 =	vadd.f32 v25, v14;
	(erf) = vrcp.f32 v8;
	v7 =	vadd.f32 $1.000000000e+00, v7;
	v11 =	vpop (erf)  }
0x101: {  	[tilespmem:s29+$0xFFFFEB70] =	vst v1;
	(erf) = vrcp.f32 v2;
	v1 =	vpop (erf);
	v2 =	vadd.f32 $1.000000000e+00, v11  }
0x102: {  	v1 =	vadd.f32 $1.000000000e+00, v1;
	(erf) = vrcp.f32 v7;
	v7 =	vsub.f32 $0.0e+00, v14  }
0x103: {  	v21 =	vld [tilespmem:s19+$0xFFFFFFB0];
	v8 =	vpop (erf);
	(erf) = vrcp.f32 v2  }
0x104: {  	v11 =	vld [tilespmem:s10+$0xFFFFEB80];
	v8 =	vadd.f32 $1.000000000e+00, v8;
	(erf) = vrcp.f32 v1;
	v1 =	vmul.f32 $1.442695020e+00, v7  }
0x105: {  	v2 =	vld [tilespmem:s9+$0xFFFFFF70];
	v7 =	vadd.f32 v0, v18;
	v0 =	vpop (erf)  }
0x106: {  	v25 =	vld [tilespmem:s10+$0xFFFFFF80];
	(erf) = vrcp.f32 v8;
	v8 =	vadd.f32 $1.000000000e+00, v24;
	v24 =	vpop (erf)  }
0x107: {  	v27 =	vsub.f32 $0.0e+00, v7;
	v24 =	vadd.f32 $1.000000000e+00, v24  }
0x108: {  	v30 =	vadd.f32 $1.000000000e+00, v0;
	(erf) = vpow2.f32 v1;
	v1 =	vpop (erf)  }
0x109: {  	v0 =	vadd.f32 v11, v21;
	(erf) = vrcp.f32 v8;
	v27 =	vmul.f32 $1.442695020e+00, v27;
	v31 =	vpop (erf)  }
0x10a: {  	v8 =	vadd.f32 v2, v18;
	(erf) = vrcp.f32 v30;
	v1 =	vadd.f32 $1.000000000e+00, v1;
	v11 =	vpop (erf)  }
0x10b: {  	v2 =	vadd.f32 v25, v21;
	v18 =	vmul.f32 v31, v26;
	(erf) = vrcp.f32 v24;
	v24 =	vpop (erf)  }
0x10c: {  	s10 =	simm.s32 $0x1E530;
	(erf) = vrcp.f32 v1;
	v1 =	vmul.f32 v24, v19;
	v19 =	vpop (erf);
	v24 =	vsub.f32 $0.0e+00, v8  }
0x10d: {  	v25 =	vsub.f32 $0.0e+00, v0;
	[tilespmem:s10+$0xFFFFFFD0] =	vst v18;
	(erf) = vpow2.f32 v27;
	v18 =	vmul.f32 v19, v23;
	v19 =	vpop (erf)  }
0x10e: {  	s17 =	simm.s32 $0x15A00;
	v23 =	vld [tilespmem:s4+$0xFFFFEC00];
	v17 =	vmul.f32 v19, v17;
	v19 =	vsub.f32 $0.0e+00, v2;
	v24 =	vmul.f32 $1.442695020e+00, v24  }
0x10f: {  	s19 =	simm.s32 $0x19630;
	v21 =	vld [tilespmem:s17+$0x0];
	[tilespmem:s10+$0xFFFFEBD0] =	vst v1  }
0x110: {  	v26 =	vld [tilespmem:s19+$0xFFFFEBD0];
	[tilespmem:s0+$0xFFFFFFF0] =	vst v18;
	v18 =	vmul.f32 $1.442695020e+00, v25;
	v1 =	vpop (erf);
	v19 =	vmul.f32 $1.442695020e+00, v19  }
0x111: {  	v20 =	vadd.f32 $1.000000000e+00, v20;
	v27 =	vld [tilespmem:s19+$0xFFFFFFD0];
	[tilespmem:s0+$0xFFFFEBF0] =	vst v17;
	(erf) = vpow2.f32 v24;
	v1 =	vmul.f32 v1, v28;
	v28 =	vpop (erf)  }
0x112: {  	v17 =	vld [tilespmem:s13+$0x30];
	(erf) = vpow2.f32 v18;
	v24 =	vpop (erf)  }
0x113: {  	v18 =	vld [tilespmem:s9+$0x0];
	v22 =	vmul.f32 v28, v22;
	[tilespmem:s6+$0xFFFFFFE0] =	vst v1;
	v28 =	vpop (erf);
	v1 =	vadd.f32 v23, v13;
	v13 =	vadd.f32 $1.000000000e+00, v24  }
0x114: {  	v25 =	vld [tilespmem:s12+$0x10];
	(erf) = vpow2.f32 v19;
	v19 =	vpop (erf)  }
0x115: {  	v31 =	vadd.f32 v26, v21;
	v26 =	vld [tilespmem:s15+$0xFFFFEBE0];
	(erf) = vrcp.f32 v20;
	[tilespmem:s6+$0xFFFFEBE0] =	vst v22;
	v20 =	vpop (erf)  }
0x116: {  	v4 =	vmul.f32 v29, v4;
	v22 =	vld [tilespmem:s31+$0x20];
	v24 =	vsub.f32 $0.0e+00, v1;
	v29 =	vpop (erf)  }
0x117: {  	v21 =	vadd.f32 v27, v21;
	v23 =	vld [tilespmem:s11+$0xFFFFEBF0];
	v16 =	vmul.f32 v19, v16;
	(erf) = vrcp.f32 v13;
	v13 =	vpop (erf)  }
0x118: {  	v19 =	vld [tilespmem:s11+$0xFFFFFFF0];
	v24 =	vmul.f32 $1.442695020e+00, v24;
	v27 =	vadd.f32 $1.000000000e+00, v13;
	v13 =	vadd.f32 v18, v17  }
0x119: {  	v30 =	vsub.f32 $0.0e+00, v31  }
0x11a: {  	v15 =	vmul.f32 v20, v15;
	v20 =	vld [tilespmem:s15+$0xFFFFFFE0];
	(erf) = vpow2.f32 v24;
	v24 =	vsub.f32 $0.0e+00, v13  }
0x11b: {  	v32 =	vsub.f32 $0.0e+00, v21;
	v18 =	vld [tilespmem:s19+$0xFFFFEB50];
	(erf) = vrcp.f32 v27  }
0x11c: {  	[tilespmem:s10+$0xFFFFEB50] =	vst v15;
	v15 =	vld [tilespmem:s17+$0xFFFFFF80];
	v23 =	vadd.f32 v23, v22;
	v27 =	vmul.f32 $1.442695020e+00, v30;
	v24 =	vmul.f32 $1.442695020e+00, v24  }
0x11d: {  	v33 =	vadd.f32 v26, v25;
	[tilespmem:s10+$0xFFFFFF50] =	vst v16;
	v16 =	vld [tilespmem:s19+$0xFFFFFF50];
	v22 =	vadd.f32 v19, v22  }
0x11e: {  	v41 =	vld [tilespmem:s12+$0xFFFFFF90];
	v30 =	vmul.f32 $1.442695020e+00, v32;
	v19 =	vsub.f32 $0.0e+00, v23;
	(erf) = vpow2.f32 v27  }
0x11f: {  	v26 =	vld [tilespmem:s15+$0xFFFFEB60];
	v20 =	vadd.f32 v20, v25;
	v25 =	vsub.f32 $0.0e+00, v22;
	(erf) = vpow2.f32 v24  }
0x120: {  	v27 =	vsub.f32 $0.0e+00, v33;
	v19 =	vmul.f32 $1.442695020e+00, v19;
	(erf) = vpow2.f32 v30;
	v24 =	vpop (erf)  }
0x121: {  	[tilespmem:s30+$0xFFFFFF70] =	vst v4;
	v4 =	vmul.f32 v29, v12;
	v18 =	vadd.f32 v18, v15;
	v25 =	vmul.f32 $1.442695020e+00, v25;
	v34 =	vpop (erf)  }
0x122: {  	v27 =	vmul.f32 $1.442695020e+00, v27;
	v30 =	vsub.f32 $0.0e+00, v20;
	(erf) = vpow2.f32 v19;
	v35 =	vpop (erf)  }
0x123: {  	v19 =	vadd.f32 v16, v15;
	(erf) = vpow2.f32 v25;
	v25 =	vsub.f32 $0.0e+00, v18;
	v15 =	vpop (erf)  }
0x124: {  	v3 =	vmul.f32 v28, v3;
	v16 =	vadd.f32 v26, v41;
	v30 =	vmul.f32 $1.442695020e+00, v30;
	v26 =	vpop (erf)  }
0x125: {  	(erf) = vpow2.f32 v27;
	v27 =	vsub.f32 $0.0e+00, v19;
	v25 =	vmul.f32 $1.442695020e+00, v25;
	v28 =	vpop (erf)  }
0x126: {  	[tilespmem:s30+$0xFFFFEB70] =	vst v3;
	v12 =	vld [tilespmem:s15+$0xFFFFFF60];
	v29 =	vsub.f32 $0.0e+00, v16;
	(erf) = vpow2.f32 v30;
	v3 =	vmul.f32 v26, v14;
	v36 =	vpop (erf)  }
0x127: {  	[tilespmem:s6+$0xFFFFFF60] =	vst v4;
	v14 =	vmul.f32 $1.442695020e+00, v27;
	v4 =	vpop (erf)  }
0x128: {  	v27 =	vld [tilespmem:s8+$0xFFFFFFB0];
	(erf) = vpow2.f32 v25;
	v25 =	vmul.f32 $1.442695020e+00, v29;
	[tilespmem:s6+$0xFFFFEB60] =	vst v3;
	v3 =	vadd.f32 $1.000000000e+00, v4;
	v4 =	vpop (erf)  }
0x129: {  	v29 =	vld [tilespmem:s4+$0xFFFFEB80];
	(erf) = vpow2.f32 v14;
	v30 =	vpop (erf)  }
0x12a: {  	v14 =	vld [tilespmem:s31+$0xFFFFFFA0];
	(erf) = vpow2.f32 v25;
	v25 =	vadd.f32 $1.000000000e+00, v30  }
0x12b: {  	v26 =	vadd.f32 v12, v41;
	v12 =	vld [tilespmem:s11+$0xFFFFEB70];
	v4 =	vadd.f32 $1.000000000e+00, v4  }
0x12c: {  	(erf) = vrcp.f32 v3;
	v30 =	vld [tilespmem:s11+$0xFFFFFF70];
	v3 =	vpop (erf)  }
0x12d: {  	v38 =	vsub.f32 $0.0e+00, v26;
	(erf) = vrcp.f32 v4;
	v42 =	vpop (erf)  }
0x12e: {  	v4 =	vadd.f32 v29, v27;
	v3 =	vadd.f32 $1.000000000e+00, v3;
	(erf) = vrcp.f32 v25;
	v25 =	vpop (erf)  }
0x12f: {  	v32 =	vadd.f32 $1.000000000e+00, v42;
	v29 =	vadd.f32 $1.000000000e+00, v25;
	v25 =	vpop (erf)  }
0x130: {  	(erf) = vrcp.f32 v3;
	v3 =	vadd.f32 $1.000000000e+00, v25;
	v25 =	vadd.f32 v12, v14  }
0x131: {  	v24 =	vadd.f32 $1.000000000e+00, v24;
	(erf) = vrcp.f32 v32;
	v12 =	vadd.f32 v30, v14  }
0x132: {  	v14 =	vpop (erf);
	(erf) = vrcp.f32 v29;
	v29 =	vmul.f32 $1.442695020e+00, v38;
	v30 =	vsub.f32 $0.0e+00, v25  }
0x133: {  	v37 =	vld [tilespmem:s4+$0xFFFFFF80];
	v44 =	vpop (erf);
	(erf) = vrcp.f32 v3  }
0x134: {  	v14 =	vadd.f32 $1.000000000e+00, v14;
	v45 =	vpop (erf);
	(erf) = vpow2.f32 v29  }
0x135: {  	v43 =	vsub.f32 $0.0e+00, v4;
	v32 =	vadd.f32 $1.000000000e+00, v44;
	(erf) = vrcp.f32 v24;
	v24 =	vpop (erf)  }
0x136: {  	v46 =	vmul.f32 $1.442695020e+00, v30;
	(erf) = vrcp.f32 v14;
	v14 =	vadd.f32 $1.000000000e+00, v45;
	v30 =	vpop (erf)  }
0x137: {  	v29 =	vsub.f32 $0.0e+00, v12;
	v24 =	vmul.f32 v24, v31;
	(erf) = vrcp.f32 v32;
	v31 =	vpop (erf)  }
0x138: {  	v3 =	vadd.f32 v37, v27;
	(erf) = vrcp.f32 v14;
	v14 =	vmul.f32 v31, v21  }
0x139: {  	s24 =	simm.s32 $0x19730;
	s4 =	simm.s32 $0x1E630;
	v27 =	vmul.f32 $1.442695020e+00, v43;
	v29 =	vmul.f32 $1.442695020e+00, v29;
	v21 =	vpop (erf)  }
0x13a: {  	v49 =	vld [tilespmem:s24+$0xFFFFEBD0];
	v47 =	vsub.f32 $0.0e+00, v3;
	[tilespmem:s4+$0xFFFFFFD0] =	vst v24;
	(erf) = vpow2.f32 v46;
	v21 =	vmul.f32 v21, v23;
	v23 =	vpop (erf)  }
0x13b: {  	s8 =	simm.s32 $0x15B00;
	v24 =	vld [tilespmem:s9+$0xFFFFEC00];
	(erf) = vpow2.f32 v29;
	[tilespmem:s4+$0xFFFFEBD0] =	vst v14;
	v22 =	vmul.f32 v23, v22  }
0x13c: {  	v48 =	vld [tilespmem:s8+$0x0];
	v31 =	vmul.f32 $1.442695020e+00, v47;
	(erf) = vpow2.f32 v27;
	[tilespmem:s6+$0xFFFFFFF0] =	vst v21;
	v21 =	vadd.f32 $1.000000000e+00, v34;
	v14 =	vpop (erf)  }
0x13d: {  	v27 =	vmul.f32 v6, v5;
	v6 =	vadd.f32 $1.000000000e+00, v35;
	v14 =	vmul.f32 v14, v33;
	v29 =	vpop (erf)  }
0x13e: {  	v23 =	vld [tilespmem:s24+$0xFFFFFFD0];
	(erf) = vpow2.f32 v31;
	[tilespmem:s6+$0xFFFFEBF0] =	vst v22;
	v20 =	vmul.f32 v29, v20  }
0x13f: {  	v28 =	vadd.f32 $1.000000000e+00, v28;
	v22 =	vpop (erf);
	(erf) = vrcp.f32 v21;
	[tilespmem:s10+$0xFFFFFFE0] =	vst v14;
	v14 =	vld [tilespmem:s31+$0x30]  }
0x140: {  	v5 =	vadd.f32 v24, v17;
	v21 =	vpop (erf);
	v17 =	vadd.f32 $1.000000000e+00, v22;
	(erf) = vrcp.f32 v6;
	[tilespmem:s10+$0xFFFFEBE0] =	vst v20;
	v20 =	vld [tilespmem:s11+$0x0]  }
0x141: {  	v29 =	vadd.f32 v49, v48;
	v6 =	vpop (erf);
	(erf) = vrcp.f32 v28;
	v22 =	vld [tilespmem:s12+$0x20]  }
0x142: {  	v24 =	vsub.f32 $0.0e+00, v5;
	v31 =	vmul.f32 v21, v8;
	v8 =	vpop (erf);
	(erf) = vrcp.f32 v17;
	v17 =	vld [tilespmem:s15+$0xFFFFFFF0]  }
0x143: {  	v53 =	vsub.f32 $0.0e+00, v29;
	v21 =	vld [tilespmem:s15+$0xFFFFEBF0];
	v51 =	vpop (erf)  }
0x144: {  	v6 =	vmul.f32 v6, v18;
	v18 =	vadd.f32 v23, v48;
	v23 =	vmul.f32 $1.442695020e+00, v24;
	v28 =	vpop (erf)  }
0x145: {  	v50 =	vld [tilespmem:s17+$0x10];
	v8 =	vmul.f32 v8, v19;
	v24 =	vadd.f32 $1.000000000e+00, v28;
	v28 =	vadd.f32 v20, v14  }
0x146: {  	v52 =	vld [tilespmem:s19+$0xFFFFEBE0];
	(erf) = vpow2.f32 v23;
	[tilespmem:s4+$0xFFFFFF50] =	vst v6  }
0x147: {  	v19 =	vld [tilespmem:s19+$0xFFFFFFE0];
	[tilespmem:s4+$0xFFFFEB50] =	vst v8;
	v8 =	vmul.f32 $1.442695020e+00, v53;
	v23 =	vadd.f32 v17, v22;
	v6 =	vsub.f32 $0.0e+00, v28  }
0x148: {  	v56 =	vld [tilespmem:s8+$0xFFFFFF80];
	v21 =	vadd.f32 v21, v22;
	(erf) = vrcp.f32 v24  }
0x149: {  	v20 =	vld [tilespmem:s24+$0xFFFFEB50];
	(erf) = vpow2.f32 v8;
	v8 =	vsub.f32 $0.0e+00, v23;
	v6 =	vmul.f32 $1.442695020e+00, v6  }
0x14a: {  	v55 =	vld [tilespmem:s24+$0xFFFFFF50];
	v7 =	vmul.f32 v36, v7;
	v54 =	vsub.f32 $0.0e+00, v18;
	v59 =	vpop (erf)  }
0x14b: {  	v58 =	vld [tilespmem:s17+$0xFFFFFF90];
	v60 =	vpop (erf);
	v22 =	vadd.f32 v52, v50;
	v17 =	vsub.f32 $0.0e+00, v21;
	(erf) = vpow2.f32 v6  }
0x14c: {  	v57 =	vmul.f32 $1.442695020e+00, v54;
	v39 =	vld [tilespmem:s19+$0xFFFFEB60];
	v40 =	vpop (erf);
	v24 =	vadd.f32 v19, v50  }
0x14d: {  	v19 =	vsub.f32 $0.0e+00, v22;
	v17 =	vmul.f32 $1.442695020e+00, v17;
	v41 =	vmul.f32 $1.442695020e+00, v8;
	v8 =	vpop (erf)  }
0x14e: {  	v63 =	vmul.f32 v11, v10;
	v20 =	vadd.f32 v20, v56;
	(erf) = vpow2.f32 v57;
	v6 =	vpop (erf)  }
0x14f: {  	[tilespmem:s0+$0xFFFFFF70] =	vst v7;
	v61 =	vsub.f32 $0.0e+00, v24;
	v42 =	vmul.f32 $1.442695020e+00, v19;
	(erf) = vpow2.f32 v17;
	v7 =	vpop (erf)  }
0x150: {  	v19 =	vadd.f32 v55, v56;
	v62 =	vsub.f32 $0.0e+00, v20;
	(erf) = vpow2.f32 v41;
	v11 =	vpop (erf)  }
0x151: {  	v43 =	vmul.f32 v30, v13;
	v10 =	vmul.f32 v51, v16;
	v17 =	vadd.f32 v39, v58;
	v46 =	vpop (erf)  }
0x152: {  	[tilespmem:s0+$0xFFFFEB70] =	vst v31;
	v35 =	vmul.f32 $1.442695020e+00, v61;
	v31 =	vsub.f32 $0.0e+00, v19;
	v47 =	vmul.f32 $1.442695020e+00, v62;
	v50 =	vpop (erf)  }
0x153: {  	v16 =	vld [tilespmem:s19+$0xFFFFFF60];
	(erf) = vpow2.f32 v42;
	v48 =	vsub.f32 $0.0e+00, v17;
	v11 =	vmul.f32 v11, v26;
	v51 =	vpop (erf)  }
0x154: {  	[tilespmem:s10+$0xFFFFFF60] =	vst v10;
	(erf) = vpow2.f32 v35;
	v26 =	vmul.f32 $1.442695020e+00, v31;
	v10 =	vadd.f32 $1.000000000e+00, v51;
	v13 =	vpop (erf)  }
0x155: {  	v45 =	vld [tilespmem:s13+$0xFFFFFFB0];
	(erf) = vpow2.f32 v47;
	v37 =	vmul.f32 $1.442695020e+00, v48;
	[tilespmem:s10+$0xFFFFEB60] =	vst v11;
	v11 =	vadd.f32 $1.000000000e+00, v13  }
0x156: {  	v31 =	vld [tilespmem:s9+$0xFFFFFF80];
	(erf) = vpow2.f32 v26  }
0x157: {  	v26 =	vmul.f32 v15, v9;
	(erf) = vpow2.f32 v37;
	v9 =	vpop (erf)  }
0x158: {  	v49 =	vld [tilespmem:s9+$0xFFFFEB80];
	v15 =	vadd.f32 v16, v58;
	(erf) = vrcp.f32 v10;
	v16 =	vadd.f32 $1.000000000e+00, v9;
	v10 =	vpop (erf)  }
0x159: {  	v30 =	vld [tilespmem:s15+$0xFFFFEB70];
	(erf) = vrcp.f32 v11;
	v11 =	vpop (erf)  }
0x15a: {  	v13 =	vld [tilespmem:s12+$0xFFFFFFA0];
	v11 =	vadd.f32 $1.000000000e+00, v11  }
0x15b: {  	v52 =	vadd.f32 $1.000000000e+00, v10;
	v10 =	vadd.f32 v31, v45;
	v31 =	vld [tilespmem:s15+$0xFFFFFF70]  }
0x15c: {  	v54 =	vadd.f32 $1.000000000e+00, v59;
	(erf) = vrcp.f32 v16;
	v16 =	vpop (erf)  }
0x15d: {  	v32 =	vadd.f32 $1.000000000e+00, v60;
	(erf) = vrcp.f32 v52;
	v16 =	vadd.f32 $1.000000000e+00, v16  }
0x15e: {  	v25 =	vmul.f32 v50, v25;
	v53 =	vsub.f32 $0.0e+00, v15;
	(erf) = vrcp.f32 v11;
	v11 =	vpop (erf)  }
0x15f: {  	v9 =	vadd.f32 v49, v45;
	(erf) = vrcp.f32 v16;
	v57 =	vadd.f32 $1.000000000e+00, v11  }
0x160: {  	v16 =	vmul.f32 $1.442695020e+00, v53;
	v11 =	vadd.f32 v30, v13;
	v13 =	vadd.f32 v31, v13  }
0x161: {  	v55 =	vsub.f32 $0.0e+00, v9;
	v56 =	vsub.f32 $0.0e+00, v10;
	v58 =	vpop (erf);
	(erf) = vrcp.f32 v57  }
0x162: {  	v60 =	vpop (erf);
	v59 =	vsub.f32 $0.0e+00, v11;
	(erf) = vpow2.f32 v16;
	v16 =	vsub.f32 $0.0e+00, v13  }
0x163: {  	[tilespmem:s29+$0xFFFFEC00] =	vst v27;
	v30 =	vmul.f32 $1.442695020e+00, v55;
	v31 =	vmul.f32 $1.442695020e+00, v56;
	v27 =	vadd.f32 $1.000000000e+00, v58;
	v62 =	vpop (erf)  }
0x164: {  	[tilespmem:s30+$0xFFFFEC00] =	vst v63;
	v61 =	vadd.f32 $1.000000000e+00, v60;
	v63 =	vpop (erf);
	(erf) = vrcp.f32 v54;
	v33 =	vmul.f32 $1.442695020e+00, v59  }
0x165: {  	[tilespmem:s0+$0xFFFFEC00] =	vst v43;
	v35 =	vadd.f32 $1.000000000e+00, v62;
	v29 =	vmul.f32 v63, v29;
	(erf) = vrcp.f32 v27  }
0x166: {  	s2 =	simm.s32 $0xC;
	[tilespmem:s29+$0x0] =	vst v26;
	v26 =	vadd.f32 $1.000000000e+00, v40;
	v27 =	vmul.f32 $1.442695020e+00, v16;
	(erf) = vrcp.f32 v61;
	v16 =	vpop (erf)  }
0x167: {  	s18 =	simm.s32 $0x15C00;
	s13 =	simm.s32 $0x19730;
	s9 =	simm.s32 $0x1E730;
	[tilespmem:s6+$0xFFFFFF70] =	vst v25;
	v25 =	vadd.f32 $1.000000000e+00, v46;
	(erf) = vrcp.f32 v35;
	v34 =	vpop (erf);
	v16 =	vmul.f32 v16, v28  }
.LBB2_5:
0x168: {  	v28 =	vld [tilespmem:s18+$0x0];
	[tilespmem:s9+$0xFFFFFFD0] =	vst v29;
	v34 =	vmul.f32 v34, v18;
	(erf) = vpow2.f32 v33;
	v29 =	vpop (erf)  }
0x169: {  	s24 =	sadd.s32 $0x100, s24;
	v21 =	vmul.f32 v29, v21;
	(erf) = vpow2.f32 v27;
	v27 =	vpop (erf);
	v29 =	vld [tilespmem:s11+$0xFFFFEC00];
	[tilespmem:s6+$0xFFFFEC00] =	vst v16  }
0x16a: {  	v16 =	vld [tilespmem:s24+$0xFFFFEBD0];
	[tilespmem:s9+$0xFFFFEBD0] =	vst v34;
	v18 =	vpop (erf);
	v23 =	vmul.f32 v27, v23;
	(erf) = vpow2.f32 v30  }
0x16b: {  	v27 =	vld [tilespmem:s24+$0xFFFFFFD0];
	v33 =	vmul.f32 v18, v22;
	v22 =	vpop (erf);
	[tilespmem:s10+$0xFFFFFFF0] =	vst v21;
	(erf) = vpow2.f32 v31  }
0x16c: {  	v30 =	vld [tilespmem:s8+$0x10];
	v21 =	vmul.f32 v22, v24;
	v22 =	vpop (erf);
	[tilespmem:s10+$0xFFFFEBF0] =	vst v23;
	(erf) = vrcp.f32 v32  }
0x16d: {  	v24 =	vmul.f32 v8, v0;
	v22 =	vadd.f32 $1.000000000e+00, v22;
	[tilespmem:s4+$0xFFFFFFE0] =	vst v33;
	v23 =	vld [tilespmem:s12+$0x30];
	v18 =	vpop (erf);
	(erf) = vrcp.f32 v26  }
0x16e: {  	v8 =	vpop (erf);
	[tilespmem:s4+$0xFFFFEBE0] =	vst v21;
	v21 =	vld [tilespmem:s15+$0x0];
	v12 =	vmul.f32 v18, v12;
	v29 =	vadd.f32 v29, v14;
	(erf) = vrcp.f32 v25  }
0x16f: {  	v0 =	vmov v4;
	v18 =	vmul.f32 v8, v20;
	v14 =	vpop (erf);
	v20 =	vld [tilespmem:s17+$0x20];
	(erf) = vrcp.f32 v22;
	[tilespmem:s29+$0xFFFFFF80] =	vst v24  }
0x170: {  	v2 =	vmul.f32 v6, v2;
	v4 =	vmul.f32 v14, v19;
	v19 =	vld [tilespmem:s19+$0xFFFFEBF0];
	v14 =	vpop (erf);
	[tilespmem:s6+$0xFFFFEB70] =	vst v12;
	v12 =	vsub.f32 $0.0e+00, v29  }
0x171: {  	v7 =	vmul.f32 v7, v1;
	v1 =	vmov v5;
	[tilespmem:s9+$0xFFFFFF50] =	vst v18;
	v6 =	vmul.f32 v14, v17;
	v17 =	vld [tilespmem:s19+$0xFFFFFFF0];
	v8 =	vpop (erf)  }
0x172: {  	v16 =	vadd.f32 v16, v28;
	v18 =	vadd.f32 v27, v28;
	[tilespmem:s9+$0xFFFFEB50] =	vst v4;
	v4 =	vld [tilespmem:s13+$0xFFFFEBE0];
	v28 =	vpop (erf);
	v5 =	vmul.f32 $1.442695020e+00, v12  }
0x173: {  	v24 =	vadd.f32 $1.000000000e+00, v8;
	v14 =	vmov v23;
	v12 =	vld [tilespmem:s13+$0xFFFFFFE0];
	[tilespmem:s4+$0xFFFFFF60] =	vst v6;
	v25 =	vadd.f32 v21, v23;
	v27 =	vpop (erf)  }
0x174: {  	v22 =	vsub.f32 $0.0e+00, v16;
	v23 =	vsub.f32 $0.0e+00, v18;
	v31 =	vld [tilespmem:s24+$0xFFFFEB50];
	(erf) = vpow2.f32 v5;
	v26 =	vpop (erf);
	[tilespmem:s29+$0xFFFFEB80] =	vst v2;
	s29 =	smov.u32 s30;
	s30 =	smov.u32 s0;
	s0 =	smov.u32 s6  }
0x175: {  	s6 =	smov.u32 s10;
	s10 =	smov.u32 s4;
	s4 =	smov.u32 s9;
	v32 =	vld [tilespmem:s24+$0xFFFFFF50];
	v21 =	vadd.f32 v19, v20;
	v2 =	vsub.f32 $0.0e+00, v25;
	(erf) = vrcp.f32 v24;
	[tilespmem:s29+$0x0] =	vst v7;
	v8 =	vpop (erf)  }
0x176: {  	v38 =	vmul.f32 $1.442695020e+00, v22;
	v33 =	vmul.f32 $1.442695020e+00, v23;
	v19 =	vld [tilespmem:s18+$0xFFFFFF80];
	v23 =	vadd.f32 v17, v20;
	v6 =	vpop (erf)  }
0x177: {  	v34 =	vld [tilespmem:s8+$0xFFFFFF90];
	v22 =	vadd.f32 v4, v30;
	v20 =	vsub.f32 $0.0e+00, v21;
	v39 =	vmul.f32 $1.442695020e+00, v2;
	v7 =	vpop (erf)  }
0x178: {  	(erf) = vpow2.f32 v38;
	v17 =	vld [tilespmem:s13+$0xFFFFEB60];
	v24 =	vadd.f32 v12, v30;
	v38 =	vsub.f32 $0.0e+00, v23;
	v30 =	vpop (erf)  }
0x179: {  	v5 =	vmovc v29;
	v4 =	vmovc v9;
	v35 =	vld [tilespmem:s13+$0xFFFFFF60];
	v36 =	vsub.f32 $0.0e+00, v22;
	v37 =	vmul.f32 $1.442695020e+00, v20;
	(erf) = vpow2.f32 v39  }
0x17a: {  	s2 =	sadd.s32 $0x2, s2;
	v2 =	vmovc v3;
	v3 =	vmovc v10;
	(erf) = vpow2.f32 v33;
	v9 =	vsub.f32 $0.0e+00, v24;
	v29 =	vmul.f32 $1.442695020e+00, v38;
	v33 =	vld [tilespmem:s31+$0xFFFFFFB0];
	s31 =	smov.u32 s12;
	s12 =	smov.u32 s17  }
0x17b: {  	p2 =	slt.u32 s2, $0x26;
	v12 =	vmovc v13;
	s17 =	smov.u32 s8;
	s8 =	smov.u32 s18;
	v20 =	vadd.f32 v31, v19;
	v10 =	vmul.f32 $1.442695020e+00, v36;
	(erf) = vpow2.f32 v37;
	v31 =	vld [tilespmem:s11+$0xFFFFEB80]  }
0x17c: {  	v19 =	vadd.f32 v32, v19;
	v9 =	vmul.f32 $1.442695020e+00, v9;
	(erf) = vpow2.f32 v29;
	v13 =	vld [tilespmem:s11+$0xFFFFFF80];
	s11 =	smov.u32 s15;
	s15 =	smov.u32 s19;
	s19 =	smov.u32 s13  }
0x17d: {  	s13 =	smov.u32 s24;
	v29 =	vsub.f32 $0.0e+00, v20;
	v17 =	vadd.f32 v17, v34;
	(erf) = vpow2.f32 v10;
	v36 =	vpop (erf)  }
0x17e: {  	v10 =	vsub.f32 $0.0e+00, v19;
	v37 =	vadd.f32 v35, v34;
	(erf) = vpow2.f32 v9;
	v34 =	vpop (erf)  }
0x17f: {  	v30 =	vmul.f32 v30, v15;
	v9 =	vmul.f32 $1.442695020e+00, v29;
	v29 =	vsub.f32 $0.0e+00, v17  }
0x180: {  	v28 =	vadd.f32 $1.000000000e+00, v28;
	v38 =	vmul.f32 $1.442695020e+00, v10;
	v35 =	vsub.f32 $0.0e+00, v37;
	v15 =	vmovc v37  }
0x181: {  	(erf) = vpow2.f32 v9;
	v32 =	vpop (erf);
	v29 =	vmul.f32 $1.442695020e+00, v29;
	[tilespmem:s10+$0xFFFFEB60] =	vst v30;
	v9 =	vadd.f32 v31, v33  }
0x182: {  	v39 =	vadd.f32 $1.000000000e+00, v32;
	(erf) = vpow2.f32 v38;
	v35 =	vmul.f32 $1.442695020e+00, v35;
	v31 =	vld [tilespmem:s12+$0xFFFFFFA0];
	v10 =	vpop (erf)  }
0x183: {  	v11 =	vmul.f32 v34, v11;
	v32 =	vpop (erf);
	(erf) = vpow2.f32 v29;
	v29 =	vld [tilespmem:s15+$0xFFFFEB70];
	v34 =	vadd.f32 $1.000000000e+00, v10  }
0x184: {  	v10 =	vadd.f32 v13, v33;
	v40 =	vadd.f32 $1.000000000e+00, v32;
	(erf) = vrcp.f32 v39;
	v37 =	vld [tilespmem:s15+$0xFFFFFF70];
	v30 =	vpop (erf)  }
0x185: {  	v13 =	vadd.f32 $1.000000000e+00, v30;
	v30 =	vpop (erf);
	[tilespmem:s6+$0xFFFFFF70] =	vst v11;
	(erf) = vrcp.f32 v34;
	v11 =	vsub.f32 $0.0e+00, v9  }
0x186: {  	v34 =	vsub.f32 $0.0e+00, v10;
	(erf) = vrcp.f32 v40;
	v32 =	vpop (erf);
	v33 =	vadd.f32 $1.000000000e+00, v30  }
0x187: {  	v32 =	vadd.f32 $1.000000000e+00, v32;
	v38 =	vpop (erf);
	(erf) = vrcp.f32 v13;
	v30 =	vmul.f32 $1.442695020e+00, v11  }
0x188: {  	v38 =	vadd.f32 $1.000000000e+00, v38;
	v11 =	vadd.f32 v29, v31;
	(erf) = vrcp.f32 v33  }
0x189: {  	(erf) = vrcp.f32 v32;
	v13 =	vadd.f32 v37, v31;
	v31 =	vmul.f32 $1.442695020e+00, v34  }
0x18a: {  	v32 =	vadd.f32 $1.000000000e+00, v27;
	v29 =	vpop (erf);
	(erf) = vrcp.f32 v38;
	v33 =	vsub.f32 $0.0e+00, v11  }
.Ltmp5:
0x18b: {  	v27 =	vadd.f32 $1.000000000e+00, v29;
	v29 =	vpop (erf);
	(erf) = vpow2.f32 v35;
	v34 =	vsub.f32 $0.0e+00, v13;
	(pc) =	sbr.rel @p2 .LBB2_5-.Ltmp5, $4  }
0x18c: {  	v35 =	vadd.f32 $1.000000000e+00, v29;
	v29 =	vpop (erf);
	v33 =	vmul.f32 $1.442695020e+00, v33;
	(erf) = vrcp.f32 v28  }
0x18d: {  	(erf) = vrcp.f32 v27;
	v28 =	vpop (erf);
	v37 =	vadd.f32 $1.000000000e+00, v29;
	v27 =	vmul.f32 $1.442695020e+00, v34  }
0x18e: {  	v26 =	vadd.f32 $1.000000000e+00, v26;
	v29 =	vmul.f32 v28, v16;
	(erf) = vrcp.f32 v35;
	v16 =	vpop (erf)  }
0x18f: {  	s9 =	sadd.s32 $0x100, s9;
	s18 =	sadd.s32 $0x100, s18;
	v34 =	vpop (erf);
	(erf) = vrcp.f32 v37;
	v16 =	vmul.f32 v16, v25;
	v25 =	vadd.f32 $1.000000000e+00, v36  }
0x190: {  	v18 =	vmul.f32 v34, v18  }
0x191: {  	v28 =	vpop (erf);
	[tilespmem:s9+$0xFFFFFFD0] =	vst v29  }
0x192: {  	v53 =	vld [tilespmem:s11+$0xFFFFEC00];
	v21 =	vmul.f32 v28, v21;
	v51 =	vpop (erf);
	[tilespmem:s9+$0xFFFFEBD0] =	vst v18  }
0x193: {  	v52 =	vpop (erf);
	v23 =	vmul.f32 v51, v23;
	v55 =	vld [tilespmem:s8+$0x10]  }
0x194: {  	v18 =	vmul.f32 v52, v22;
	v54 =	vpop (erf);
	[tilespmem:s10+$0xFFFFFFF0] =	vst v21;
	v62 =	vld [tilespmem:s13+$0xFFFFEBE0]  }
0x195: {  	v39 =	vld [tilespmem:s13+$0xFFFFFFE0];
	v24 =	vmul.f32 v54, v24;
	[tilespmem:s10+$0xFFFFEBF0] =	vst v23  }
0x196: {  	(erf) = vpow2.f32 v33;
	[tilespmem:s4+$0xFFFFFFE0] =	vst v18;
	v22 =	vld [tilespmem:s12+$0x30]  }
0x197: {  	v56 =	vld [tilespmem:s15+$0x0];
	[tilespmem:s4+$0xFFFFEBE0] =	vst v24  }
0x198: {  	(erf) = vpow2.f32 v27;
	v24 =	vld [tilespmem:s17+$0x20]  }
0x199: {  	(erf) = vpow2.f32 v30;
	v58 =	vld [tilespmem:s19+$0xFFFFEBF0]  }
0x19a: {  	v57 =	vpop (erf);
	(erf) = vpow2.f32 v31;
	v14 =	vadd.f32 v53, v14;
	v60 =	vld [tilespmem:s19+$0xFFFFFFF0]  }
0x19b: {  	v27 =	vpop (erf);
	(erf) = vrcp.f32 v32  }
0x19c: {  	v23 =	vadd.f32 $1.000000000e+00, v57;
	v59 =	vpop (erf);
	(erf) = vrcp.f32 v26;
	v38 =	vsub.f32 $0.0e+00, v14  }
0x19d: {  	v61 =	vpop (erf);
	v20 =	vmul.f32 v59, v20;
	(erf) = vrcp.f32 v25;
	v28 =	vadd.f32 v62, v55  }
0x19e: {  	v63 =	vpop (erf);
	v19 =	vmul.f32 v61, v19;
	v26 =	vadd.f32 v39, v55;
	v18 =	vadd.f32 v56, v22  }
0x19f: {  	v41 =	vmul.f32 $1.442695020e+00, v38;
	v40 =	vpop (erf);
	v29 =	vadd.f32 v58, v24;
	v24 =	vadd.f32 v60, v24  }
0x1a0: {  	(erf) = vrcp.f32 v23;
	v23 =	vadd.f32 $1.000000000e+00, v40;
	v42 =	vsub.f32 $0.0e+00, v18  }
0x1a1: {  	[tilespmem:s9+$0xFFFFFF50] =	vst v20;
	(erf) = vpow2.f32 v41;
	v43 =	vsub.f32 $0.0e+00, v29;
	v45 =	vsub.f32 $0.0e+00, v24  }
0x1a2: {  	[tilespmem:s9+$0xFFFFEB50] =	vst v19;
	v47 =	vsub.f32 $0.0e+00, v28;
	v44 =	vmul.f32 $1.442695020e+00, v42;
	(erf) = vrcp.f32 v23  }
0x1a3: {  	v50 =	vsub.f32 $0.0e+00, v26;
	v46 =	vld [tilespmem:s8+$0xFFFFFF90];
	v20 =	vmul.f32 $1.442695020e+00, v43;
	v21 =	vmul.f32 $1.442695020e+00, v45  }
0x1a4: {  	v49 =	vld [tilespmem:s13+$0xFFFFEB60];
	v48 =	vpop (erf);
	v30 =	vmul.f32 $1.442695020e+00, v47;
	(erf) = vpow2.f32 v44  }
0x1a5: {  	v19 =	vmul.f32 $1.442695020e+00, v50;
	v33 =	vpop (erf);
	(erf) = vpow2.f32 v20  }
0x1a6: {  	v34 =	vpop (erf);
	(erf) = vpow2.f32 v21  }
0x1a7: {  	v21 =	vpop (erf);
	(erf) = vpow2.f32 v30  }
0x1a8: {  	v20 =	vpop (erf);
	(erf) = vpow2.f32 v19  }
0x1a9: {  	v30 =	vadd.f32 v49, v46;
	v19 =	vpop (erf)  }
0x1aa: {  	v51 =	vpop (erf)  }
0x1ab: {  	v36 =	vsub.f32 $0.0e+00, v30;
	v35 =	vpop (erf)  }
0x1ac: {  	v37 =	vpop (erf)  }
0x1ad: {  	v36 =	vmul.f32 $1.442695020e+00, v36;
	v38 =	vpop (erf)  }
0x1ae: {  	v17 =	vmul.f32 v63, v17;
	v56 =	vld [tilespmem:s13+$0xFFFFFF60];
	v52 =	vadd.f32 $1.000000000e+00, v38;
	v53 =	vpop (erf)  }
0x1af: {  	v15 =	vmul.f32 v51, v15;
	(erf) = vpow2.f32 v36;
	v54 =	vadd.f32 $1.000000000e+00, v53;
	v55 =	vpop (erf)  }
0x1b0: {  	[tilespmem:s4+$0xFFFFFF60] =	vst v17;
	(erf) = vrcp.f32 v52;
	v57 =	vpop (erf);
	v36 =	vadd.f32 $1.000000000e+00, v55  }
0x1b1: {  	[tilespmem:s4+$0xFFFFEB60] =	vst v15;
	v58 =	vadd.f32 $1.000000000e+00, v57;
	v59 =	vpop (erf);
	(erf) = vrcp.f32 v54  }
0x1b2: {  	v60 =	vld [tilespmem:s17+$0xFFFFFFA0];
	v25 =	vadd.f32 $1.000000000e+00, v59;
	(erf) = vrcp.f32 v36  }
0x1b3: {  	v61 =	vld [tilespmem:s19+$0xFFFFEB70];
	v36 =	vadd.f32 v56, v46;
	(erf) = vrcp.f32 v58  }
0x1b4: {  	v12 =	vmul.f32 v27, v12;
	(erf) = vrcp.f32 v25  }
0x1b5: {  	v17 =	vsub.f32 $0.0e+00, v36  }
0x1b6: {  	[tilespmem:s6+$0xFFFFEB70] =	vst v12  }
0x1b7: {  	v62 =	vld [tilespmem:s31+$0xFFFFFFB0]  }
0x1b8: {  	v44 =	vld [tilespmem:s19+$0xFFFFFF70];
	v25 =	vadd.f32 v61, v60;
	v39 =	vpop (erf)  }
0x1b9: {  	v63 =	vld [tilespmem:s11+$0xFFFFEB80];
	v40 =	vmul.f32 $1.442695020e+00, v17;
	v17 =	vpop (erf)  }
0x1ba: {  	v45 =	vld [tilespmem:s11+$0xFFFFFF80];
	v46 =	vsub.f32 $0.0e+00, v25;
	v41 =	vpop (erf)  }
0x1bb: {  	v31 =	vadd.f32 $1.000000000e+00, v48;
	(erf) = vpow2.f32 v40;
	v47 =	vmul.f32 v41, v29;
	v48 =	vpop (erf)  }
0x1bc: {  	v39 =	vadd.f32 $1.000000000e+00, v39;
	v32 =	vmul.f32 $1.442695020e+00, v46;
	v49 =	vpop (erf);
	v24 =	vmul.f32 v48, v24  }
0x1bd: {  	v52 =	vld [tilespmem:s15+$0xFFFFEC00];
	v27 =	vadd.f32 v44, v60;
	(erf) = vrcp.f32 v31;
	v28 =	vmul.f32 v49, v28;
	v50 =	vpop (erf);
	[tilespmem:s4+$0xFFFFFFF0] =	vst v47  }
0x1be: {  	v12 =	vadd.f32 v63, v62;
	(erf) = vrcp.f32 v39;
	v26 =	vmul.f32 v50, v26;
	[tilespmem:s4+$0xFFFFEBF0] =	vst v24  }
0x1bf: {  	v15 =	vadd.f32 v45, v62;
	v51 =	vsub.f32 $0.0e+00, v27;
	(erf) = vpow2.f32 v32;
	[tilespmem:s9+$0xFFFFFFE0] =	vst v28;
	v29 =	vld [tilespmem:s17+$0x30]  }
0x1c0: {  	v53 =	vsub.f32 $0.0e+00, v12;
	v55 =	vld [tilespmem:s19+$0x0];
	[tilespmem:s9+$0xFFFFEBE0] =	vst v26  }
0x1c1: {  	v54 =	vsub.f32 $0.0e+00, v15;
	v23 =	vmul.f32 $1.442695020e+00, v51;
	v56 =	vld [tilespmem:s8+$0x20]  }
0x1c2: {  	v22 =	vadd.f32 v52, v22;
	v24 =	vmul.f32 $1.442695020e+00, v53;
	v57 =	vld [tilespmem:s13+$0xFFFFEBF0]  }
0x1c3: {  	(erf) = vpow2.f32 v23;
	v28 =	vmul.f32 $1.442695020e+00, v54;
	v59 =	vld [tilespmem:s13+$0xFFFFFFF0]  }
0x1c4: {  	v58 =	vadd.f32 $1.000000000e+00, v33;
	v43 =	vsub.f32 $0.0e+00, v22;
	(erf) = vpow2.f32 v24  }
0x1c5: {  	v60 =	vadd.f32 $1.000000000e+00, v34;
	v61 =	vadd.f32 $1.000000000e+00, v35;
	(erf) = vpow2.f32 v28;
	v62 =	vpop (erf)  }
0x1c6: {  	v33 =	vmul.f32 $1.442695020e+00, v43;
	(erf) = vrcp.f32 v58;
	v63 =	vpop (erf);
	v23 =	vadd.f32 v55, v29  }
0x1c7: {  	v44 =	vadd.f32 $1.000000000e+00, v62;
	(erf) = vrcp.f32 v60;
	v45 =	vpop (erf);
	v35 =	vadd.f32 v57, v56  }
0x1c8: {  	(erf) = vrcp.f32 v61;
	v46 =	vpop (erf);
	v47 =	vsub.f32 $0.0e+00, v23;
	v32 =	vadd.f32 v59, v56  }
0x1c9: {  	(erf) = vrcp.f32 v44;
	v48 =	vadd.f32 $1.000000000e+00, v46;
	v49 =	vsub.f32 $0.0e+00, v35  }
0x1ca: {  	(erf) = vpow2.f32 v33;
	v50 =	vmul.f32 $1.442695020e+00, v47;
	v51 =	vsub.f32 $0.0e+00, v32  }
0x1cb: {  	(erf) = vrcp.f32 v48;
	v52 =	vmul.f32 $1.442695020e+00, v49  }
0x1cc: {  	v53 =	vpop (erf);
	(erf) = vpow2.f32 v50;
	v54 =	vmul.f32 $1.442695020e+00, v51  }
0x1cd: {  	v33 =	vpop (erf);
	(erf) = vpow2.f32 v52  }
0x1ce: {  	v39 =	vpop (erf);
	(erf) = vpow2.f32 v54  }
0x1cf: {  	v28 =	vpop (erf)  }
0x1d0: {  	v26 =	vpop (erf)  }
0x1d1: {  	v24 =	vpop (erf)  }
0x1d2: {  	v55 =	vpop (erf)  }
0x1d3: {  	v41 =	vpop (erf)  }
0x1d4: {  	v42 =	vpop (erf)  }
0x1d5: {  	v43 =	vpop (erf)  }
0x1d6: {  	v30 =	vmul.f32 v45, v30;
	v56 =	vadd.f32 $1.000000000e+00, v43;
	v57 =	vpop (erf)  }
0x1d7: {  	v36 =	vmul.f32 v55, v36;
	v58 =	vadd.f32 $1.000000000e+00, v57;
	v59 =	vpop (erf)  }
0x1d8: {  	[tilespmem:s9+$0xFFFFFF60] =	vst v30;
	(erf) = vrcp.f32 v56;
	v60 =	vadd.f32 $1.000000000e+00, v59  }
0x1d9: {  	[tilespmem:s9+$0xFFFFEB60] =	vst v36;
	(erf) = vrcp.f32 v58  }
0x1da: {  	v61 =	vld [tilespmem:s8+$0xFFFFFFA0];
	(erf) = vrcp.f32 v60  }
0x1db: {  	v11 =	vmul.f32 v37, v11;
	v62 =	vld [tilespmem:s13+$0xFFFFEB70]  }
0x1dc: {  	v13 =	vmul.f32 v63, v13  }
0x1dd: {  	[tilespmem:s10+$0xFFFFFF70] =	vst v11  }
0x1de: {  	[tilespmem:s10+$0xFFFFEB70] =	vst v13  }
0x1df: {  	v13 =	vld [tilespmem:s12+$0xFFFFFFB0]  }
0x1e0: {  	v63 =	vld [tilespmem:s13+$0xFFFFFF70];
	v30 =	vadd.f32 v62, v61  }
0x1e1: {  	v45 =	vld [tilespmem:s15+$0xFFFFEB80];
	v36 =	vpop (erf)  }
0x1e2: {  	v46 =	vld [tilespmem:s15+$0xFFFFFF80];
	v47 =	vsub.f32 $0.0e+00, v30;
	v48 =	vpop (erf)  }
0x1e3: {  	v38 =	vadd.f32 $1.000000000e+00, v53;
	v35 =	vmul.f32 v48, v35;
	v49 =	vpop (erf)  }
0x1e4: {  	v40 =	vmul.f32 $1.442695020e+00, v47;
	v32 =	vmul.f32 v49, v32  }
0x1e5: {  	v50 =	vld [tilespmem:s19+$0xFFFFEC00];
	v31 =	vadd.f32 v63, v61;
	(erf) = vrcp.f32 v38;
	[tilespmem:s9+$0xFFFFFFF0] =	vst v35  }
0x1e6: {  	v11 =	vadd.f32 v45, v13;
	(erf) = vpow2.f32 v40;
	[tilespmem:s9+$0xFFFFEBF0] =	vst v32  }
0x1e7: {  	v13 =	vadd.f32 v46, v13;
	v51 =	vsub.f32 $0.0e+00, v31;
	v35 =	vld [tilespmem:s8+$0x30]  }
0x1e8: {  	v52 =	vsub.f32 $0.0e+00, v11;
	v53 =	vld [tilespmem:s13+$0x0]  }
0x1e9: {  	v54 =	vsub.f32 $0.0e+00, v13;
	v32 =	vmul.f32 $1.442695020e+00, v51  }
0x1ea: {  	v37 =	vmul.f32 $1.442695020e+00, v52;
	v29 =	vadd.f32 v50, v29  }
0x1eb: {  	v40 =	vmul.f32 $1.442695020e+00, v54;
	(erf) = vpow2.f32 v32  }
0x1ec: {  	v55 =	vadd.f32 $1.000000000e+00, v33;
	v34 =	vsub.f32 $0.0e+00, v29;
	(erf) = vpow2.f32 v37  }
0x1ed: {  	v56 =	vadd.f32 $1.000000000e+00, v39;
	(erf) = vpow2.f32 v40;
	v37 =	vadd.f32 v53, v35  }
0x1ee: {  	v57 =	vadd.f32 $1.000000000e+00, v41;
	v58 =	vpop (erf);
	(erf) = vrcp.f32 v55  }
0x1ef: {  	v34 =	vmul.f32 $1.442695020e+00, v34;
	v59 =	vpop (erf);
	(erf) = vrcp.f32 v56;
	v60 =	vsub.f32 $0.0e+00, v37  }
0x1f0: {  	v33 =	vadd.f32 $1.000000000e+00, v59;
	(erf) = vrcp.f32 v57  }
0x1f1: {  	(erf) = vpow2.f32 v34;
	v61 =	vmul.f32 $1.442695020e+00, v60  }
0x1f2: {  	(erf) = vrcp.f32 v33  }
0x1f3: {  	(erf) = vpow2.f32 v61  }
0x1f4: {  	v62 =	vpop (erf)  }
0x1f5: {  	v63 =	vpop (erf)  }
0x1f6: {  	v48 =	vpop (erf)  }
0x1f7: {  	v39 =	vpop (erf)  }
0x1f8: {  	v40 =	vpop (erf)  }
0x1f9: {  	v41 =	vpop (erf)  }
0x1fa: {  	v49 =	vpop (erf)  }
0x1fb: {  	v44 =	vpop (erf)  }
0x1fc: {  	v45 =	vpop (erf)  }
0x1fd: {  	v45 =	vadd.f32 $1.000000000e+00, v45  }
0x1fe: {  	v33 =	vadd.f32 $1.000000000e+00, v62  }
0x1ff: {  	(erf) = vrcp.f32 v45  }
0x200: {  	(erf) = vrcp.f32 v33;
	_ =	sdelay $0x2  }
0x201: {  	v25 =	vmul.f32 v42, v25  }
0x202: {  	v27 =	vmul.f32 v58, v27  }
0x203: {  	[tilespmem:s4+$0xFFFFFF70] =	vst v25  }
0x204: {  	[tilespmem:s4+$0xFFFFEB70] =	vst v27  }
0x205: {  	v25 =	vld [tilespmem:s17+$0xFFFFFFB0]  }
0x206: {  	v27 =	vld [tilespmem:s19+$0xFFFFEB80];
	v32 =	vpop (erf)  }
0x207: {  	v50 =	vld [tilespmem:s19+$0xFFFFFF80];
	v30 =	vmul.f32 v44, v30;
	v51 =	vpop (erf)  }
0x208: {  	v31 =	vmul.f32 v51, v31  }
0x209: {  	[tilespmem:s9+$0xFFFFFF70] =	vst v30  }
0x20a: {  	v52 =	vld [tilespmem:s13+$0xFFFFEC00];
	[tilespmem:s9+$0xFFFFEB70] =	vst v31  }
0x20b: {  	v27 =	vadd.f32 v27, v25;
	v31 =	vld [tilespmem:s8+$0xFFFFFFB0]  }
0x20c: {  	v25 =	vadd.f32 v50, v25;
	v53 =	vld [tilespmem:s13+$0xFFFFEB80]  }
0x20d: {  	v54 =	vsub.f32 $0.0e+00, v27;
	v55 =	vld [tilespmem:s13+$0xFFFFFF80]  }
0x20e: {  	v56 =	vsub.f32 $0.0e+00, v25  }
0x20f: {  	v42 =	vmul.f32 $1.442695020e+00, v54  }
0x210: {  	v57 =	vmul.f32 $1.442695020e+00, v56;
	v34 =	vadd.f32 $1.000000000e+00, v63;
	v30 =	vadd.f32 v52, v35  }
0x211: {  	v38 =	vadd.f32 $1.000000000e+00, v48;
	(erf) = vpow2.f32 v42;
	v33 =	vadd.f32 v53, v31  }
0x212: {  	v58 =	vsub.f32 $0.0e+00, v30;
	(erf) = vpow2.f32 v57;
	v31 =	vadd.f32 v55, v31  }
0x213: {  	v59 =	vadd.f32 $1.000000000e+00, v49;
	(erf) = vrcp.f32 v34;
	v60 =	vsub.f32 $0.0e+00, v33  }
0x214: {  	v35 =	vmul.f32 $1.442695020e+00, v58;
	(erf) = vrcp.f32 v38;
	v61 =	vsub.f32 $0.0e+00, v31  }
0x215: {  	(erf) = vrcp.f32 v59;
	v34 =	vmul.f32 $1.442695020e+00, v60  }
0x216: {  	(erf) = vpow2.f32 v35;
	v62 =	vmul.f32 $1.442695020e+00, v61  }
0x217: {  	(erf) = vpow2.f32 v34  }
0x218: {  	v0 =	vmul.f32 v8, v0;
	(erf) = vpow2.f32 v62  }
0x219: {  	v2 =	vmul.f32 v6, v2;
	[tilespmem:s6+$0xFFFFEC00] =	vst v16  }
0x21a: {  	[tilespmem:s29+$0xFFFFFF80] =	vst v0;
	v17 =	vmul.f32 v17, v18;
	v16 =	vpop (erf)  }
0x21b: {  	[tilespmem:s29+$0xFFFFEB80] =	vst v2;
	v43 =	vmul.f32 v19, v5;
	v18 =	vpop (erf)  }
0x21c: {  	[tilespmem:s10+$0xFFFFEC00] =	vst v17;
	v47 =	vmul.f32 v28, v9;
	v35 =	vpop (erf)  }
0x21d: {  	[tilespmem:s0+$0x0] =	vst v43;
	v63 =	vmul.f32 v7, v1;
	v42 =	vpop (erf)  }
0x21e: {  	[tilespmem:s0+$0xFFFFFF80] =	vst v47;
	v54 =	vmul.f32 v40, v15;
	v1 =	vadd.f32 $1.000000000e+00, v16;
	v44 =	vpop (erf)  }
0x21f: {  	[tilespmem:s30+$0x0] =	vst v63;
	v49 =	vmul.f32 v26, v10;
	v6 =	vadd.f32 $1.000000000e+00, v18;
	v46 =	vpop (erf)  }
0x220: {  	[tilespmem:s6+$0xFFFFEB80] =	vst v54;
	v45 =	vmul.f32 v36, v23;
	v7 =	vadd.f32 $1.000000000e+00, v46;
	(erf) = vrcp.f32 v1;
	v48 =	vpop (erf)  }
0x221: {  	[tilespmem:s0+$0xFFFFEB80] =	vst v49;
	v38 =	vmul.f32 v20, v3;
	(erf) = vrcp.f32 v6;
	v50 =	vpop (erf);
	v1 =	vadd.f32 $1.000000000e+00, v48  }
0x222: {  	[tilespmem:s4+$0xFFFFEC00] =	vst v45;
	v52 =	vmul.f32 v32, v37;
	(erf) = vrcp.f32 v7;
	v6 =	vadd.f32 $1.000000000e+00, v50  }
0x223: {  	[tilespmem:s30+$0xFFFFEB80] =	vst v38;
	v51 =	vmul.f32 v24, v14;
	(erf) = vrcp.f32 v1  }
0x224: {  	[tilespmem:s9+$0xFFFFEC00] =	vst v52;
	v56 =	vmul.f32 v35, v11;
	(erf) = vrcp.f32 v6  }
0x225: {  	[tilespmem:s6+$0x0] =	vst v51;
	v57 =	vmul.f32 v42, v13  }
0x226: {  	[tilespmem:s10+$0xFFFFFF80] =	vst v56;
	v58 =	vmul.f32 v44, v29  }
0x227: {  	[tilespmem:s10+$0xFFFFEB80] =	vst v57;
	v53 =	vmul.f32 v39, v12  }
0x228: {  	[tilespmem:s4+$0x0] =	vst v58;
	v55 =	vmul.f32 v41, v22  }
0x229: {  	[tilespmem:s6+$0xFFFFFF80] =	vst v53;
	v34 =	vmul.f32 v21, v4;
	v59 =	vpop (erf)  }
0x22a: {  	[tilespmem:s10+$0x0] =	vst v55;
	v60 =	vpop (erf);
	v2 =	vmul.f32 v59, v27  }
0x22b: {  	[tilespmem:s30+$0xFFFFFF80] =	vst v34;
	v61 =	vpop (erf);
	v0 =	vmul.f32 v60, v25  }
.Ltmp6:
0x22c: {  	[tilespmem:s4+$0xFFFFFF80] =	vst v2;
	v1 =	vmul.f32 v61, v30;
	v62 =	vpop (erf);
	(pc) =	sbr.rel .LBB2_10-.Ltmp6, $4  }
0x22d: {  	[tilespmem:s4+$0xFFFFEB80] =	vst v0;
	v63 =	vpop (erf);
	v2 =	vmul.f32 v62, v33  }
0x22e: {  	[tilespmem:s9+$0x0] =	vst v1;
	v0 =	vmul.f32 v63, v31  }
0x22f: {  	[tilespmem:s9+$0xFFFFFF80] =	vst v2  }
0x230: {  	[tilespmem:s9+$0xFFFFEB80] =	vst v0  }
.LBB2_7:
0x231: {  	v0 =	vld [tilespmem:s17+$0x0]  }
0x232: {  	v1 =	vld [tilespmem:s10+$0xFFFFEBD0]  }
0x233: {  	v2 =	vld [tilespmem:s10+$0xFFFFFFD0];
	_ =	sdelay $0x3  }
0x234: {  	v1 =	vadd.f32 v1, v0  }
0x235: {  	v3 =	vld [tilespmem:s10+$0xFFFFEB50];
	v0 =	vadd.f32 v2, v0  }
0x236: {  	v5 =	vld [tilespmem:s17+$0xFFFFFF80];
	v2 =	vsub.f32 $0.0e+00, v1  }
0x237: {  	v6 =	vld [tilespmem:s10+$0xFFFFFF50];
	v4 =	vsub.f32 $0.0e+00, v0  }
0x238: {  	v2 =	vmul.f32 $1.442695020e+00, v2  }
0x239: {  	v4 =	vmul.f32 $1.442695020e+00, v4  }
0x23a: {  	(erf) = vpow2.f32 v2  }
0x23b: {  	v2 =	vadd.f32 v3, v5;
	(erf) = vpow2.f32 v4  }
0x23c: {  	v3 =	vadd.f32 v6, v5  }
0x23d: {  	v4 =	vsub.f32 $0.0e+00, v2  }
0x23e: {  	v5 =	vsub.f32 $0.0e+00, v3  }
0x23f: {  	v4 =	vmul.f32 $1.442695020e+00, v4  }
0x240: {  	v5 =	vmul.f32 $1.442695020e+00, v5  }
0x241: {  	(erf) = vpow2.f32 v4;
	_ =	sdelay $0x1  }
0x242: {  	(erf) = vpow2.f32 v5;
	v4 =	vpop (erf)  }
0x243: {  	v4 =	vadd.f32 $1.000000000e+00, v4;
	v5 =	vpop (erf)  }
0x244: {  	v5 =	vadd.f32 $1.000000000e+00, v5  }
0x245: {  	(erf) = vrcp.f32 v4  }
0x246: {  	(erf) = vrcp.f32 v5;
	_ =	sdelay $0x2  }
0x247: {  	v4 =	vpop (erf)  }
0x248: {  	v4 =	vadd.f32 $1.000000000e+00, v4  }
0x249: {  	v5 =	vpop (erf)  }
0x24a: {  	v5 =	vadd.f32 $1.000000000e+00, v5  }
0x24b: {  	(erf) = vrcp.f32 v4  }
0x24c: {  	(erf) = vrcp.f32 v5;
	v4 =	vpop (erf)  }
0x24d: {  	s8 =	simm.s32 $0x15640;
	v1 =	vmul.f32 v4, v1;
	v4 =	vpop (erf)  }
0x24e: {  	s4 =	simm.s32 $0x19230;
	v5 =	vld [tilespmem:s8+$0x0];
	v0 =	vmul.f32 v4, v0  }
0x24f: {  	[tilespmem:s29+$0xFFFFFFD0] =	vst v1;
	v1 =	vld [tilespmem:s4+$0xFFFFEBD0]  }
0x250: {  	[tilespmem:s29+$0xFFFFEBD0] =	vst v0;
	v0 =	vld [tilespmem:s4+$0xFFFFFFD0]  }
0x251: {  	v4 =	vld [tilespmem:s17+$0x10]  }
0x252: {  	v6 =	vld [tilespmem:s10+$0xFFFFEBE0]  }
0x253: {  	v7 =	vld [tilespmem:s10+$0xFFFFFFE0]  }
0x254: {  	v8 =	vpop (erf);
	v1 =	vadd.f32 v1, v5  }
0x255: {  	v2 =	vmul.f32 v8, v2;
	v8 =	vpop (erf)  }
0x256: {  	v9 =	vld [tilespmem:s4+$0xFFFFFF50];
	v3 =	vmul.f32 v8, v3;
	v0 =	vadd.f32 v0, v5;
	v8 =	vsub.f32 $0.0e+00, v1  }
0x257: {  	v5 =	vld [tilespmem:s4+$0xFFFFEB50];
	[tilespmem:s29+$0xFFFFFF50] =	vst v2;
	v6 =	vadd.f32 v6, v4  }
0x258: {  	v4 =	vadd.f32 v7, v4;
	[tilespmem:s29+$0xFFFFEB50] =	vst v3;
	v3 =	vld [tilespmem:s8+$0xFFFFFF80];
	v2 =	vsub.f32 $0.0e+00, v0;
	v7 =	vmul.f32 $1.442695020e+00, v8  }
0x259: {  	v10 =	vld [tilespmem:s17+$0xFFFFFF90];
	v8 =	vsub.f32 $0.0e+00, v6  }
0x25a: {  	v11 =	vsub.f32 $0.0e+00, v4;
	v2 =	vmul.f32 $1.442695020e+00, v2;
	(erf) = vpow2.f32 v7;
	v7 =	vld [tilespmem:s10+$0xFFFFEB60]  }
0x25b: {  	v8 =	vmul.f32 $1.442695020e+00, v8  }
0x25c: {  	(erf) = vpow2.f32 v2;
	v2 =	vmul.f32 $1.442695020e+00, v11  }
0x25d: {  	v5 =	vadd.f32 v5, v3;
	(erf) = vpow2.f32 v8  }
0x25e: {  	(erf) = vpow2.f32 v2;
	v2 =	vadd.f32 v9, v3  }
0x25f: {  	v3 =	vsub.f32 $0.0e+00, v5;
	v7 =	vadd.f32 v7, v10  }
0x260: {  	v8 =	vsub.f32 $0.0e+00, v2  }
0x261: {  	v3 =	vmul.f32 $1.442695020e+00, v3;
	v9 =	vsub.f32 $0.0e+00, v7  }
0x262: {  	v8 =	vmul.f32 $1.442695020e+00, v8  }
0x263: {  	v9 =	vmul.f32 $1.442695020e+00, v9;
	_ =	sdelay $0x1  }
0x264: {  	(erf) = vpow2.f32 v3;
	v3 =	vpop (erf)  }
0x265: {  	(erf) = vpow2.f32 v8;
	v3 =	vadd.f32 $1.000000000e+00, v3;
	v8 =	vpop (erf)  }
0x266: {  	v11 =	vld [tilespmem:s10+$0xFFFFFF60];
	(erf) = vpow2.f32 v9;
	v8 =	vadd.f32 $1.000000000e+00, v8;
	v9 =	vpop (erf)  }
0x267: {  	(erf) = vrcp.f32 v3;
	v3 =	vadd.f32 $1.000000000e+00, v9;
	v9 =	vpop (erf)  }
0x268: {  	(erf) = vrcp.f32 v8;
	v8 =	vadd.f32 $1.000000000e+00, v9  }
0x269: {  	(erf) = vrcp.f32 v3  }
0x26a: {  	(erf) = vrcp.f32 v8  }
0x26b: {  	v3 =	vadd.f32 v11, v10;
	_ =	sdelay $0x1  }
0x26c: {  	v9 =	vpop (erf);
	v8 =	vsub.f32 $0.0e+00, v3  }
0x26d: {  	v9 =	vadd.f32 $1.000000000e+00, v9;
	v10 =	vpop (erf)  }
0x26e: {  	v8 =	vmul.f32 $1.442695020e+00, v8;
	v11 =	vpop (erf)  }
0x26f: {  	v12 =	vpop (erf)  }
0x270: {  	(erf) = vpow2.f32 v8;
	v8 =	vadd.f32 $1.000000000e+00, v10;
	v1 =	vmul.f32 v12, v1;
	v10 =	vpop (erf)  }
0x271: {  	s13 =	simm.s32 $0x15740;
	s30 =	simm.s32 $0x1E230;
	(erf) = vrcp.f32 v9;
	v0 =	vmul.f32 v10, v0;
	v9 =	vpop (erf)  }
0x272: {  	s9 =	simm.s32 $0x19330;
	(erf) = vrcp.f32 v8;
	v8 =	vld [tilespmem:s13+$0x0];
	[tilespmem:s30+$0xFFFFFFD0] =	vst v1;
	v1 =	vmul.f32 v9, v6;
	v6 =	vpop (erf)  }
0x273: {  	v9 =	vld [tilespmem:s9+$0xFFFFEBD0];
	[tilespmem:s30+$0xFFFFEBD0] =	vst v0;
	v0 =	vmul.f32 v6, v4  }
0x274: {  	v4 =	vld [tilespmem:s9+$0xFFFFFFD0];
	[tilespmem:s29+$0xFFFFFFE0] =	vst v1  }
0x275: {  	v13 =	vld [tilespmem:s4+$0xFFFFEBE0];
	[tilespmem:s29+$0xFFFFEBE0] =	vst v0  }
0x276: {  	v10 =	vadd.f32 $1.000000000e+00, v11;
	v0 =	vld [tilespmem:s17+$0x20]  }
0x277: {  	v6 =	vld [tilespmem:s10+$0xFFFFEBF0]  }
0x278: {  	v11 =	vld [tilespmem:s10+$0xFFFFFFF0]  }
0x279: {  	v1 =	vld [tilespmem:s8+$0x10];
	v12 =	vpop (erf)  }
0x27a: {  	(erf) = vrcp.f32 v10;
	v14 =	vld [tilespmem:s4+$0xFFFFFFE0];
	v9 =	vadd.f32 v9, v8;
	v10 =	vpop (erf)  }
0x27b: {  	v12 =	vadd.f32 $1.000000000e+00, v12;
	v4 =	vadd.f32 v4, v8;
	v5 =	vmul.f32 v10, v5;
	v10 =	vpop (erf)  }
0x27c: {  	v8 =	vld [tilespmem:s9+$0xFFFFEB50];
	v2 =	vmul.f32 v10, v2;
	v10 =	vsub.f32 $0.0e+00, v9;
	v6 =	vadd.f32 v6, v0  }
0x27d: {  	(erf) = vrcp.f32 v12;
	[tilespmem:s30+$0xFFFFFF50] =	vst v5;
	v5 =	vsub.f32 $0.0e+00, v4;
	v11 =	vadd.f32 v11, v0;
	v0 =	vld [tilespmem:s13+$0xFFFFFF80]  }
0x27e: {  	[tilespmem:s30+$0xFFFFEB50] =	vst v2;
	v2 =	vmul.f32 $1.442695020e+00, v10;
	v10 =	vadd.f32 v13, v1;
	v13 =	vsub.f32 $0.0e+00, v6  }
0x27f: {  	v14 =	vadd.f32 v14, v1;
	v12 =	vld [tilespmem:s9+$0xFFFFFF50];
	v5 =	vmul.f32 $1.442695020e+00, v5;
	v1 =	vsub.f32 $0.0e+00, v11  }
0x280: {  	v15 =	vld [tilespmem:s8+$0xFFFFFF90];
	(erf) = vpow2.f32 v2;
	v13 =	vmul.f32 $1.442695020e+00, v13  }
0x281: {  	v2 =	vld [tilespmem:s4+$0xFFFFEB60];
	(erf) = vpow2.f32 v5;
	v1 =	vmul.f32 $1.442695020e+00, v1  }
0x282: {  	v16 =	vsub.f32 $0.0e+00, v10;
	(erf) = vpow2.f32 v13;
	v13 =	vadd.f32 v8, v0  }
0x283: {  	v5 =	vsub.f32 $0.0e+00, v14  }
0x284: {  	v16 =	vmul.f32 $1.442695020e+00, v16;
	v12 =	vadd.f32 v12, v0;
	v0 =	vsub.f32 $0.0e+00, v13  }
0x285: {  	v5 =	vmul.f32 $1.442695020e+00, v5;
	(erf) = vpow2.f32 v1;
	v1 =	vpop (erf)  }
0x286: {  	v2 =	vadd.f32 v2, v15;
	v1 =	vmul.f32 v1, v7;
	v7 =	vpop (erf);
	v0 =	vmul.f32 $1.442695020e+00, v0  }
0x287: {  	(erf) = vpow2.f32 v16;
	v3 =	vmul.f32 v7, v3  }
0x288: {  	(erf) = vpow2.f32 v5;
	v8 =	vsub.f32 $0.0e+00, v2  }
0x289: {  	v5 =	vsub.f32 $0.0e+00, v12  }
0x28a: {  	(erf) = vpow2.f32 v0;
	v7 =	vmul.f32 $1.442695020e+00, v8;
	v0 =	vpop (erf)  }
0x28b: {  	v5 =	vmul.f32 $1.442695020e+00, v5;
	[tilespmem:s29+$0xFFFFEB60] =	vst v3;
	v3 =	vpop (erf)  }
0x28c: {  	[tilespmem:s29+$0xFFFFFF60] =	vst v1;
	v1 =	vld [tilespmem:s4+$0xFFFFFF60];
	v3 =	vadd.f32 $1.000000000e+00, v3  }
0x28d: {  	(erf) = vpow2.f32 v5;
	v0 =	vadd.f32 $1.000000000e+00, v0  }
0x28e: {  	(erf) = vpow2.f32 v7;
	v7 =	vpop (erf)  }
0x28f: {  	(erf) = vrcp.f32 v0;
	v0 =	vadd.f32 $1.000000000e+00, v7;
	v7 =	vpop (erf)  }
0x290: {  	(erf) = vrcp.f32 v3;
	v3 =	vpop (erf)  }
0x291: {  	v5 =	vld [tilespmem:s17+$0xFFFFFFA0];
	v15 =	vadd.f32 v1, v15;
	v1 =	vadd.f32 $1.000000000e+00, v3;
	v3 =	vpop (erf)  }
0x292: {  	v8 =	vld [tilespmem:s10+$0xFFFFEB70];
	v7 =	vadd.f32 $1.000000000e+00, v7;
	v3 =	vadd.f32 $1.000000000e+00, v3  }
0x293: {  	(erf) = vrcp.f32 v0  }
0x294: {  	(erf) = vrcp.f32 v7;
	v7 =	vsub.f32 $0.0e+00, v15  }
0x295: {  	(erf) = vrcp.f32 v1  }
0x296: {  	v1 =	vmul.f32 $1.442695020e+00, v7;
	(erf) = vrcp.f32 v3;
	v3 =	vpop (erf)  }
0x297: {  	v0 =	vadd.f32 v8, v5;
	v3 =	vadd.f32 $1.000000000e+00, v3;
	v8 =	vpop (erf)  }
0x298: {  	(erf) = vpow2.f32 v1;
	v1 =	vadd.f32 $1.000000000e+00, v8  }
0x299: {  	v7 =	vsub.f32 $0.0e+00, v0  }
0x29a: {  	v8 =	vpop (erf)  }
0x29b: {  	v16 =	vld [tilespmem:s10+$0xFFFFFF70];
	v7 =	vmul.f32 $1.442695020e+00, v7;
	(erf) = vrcp.f32 v3;
	v3 =	vpop (erf)  }
0x29c: {  	v8 =	vadd.f32 $1.000000000e+00, v8;
	(erf) = vrcp.f32 v1;
	v3 =	vmul.f32 v3, v9;
	v1 =	vpop (erf)  }
0x29d: {  	s31 =	simm.s32 $0x15840;
	s0 =	simm.s32 $0x1E330;
	v1 =	vmul.f32 v1, v4;
	v4 =	vpop (erf)  }
0x29e: {  	s11 =	simm.s32 $0x19430;
	(erf) = vrcp.f32 v8;
	v9 =	vld [tilespmem:s31+$0x0];
	[tilespmem:s0+$0xFFFFFFD0] =	vst v3;
	v3 =	vmul.f32 v4, v6;
	v4 =	vpop (erf)  }
0x29f: {  	(erf) = vpow2.f32 v7;
	v6 =	vld [tilespmem:s11+$0xFFFFEBD0];
	[tilespmem:s0+$0xFFFFEBD0] =	vst v1;
	v7 =	vpop (erf);
	v4 =	vmul.f32 v4, v11  }
0x2a0: {  	v1 =	vadd.f32 v16, v5;
	v5 =	vld [tilespmem:s11+$0xFFFFFFD0];
	v8 =	vpop (erf);
	[tilespmem:s29+$0xFFFFFFF0] =	vst v3  }
0x2a1: {  	v7 =	vmul.f32 v7, v10;
	v3 =	vld [tilespmem:s13+$0x10];
	v10 =	vmul.f32 v8, v14;
	[tilespmem:s29+$0xFFFFEBF0] =	vst v4  }
0x2a2: {  	v4 =	vsub.f32 $0.0e+00, v1;
	v8 =	vld [tilespmem:s17+$0x30]  }
0x2a3: {  	[tilespmem:s30+$0xFFFFEBE0] =	vst v10;
	v10 =	vld [tilespmem:s10+$0x0]  }
0x2a4: {  	[tilespmem:s30+$0xFFFFFFE0] =	vst v7;
	v4 =	vmul.f32 $1.442695020e+00, v4;
	v19 =	vadd.f32 v6, v9;
	v6 =	vld [tilespmem:s9+$0xFFFFEBE0]  }
0x2a5: {  	v7 =	vpop (erf);
	v14 =	vld [tilespmem:s8+$0x20]  }
0x2a6: {  	v17 =	vld [tilespmem:s4+$0xFFFFEBF0];
	v9 =	vadd.f32 v5, v9;
	v11 =	vpop (erf);
	(erf) = vpow2.f32 v4;
	v4 =	vadd.f32 $1.000000000e+00, v7  }
0x2a7: {  	v7 =	vld [tilespmem:s4+$0xFFFFFFF0];
	v16 =	vpop (erf)  }
0x2a8: {  	v11 =	vmul.f32 v11, v13;
	v20 =	vsub.f32 $0.0e+00, v9;
	v18 =	vpop (erf);
	(erf) = vrcp.f32 v4  }
0x2a9: {  	v4 =	vld [tilespmem:s9+$0xFFFFFFE0];
	v13 =	vpop (erf);
	v5 =	vadd.f32 v10, v8;
	v10 =	vmul.f32 v16, v12;
	v16 =	vsub.f32 $0.0e+00, v19  }
0x2aa: {  	v12 =	vld [tilespmem:s11+$0xFFFFEB50];
	v22 =	vadd.f32 v6, v3;
	v13 =	vadd.f32 $1.000000000e+00, v13  }
0x2ab: {  	v17 =	vadd.f32 v17, v14;
	v21 =	vsub.f32 $0.0e+00, v5;
	[tilespmem:s0+$0xFFFFEB50] =	vst v10;
	v10 =	vld [tilespmem:s31+$0xFFFFFF80]  }
0x2ac: {  	v14 =	vadd.f32 v7, v14;
	(erf) = vrcp.f32 v13;
	v13 =	vmul.f32 $1.442695020e+00, v16  }
0x2ad: {  	[tilespmem:s0+$0xFFFFFF50] =	vst v11;
	v11 =	vld [tilespmem:s11+$0xFFFFFF50];
	v16 =	vmul.f32 $1.442695020e+00, v20;
	v6 =	vsub.f32 $0.0e+00, v17;
	v7 =	vmul.f32 $1.442695020e+00, v21  }
0x2ae: {  	v21 =	vadd.f32 v4, v3;
	v3 =	vsub.f32 $0.0e+00, v14;
	(erf) = vpow2.f32 v13  }
0x2af: {  	v20 =	vld [tilespmem:s13+$0xFFFFFF90];
	v4 =	vsub.f32 $0.0e+00, v22;
	v6 =	vmul.f32 $1.442695020e+00, v6;
	(erf) = vpow2.f32 v7  }
0x2b0: {  	v13 =	vld [tilespmem:s9+$0xFFFFEB60];
	v3 =	vmul.f32 $1.442695020e+00, v3;
	(erf) = vpow2.f32 v16;
	v12 =	vadd.f32 v12, v10  }
0x2b1: {  	v4 =	vmul.f32 $1.442695020e+00, v4;
	(erf) = vpow2.f32 v6  }
0x2b2: {  	v10 =	vadd.f32 v11, v10;
	(erf) = vpow2.f32 v3;
	v3 =	vsub.f32 $0.0e+00, v12  }
0x2b3: {  	v7 =	vsub.f32 $0.0e+00, v21  }
0x2b4: {  	(erf) = vpow2.f32 v4;
	v4 =	vsub.f32 $0.0e+00, v10;
	v3 =	vmul.f32 $1.442695020e+00, v3  }
0x2b5: {  	v6 =	vmul.f32 $1.442695020e+00, v7;
	v7 =	vadd.f32 v13, v20;
	v13 =	vpop (erf)  }
0x2b6: {  	v11 =	vpop (erf);
	v4 =	vmul.f32 $1.442695020e+00, v4  }
0x2b7: {  	(erf) = vpow2.f32 v6;
	v6 =	vmul.f32 v18, v2;
	v2 =	vpop (erf)  }
0x2b8: {  	v16 =	vsub.f32 $0.0e+00, v7;
	(erf) = vpow2.f32 v3;
	v3 =	vpop (erf)  }
0x2b9: {  	v11 =	vmul.f32 v11, v15;
	v3 =	vadd.f32 $1.000000000e+00, v3  }
0x2ba: {  	v15 =	vld [tilespmem:s9+$0xFFFFFF60];
	v16 =	vmul.f32 $1.442695020e+00, v16;
	(erf) = vpow2.f32 v4;
	v4 =	vpop (erf)  }
0x2bb: {  	v4 =	vadd.f32 $1.000000000e+00, v4  }
0x2bc: {  	[tilespmem:s30+$0xFFFFFF60] =	vst v6;
	(erf) = vpow2.f32 v16;
	v6 =	vpop (erf)  }
0x2bd: {  	(erf) = vrcp.f32 v3;
	v3 =	vpop (erf)  }
0x2be: {  	v6 =	vadd.f32 $1.000000000e+00, v6;
	v23 =	vpop (erf)  }
0x2bf: {  	[tilespmem:s30+$0xFFFFEB60] =	vst v11;
	v11 =	vadd.f32 v15, v20;
	(erf) = vrcp.f32 v4;
	v3 =	vadd.f32 $1.000000000e+00, v3;
	v4 =	vpop (erf)  }
0x2c0: {  	(erf) = vrcp.f32 v6;
	v6 =	vadd.f32 $1.000000000e+00, v23;
	v15 =	vpop (erf)  }
0x2c1: {  	(erf) = vrcp.f32 v3;
	v3 =	vsub.f32 $0.0e+00, v11;
	v15 =	vadd.f32 $1.000000000e+00, v15  }
0x2c2: {  	v18 =	vld [tilespmem:s4+$0xFFFFEB70];
	v4 =	vadd.f32 $1.000000000e+00, v4  }
0x2c3: {  	v16 =	vld [tilespmem:s8+$0xFFFFFFA0];
	(erf) = vrcp.f32 v6;
	v3 =	vmul.f32 $1.442695020e+00, v3  }
0x2c4: {  	v13 =	vadd.f32 $1.000000000e+00, v13;
	(erf) = vrcp.f32 v4;
	v6 =	vpop (erf)  }
0x2c5: {  	(erf) = vrcp.f32 v15;
	v6 =	vadd.f32 $1.000000000e+00, v6;
	v15 =	vpop (erf)  }
0x2c6: {  	v15 =	vadd.f32 $1.000000000e+00, v15  }
0x2c7: {  	(erf) = vpow2.f32 v3;
	v3 =	vpop (erf)  }
0x2c8: {  	v4 =	vadd.f32 v18, v16;
	(erf) = vrcp.f32 v13;
	v13 =	vpop (erf)  }
0x2c9: {  	(erf) = vrcp.f32 v6;
	v3 =	vadd.f32 $1.000000000e+00, v3;
	v6 =	vpop (erf)  }
0x2ca: {  	v20 =	vld [tilespmem:s4+$0xFFFFFF70];
	v18 =	vsub.f32 $0.0e+00, v4;
	(erf) = vrcp.f32 v15;
	v15 =	vpop (erf)  }
0x2cb: {  	v9 =	vmul.f32 v15, v9  }
0x2cc: {  	v18 =	vmul.f32 $1.442695020e+00, v18;
	v13 =	vmul.f32 v13, v19  }
0x2cd: {  	s12 =	simm.s32 $0x15940;
	s6 =	simm.s32 $0x1E430;
	(erf) = vrcp.f32 v3;
	v3 =	vpop (erf)  }
0x2ce: {  	v19 =	vld [tilespmem:s12+$0x0];
	[tilespmem:s6+$0xFFFFFFD0] =	vst v13;
	v13 =	vmul.f32 v3, v17;
	v15 =	vpop (erf)  }
0x2cf: {  	s15 =	simm.s32 $0x19530;
	v17 =	vld [tilespmem:s10+$0xFFFFEC00];
	v3 =	vadd.f32 v20, v16;
	[tilespmem:s6+$0xFFFFEBD0] =	vst v9;
	v14 =	vmul.f32 v15, v14;
	v9 =	vpop (erf)  }
0x2d0: {  	(erf) = vpow2.f32 v18;
	v16 =	vld [tilespmem:s15+$0xFFFFEBD0];
	[tilespmem:s30+$0xFFFFFFF0] =	vst v13;
	v9 =	vmul.f32 v9, v22;
	v18 =	vpop (erf)  }
0x2d1: {  	v15 =	vld [tilespmem:s15+$0xFFFFFFD0];
	v20 =	vsub.f32 $0.0e+00, v3;
	[tilespmem:s30+$0xFFFFEBF0] =	vst v14;
	v18 =	vmul.f32 v18, v21  }
0x2d2: {  	v13 =	vld [tilespmem:s8+$0x30];
	[tilespmem:s0+$0xFFFFFFE0] =	vst v9  }
0x2d3: {  	v20 =	vmul.f32 $1.442695020e+00, v20;
	v14 =	vpop (erf);
	[tilespmem:s0+$0xFFFFEBE0] =	vst v18;
	v18 =	vld [tilespmem:s4+$0x0]  }
0x2d4: {  	v21 =	vpop (erf);
	v9 =	vadd.f32 v17, v8;
	v8 =	vadd.f32 $1.000000000e+00, v14;
	v17 =	vld [tilespmem:s13+$0x20]  }
0x2d5: {  	v14 =	vpop (erf);
	v23 =	vld [tilespmem:s9+$0xFFFFEBF0]  }
0x2d6: {  	v26 =	vadd.f32 v16, v19;
	v12 =	vmul.f32 v14, v12;
	v14 =	vld [tilespmem:s9+$0xFFFFFFF0]  }
0x2d7: {  	v22 =	vld [tilespmem:s31+$0x10];
	(erf) = vpow2.f32 v20;
	v19 =	vadd.f32 v15, v19;
	v20 =	vpop (erf);
	v24 =	vsub.f32 $0.0e+00, v9  }
0x2d8: {  	v15 =	vld [tilespmem:s11+$0xFFFFEBE0];
	v27 =	vsub.f32 $0.0e+00, v26;
	(erf) = vrcp.f32 v8;
	v8 =	vpop (erf)  }
0x2d9: {  	v28 =	vsub.f32 $0.0e+00, v19;
	v20 =	vmul.f32 v20, v10;
	v16 =	vmul.f32 $1.442695020e+00, v24;
	v24 =	vld [tilespmem:s11+$0xFFFFFFE0];
	v25 =	vpop (erf)  }
0x2da: {  	v25 =	vadd.f32 $1.000000000e+00, v25;
	v10 =	vadd.f32 v18, v13  }
0x2db: {  	[tilespmem:s6+$0xFFFFEB50] =	vst v20;
	v20 =	vld [tilespmem:s12+$0xFFFFFF80];
	(erf) = vpow2.f32 v16;
	v23 =	vadd.f32 v23, v17;
	v17 =	vadd.f32 v14, v17  }
0x2dc: {  	v18 =	vld [tilespmem:s15+$0xFFFFEB50];
	v16 =	vsub.f32 $0.0e+00, v10;
	(erf) = vrcp.f32 v25;
	v25 =	vmul.f32 $1.442695020e+00, v27  }
0x2dd: {  	v27 =	vmul.f32 $1.442695020e+00, v28;
	v28 =	vadd.f32 v15, v22;
	v15 =	vsub.f32 $0.0e+00, v23  }
0x2de: {  	[tilespmem:s6+$0xFFFFFF50] =	vst v12;
	v12 =	vld [tilespmem:s15+$0xFFFFFF50];
	v22 =	vadd.f32 v24, v22;
	v24 =	vsub.f32 $0.0e+00, v17;
	v16 =	vmul.f32 $1.442695020e+00, v16  }
0x2df: {  	(erf) = vpow2.f32 v25;
	v15 =	vmul.f32 $1.442695020e+00, v15  }
0x2e0: {  	v29 =	vsub.f32 $0.0e+00, v28;
	v24 =	vmul.f32 $1.442695020e+00, v24;
	(erf) = vpow2.f32 v16  }
0x2e1: {  	v14 =	vld [tilespmem:s31+$0xFFFFFF90];
	v16 =	vadd.f32 v18, v20;
	(erf) = vpow2.f32 v27;
	v27 =	vsub.f32 $0.0e+00, v22  }
0x2e2: {  	v25 =	vld [tilespmem:s11+$0xFFFFEB60];
	v18 =	vmul.f32 $1.442695020e+00, v29;
	(erf) = vpow2.f32 v15  }
0x2e3: {  	v15 =	vadd.f32 v12, v20;
	v20 =	vmul.f32 $1.442695020e+00, v27;
	v27 =	vsub.f32 $0.0e+00, v16  }
0x2e4: {  	v7 =	vmul.f32 v8, v7  }
0x2e5: {  	(erf) = vpow2.f32 v24;
	v24 =	vpop (erf);
	v8 =	vmul.f32 $1.442695020e+00, v27  }
0x2e6: {  	(erf) = vpow2.f32 v18;
	v18 =	vpop (erf)  }
0x2e7: {  	v12 =	vadd.f32 v25, v14;
	(erf) = vpow2.f32 v20;
	v20 =	vpop (erf)  }
0x2e8: {  	v25 =	vsub.f32 $0.0e+00, v15;
	v29 =	vpop (erf)  }
0x2e9: {  	v27 =	vsub.f32 $0.0e+00, v12;
	(erf) = vpow2.f32 v8;
	v8 =	vpop (erf)  }
0x2ea: {  	[tilespmem:s0+$0xFFFFFF60] =	vst v7;
	v11 =	vmul.f32 v18, v11;
	v18 =	vmul.f32 $1.442695020e+00, v25;
	v25 =	vld [tilespmem:s11+$0xFFFFFF60];
	v7 =	vadd.f32 $1.000000000e+00, v8  }
0x2eb: {  	v27 =	vmul.f32 $1.442695020e+00, v27  }
0x2ec: {  	v1 =	vmul.f32 v21, v1;
	(erf) = vpow2.f32 v18;
	v8 =	vpop (erf)  }
0x2ed: {  	v0 =	vmul.f32 v2, v0;
	[tilespmem:s0+$0xFFFFEB60] =	vst v11;
	(erf) = vpow2.f32 v27;
	v2 =	vpop (erf);
	v8 =	vadd.f32 $1.000000000e+00, v8  }
0x2ee: {  	v18 =	vld [tilespmem:s13+$0xFFFFFFA0];
	v2 =	vadd.f32 $1.000000000e+00, v2;
	(erf) = vrcp.f32 v7;
	v7 =	vpop (erf)  }
0x2ef: {  	[tilespmem:s29+$0xFFFFFF70] =	vst v0;
	v0 =	vld [tilespmem:s9+$0xFFFFEB70];
	v14 =	vadd.f32 v25, v14;
	(erf) = vrcp.f32 v8;
	v7 =	vadd.f32 $1.000000000e+00, v7;
	v11 =	vpop (erf)  }
0x2f0: {  	[tilespmem:s29+$0xFFFFEB70] =	vst v1;
	(erf) = vrcp.f32 v2;
	v1 =	vpop (erf);
	v2 =	vadd.f32 $1.000000000e+00, v11  }
0x2f1: {  	v1 =	vadd.f32 $1.000000000e+00, v1;
	(erf) = vrcp.f32 v7;
	v7 =	vsub.f32 $0.0e+00, v14  }
0x2f2: {  	v21 =	vld [tilespmem:s17+$0xFFFFFFB0];
	v8 =	vpop (erf);
	(erf) = vrcp.f32 v2  }
0x2f3: {  	v11 =	vld [tilespmem:s10+$0xFFFFEB80];
	v8 =	vadd.f32 $1.000000000e+00, v8;
	(erf) = vrcp.f32 v1;
	v1 =	vmul.f32 $1.442695020e+00, v7  }
0x2f4: {  	v2 =	vld [tilespmem:s9+$0xFFFFFF70];
	v7 =	vadd.f32 v0, v18;
	v0 =	vpop (erf)  }
0x2f5: {  	v25 =	vld [tilespmem:s10+$0xFFFFFF80];
	(erf) = vrcp.f32 v8;
	v8 =	vadd.f32 $1.000000000e+00, v24;
	v24 =	vpop (erf)  }
0x2f6: {  	v27 =	vsub.f32 $0.0e+00, v7;
	v24 =	vadd.f32 $1.000000000e+00, v24  }
0x2f7: {  	v30 =	vadd.f32 $1.000000000e+00, v0;
	(erf) = vpow2.f32 v1;
	v1 =	vpop (erf)  }
0x2f8: {  	v0 =	vadd.f32 v11, v21;
	(erf) = vrcp.f32 v8;
	v27 =	vmul.f32 $1.442695020e+00, v27;
	v31 =	vpop (erf)  }
0x2f9: {  	v8 =	vadd.f32 v2, v18;
	(erf) = vrcp.f32 v30;
	v1 =	vadd.f32 $1.000000000e+00, v1;
	v11 =	vpop (erf)  }
0x2fa: {  	v2 =	vadd.f32 v25, v21;
	v18 =	vmul.f32 v31, v26;
	(erf) = vrcp.f32 v24;
	v24 =	vpop (erf)  }
0x2fb: {  	s10 =	simm.s32 $0x1E530;
	(erf) = vrcp.f32 v1;
	v1 =	vmul.f32 v24, v19;
	v19 =	vpop (erf);
	v24 =	vsub.f32 $0.0e+00, v8  }
0x2fc: {  	v25 =	vsub.f32 $0.0e+00, v0;
	[tilespmem:s10+$0xFFFFFFD0] =	vst v18;
	(erf) = vpow2.f32 v27;
	v18 =	vmul.f32 v19, v23;
	v19 =	vpop (erf)  }
0x2fd: {  	s17 =	simm.s32 $0x15A40;
	v23 =	vld [tilespmem:s4+$0xFFFFEC00];
	v17 =	vmul.f32 v19, v17;
	v19 =	vsub.f32 $0.0e+00, v2;
	v24 =	vmul.f32 $1.442695020e+00, v24  }
0x2fe: {  	s19 =	simm.s32 $0x19630;
	v21 =	vld [tilespmem:s17+$0x0];
	[tilespmem:s10+$0xFFFFEBD0] =	vst v1  }
0x2ff: {  	v26 =	vld [tilespmem:s19+$0xFFFFEBD0];
	[tilespmem:s0+$0xFFFFFFF0] =	vst v18;
	v18 =	vmul.f32 $1.442695020e+00, v25;
	v1 =	vpop (erf);
	v19 =	vmul.f32 $1.442695020e+00, v19  }
0x300: {  	v20 =	vadd.f32 $1.000000000e+00, v20;
	v27 =	vld [tilespmem:s19+$0xFFFFFFD0];
	[tilespmem:s0+$0xFFFFEBF0] =	vst v17;
	(erf) = vpow2.f32 v24;
	v1 =	vmul.f32 v1, v28;
	v28 =	vpop (erf)  }
0x301: {  	v17 =	vld [tilespmem:s13+$0x30];
	(erf) = vpow2.f32 v18;
	v24 =	vpop (erf)  }
0x302: {  	v18 =	vld [tilespmem:s9+$0x0];
	v22 =	vmul.f32 v28, v22;
	[tilespmem:s6+$0xFFFFFFE0] =	vst v1;
	v28 =	vpop (erf);
	v1 =	vadd.f32 v23, v13;
	v13 =	vadd.f32 $1.000000000e+00, v24  }
0x303: {  	v25 =	vld [tilespmem:s12+$0x10];
	(erf) = vpow2.f32 v19;
	v19 =	vpop (erf)  }
0x304: {  	v31 =	vadd.f32 v26, v21;
	v26 =	vld [tilespmem:s15+$0xFFFFEBE0];
	(erf) = vrcp.f32 v20;
	[tilespmem:s6+$0xFFFFEBE0] =	vst v22;
	v20 =	vpop (erf)  }
0x305: {  	v4 =	vmul.f32 v29, v4;
	v22 =	vld [tilespmem:s31+$0x20];
	v24 =	vsub.f32 $0.0e+00, v1;
	v29 =	vpop (erf)  }
0x306: {  	v21 =	vadd.f32 v27, v21;
	v23 =	vld [tilespmem:s11+$0xFFFFEBF0];
	v16 =	vmul.f32 v19, v16;
	(erf) = vrcp.f32 v13;
	v13 =	vpop (erf)  }
0x307: {  	v19 =	vld [tilespmem:s11+$0xFFFFFFF0];
	v24 =	vmul.f32 $1.442695020e+00, v24;
	v27 =	vadd.f32 $1.000000000e+00, v13;
	v13 =	vadd.f32 v18, v17  }
0x308: {  	v30 =	vsub.f32 $0.0e+00, v31  }
0x309: {  	v15 =	vmul.f32 v20, v15;
	v20 =	vld [tilespmem:s15+$0xFFFFFFE0];
	(erf) = vpow2.f32 v24;
	v24 =	vsub.f32 $0.0e+00, v13  }
0x30a: {  	v32 =	vsub.f32 $0.0e+00, v21;
	v18 =	vld [tilespmem:s19+$0xFFFFEB50];
	(erf) = vrcp.f32 v27  }
0x30b: {  	[tilespmem:s10+$0xFFFFEB50] =	vst v15;
	v15 =	vld [tilespmem:s17+$0xFFFFFF80];
	v23 =	vadd.f32 v23, v22;
	v27 =	vmul.f32 $1.442695020e+00, v30;
	v24 =	vmul.f32 $1.442695020e+00, v24  }
0x30c: {  	v33 =	vadd.f32 v26, v25;
	[tilespmem:s10+$0xFFFFFF50] =	vst v16;
	v16 =	vld [tilespmem:s19+$0xFFFFFF50];
	v22 =	vadd.f32 v19, v22  }
0x30d: {  	v41 =	vld [tilespmem:s12+$0xFFFFFF90];
	v30 =	vmul.f32 $1.442695020e+00, v32;
	v19 =	vsub.f32 $0.0e+00, v23;
	(erf) = vpow2.f32 v27  }
0x30e: {  	v26 =	vld [tilespmem:s15+$0xFFFFEB60];
	v20 =	vadd.f32 v20, v25;
	v25 =	vsub.f32 $0.0e+00, v22;
	(erf) = vpow2.f32 v24  }
0x30f: {  	v27 =	vsub.f32 $0.0e+00, v33;
	v19 =	vmul.f32 $1.442695020e+00, v19;
	(erf) = vpow2.f32 v30;
	v24 =	vpop (erf)  }
0x310: {  	[tilespmem:s30+$0xFFFFFF70] =	vst v4;
	v4 =	vmul.f32 v29, v12;
	v18 =	vadd.f32 v18, v15;
	v25 =	vmul.f32 $1.442695020e+00, v25;
	v34 =	vpop (erf)  }
0x311: {  	v27 =	vmul.f32 $1.442695020e+00, v27;
	v30 =	vsub.f32 $0.0e+00, v20;
	(erf) = vpow2.f32 v19;
	v35 =	vpop (erf)  }
0x312: {  	v19 =	vadd.f32 v16, v15;
	(erf) = vpow2.f32 v25;
	v25 =	vsub.f32 $0.0e+00, v18;
	v15 =	vpop (erf)  }
0x313: {  	v3 =	vmul.f32 v28, v3;
	v16 =	vadd.f32 v26, v41;
	v30 =	vmul.f32 $1.442695020e+00, v30;
	v26 =	vpop (erf)  }
0x314: {  	(erf) = vpow2.f32 v27;
	v27 =	vsub.f32 $0.0e+00, v19;
	v25 =	vmul.f32 $1.442695020e+00, v25;
	v28 =	vpop (erf)  }
0x315: {  	[tilespmem:s30+$0xFFFFEB70] =	vst v3;
	v12 =	vld [tilespmem:s15+$0xFFFFFF60];
	v29 =	vsub.f32 $0.0e+00, v16;
	(erf) = vpow2.f32 v30;
	v3 =	vmul.f32 v26, v14;
	v36 =	vpop (erf)  }
0x316: {  	[tilespmem:s6+$0xFFFFFF60] =	vst v4;
	v14 =	vmul.f32 $1.442695020e+00, v27;
	v4 =	vpop (erf)  }
0x317: {  	v27 =	vld [tilespmem:s8+$0xFFFFFFB0];
	(erf) = vpow2.f32 v25;
	v25 =	vmul.f32 $1.442695020e+00, v29;
	[tilespmem:s6+$0xFFFFEB60] =	vst v3;
	v3 =	vadd.f32 $1.000000000e+00, v4;
	v4 =	vpop (erf)  }
0x318: {  	v29 =	vld [tilespmem:s4+$0xFFFFEB80];
	(erf) = vpow2.f32 v14;
	v30 =	vpop (erf)  }
0x319: {  	v14 =	vld [tilespmem:s31+$0xFFFFFFA0];
	(erf) = vpow2.f32 v25;
	v25 =	vadd.f32 $1.000000000e+00, v30  }
0x31a: {  	v26 =	vadd.f32 v12, v41;
	v12 =	vld [tilespmem:s11+$0xFFFFEB70];
	v4 =	vadd.f32 $1.000000000e+00, v4  }
0x31b: {  	(erf) = vrcp.f32 v3;
	v30 =	vld [tilespmem:s11+$0xFFFFFF70];
	v3 =	vpop (erf)  }
0x31c: {  	v38 =	vsub.f32 $0.0e+00, v26;
	(erf) = vrcp.f32 v4;
	v42 =	vpop (erf)  }
0x31d: {  	v4 =	vadd.f32 v29, v27;
	v3 =	vadd.f32 $1.000000000e+00, v3;
	(erf) = vrcp.f32 v25;
	v25 =	vpop (erf)  }
0x31e: {  	v32 =	vadd.f32 $1.000000000e+00, v42;
	v29 =	vadd.f32 $1.000000000e+00, v25;
	v25 =	vpop (erf)  }
0x31f: {  	(erf) = vrcp.f32 v3;
	v3 =	vadd.f32 $1.000000000e+00, v25;
	v25 =	vadd.f32 v12, v14  }
0x320: {  	v24 =	vadd.f32 $1.000000000e+00, v24;
	(erf) = vrcp.f32 v32;
	v12 =	vadd.f32 v30, v14  }
0x321: {  	v14 =	vpop (erf);
	(erf) = vrcp.f32 v29;
	v29 =	vmul.f32 $1.442695020e+00, v38;
	v30 =	vsub.f32 $0.0e+00, v25  }
0x322: {  	v37 =	vld [tilespmem:s4+$0xFFFFFF80];
	v44 =	vpop (erf);
	(erf) = vrcp.f32 v3  }
0x323: {  	v14 =	vadd.f32 $1.000000000e+00, v14;
	v45 =	vpop (erf);
	(erf) = vpow2.f32 v29  }
0x324: {  	v43 =	vsub.f32 $0.0e+00, v4;
	v32 =	vadd.f32 $1.000000000e+00, v44;
	(erf) = vrcp.f32 v24;
	v24 =	vpop (erf)  }
0x325: {  	v46 =	vmul.f32 $1.442695020e+00, v30;
	(erf) = vrcp.f32 v14;
	v14 =	vadd.f32 $1.000000000e+00, v45;
	v30 =	vpop (erf)  }
0x326: {  	v29 =	vsub.f32 $0.0e+00, v12;
	v24 =	vmul.f32 v24, v31;
	(erf) = vrcp.f32 v32;
	v31 =	vpop (erf)  }
0x327: {  	v3 =	vadd.f32 v37, v27;
	(erf) = vrcp.f32 v14;
	v14 =	vmul.f32 v31, v21  }
0x328: {  	s24 =	simm.s32 $0x19730;
	s4 =	simm.s32 $0x1E630;
	v27 =	vmul.f32 $1.442695020e+00, v43;
	v29 =	vmul.f32 $1.442695020e+00, v29;
	v21 =	vpop (erf)  }
0x329: {  	v49 =	vld [tilespmem:s24+$0xFFFFEBD0];
	v47 =	vsub.f32 $0.0e+00, v3;
	[tilespmem:s4+$0xFFFFFFD0] =	vst v24;
	(erf) = vpow2.f32 v46;
	v21 =	vmul.f32 v21, v23;
	v23 =	vpop (erf)  }
0x32a: {  	s8 =	simm.s32 $0x15B40;
	v24 =	vld [tilespmem:s9+$0xFFFFEC00];
	(erf) = vpow2.f32 v29;
	[tilespmem:s4+$0xFFFFEBD0] =	vst v14;
	v22 =	vmul.f32 v23, v22  }
0x32b: {  	v48 =	vld [tilespmem:s8+$0x0];
	v31 =	vmul.f32 $1.442695020e+00, v47;
	(erf) = vpow2.f32 v27;
	[tilespmem:s6+$0xFFFFFFF0] =	vst v21;
	v21 =	vadd.f32 $1.000000000e+00, v34;
	v14 =	vpop (erf)  }
0x32c: {  	v27 =	vmul.f32 v6, v5;
	v6 =	vadd.f32 $1.000000000e+00, v35;
	v14 =	vmul.f32 v14, v33;
	v29 =	vpop (erf)  }
0x32d: {  	v23 =	vld [tilespmem:s24+$0xFFFFFFD0];
	(erf) = vpow2.f32 v31;
	[tilespmem:s6+$0xFFFFEBF0] =	vst v22;
	v20 =	vmul.f32 v29, v20  }
0x32e: {  	v28 =	vadd.f32 $1.000000000e+00, v28;
	v22 =	vpop (erf);
	(erf) = vrcp.f32 v21;
	[tilespmem:s10+$0xFFFFFFE0] =	vst v14;
	v14 =	vld [tilespmem:s31+$0x30]  }
0x32f: {  	v5 =	vadd.f32 v24, v17;
	v21 =	vpop (erf);
	v17 =	vadd.f32 $1.000000000e+00, v22;
	(erf) = vrcp.f32 v6;
	[tilespmem:s10+$0xFFFFEBE0] =	vst v20;
	v20 =	vld [tilespmem:s11+$0x0]  }
0x330: {  	v29 =	vadd.f32 v49, v48;
	v6 =	vpop (erf);
	(erf) = vrcp.f32 v28;
	v22 =	vld [tilespmem:s12+$0x20]  }
0x331: {  	v24 =	vsub.f32 $0.0e+00, v5;
	v31 =	vmul.f32 v21, v8;
	v8 =	vpop (erf);
	(erf) = vrcp.f32 v17;
	v17 =	vld [tilespmem:s15+$0xFFFFFFF0]  }
0x332: {  	v53 =	vsub.f32 $0.0e+00, v29;
	v21 =	vld [tilespmem:s15+$0xFFFFEBF0];
	v51 =	vpop (erf)  }
0x333: {  	v6 =	vmul.f32 v6, v18;
	v18 =	vadd.f32 v23, v48;
	v23 =	vmul.f32 $1.442695020e+00, v24;
	v28 =	vpop (erf)  }
0x334: {  	v50 =	vld [tilespmem:s17+$0x10];
	v8 =	vmul.f32 v8, v19;
	v24 =	vadd.f32 $1.000000000e+00, v28;
	v28 =	vadd.f32 v20, v14  }
0x335: {  	v52 =	vld [tilespmem:s19+$0xFFFFEBE0];
	(erf) = vpow2.f32 v23;
	[tilespmem:s4+$0xFFFFFF50] =	vst v6  }
0x336: {  	v19 =	vld [tilespmem:s19+$0xFFFFFFE0];
	[tilespmem:s4+$0xFFFFEB50] =	vst v8;
	v8 =	vmul.f32 $1.442695020e+00, v53;
	v23 =	vadd.f32 v17, v22;
	v6 =	vsub.f32 $0.0e+00, v28  }
0x337: {  	v56 =	vld [tilespmem:s8+$0xFFFFFF80];
	v21 =	vadd.f32 v21, v22;
	(erf) = vrcp.f32 v24  }
0x338: {  	v20 =	vld [tilespmem:s24+$0xFFFFEB50];
	(erf) = vpow2.f32 v8;
	v8 =	vsub.f32 $0.0e+00, v23;
	v6 =	vmul.f32 $1.442695020e+00, v6  }
0x339: {  	v55 =	vld [tilespmem:s24+$0xFFFFFF50];
	v7 =	vmul.f32 v36, v7;
	v54 =	vsub.f32 $0.0e+00, v18;
	v59 =	vpop (erf)  }
0x33a: {  	v58 =	vld [tilespmem:s17+$0xFFFFFF90];
	v60 =	vpop (erf);
	v22 =	vadd.f32 v52, v50;
	v17 =	vsub.f32 $0.0e+00, v21;
	(erf) = vpow2.f32 v6  }
0x33b: {  	v57 =	vmul.f32 $1.442695020e+00, v54;
	v39 =	vld [tilespmem:s19+$0xFFFFEB60];
	v40 =	vpop (erf);
	v24 =	vadd.f32 v19, v50  }
0x33c: {  	v19 =	vsub.f32 $0.0e+00, v22;
	v17 =	vmul.f32 $1.442695020e+00, v17;
	v41 =	vmul.f32 $1.442695020e+00, v8;
	v8 =	vpop (erf)  }
0x33d: {  	v63 =	vmul.f32 v11, v10;
	v20 =	vadd.f32 v20, v56;
	(erf) = vpow2.f32 v57;
	v6 =	vpop (erf)  }
0x33e: {  	[tilespmem:s0+$0xFFFFFF70] =	vst v7;
	v61 =	vsub.f32 $0.0e+00, v24;
	v42 =	vmul.f32 $1.442695020e+00, v19;
	(erf) = vpow2.f32 v17;
	v7 =	vpop (erf)  }
0x33f: {  	v19 =	vadd.f32 v55, v56;
	v62 =	vsub.f32 $0.0e+00, v20;
	(erf) = vpow2.f32 v41;
	v11 =	vpop (erf)  }
0x340: {  	v43 =	vmul.f32 v30, v13;
	v10 =	vmul.f32 v51, v16;
	v17 =	vadd.f32 v39, v58;
	v46 =	vpop (erf)  }
0x341: {  	[tilespmem:s0+$0xFFFFEB70] =	vst v31;
	v35 =	vmul.f32 $1.442695020e+00, v61;
	v31 =	vsub.f32 $0.0e+00, v19;
	v47 =	vmul.f32 $1.442695020e+00, v62;
	v50 =	vpop (erf)  }
0x342: {  	v16 =	vld [tilespmem:s19+$0xFFFFFF60];
	(erf) = vpow2.f32 v42;
	v48 =	vsub.f32 $0.0e+00, v17;
	v11 =	vmul.f32 v11, v26;
	v51 =	vpop (erf)  }
0x343: {  	[tilespmem:s10+$0xFFFFFF60] =	vst v10;
	(erf) = vpow2.f32 v35;
	v26 =	vmul.f32 $1.442695020e+00, v31;
	v10 =	vadd.f32 $1.000000000e+00, v51;
	v13 =	vpop (erf)  }
0x344: {  	v45 =	vld [tilespmem:s13+$0xFFFFFFB0];
	(erf) = vpow2.f32 v47;
	v37 =	vmul.f32 $1.442695020e+00, v48;
	[tilespmem:s10+$0xFFFFEB60] =	vst v11;
	v11 =	vadd.f32 $1.000000000e+00, v13  }
0x345: {  	v31 =	vld [tilespmem:s9+$0xFFFFFF80];
	(erf) = vpow2.f32 v26  }
0x346: {  	v26 =	vmul.f32 v15, v9;
	(erf) = vpow2.f32 v37;
	v9 =	vpop (erf)  }
0x347: {  	v49 =	vld [tilespmem:s9+$0xFFFFEB80];
	v15 =	vadd.f32 v16, v58;
	(erf) = vrcp.f32 v10;
	v16 =	vadd.f32 $1.000000000e+00, v9;
	v10 =	vpop (erf)  }
0x348: {  	v30 =	vld [tilespmem:s15+$0xFFFFEB70];
	(erf) = vrcp.f32 v11;
	v11 =	vpop (erf)  }
0x349: {  	v13 =	vld [tilespmem:s12+$0xFFFFFFA0];
	v11 =	vadd.f32 $1.000000000e+00, v11  }
0x34a: {  	v52 =	vadd.f32 $1.000000000e+00, v10;
	v10 =	vadd.f32 v31, v45;
	v31 =	vld [tilespmem:s15+$0xFFFFFF70]  }
0x34b: {  	v54 =	vadd.f32 $1.000000000e+00, v59;
	(erf) = vrcp.f32 v16;
	v16 =	vpop (erf)  }
0x34c: {  	v32 =	vadd.f32 $1.000000000e+00, v60;
	(erf) = vrcp.f32 v52;
	v16 =	vadd.f32 $1.000000000e+00, v16  }
0x34d: {  	v25 =	vmul.f32 v50, v25;
	v53 =	vsub.f32 $0.0e+00, v15;
	(erf) = vrcp.f32 v11;
	v11 =	vpop (erf)  }
0x34e: {  	v9 =	vadd.f32 v49, v45;
	(erf) = vrcp.f32 v16;
	v57 =	vadd.f32 $1.000000000e+00, v11  }
0x34f: {  	v16 =	vmul.f32 $1.442695020e+00, v53;
	v11 =	vadd.f32 v30, v13;
	v13 =	vadd.f32 v31, v13  }
0x350: {  	v55 =	vsub.f32 $0.0e+00, v9;
	v56 =	vsub.f32 $0.0e+00, v10;
	v58 =	vpop (erf);
	(erf) = vrcp.f32 v57  }
0x351: {  	v60 =	vpop (erf);
	v59 =	vsub.f32 $0.0e+00, v11;
	(erf) = vpow2.f32 v16;
	v16 =	vsub.f32 $0.0e+00, v13  }
0x352: {  	[tilespmem:s29+$0xFFFFEC00] =	vst v27;
	v30 =	vmul.f32 $1.442695020e+00, v55;
	v31 =	vmul.f32 $1.442695020e+00, v56;
	v27 =	vadd.f32 $1.000000000e+00, v58;
	v62 =	vpop (erf)  }
0x353: {  	[tilespmem:s30+$0xFFFFEC00] =	vst v63;
	v61 =	vadd.f32 $1.000000000e+00, v60;
	v63 =	vpop (erf);
	(erf) = vrcp.f32 v54;
	v33 =	vmul.f32 $1.442695020e+00, v59  }
0x354: {  	[tilespmem:s0+$0xFFFFEC00] =	vst v43;
	v35 =	vadd.f32 $1.000000000e+00, v62;
	v29 =	vmul.f32 v63, v29;
	(erf) = vrcp.f32 v27  }
0x355: {  	s2 =	simm.s32 $0xC;
	[tilespmem:s29+$0x0] =	vst v26;
	v26 =	vadd.f32 $1.000000000e+00, v40;
	v27 =	vmul.f32 $1.442695020e+00, v16;
	(erf) = vrcp.f32 v61;
	v16 =	vpop (erf)  }
0x356: {  	s18 =	simm.s32 $0x15C40;
	s13 =	simm.s32 $0x19730;
	s9 =	simm.s32 $0x1E730;
	[tilespmem:s6+$0xFFFFFF70] =	vst v25;
	v25 =	vadd.f32 $1.000000000e+00, v46;
	(erf) = vrcp.f32 v35;
	v34 =	vpop (erf);
	v16 =	vmul.f32 v16, v28  }
.LBB2_8:
0x357: {  	v28 =	vld [tilespmem:s18+$0x0];
	[tilespmem:s9+$0xFFFFFFD0] =	vst v29;
	v34 =	vmul.f32 v34, v18;
	(erf) = vpow2.f32 v33;
	v29 =	vpop (erf)  }
0x358: {  	s24 =	sadd.s32 $0x100, s24;
	v21 =	vmul.f32 v29, v21;
	(erf) = vpow2.f32 v27;
	v27 =	vpop (erf);
	v29 =	vld [tilespmem:s11+$0xFFFFEC00];
	[tilespmem:s6+$0xFFFFEC00] =	vst v16  }
0x359: {  	v16 =	vld [tilespmem:s24+$0xFFFFEBD0];
	[tilespmem:s9+$0xFFFFEBD0] =	vst v34;
	v18 =	vpop (erf);
	v23 =	vmul.f32 v27, v23;
	(erf) = vpow2.f32 v30  }
0x35a: {  	v27 =	vld [tilespmem:s24+$0xFFFFFFD0];
	v33 =	vmul.f32 v18, v22;
	v22 =	vpop (erf);
	[tilespmem:s10+$0xFFFFFFF0] =	vst v21;
	(erf) = vpow2.f32 v31  }
0x35b: {  	v30 =	vld [tilespmem:s8+$0x10];
	v21 =	vmul.f32 v22, v24;
	v22 =	vpop (erf);
	[tilespmem:s10+$0xFFFFEBF0] =	vst v23;
	(erf) = vrcp.f32 v32  }
0x35c: {  	v24 =	vmul.f32 v8, v0;
	v22 =	vadd.f32 $1.000000000e+00, v22;
	[tilespmem:s4+$0xFFFFFFE0] =	vst v33;
	v23 =	vld [tilespmem:s12+$0x30];
	v18 =	vpop (erf);
	(erf) = vrcp.f32 v26  }
0x35d: {  	v8 =	vpop (erf);
	[tilespmem:s4+$0xFFFFEBE0] =	vst v21;
	v21 =	vld [tilespmem:s15+$0x0];
	v12 =	vmul.f32 v18, v12;
	v29 =	vadd.f32 v29, v14;
	(erf) = vrcp.f32 v25  }
0x35e: {  	v0 =	vmov v4;
	v18 =	vmul.f32 v8, v20;
	v14 =	vpop (erf);
	v20 =	vld [tilespmem:s17+$0x20];
	(erf) = vrcp.f32 v22;
	[tilespmem:s29+$0xFFFFFF80] =	vst v24  }
0x35f: {  	v2 =	vmul.f32 v6, v2;
	v4 =	vmul.f32 v14, v19;
	v19 =	vld [tilespmem:s19+$0xFFFFEBF0];
	v14 =	vpop (erf);
	[tilespmem:s6+$0xFFFFEB70] =	vst v12;
	v12 =	vsub.f32 $0.0e+00, v29  }
0x360: {  	v7 =	vmul.f32 v7, v1;
	v1 =	vmov v5;
	[tilespmem:s9+$0xFFFFFF50] =	vst v18;
	v6 =	vmul.f32 v14, v17;
	v17 =	vld [tilespmem:s19+$0xFFFFFFF0];
	v8 =	vpop (erf)  }
0x361: {  	v16 =	vadd.f32 v16, v28;
	v18 =	vadd.f32 v27, v28;
	[tilespmem:s9+$0xFFFFEB50] =	vst v4;
	v4 =	vld [tilespmem:s13+$0xFFFFEBE0];
	v28 =	vpop (erf);
	v5 =	vmul.f32 $1.442695020e+00, v12  }
0x362: {  	v24 =	vadd.f32 $1.000000000e+00, v8;
	v14 =	vmov v23;
	v12 =	vld [tilespmem:s13+$0xFFFFFFE0];
	[tilespmem:s4+$0xFFFFFF60] =	vst v6;
	v25 =	vadd.f32 v21, v23;
	v27 =	vpop (erf)  }
0x363: {  	v22 =	vsub.f32 $0.0e+00, v16;
	v23 =	vsub.f32 $0.0e+00, v18;
	v31 =	vld [tilespmem:s24+$0xFFFFEB50];
	(erf) = vpow2.f32 v5;
	v26 =	vpop (erf);
	[tilespmem:s29+$0xFFFFEB80] =	vst v2;
	s29 =	smov.u32 s30;
	s30 =	smov.u32 s0;
	s0 =	smov.u32 s6  }
0x364: {  	s6 =	smov.u32 s10;
	s10 =	smov.u32 s4;
	s4 =	smov.u32 s9;
	v32 =	vld [tilespmem:s24+$0xFFFFFF50];
	v21 =	vadd.f32 v19, v20;
	v2 =	vsub.f32 $0.0e+00, v25;
	(erf) = vrcp.f32 v24;
	[tilespmem:s29+$0x0] =	vst v7;
	v8 =	vpop (erf)  }
0x365: {  	v38 =	vmul.f32 $1.442695020e+00, v22;
	v33 =	vmul.f32 $1.442695020e+00, v23;
	v19 =	vld [tilespmem:s18+$0xFFFFFF80];
	v23 =	vadd.f32 v17, v20;
	v6 =	vpop (erf)  }
0x366: {  	v34 =	vld [tilespmem:s8+$0xFFFFFF90];
	v22 =	vadd.f32 v4, v30;
	v20 =	vsub.f32 $0.0e+00, v21;
	v39 =	vmul.f32 $1.442695020e+00, v2;
	v7 =	vpop (erf)  }
0x367: {  	(erf) = vpow2.f32 v38;
	v17 =	vld [tilespmem:s13+$0xFFFFEB60];
	v24 =	vadd.f32 v12, v30;
	v38 =	vsub.f32 $0.0e+00, v23;
	v30 =	vpop (erf)  }
0x368: {  	v5 =	vmovc v29;
	v4 =	vmovc v9;
	v35 =	vld [tilespmem:s13+$0xFFFFFF60];
	v36 =	vsub.f32 $0.0e+00, v22;
	v37 =	vmul.f32 $1.442695020e+00, v20;
	(erf) = vpow2.f32 v39  }
0x369: {  	s2 =	sadd.s32 $0x2, s2;
	v2 =	vmovc v3;
	v3 =	vmovc v10;
	(erf) = vpow2.f32 v33;
	v9 =	vsub.f32 $0.0e+00, v24;
	v29 =	vmul.f32 $1.442695020e+00, v38;
	v33 =	vld [tilespmem:s31+$0xFFFFFFB0];
	s31 =	smov.u32 s12;
	s12 =	smov.u32 s17  }
0x36a: {  	p2 =	slt.u32 s2, $0x26;
	v12 =	vmovc v13;
	s17 =	smov.u32 s8;
	s8 =	smov.u32 s18;
	v20 =	vadd.f32 v31, v19;
	v10 =	vmul.f32 $1.442695020e+00, v36;
	(erf) = vpow2.f32 v37;
	v31 =	vld [tilespmem:s11+$0xFFFFEB80]  }
0x36b: {  	v19 =	vadd.f32 v32, v19;
	v9 =	vmul.f32 $1.442695020e+00, v9;
	(erf) = vpow2.f32 v29;
	v13 =	vld [tilespmem:s11+$0xFFFFFF80];
	s11 =	smov.u32 s15;
	s15 =	smov.u32 s19;
	s19 =	smov.u32 s13  }
0x36c: {  	s13 =	smov.u32 s24;
	v29 =	vsub.f32 $0.0e+00, v20;
	v17 =	vadd.f32 v17, v34;
	(erf) = vpow2.f32 v10;
	v36 =	vpop (erf)  }
0x36d: {  	v10 =	vsub.f32 $0.0e+00, v19;
	v37 =	vadd.f32 v35, v34;
	(erf) = vpow2.f32 v9;
	v34 =	vpop (erf)  }
0x36e: {  	v30 =	vmul.f32 v30, v15;
	v9 =	vmul.f32 $1.442695020e+00, v29;
	v29 =	vsub.f32 $0.0e+00, v17  }
0x36f: {  	v28 =	vadd.f32 $1.000000000e+00, v28;
	v38 =	vmul.f32 $1.442695020e+00, v10;
	v35 =	vsub.f32 $0.0e+00, v37;
	v15 =	vmovc v37  }
0x370: {  	(erf) = vpow2.f32 v9;
	v32 =	vpop (erf);
	v29 =	vmul.f32 $1.442695020e+00, v29;
	[tilespmem:s10+$0xFFFFEB60] =	vst v30;
	v9 =	vadd.f32 v31, v33  }
0x371: {  	v39 =	vadd.f32 $1.000000000e+00, v32;
	(erf) = vpow2.f32 v38;
	v35 =	vmul.f32 $1.442695020e+00, v35;
	v31 =	vld [tilespmem:s12+$0xFFFFFFA0];
	v10 =	vpop (erf)  }
0x372: {  	v11 =	vmul.f32 v34, v11;
	v32 =	vpop (erf);
	(erf) = vpow2.f32 v29;
	v29 =	vld [tilespmem:s15+$0xFFFFEB70];
	v34 =	vadd.f32 $1.000000000e+00, v10  }
0x373: {  	v10 =	vadd.f32 v13, v33;
	v40 =	vadd.f32 $1.000000000e+00, v32;
	(erf) = vrcp.f32 v39;
	v37 =	vld [tilespmem:s15+$0xFFFFFF70];
	v30 =	vpop (erf)  }
0x374: {  	v13 =	vadd.f32 $1.000000000e+00, v30;
	v30 =	vpop (erf);
	[tilespmem:s6+$0xFFFFFF70] =	vst v11;
	(erf) = vrcp.f32 v34;
	v11 =	vsub.f32 $0.0e+00, v9  }
0x375: {  	v34 =	vsub.f32 $0.0e+00, v10;
	(erf) = vrcp.f32 v40;
	v32 =	vpop (erf);
	v33 =	vadd.f32 $1.000000000e+00, v30  }
0x376: {  	v32 =	vadd.f32 $1.000000000e+00, v32;
	v38 =	vpop (erf);
	(erf) = vrcp.f32 v13;
	v30 =	vmul.f32 $1.442695020e+00, v11  }
0x377: {  	v38 =	vadd.f32 $1.000000000e+00, v38;
	v11 =	vadd.f32 v29, v31;
	(erf) = vrcp.f32 v33  }
0x378: {  	(erf) = vrcp.f32 v32;
	v13 =	vadd.f32 v37, v31;
	v31 =	vmul.f32 $1.442695020e+00, v34  }
0x379: {  	v32 =	vadd.f32 $1.000000000e+00, v27;
	v29 =	vpop (erf);
	(erf) = vrcp.f32 v38;
	v33 =	vsub.f32 $0.0e+00, v11  }
.Ltmp7:
0x37a: {  	v27 =	vadd.f32 $1.000000000e+00, v29;
	v29 =	vpop (erf);
	(erf) = vpow2.f32 v35;
	v34 =	vsub.f32 $0.0e+00, v13;
	(pc) =	sbr.rel @p2 .LBB2_8-.Ltmp7, $4  }
0x37b: {  	v35 =	vadd.f32 $1.000000000e+00, v29;
	v29 =	vpop (erf);
	v33 =	vmul.f32 $1.442695020e+00, v33;
	(erf) = vrcp.f32 v28  }
0x37c: {  	(erf) = vrcp.f32 v27;
	v28 =	vpop (erf);
	v37 =	vadd.f32 $1.000000000e+00, v29;
	v27 =	vmul.f32 $1.442695020e+00, v34  }
0x37d: {  	v26 =	vadd.f32 $1.000000000e+00, v26;
	v29 =	vmul.f32 v28, v16;
	(erf) = vrcp.f32 v35;
	v16 =	vpop (erf)  }
0x37e: {  	s9 =	sadd.s32 $0x100, s9;
	s18 =	sadd.s32 $0x100, s18;
	v34 =	vpop (erf);
	(erf) = vrcp.f32 v37;
	v16 =	vmul.f32 v16, v25;
	v25 =	vadd.f32 $1.000000000e+00, v36  }
0x37f: {  	v18 =	vmul.f32 v34, v18  }
0x380: {  	v28 =	vpop (erf);
	[tilespmem:s9+$0xFFFFFFD0] =	vst v29  }
0x381: {  	v53 =	vld [tilespmem:s11+$0xFFFFEC00];
	v21 =	vmul.f32 v28, v21;
	v51 =	vpop (erf);
	[tilespmem:s9+$0xFFFFEBD0] =	vst v18  }
0x382: {  	v52 =	vpop (erf);
	v23 =	vmul.f32 v51, v23;
	v55 =	vld [tilespmem:s8+$0x10]  }
0x383: {  	v18 =	vmul.f32 v52, v22;
	v54 =	vpop (erf);
	[tilespmem:s10+$0xFFFFFFF0] =	vst v21;
	v62 =	vld [tilespmem:s13+$0xFFFFEBE0]  }
0x384: {  	v39 =	vld [tilespmem:s13+$0xFFFFFFE0];
	v24 =	vmul.f32 v54, v24;
	[tilespmem:s10+$0xFFFFEBF0] =	vst v23  }
0x385: {  	(erf) = vpow2.f32 v33;
	[tilespmem:s4+$0xFFFFFFE0] =	vst v18;
	v22 =	vld [tilespmem:s12+$0x30]  }
0x386: {  	v56 =	vld [tilespmem:s15+$0x0];
	[tilespmem:s4+$0xFFFFEBE0] =	vst v24  }
0x387: {  	(erf) = vpow2.f32 v27;
	v24 =	vld [tilespmem:s17+$0x20]  }
0x388: {  	(erf) = vpow2.f32 v30;
	v58 =	vld [tilespmem:s19+$0xFFFFEBF0]  }
0x389: {  	v57 =	vpop (erf);
	(erf) = vpow2.f32 v31;
	v14 =	vadd.f32 v53, v14;
	v60 =	vld [tilespmem:s19+$0xFFFFFFF0]  }
0x38a: {  	v27 =	vpop (erf);
	(erf) = vrcp.f32 v32  }
0x38b: {  	v23 =	vadd.f32 $1.000000000e+00, v57;
	v59 =	vpop (erf);
	(erf) = vrcp.f32 v26;
	v38 =	vsub.f32 $0.0e+00, v14  }
0x38c: {  	v61 =	vpop (erf);
	v20 =	vmul.f32 v59, v20;
	(erf) = vrcp.f32 v25;
	v28 =	vadd.f32 v62, v55  }
0x38d: {  	v63 =	vpop (erf);
	v19 =	vmul.f32 v61, v19;
	v26 =	vadd.f32 v39, v55;
	v18 =	vadd.f32 v56, v22  }
0x38e: {  	v41 =	vmul.f32 $1.442695020e+00, v38;
	v40 =	vpop (erf);
	v29 =	vadd.f32 v58, v24;
	v24 =	vadd.f32 v60, v24  }
0x38f: {  	(erf) = vrcp.f32 v23;
	v23 =	vadd.f32 $1.000000000e+00, v40;
	v42 =	vsub.f32 $0.0e+00, v18  }
0x390: {  	[tilespmem:s9+$0xFFFFFF50] =	vst v20;
	(erf) = vpow2.f32 v41;
	v43 =	vsub.f32 $0.0e+00, v29;
	v45 =	vsub.f32 $0.0e+00, v24  }
0x391: {  	[tilespmem:s9+$0xFFFFEB50] =	vst v19;
	v47 =	vsub.f32 $0.0e+00, v28;
	v44 =	vmul.f32 $1.442695020e+00, v42;
	(erf) = vrcp.f32 v23  }
0x392: {  	v50 =	vsub.f32 $0.0e+00, v26;
	v46 =	vld [tilespmem:s8+$0xFFFFFF90];
	v20 =	vmul.f32 $1.442695020e+00, v43;
	v21 =	vmul.f32 $1.442695020e+00, v45  }
0x393: {  	v49 =	vld [tilespmem:s13+$0xFFFFEB60];
	v48 =	vpop (erf);
	v30 =	vmul.f32 $1.442695020e+00, v47;
	(erf) = vpow2.f32 v44  }
0x394: {  	v19 =	vmul.f32 $1.442695020e+00, v50;
	v33 =	vpop (erf);
	(erf) = vpow2.f32 v20  }
0x395: {  	v34 =	vpop (erf);
	(erf) = vpow2.f32 v21  }
0x396: {  	v21 =	vpop (erf);
	(erf) = vpow2.f32 v30  }
0x397: {  	v20 =	vpop (erf);
	(erf) = vpow2.f32 v19  }
0x398: {  	v30 =	vadd.f32 v49, v46;
	v19 =	vpop (erf)  }
0x399: {  	v51 =	vpop (erf)  }
0x39a: {  	v36 =	vsub.f32 $0.0e+00, v30;
	v35 =	vpop (erf)  }
0x39b: {  	v37 =	vpop (erf)  }
0x39c: {  	v36 =	vmul.f32 $1.442695020e+00, v36;
	v38 =	vpop (erf)  }
0x39d: {  	v17 =	vmul.f32 v63, v17;
	v56 =	vld [tilespmem:s13+$0xFFFFFF60];
	v52 =	vadd.f32 $1.000000000e+00, v38;
	v53 =	vpop (erf)  }
0x39e: {  	v15 =	vmul.f32 v51, v15;
	(erf) = vpow2.f32 v36;
	v54 =	vadd.f32 $1.000000000e+00, v53;
	v55 =	vpop (erf)  }
0x39f: {  	[tilespmem:s4+$0xFFFFFF60] =	vst v17;
	(erf) = vrcp.f32 v52;
	v57 =	vpop (erf);
	v36 =	vadd.f32 $1.000000000e+00, v55  }
0x3a0: {  	[tilespmem:s4+$0xFFFFEB60] =	vst v15;
	v58 =	vadd.f32 $1.000000000e+00, v57;
	v59 =	vpop (erf);
	(erf) = vrcp.f32 v54  }
0x3a1: {  	v60 =	vld [tilespmem:s17+$0xFFFFFFA0];
	v25 =	vadd.f32 $1.000000000e+00, v59;
	(erf) = vrcp.f32 v36  }
0x3a2: {  	v61 =	vld [tilespmem:s19+$0xFFFFEB70];
	v36 =	vadd.f32 v56, v46;
	(erf) = vrcp.f32 v58  }
0x3a3: {  	v12 =	vmul.f32 v27, v12;
	(erf) = vrcp.f32 v25  }
0x3a4: {  	v17 =	vsub.f32 $0.0e+00, v36  }
0x3a5: {  	[tilespmem:s6+$0xFFFFEB70] =	vst v12  }
0x3a6: {  	v62 =	vld [tilespmem:s31+$0xFFFFFFB0]  }
0x3a7: {  	v44 =	vld [tilespmem:s19+$0xFFFFFF70];
	v25 =	vadd.f32 v61, v60;
	v39 =	vpop (erf)  }
0x3a8: {  	v63 =	vld [tilespmem:s11+$0xFFFFEB80];
	v40 =	vmul.f32 $1.442695020e+00, v17;
	v17 =	vpop (erf)  }
0x3a9: {  	v45 =	vld [tilespmem:s11+$0xFFFFFF80];
	v46 =	vsub.f32 $0.0e+00, v25;
	v41 =	vpop (erf)  }
0x3aa: {  	v31 =	vadd.f32 $1.000000000e+00, v48;
	(erf) = vpow2.f32 v40;
	v47 =	vmul.f32 v41, v29;
	v48 =	vpop (erf)  }
0x3ab: {  	v39 =	vadd.f32 $1.000000000e+00, v39;
	v32 =	vmul.f32 $1.442695020e+00, v46;
	v49 =	vpop (erf);
	v24 =	vmul.f32 v48, v24  }
0x3ac: {  	v52 =	vld [tilespmem:s15+$0xFFFFEC00];
	v27 =	vadd.f32 v44, v60;
	(erf) = vrcp.f32 v31;
	v28 =	vmul.f32 v49, v28;
	v50 =	vpop (erf);
	[tilespmem:s4+$0xFFFFFFF0] =	vst v47  }
0x3ad: {  	v12 =	vadd.f32 v63, v62;
	(erf) = vrcp.f32 v39;
	v26 =	vmul.f32 v50, v26;
	[tilespmem:s4+$0xFFFFEBF0] =	vst v24  }
0x3ae: {  	v15 =	vadd.f32 v45, v62;
	v51 =	vsub.f32 $0.0e+00, v27;
	(erf) = vpow2.f32 v32;
	[tilespmem:s9+$0xFFFFFFE0] =	vst v28;
	v29 =	vld [tilespmem:s17+$0x30]  }
0x3af: {  	v53 =	vsub.f32 $0.0e+00, v12;
	v55 =	vld [tilespmem:s19+$0x0];
	[tilespmem:s9+$0xFFFFEBE0] =	vst v26  }
0x3b0: {  	v54 =	vsub.f32 $0.0e+00, v15;
	v23 =	vmul.f32 $1.442695020e+00, v51;
	v56 =	vld [tilespmem:s8+$0x20]  }
0x3b1: {  	v22 =	vadd.f32 v52, v22;
	v24 =	vmul.f32 $1.442695020e+00, v53;
	v57 =	vld [tilespmem:s13+$0xFFFFEBF0]  }
0x3b2: {  	(erf) = vpow2.f32 v23;
	v28 =	vmul.f32 $1.442695020e+00, v54;
	v59 =	vld [tilespmem:s13+$0xFFFFFFF0]  }
0x3b3: {  	v58 =	vadd.f32 $1.000000000e+00, v33;
	v43 =	vsub.f32 $0.0e+00, v22;
	(erf) = vpow2.f32 v24  }
0x3b4: {  	v60 =	vadd.f32 $1.000000000e+00, v34;
	v61 =	vadd.f32 $1.000000000e+00, v35;
	(erf) = vpow2.f32 v28;
	v62 =	vpop (erf)  }
0x3b5: {  	v33 =	vmul.f32 $1.442695020e+00, v43;
	(erf) = vrcp.f32 v58;
	v63 =	vpop (erf);
	v23 =	vadd.f32 v55, v29  }
0x3b6: {  	v44 =	vadd.f32 $1.000000000e+00, v62;
	(erf) = vrcp.f32 v60;
	v45 =	vpop (erf);
	v35 =	vadd.f32 v57, v56  }
0x3b7: {  	(erf) = vrcp.f32 v61;
	v46 =	vpop (erf);
	v47 =	vsub.f32 $0.0e+00, v23;
	v32 =	vadd.f32 v59, v56  }
0x3b8: {  	(erf) = vrcp.f32 v44;
	v48 =	vadd.f32 $1.000000000e+00, v46;
	v49 =	vsub.f32 $0.0e+00, v35  }
0x3b9: {  	(erf) = vpow2.f32 v33;
	v50 =	vmul.f32 $1.442695020e+00, v47;
	v51 =	vsub.f32 $0.0e+00, v32  }
0x3ba: {  	(erf) = vrcp.f32 v48;
	v52 =	vmul.f32 $1.442695020e+00, v49  }
0x3bb: {  	v53 =	vpop (erf);
	(erf) = vpow2.f32 v50;
	v54 =	vmul.f32 $1.442695020e+00, v51  }
0x3bc: {  	v33 =	vpop (erf);
	(erf) = vpow2.f32 v52  }
0x3bd: {  	v39 =	vpop (erf);
	(erf) = vpow2.f32 v54  }
0x3be: {  	v28 =	vpop (erf)  }
0x3bf: {  	v26 =	vpop (erf)  }
0x3c0: {  	v24 =	vpop (erf)  }
0x3c1: {  	v55 =	vpop (erf)  }
0x3c2: {  	v41 =	vpop (erf)  }
0x3c3: {  	v42 =	vpop (erf)  }
0x3c4: {  	v43 =	vpop (erf)  }
0x3c5: {  	v30 =	vmul.f32 v45, v30;
	v56 =	vadd.f32 $1.000000000e+00, v43;
	v57 =	vpop (erf)  }
0x3c6: {  	v36 =	vmul.f32 v55, v36;
	v58 =	vadd.f32 $1.000000000e+00, v57;
	v59 =	vpop (erf)  }
0x3c7: {  	[tilespmem:s9+$0xFFFFFF60] =	vst v30;
	(erf) = vrcp.f32 v56;
	v60 =	vadd.f32 $1.000000000e+00, v59  }
0x3c8: {  	[tilespmem:s9+$0xFFFFEB60] =	vst v36;
	(erf) = vrcp.f32 v58  }
0x3c9: {  	v61 =	vld [tilespmem:s8+$0xFFFFFFA0];
	(erf) = vrcp.f32 v60  }
0x3ca: {  	v11 =	vmul.f32 v37, v11;
	v62 =	vld [tilespmem:s13+$0xFFFFEB70]  }
0x3cb: {  	v13 =	vmul.f32 v63, v13  }
0x3cc: {  	[tilespmem:s10+$0xFFFFFF70] =	vst v11  }
0x3cd: {  	[tilespmem:s10+$0xFFFFEB70] =	vst v13  }
0x3ce: {  	v13 =	vld [tilespmem:s12+$0xFFFFFFB0]  }
0x3cf: {  	v63 =	vld [tilespmem:s13+$0xFFFFFF70];
	v30 =	vadd.f32 v62, v61  }
0x3d0: {  	v45 =	vld [tilespmem:s15+$0xFFFFEB80];
	v36 =	vpop (erf)  }
0x3d1: {  	v46 =	vld [tilespmem:s15+$0xFFFFFF80];
	v47 =	vsub.f32 $0.0e+00, v30;
	v48 =	vpop (erf)  }
0x3d2: {  	v38 =	vadd.f32 $1.000000000e+00, v53;
	v35 =	vmul.f32 v48, v35;
	v49 =	vpop (erf)  }
0x3d3: {  	v40 =	vmul.f32 $1.442695020e+00, v47;
	v32 =	vmul.f32 v49, v32  }
0x3d4: {  	v50 =	vld [tilespmem:s19+$0xFFFFEC00];
	v31 =	vadd.f32 v63, v61;
	(erf) = vrcp.f32 v38;
	[tilespmem:s9+$0xFFFFFFF0] =	vst v35  }
0x3d5: {  	v11 =	vadd.f32 v45, v13;
	(erf) = vpow2.f32 v40;
	[tilespmem:s9+$0xFFFFEBF0] =	vst v32  }
0x3d6: {  	v13 =	vadd.f32 v46, v13;
	v51 =	vsub.f32 $0.0e+00, v31;
	v35 =	vld [tilespmem:s8+$0x30]  }
0x3d7: {  	v52 =	vsub.f32 $0.0e+00, v11;
	v53 =	vld [tilespmem:s13+$0x0]  }
0x3d8: {  	v54 =	vsub.f32 $0.0e+00, v13;
	v32 =	vmul.f32 $1.442695020e+00, v51  }
0x3d9: {  	v37 =	vmul.f32 $1.442695020e+00, v52;
	v29 =	vadd.f32 v50, v29  }
0x3da: {  	v40 =	vmul.f32 $1.442695020e+00, v54;
	(erf) = vpow2.f32 v32  }
0x3db: {  	v55 =	vadd.f32 $1.000000000e+00, v33;
	v34 =	vsub.f32 $0.0e+00, v29;
	(erf) = vpow2.f32 v37  }
0x3dc: {  	v56 =	vadd.f32 $1.000000000e+00, v39;
	(erf) = vpow2.f32 v40;
	v37 =	vadd.f32 v53, v35  }
0x3dd: {  	v57 =	vadd.f32 $1.000000000e+00, v41;
	v58 =	vpop (erf);
	(erf) = vrcp.f32 v55  }
0x3de: {  	v34 =	vmul.f32 $1.442695020e+00, v34;
	v59 =	vpop (erf);
	(erf) = vrcp.f32 v56;
	v60 =	vsub.f32 $0.0e+00, v37  }
0x3df: {  	v33 =	vadd.f32 $1.000000000e+00, v59;
	(erf) = vrcp.f32 v57  }
0x3e0: {  	(erf) = vpow2.f32 v34;
	v61 =	vmul.f32 $1.442695020e+00, v60  }
0x3e1: {  	(erf) = vrcp.f32 v33  }
0x3e2: {  	(erf) = vpow2.f32 v61  }
0x3e3: {  	v62 =	vpop (erf)  }
0x3e4: {  	v63 =	vpop (erf)  }
0x3e5: {  	v48 =	vpop (erf)  }
0x3e6: {  	v39 =	vpop (erf)  }
0x3e7: {  	v40 =	vpop (erf)  }
0x3e8: {  	v41 =	vpop (erf)  }
0x3e9: {  	v49 =	vpop (erf)  }
0x3ea: {  	v44 =	vpop (erf)  }
0x3eb: {  	v45 =	vpop (erf)  }
0x3ec: {  	v45 =	vadd.f32 $1.000000000e+00, v45  }
0x3ed: {  	v33 =	vadd.f32 $1.000000000e+00, v62  }
0x3ee: {  	(erf) = vrcp.f32 v45  }
0x3ef: {  	(erf) = vrcp.f32 v33;
	_ =	sdelay $0x2  }
0x3f0: {  	v25 =	vmul.f32 v42, v25  }
0x3f1: {  	v27 =	vmul.f32 v58, v27  }
0x3f2: {  	[tilespmem:s4+$0xFFFFFF70] =	vst v25  }
0x3f3: {  	[tilespmem:s4+$0xFFFFEB70] =	vst v27  }
0x3f4: {  	v25 =	vld [tilespmem:s17+$0xFFFFFFB0]  }
0x3f5: {  	v27 =	vld [tilespmem:s19+$0xFFFFEB80];
	v32 =	vpop (erf)  }
0x3f6: {  	v50 =	vld [tilespmem:s19+$0xFFFFFF80];
	v30 =	vmul.f32 v44, v30;
	v51 =	vpop (erf)  }
0x3f7: {  	v31 =	vmul.f32 v51, v31  }
0x3f8: {  	[tilespmem:s9+$0xFFFFFF70] =	vst v30  }
0x3f9: {  	v52 =	vld [tilespmem:s13+$0xFFFFEC00];
	[tilespmem:s9+$0xFFFFEB70] =	vst v31  }
0x3fa: {  	v27 =	vadd.f32 v27, v25;
	v31 =	vld [tilespmem:s8+$0xFFFFFFB0]  }
0x3fb: {  	v25 =	vadd.f32 v50, v25;
	v53 =	vld [tilespmem:s13+$0xFFFFEB80]  }
0x3fc: {  	v54 =	vsub.f32 $0.0e+00, v27;
	v55 =	vld [tilespmem:s13+$0xFFFFFF80]  }
0x3fd: {  	v56 =	vsub.f32 $0.0e+00, v25  }
0x3fe: {  	v42 =	vmul.f32 $1.442695020e+00, v54  }
0x3ff: {  	v57 =	vmul.f32 $1.442695020e+00, v56;
	v34 =	vadd.f32 $1.000000000e+00, v63;
	v30 =	vadd.f32 v52, v35  }
0x400: {  	v38 =	vadd.f32 $1.000000000e+00, v48;
	(erf) = vpow2.f32 v42;
	v33 =	vadd.f32 v53, v31  }
0x401: {  	v58 =	vsub.f32 $0.0e+00, v30;
	(erf) = vpow2.f32 v57;
	v31 =	vadd.f32 v55, v31  }
0x402: {  	v59 =	vadd.f32 $1.000000000e+00, v49;
	(erf) = vrcp.f32 v34;
	v60 =	vsub.f32 $0.0e+00, v33  }
0x403: {  	v35 =	vmul.f32 $1.442695020e+00, v58;
	(erf) = vrcp.f32 v38;
	v61 =	vsub.f32 $0.0e+00, v31  }
0x404: {  	(erf) = vrcp.f32 v59;
	v34 =	vmul.f32 $1.442695020e+00, v60  }
0x405: {  	(erf) = vpow2.f32 v35;
	v62 =	vmul.f32 $1.442695020e+00, v61  }
0x406: {  	(erf) = vpow2.f32 v34  }
0x407: {  	v0 =	vmul.f32 v8, v0;
	(erf) = vpow2.f32 v62  }
0x408: {  	v2 =	vmul.f32 v6, v2;
	[tilespmem:s6+$0xFFFFEC00] =	vst v16  }
0x409: {  	[tilespmem:s29+$0xFFFFFF80] =	vst v0;
	v17 =	vmul.f32 v17, v18;
	v16 =	vpop (erf)  }
0x40a: {  	[tilespmem:s29+$0xFFFFEB80] =	vst v2;
	v43 =	vmul.f32 v19, v5;
	v18 =	vpop (erf)  }
0x40b: {  	[tilespmem:s10+$0xFFFFEC00] =	vst v17;
	v47 =	vmul.f32 v28, v9;
	v35 =	vpop (erf)  }
0x40c: {  	[tilespmem:s0+$0x0] =	vst v43;
	v63 =	vmul.f32 v7, v1;
	v42 =	vpop (erf)  }
0x40d: {  	[tilespmem:s0+$0xFFFFFF80] =	vst v47;
	v54 =	vmul.f32 v40, v15;
	v1 =	vadd.f32 $1.000000000e+00, v16;
	v44 =	vpop (erf)  }
0x40e: {  	[tilespmem:s30+$0x0] =	vst v63;
	v49 =	vmul.f32 v26, v10;
	v6 =	vadd.f32 $1.000000000e+00, v18;
	v46 =	vpop (erf)  }
0x40f: {  	[tilespmem:s6+$0xFFFFEB80] =	vst v54;
	v45 =	vmul.f32 v36, v23;
	v7 =	vadd.f32 $1.000000000e+00, v46;
	(erf) = vrcp.f32 v1;
	v48 =	vpop (erf)  }
0x410: {  	[tilespmem:s0+$0xFFFFEB80] =	vst v49;
	v38 =	vmul.f32 v20, v3;
	(erf) = vrcp.f32 v6;
	v50 =	vpop (erf);
	v1 =	vadd.f32 $1.000000000e+00, v48  }
0x411: {  	[tilespmem:s4+$0xFFFFEC00] =	vst v45;
	v52 =	vmul.f32 v32, v37;
	(erf) = vrcp.f32 v7;
	v6 =	vadd.f32 $1.000000000e+00, v50  }
0x412: {  	[tilespmem:s30+$0xFFFFEB80] =	vst v38;
	v51 =	vmul.f32 v24, v14;
	(erf) = vrcp.f32 v1  }
0x413: {  	[tilespmem:s9+$0xFFFFEC00] =	vst v52;
	v56 =	vmul.f32 v35, v11;
	(erf) = vrcp.f32 v6  }
0x414: {  	[tilespmem:s6+$0x0] =	vst v51;
	v57 =	vmul.f32 v42, v13  }
0x415: {  	[tilespmem:s10+$0xFFFFFF80] =	vst v56;
	v58 =	vmul.f32 v44, v29  }
0x416: {  	[tilespmem:s10+$0xFFFFEB80] =	vst v57;
	v53 =	vmul.f32 v39, v12  }
0x417: {  	[tilespmem:s4+$0x0] =	vst v58;
	v55 =	vmul.f32 v41, v22  }
0x418: {  	[tilespmem:s6+$0xFFFFFF80] =	vst v53;
	v34 =	vmul.f32 v21, v4;
	v59 =	vpop (erf)  }
0x419: {  	[tilespmem:s10+$0x0] =	vst v55;
	v60 =	vpop (erf);
	v2 =	vmul.f32 v59, v27  }
0x41a: {  	[tilespmem:s30+$0xFFFFFF80] =	vst v34;
	v61 =	vpop (erf);
	v0 =	vmul.f32 v60, v25  }
0x41b: {  	[tilespmem:s4+$0xFFFFFF80] =	vst v2;
	v1 =	vmul.f32 v61, v30;
	v62 =	vpop (erf)  }
0x41c: {  	[tilespmem:s4+$0xFFFFEB80] =	vst v0;
	v63 =	vpop (erf);
	v2 =	vmul.f32 v62, v33  }
0x41d: {  	[tilespmem:s9+$0x0] =	vst v1;
	v0 =	vmul.f32 v63, v31  }
0x41e: {  	[tilespmem:s9+$0xFFFFFF80] =	vst v2  }
0x41f: {  	[tilespmem:s9+$0xFFFFEB80] =	vst v0  }
.LBB2_10:
0x420: {  	s0 =	sshll.u32 s26, $0x8  }
0x421: {  	s30 =	sand.u32 $0x3FFFFF00, s0  }
0x422: {  	s29 =	sshll.u32 s26, $0x1;
	p2 =	seq.s32 s26, $0x18;
	s0 =	sadd.s32 $0x13880, s30  }
0x423: {  	[spmem:s1] =	stream.indirect.scatter.add.f32 [tilespmem:s22], [sflag:$0x3], $0x80, s0, s16, $0xb8;
	[tilespmem:$0x1F480] =	vst v63  }
0x424: {  	s0 =	sadd.s32 @!p2 $0x2, s29  }
0x425: {  	s2 =	sadd.s32 @!p2 s28, s0  }
0x426: {  	s2 =	smul.u32 @!p2 $0x28, s2  }
0x427: {  	s4 =	simm.s32 @!p2 $0x0  }
0x428: {  	s6 =	simm.s32 @!p2 $0x15480;
	_ =	swait.ge [sflag:s14], $0x2800;
	s2 =	sadd.s32 @!p2 s7, s2  }
0x429: {  	s0 =	sshll.u32 @!p2 s0, $0x7;
	[sflag:s14] =	ssyncset.done $0x0;
	s2 =	sshll.u32 @!p2 s2, $0x4  }
0x42a: {  	s0 =	sand.u32 @!p2 $0x3FFFFF80, s0;
	[sflag:s14] =	ssyncadd.s32 $0xFFFFD800;
	s2 =	sadd.s32 @!p2 s5, s2  }
0x42b: {  	[tilespmem:s6], [sflag:$0x1] =	stream.linear.gather @!p2 [hbm4b:s2+s4], $0x1400, $0x38;
	[tilespmem:$0x1F480] =	vst v63  }
0x42c: {  	s0 =	sadd.s32 @!p2 $0x13880, s0;
	s2 =	simm.s32 @!p2 $0x50;
	s4 =	simm.s32 @!p2 $0x17C80  }
0x42d: {  	[tilespmem:s4], [sflag:$0x1] =	stream.indirect.gather @!p2 [hbm4b:s3+s2], $0x80, s0, s2, $0xb8;
	[tilespmem:$0x1F480] =	vst v63  }
0x42e: {  	_ =	swait.ge [sflag:s23], $0x1400  }
.Ltmp8:
0x42f: {  	[sflag:s23] =	ssyncset.done $0x0;
	(pc) =	sbr.rel @p1 .LBB2_14-.Ltmp8, $4  }
0x430: {  	[sflag:s23] =	ssyncadd.s32 $0xFFFFEC00  }
0x431: {  	_ =	swait.ge [sflag:s23], $0x2800  }
0x432: {  	s19 =	simm.s32 $0x16930;
	s11 =	simm.s32 $0x1B930;
	[sflag:s23] =	ssyncset.done $0x0  }
0x433: {  	s31 =	simm.s32 $0x1E130;
	s4 =	simm.s32 $0x16970;
	[sflag:s23] =	ssyncadd.s32 $0xFFFFD800  }
0x434: {  	v0 =	vld [tilespmem:s19+$0xFFFFFFD0]  }
0x435: {  	v1 =	vld [tilespmem:s11+$0xFFFFEBD0]  }
0x436: {  	v2 =	vld [tilespmem:s11+$0xFFFFFFD0];
	_ =	sdelay $0x3  }
0x437: {  	v1 =	vadd.f32 v1, v0  }
0x438: {  	v3 =	vld [tilespmem:s11+$0xFFFFEB50];
	v0 =	vadd.f32 v2, v0  }
0x439: {  	v5 =	vld [tilespmem:s19+$0xFFFFFF50];
	v2 =	vsub.f32 $0.0e+00, v1  }
0x43a: {  	v6 =	vld [tilespmem:s11+$0xFFFFFF50];
	v4 =	vsub.f32 $0.0e+00, v0  }
0x43b: {  	v2 =	vmul.f32 $1.442695020e+00, v2  }
0x43c: {  	v4 =	vmul.f32 $1.442695020e+00, v4  }
0x43d: {  	(erf) = vpow2.f32 v2  }
0x43e: {  	v2 =	vadd.f32 v3, v5;
	(erf) = vpow2.f32 v4  }
0x43f: {  	v3 =	vadd.f32 v6, v5  }
0x440: {  	v4 =	vsub.f32 $0.0e+00, v2  }
0x441: {  	v5 =	vsub.f32 $0.0e+00, v3  }
0x442: {  	v4 =	vmul.f32 $1.442695020e+00, v4  }
0x443: {  	v5 =	vmul.f32 $1.442695020e+00, v5  }
0x444: {  	(erf) = vpow2.f32 v4;
	_ =	sdelay $0x1  }
0x445: {  	(erf) = vpow2.f32 v5;
	v4 =	vpop (erf)  }
0x446: {  	v4 =	vadd.f32 $1.000000000e+00, v4;
	v5 =	vpop (erf)  }
0x447: {  	v5 =	vadd.f32 $1.000000000e+00, v5  }
0x448: {  	(erf) = vrcp.f32 v4  }
0x449: {  	(erf) = vrcp.f32 v5;
	_ =	sdelay $0x2  }
0x44a: {  	v4 =	vpop (erf)  }
0x44b: {  	v4 =	vadd.f32 $1.000000000e+00, v4  }
0x44c: {  	v5 =	vpop (erf)  }
0x44d: {  	v5 =	vadd.f32 $1.000000000e+00, v5  }
0x44e: {  	(erf) = vrcp.f32 v4  }
0x44f: {  	(erf) = vrcp.f32 v5;
	v4 =	vpop (erf)  }
0x450: {  	s9 =	simm.s32 $0x16A30;
	v1 =	vmul.f32 v4, v1;
	v4 =	vpop (erf)  }
0x451: {  	s8 =	simm.s32 $0x1BA30;
	v5 =	vld [tilespmem:s9+$0xFFFFFFD0];
	v0 =	vmul.f32 v4, v0  }
0x452: {  	[tilespmem:s31+$0xFFFFFFD0] =	vst v1;
	v1 =	vld [tilespmem:s8+$0xFFFFEBD0]  }
0x453: {  	[tilespmem:s31+$0xFFFFEBD0] =	vst v0;
	v0 =	vld [tilespmem:s8+$0xFFFFFFD0]  }
0x454: {  	v4 =	vld [tilespmem:s19+$0xFFFFFFE0]  }
0x455: {  	v6 =	vld [tilespmem:s11+$0xFFFFEBE0]  }
0x456: {  	v7 =	vld [tilespmem:s11+$0xFFFFFFE0]  }
0x457: {  	v8 =	vpop (erf);
	v1 =	vadd.f32 v1, v5  }
0x458: {  	v2 =	vmul.f32 v8, v2;
	v8 =	vpop (erf)  }
0x459: {  	v9 =	vld [tilespmem:s8+$0xFFFFFF50];
	v3 =	vmul.f32 v8, v3;
	v0 =	vadd.f32 v0, v5;
	v8 =	vsub.f32 $0.0e+00, v1  }
0x45a: {  	v5 =	vld [tilespmem:s8+$0xFFFFEB50];
	[tilespmem:s31+$0xFFFFFF50] =	vst v2;
	v6 =	vadd.f32 v6, v4  }
0x45b: {  	v4 =	vadd.f32 v7, v4;
	[tilespmem:s31+$0xFFFFEB50] =	vst v3;
	v3 =	vld [tilespmem:s9+$0xFFFFFF50];
	v2 =	vsub.f32 $0.0e+00, v0;
	v7 =	vmul.f32 $1.442695020e+00, v8  }
0x45c: {  	v10 =	vld [tilespmem:s19+$0xFFFFFF60];
	v8 =	vsub.f32 $0.0e+00, v6  }
0x45d: {  	v11 =	vsub.f32 $0.0e+00, v4;
	v2 =	vmul.f32 $1.442695020e+00, v2;
	(erf) = vpow2.f32 v7;
	v7 =	vld [tilespmem:s11+$0xFFFFEB60]  }
0x45e: {  	v8 =	vmul.f32 $1.442695020e+00, v8  }
0x45f: {  	(erf) = vpow2.f32 v2;
	v2 =	vmul.f32 $1.442695020e+00, v11  }
0x460: {  	v5 =	vadd.f32 v5, v3;
	(erf) = vpow2.f32 v8  }
0x461: {  	(erf) = vpow2.f32 v2;
	v2 =	vadd.f32 v9, v3  }
0x462: {  	v3 =	vsub.f32 $0.0e+00, v5;
	v7 =	vadd.f32 v7, v10  }
0x463: {  	v8 =	vsub.f32 $0.0e+00, v2  }
0x464: {  	v3 =	vmul.f32 $1.442695020e+00, v3;
	v9 =	vsub.f32 $0.0e+00, v7  }
0x465: {  	v8 =	vmul.f32 $1.442695020e+00, v8  }
0x466: {  	v9 =	vmul.f32 $1.442695020e+00, v9;
	_ =	sdelay $0x1  }
0x467: {  	(erf) = vpow2.f32 v3;
	v3 =	vpop (erf)  }
0x468: {  	(erf) = vpow2.f32 v8;
	v3 =	vadd.f32 $1.000000000e+00, v3;
	v8 =	vpop (erf)  }
0x469: {  	v11 =	vld [tilespmem:s11+$0xFFFFFF60];
	(erf) = vpow2.f32 v9;
	v8 =	vadd.f32 $1.000000000e+00, v8;
	v9 =	vpop (erf)  }
0x46a: {  	(erf) = vrcp.f32 v3;
	v3 =	vadd.f32 $1.000000000e+00, v9;
	v9 =	vpop (erf)  }
0x46b: {  	(erf) = vrcp.f32 v8;
	v8 =	vadd.f32 $1.000000000e+00, v9  }
0x46c: {  	(erf) = vrcp.f32 v3  }
0x46d: {  	(erf) = vrcp.f32 v8  }
0x46e: {  	v3 =	vadd.f32 v11, v10;
	_ =	sdelay $0x1  }
0x46f: {  	v9 =	vpop (erf);
	v8 =	vsub.f32 $0.0e+00, v3  }
0x470: {  	v9 =	vadd.f32 $1.000000000e+00, v9;
	v10 =	vpop (erf)  }
0x471: {  	v8 =	vmul.f32 $1.442695020e+00, v8;
	v11 =	vpop (erf)  }
0x472: {  	v12 =	vpop (erf)  }
0x473: {  	(erf) = vpow2.f32 v8;
	v8 =	vadd.f32 $1.000000000e+00, v10;
	v1 =	vmul.f32 v12, v1;
	v10 =	vpop (erf)  }
0x474: {  	s25 =	simm.s32 $0x16B30;
	s0 =	simm.s32 $0x1E230;
	(erf) = vrcp.f32 v9;
	v0 =	vmul.f32 v10, v0;
	v9 =	vpop (erf)  }
0x475: {  	s13 =	simm.s32 $0x1BB30;
	(erf) = vrcp.f32 v8;
	v8 =	vld [tilespmem:s25+$0xFFFFFFD0];
	[tilespmem:s0+$0xFFFFFFD0] =	vst v1;
	v1 =	vmul.f32 v9, v6;
	v6 =	vpop (erf)  }
0x476: {  	v9 =	vld [tilespmem:s13+$0xFFFFEBD0];
	[tilespmem:s0+$0xFFFFEBD0] =	vst v0;
	v0 =	vmul.f32 v6, v4  }
0x477: {  	v4 =	vld [tilespmem:s13+$0xFFFFFFD0];
	[tilespmem:s31+$0xFFFFFFE0] =	vst v1  }
0x478: {  	v13 =	vld [tilespmem:s8+$0xFFFFEBE0];
	[tilespmem:s31+$0xFFFFEBE0] =	vst v0  }
0x479: {  	v10 =	vadd.f32 $1.000000000e+00, v11;
	v0 =	vld [tilespmem:s19+$0xFFFFFFF0]  }
0x47a: {  	v6 =	vld [tilespmem:s11+$0xFFFFEBF0]  }
0x47b: {  	v11 =	vld [tilespmem:s11+$0xFFFFFFF0]  }
0x47c: {  	v1 =	vld [tilespmem:s9+$0xFFFFFFE0];
	v12 =	vpop (erf)  }
0x47d: {  	(erf) = vrcp.f32 v10;
	v14 =	vld [tilespmem:s8+$0xFFFFFFE0];
	v9 =	vadd.f32 v9, v8;
	v10 =	vpop (erf)  }
0x47e: {  	v12 =	vadd.f32 $1.000000000e+00, v12;
	v4 =	vadd.f32 v4, v8;
	v5 =	vmul.f32 v10, v5;
	v10 =	vpop (erf)  }
0x47f: {  	v8 =	vld [tilespmem:s13+$0xFFFFEB50];
	v2 =	vmul.f32 v10, v2;
	v10 =	vsub.f32 $0.0e+00, v9;
	v6 =	vadd.f32 v6, v0  }
0x480: {  	(erf) = vrcp.f32 v12;
	[tilespmem:s0+$0xFFFFFF50] =	vst v5;
	v5 =	vsub.f32 $0.0e+00, v4;
	v11 =	vadd.f32 v11, v0;
	v0 =	vld [tilespmem:s25+$0xFFFFFF50]  }
0x481: {  	[tilespmem:s0+$0xFFFFEB50] =	vst v2;
	v2 =	vmul.f32 $1.442695020e+00, v10;
	v10 =	vadd.f32 v13, v1;
	v13 =	vsub.f32 $0.0e+00, v6  }
0x482: {  	v14 =	vadd.f32 v14, v1;
	v12 =	vld [tilespmem:s13+$0xFFFFFF50];
	v5 =	vmul.f32 $1.442695020e+00, v5;
	v1 =	vsub.f32 $0.0e+00, v11  }
0x483: {  	v15 =	vld [tilespmem:s9+$0xFFFFFF60];
	(erf) = vpow2.f32 v2;
	v13 =	vmul.f32 $1.442695020e+00, v13  }
0x484: {  	v2 =	vld [tilespmem:s8+$0xFFFFEB60];
	(erf) = vpow2.f32 v5;
	v1 =	vmul.f32 $1.442695020e+00, v1  }
0x485: {  	v16 =	vsub.f32 $0.0e+00, v10;
	(erf) = vpow2.f32 v13;
	v13 =	vadd.f32 v8, v0  }
0x486: {  	v5 =	vsub.f32 $0.0e+00, v14  }
0x487: {  	v16 =	vmul.f32 $1.442695020e+00, v16;
	v12 =	vadd.f32 v12, v0;
	v0 =	vsub.f32 $0.0e+00, v13  }
0x488: {  	v5 =	vmul.f32 $1.442695020e+00, v5;
	(erf) = vpow2.f32 v1;
	v1 =	vpop (erf)  }
0x489: {  	v2 =	vadd.f32 v2, v15;
	v1 =	vmul.f32 v1, v7;
	v7 =	vpop (erf);
	v0 =	vmul.f32 $1.442695020e+00, v0  }
0x48a: {  	(erf) = vpow2.f32 v16;
	v3 =	vmul.f32 v7, v3  }
0x48b: {  	(erf) = vpow2.f32 v5;
	v8 =	vsub.f32 $0.0e+00, v2  }
0x48c: {  	v5 =	vsub.f32 $0.0e+00, v12  }
0x48d: {  	(erf) = vpow2.f32 v0;
	v7 =	vmul.f32 $1.442695020e+00, v8;
	v0 =	vpop (erf)  }
0x48e: {  	v5 =	vmul.f32 $1.442695020e+00, v5;
	[tilespmem:s31+$0xFFFFEB60] =	vst v3;
	v3 =	vpop (erf)  }
0x48f: {  	[tilespmem:s31+$0xFFFFFF60] =	vst v1;
	v1 =	vld [tilespmem:s8+$0xFFFFFF60];
	v3 =	vadd.f32 $1.000000000e+00, v3  }
0x490: {  	(erf) = vpow2.f32 v5;
	v0 =	vadd.f32 $1.000000000e+00, v0  }
0x491: {  	(erf) = vpow2.f32 v7;
	v7 =	vpop (erf)  }
0x492: {  	(erf) = vrcp.f32 v0;
	v0 =	vadd.f32 $1.000000000e+00, v7;
	v7 =	vpop (erf)  }
0x493: {  	(erf) = vrcp.f32 v3;
	v3 =	vpop (erf)  }
0x494: {  	v5 =	vld [tilespmem:s19+$0xFFFFFF70];
	v15 =	vadd.f32 v1, v15;
	v1 =	vadd.f32 $1.000000000e+00, v3;
	v3 =	vpop (erf)  }
0x495: {  	v8 =	vld [tilespmem:s11+$0xFFFFEB70];
	v7 =	vadd.f32 $1.000000000e+00, v7;
	v3 =	vadd.f32 $1.000000000e+00, v3  }
0x496: {  	(erf) = vrcp.f32 v0  }
0x497: {  	(erf) = vrcp.f32 v7;
	v7 =	vsub.f32 $0.0e+00, v15  }
0x498: {  	(erf) = vrcp.f32 v1  }
0x499: {  	v1 =	vmul.f32 $1.442695020e+00, v7;
	(erf) = vrcp.f32 v3;
	v3 =	vpop (erf)  }
0x49a: {  	v0 =	vadd.f32 v8, v5;
	v3 =	vadd.f32 $1.000000000e+00, v3;
	v8 =	vpop (erf)  }
0x49b: {  	(erf) = vpow2.f32 v1;
	v1 =	vadd.f32 $1.000000000e+00, v8  }
0x49c: {  	v7 =	vsub.f32 $0.0e+00, v0  }
0x49d: {  	v8 =	vpop (erf)  }
0x49e: {  	v16 =	vld [tilespmem:s11+$0xFFFFFF70];
	v7 =	vmul.f32 $1.442695020e+00, v7;
	(erf) = vrcp.f32 v3;
	v3 =	vpop (erf)  }
0x49f: {  	v8 =	vadd.f32 $1.000000000e+00, v8;
	(erf) = vrcp.f32 v1;
	v3 =	vmul.f32 v3, v9;
	v1 =	vpop (erf)  }
0x4a0: {  	s24 =	simm.s32 $0x16C30;
	s6 =	simm.s32 $0x1E330;
	v1 =	vmul.f32 v1, v4;
	v4 =	vpop (erf)  }
0x4a1: {  	s12 =	simm.s32 $0x1BC30;
	(erf) = vrcp.f32 v8;
	v9 =	vld [tilespmem:s24+$0xFFFFFFD0];
	[tilespmem:s6+$0xFFFFFFD0] =	vst v3;
	v3 =	vmul.f32 v4, v6;
	v4 =	vpop (erf)  }
0x4a2: {  	(erf) = vpow2.f32 v7;
	v6 =	vld [tilespmem:s12+$0xFFFFEBD0];
	[tilespmem:s6+$0xFFFFEBD0] =	vst v1;
	v7 =	vpop (erf);
	v4 =	vmul.f32 v4, v11  }
0x4a3: {  	v1 =	vadd.f32 v16, v5;
	v5 =	vld [tilespmem:s12+$0xFFFFFFD0];
	v8 =	vpop (erf);
	[tilespmem:s31+$0xFFFFFFF0] =	vst v3  }
0x4a4: {  	v7 =	vmul.f32 v7, v10;
	v3 =	vld [tilespmem:s25+$0xFFFFFFE0];
	v10 =	vmul.f32 v8, v14;
	[tilespmem:s31+$0xFFFFEBF0] =	vst v4  }
0x4a5: {  	v4 =	vsub.f32 $0.0e+00, v1;
	v8 =	vld [tilespmem:s19+$0x0]  }
0x4a6: {  	[tilespmem:s0+$0xFFFFEBE0] =	vst v10;
	v10 =	vld [tilespmem:s11+$0x0]  }
0x4a7: {  	[tilespmem:s0+$0xFFFFFFE0] =	vst v7;
	v4 =	vmul.f32 $1.442695020e+00, v4;
	v19 =	vadd.f32 v6, v9;
	v6 =	vld [tilespmem:s13+$0xFFFFEBE0]  }
0x4a8: {  	v7 =	vpop (erf);
	v14 =	vld [tilespmem:s9+$0xFFFFFFF0]  }
0x4a9: {  	v17 =	vld [tilespmem:s8+$0xFFFFEBF0];
	v9 =	vadd.f32 v5, v9;
	v11 =	vpop (erf);
	(erf) = vpow2.f32 v4;
	v4 =	vadd.f32 $1.000000000e+00, v7  }
0x4aa: {  	v7 =	vld [tilespmem:s8+$0xFFFFFFF0];
	v16 =	vpop (erf)  }
0x4ab: {  	v11 =	vmul.f32 v11, v13;
	v20 =	vsub.f32 $0.0e+00, v9;
	v18 =	vpop (erf);
	(erf) = vrcp.f32 v4  }
0x4ac: {  	v4 =	vld [tilespmem:s13+$0xFFFFFFE0];
	v13 =	vpop (erf);
	v5 =	vadd.f32 v10, v8;
	v10 =	vmul.f32 v16, v12;
	v16 =	vsub.f32 $0.0e+00, v19  }
0x4ad: {  	v12 =	vld [tilespmem:s12+$0xFFFFEB50];
	v22 =	vadd.f32 v6, v3;
	v13 =	vadd.f32 $1.000000000e+00, v13  }
0x4ae: {  	v17 =	vadd.f32 v17, v14;
	v21 =	vsub.f32 $0.0e+00, v5;
	[tilespmem:s6+$0xFFFFEB50] =	vst v10;
	v10 =	vld [tilespmem:s24+$0xFFFFFF50]  }
0x4af: {  	v14 =	vadd.f32 v7, v14;
	(erf) = vrcp.f32 v13;
	v13 =	vmul.f32 $1.442695020e+00, v16  }
0x4b0: {  	[tilespmem:s6+$0xFFFFFF50] =	vst v11;
	v11 =	vld [tilespmem:s12+$0xFFFFFF50];
	v16 =	vmul.f32 $1.442695020e+00, v20;
	v6 =	vsub.f32 $0.0e+00, v17;
	v7 =	vmul.f32 $1.442695020e+00, v21  }
0x4b1: {  	v21 =	vadd.f32 v4, v3;
	v3 =	vsub.f32 $0.0e+00, v14;
	(erf) = vpow2.f32 v13  }
0x4b2: {  	v20 =	vld [tilespmem:s25+$0xFFFFFF60];
	v4 =	vsub.f32 $0.0e+00, v22;
	v6 =	vmul.f32 $1.442695020e+00, v6;
	(erf) = vpow2.f32 v7  }
0x4b3: {  	v13 =	vld [tilespmem:s13+$0xFFFFEB60];
	v3 =	vmul.f32 $1.442695020e+00, v3;
	(erf) = vpow2.f32 v16;
	v12 =	vadd.f32 v12, v10  }
0x4b4: {  	v4 =	vmul.f32 $1.442695020e+00, v4;
	(erf) = vpow2.f32 v6  }
0x4b5: {  	v10 =	vadd.f32 v11, v10;
	(erf) = vpow2.f32 v3;
	v3 =	vsub.f32 $0.0e+00, v12  }
0x4b6: {  	v7 =	vsub.f32 $0.0e+00, v21  }
0x4b7: {  	(erf) = vpow2.f32 v4;
	v4 =	vsub.f32 $0.0e+00, v10;
	v3 =	vmul.f32 $1.442695020e+00, v3  }
0x4b8: {  	v6 =	vmul.f32 $1.442695020e+00, v7;
	v7 =	vadd.f32 v13, v20;
	v13 =	vpop (erf)  }
0x4b9: {  	v11 =	vpop (erf);
	v4 =	vmul.f32 $1.442695020e+00, v4  }
0x4ba: {  	(erf) = vpow2.f32 v6;
	v6 =	vmul.f32 v18, v2;
	v2 =	vpop (erf)  }
0x4bb: {  	v16 =	vsub.f32 $0.0e+00, v7;
	(erf) = vpow2.f32 v3;
	v3 =	vpop (erf)  }
0x4bc: {  	v11 =	vmul.f32 v11, v15;
	v3 =	vadd.f32 $1.000000000e+00, v3  }
0x4bd: {  	v15 =	vld [tilespmem:s13+$0xFFFFFF60];
	v16 =	vmul.f32 $1.442695020e+00, v16;
	(erf) = vpow2.f32 v4;
	v4 =	vpop (erf)  }
0x4be: {  	v4 =	vadd.f32 $1.000000000e+00, v4  }
0x4bf: {  	[tilespmem:s0+$0xFFFFFF60] =	vst v6;
	(erf) = vpow2.f32 v16;
	v6 =	vpop (erf)  }
0x4c0: {  	(erf) = vrcp.f32 v3;
	v3 =	vpop (erf)  }
0x4c1: {  	v6 =	vadd.f32 $1.000000000e+00, v6;
	v23 =	vpop (erf)  }
0x4c2: {  	[tilespmem:s0+$0xFFFFEB60] =	vst v11;
	v11 =	vadd.f32 v15, v20;
	(erf) = vrcp.f32 v4;
	v3 =	vadd.f32 $1.000000000e+00, v3;
	v4 =	vpop (erf)  }
0x4c3: {  	(erf) = vrcp.f32 v6;
	v6 =	vadd.f32 $1.000000000e+00, v23;
	v15 =	vpop (erf)  }
0x4c4: {  	(erf) = vrcp.f32 v3;
	v3 =	vsub.f32 $0.0e+00, v11;
	v15 =	vadd.f32 $1.000000000e+00, v15  }
0x4c5: {  	v18 =	vld [tilespmem:s8+$0xFFFFEB70];
	v4 =	vadd.f32 $1.000000000e+00, v4  }
0x4c6: {  	v16 =	vld [tilespmem:s9+$0xFFFFFF70];
	(erf) = vrcp.f32 v6;
	v3 =	vmul.f32 $1.442695020e+00, v3  }
0x4c7: {  	v13 =	vadd.f32 $1.000000000e+00, v13;
	(erf) = vrcp.f32 v4;
	v6 =	vpop (erf)  }
0x4c8: {  	(erf) = vrcp.f32 v15;
	v6 =	vadd.f32 $1.000000000e+00, v6;
	v15 =	vpop (erf)  }
0x4c9: {  	v15 =	vadd.f32 $1.000000000e+00, v15  }
0x4ca: {  	(erf) = vpow2.f32 v3;
	v3 =	vpop (erf)  }
0x4cb: {  	v4 =	vadd.f32 v18, v16;
	(erf) = vrcp.f32 v13;
	v13 =	vpop (erf)  }
0x4cc: {  	(erf) = vrcp.f32 v6;
	v3 =	vadd.f32 $1.000000000e+00, v3;
	v6 =	vpop (erf)  }
0x4cd: {  	v20 =	vld [tilespmem:s8+$0xFFFFFF70];
	v18 =	vsub.f32 $0.0e+00, v4;
	(erf) = vrcp.f32 v15;
	v15 =	vpop (erf)  }
0x4ce: {  	v9 =	vmul.f32 v15, v9  }
0x4cf: {  	v18 =	vmul.f32 $1.442695020e+00, v18;
	v13 =	vmul.f32 v13, v19  }
0x4d0: {  	s15 =	simm.s32 $0x16D30;
	s10 =	simm.s32 $0x1E430;
	(erf) = vrcp.f32 v3;
	v3 =	vpop (erf)  }
0x4d1: {  	v19 =	vld [tilespmem:s15+$0xFFFFFFD0];
	[tilespmem:s10+$0xFFFFFFD0] =	vst v13;
	v13 =	vmul.f32 v3, v17;
	v15 =	vpop (erf)  }
0x4d2: {  	s17 =	simm.s32 $0x1BD30;
	v17 =	vld [tilespmem:s11+$0xFFFFEC00];
	v3 =	vadd.f32 v20, v16;
	[tilespmem:s10+$0xFFFFEBD0] =	vst v9;
	v14 =	vmul.f32 v15, v14;
	v9 =	vpop (erf)  }
0x4d3: {  	(erf) = vpow2.f32 v18;
	v16 =	vld [tilespmem:s17+$0xFFFFEBD0];
	[tilespmem:s0+$0xFFFFFFF0] =	vst v13;
	v9 =	vmul.f32 v9, v22;
	v18 =	vpop (erf)  }
0x4d4: {  	v15 =	vld [tilespmem:s17+$0xFFFFFFD0];
	v20 =	vsub.f32 $0.0e+00, v3;
	[tilespmem:s0+$0xFFFFEBF0] =	vst v14;
	v18 =	vmul.f32 v18, v21  }
0x4d5: {  	v13 =	vld [tilespmem:s9+$0x0];
	[tilespmem:s6+$0xFFFFFFE0] =	vst v9  }
0x4d6: {  	v20 =	vmul.f32 $1.442695020e+00, v20;
	v14 =	vpop (erf);
	[tilespmem:s6+$0xFFFFEBE0] =	vst v18;
	v18 =	vld [tilespmem:s8+$0x0]  }
0x4d7: {  	v21 =	vpop (erf);
	v9 =	vadd.f32 v17, v8;
	v8 =	vadd.f32 $1.000000000e+00, v14;
	v17 =	vld [tilespmem:s25+$0xFFFFFFF0]  }
0x4d8: {  	v14 =	vpop (erf);
	v23 =	vld [tilespmem:s13+$0xFFFFEBF0]  }
0x4d9: {  	v26 =	vadd.f32 v16, v19;
	v12 =	vmul.f32 v14, v12;
	v14 =	vld [tilespmem:s13+$0xFFFFFFF0]  }
0x4da: {  	v22 =	vld [tilespmem:s24+$0xFFFFFFE0];
	(erf) = vpow2.f32 v20;
	v19 =	vadd.f32 v15, v19;
	v20 =	vpop (erf);
	v24 =	vsub.f32 $0.0e+00, v9  }
0x4db: {  	v15 =	vld [tilespmem:s12+$0xFFFFEBE0];
	v27 =	vsub.f32 $0.0e+00, v26;
	(erf) = vrcp.f32 v8;
	v8 =	vpop (erf)  }
0x4dc: {  	v28 =	vsub.f32 $0.0e+00, v19;
	v20 =	vmul.f32 v20, v10;
	v16 =	vmul.f32 $1.442695020e+00, v24;
	v24 =	vld [tilespmem:s12+$0xFFFFFFE0];
	v25 =	vpop (erf)  }
0x4dd: {  	v25 =	vadd.f32 $1.000000000e+00, v25;
	v10 =	vadd.f32 v18, v13  }
0x4de: {  	[tilespmem:s10+$0xFFFFEB50] =	vst v20;
	v20 =	vld [tilespmem:s15+$0xFFFFFF50];
	(erf) = vpow2.f32 v16;
	v23 =	vadd.f32 v23, v17;
	v17 =	vadd.f32 v14, v17  }
0x4df: {  	v18 =	vld [tilespmem:s17+$0xFFFFEB50];
	v16 =	vsub.f32 $0.0e+00, v10;
	(erf) = vrcp.f32 v25;
	v25 =	vmul.f32 $1.442695020e+00, v27  }
0x4e0: {  	v27 =	vmul.f32 $1.442695020e+00, v28;
	v28 =	vadd.f32 v15, v22;
	v15 =	vsub.f32 $0.0e+00, v23  }
0x4e1: {  	[tilespmem:s10+$0xFFFFFF50] =	vst v12;
	v12 =	vld [tilespmem:s17+$0xFFFFFF50];
	v22 =	vadd.f32 v24, v22;
	v24 =	vsub.f32 $0.0e+00, v17;
	v16 =	vmul.f32 $1.442695020e+00, v16  }
0x4e2: {  	(erf) = vpow2.f32 v25;
	v15 =	vmul.f32 $1.442695020e+00, v15  }
0x4e3: {  	v29 =	vsub.f32 $0.0e+00, v28;
	v24 =	vmul.f32 $1.442695020e+00, v24;
	(erf) = vpow2.f32 v16  }
0x4e4: {  	v14 =	vld [tilespmem:s24+$0xFFFFFF60];
	v16 =	vadd.f32 v18, v20;
	(erf) = vpow2.f32 v27;
	v27 =	vsub.f32 $0.0e+00, v22  }
0x4e5: {  	v25 =	vld [tilespmem:s12+$0xFFFFEB60];
	v18 =	vmul.f32 $1.442695020e+00, v29;
	(erf) = vpow2.f32 v15  }
0x4e6: {  	v15 =	vadd.f32 v12, v20;
	v20 =	vmul.f32 $1.442695020e+00, v27;
	v27 =	vsub.f32 $0.0e+00, v16  }
0x4e7: {  	v7 =	vmul.f32 v8, v7  }
0x4e8: {  	(erf) = vpow2.f32 v24;
	v24 =	vpop (erf);
	v8 =	vmul.f32 $1.442695020e+00, v27  }
0x4e9: {  	(erf) = vpow2.f32 v18;
	v18 =	vpop (erf)  }
0x4ea: {  	v12 =	vadd.f32 v25, v14;
	(erf) = vpow2.f32 v20;
	v20 =	vpop (erf)  }
0x4eb: {  	v25 =	vsub.f32 $0.0e+00, v15;
	v29 =	vpop (erf)  }
0x4ec: {  	v27 =	vsub.f32 $0.0e+00, v12;
	(erf) = vpow2.f32 v8;
	v8 =	vpop (erf)  }
0x4ed: {  	[tilespmem:s6+$0xFFFFFF60] =	vst v7;
	v11 =	vmul.f32 v18, v11;
	v18 =	vmul.f32 $1.442695020e+00, v25;
	v25 =	vld [tilespmem:s12+$0xFFFFFF60];
	v7 =	vadd.f32 $1.000000000e+00, v8  }
0x4ee: {  	v27 =	vmul.f32 $1.442695020e+00, v27  }
0x4ef: {  	v1 =	vmul.f32 v21, v1;
	(erf) = vpow2.f32 v18;
	v8 =	vpop (erf)  }
0x4f0: {  	v0 =	vmul.f32 v2, v0;
	[tilespmem:s6+$0xFFFFEB60] =	vst v11;
	(erf) = vpow2.f32 v27;
	v2 =	vpop (erf);
	v8 =	vadd.f32 $1.000000000e+00, v8  }
0x4f1: {  	v18 =	vld [tilespmem:s25+$0xFFFFFF70];
	v2 =	vadd.f32 $1.000000000e+00, v2;
	(erf) = vrcp.f32 v7;
	v7 =	vpop (erf)  }
0x4f2: {  	[tilespmem:s31+$0xFFFFFF70] =	vst v0;
	v0 =	vld [tilespmem:s13+$0xFFFFEB70];
	v14 =	vadd.f32 v25, v14;
	(erf) = vrcp.f32 v8;
	v7 =	vadd.f32 $1.000000000e+00, v7;
	v11 =	vpop (erf)  }
0x4f3: {  	[tilespmem:s31+$0xFFFFEB70] =	vst v1;
	(erf) = vrcp.f32 v2;
	v1 =	vpop (erf);
	v2 =	vadd.f32 $1.000000000e+00, v11  }
0x4f4: {  	v1 =	vadd.f32 $1.000000000e+00, v1;
	(erf) = vrcp.f32 v7;
	v7 =	vsub.f32 $0.0e+00, v14  }
0x4f5: {  	v21 =	vld [tilespmem:s19+$0xFFFFFF80];
	v8 =	vpop (erf);
	(erf) = vrcp.f32 v2  }
0x4f6: {  	v11 =	vld [tilespmem:s11+$0xFFFFEB80];
	v8 =	vadd.f32 $1.000000000e+00, v8;
	(erf) = vrcp.f32 v1;
	v1 =	vmul.f32 $1.442695020e+00, v7  }
0x4f7: {  	v2 =	vld [tilespmem:s13+$0xFFFFFF70];
	v7 =	vadd.f32 v0, v18;
	v0 =	vpop (erf)  }
0x4f8: {  	v25 =	vld [tilespmem:s11+$0xFFFFFF80];
	(erf) = vrcp.f32 v8;
	v8 =	vadd.f32 $1.000000000e+00, v24;
	v24 =	vpop (erf)  }
0x4f9: {  	v27 =	vsub.f32 $0.0e+00, v7;
	v24 =	vadd.f32 $1.000000000e+00, v24  }
0x4fa: {  	v30 =	vadd.f32 $1.000000000e+00, v0;
	(erf) = vpow2.f32 v1;
	v1 =	vpop (erf)  }
0x4fb: {  	v0 =	vadd.f32 v11, v21;
	(erf) = vrcp.f32 v8;
	v27 =	vmul.f32 $1.442695020e+00, v27;
	v31 =	vpop (erf)  }
0x4fc: {  	v8 =	vadd.f32 v2, v18;
	(erf) = vrcp.f32 v30;
	v1 =	vadd.f32 $1.000000000e+00, v1;
	v11 =	vpop (erf)  }
0x4fd: {  	v2 =	vadd.f32 v25, v21;
	v18 =	vmul.f32 v31, v26;
	(erf) = vrcp.f32 v24;
	v24 =	vpop (erf)  }
0x4fe: {  	s11 =	simm.s32 $0x1E530;
	(erf) = vrcp.f32 v1;
	v1 =	vmul.f32 v24, v19;
	v19 =	vpop (erf);
	v24 =	vsub.f32 $0.0e+00, v8  }
0x4ff: {  	v25 =	vsub.f32 $0.0e+00, v0;
	[tilespmem:s11+$0xFFFFFFD0] =	vst v18;
	(erf) = vpow2.f32 v27;
	v18 =	vmul.f32 v19, v23;
	v19 =	vpop (erf)  }
0x500: {  	s19 =	simm.s32 $0x16E30;
	v23 =	vld [tilespmem:s8+$0xFFFFEC00];
	v17 =	vmul.f32 v19, v17;
	v19 =	vsub.f32 $0.0e+00, v2;
	v24 =	vmul.f32 $1.442695020e+00, v24  }
0x501: {  	s4 =	simm.s32 $0x1BE30;
	v21 =	vld [tilespmem:s19+$0xFFFFFFD0];
	[tilespmem:s11+$0xFFFFEBD0] =	vst v1  }
0x502: {  	v26 =	vld [tilespmem:s4+$0xFFFFEBD0];
	[tilespmem:s6+$0xFFFFFFF0] =	vst v18;
	v18 =	vmul.f32 $1.442695020e+00, v25;
	v1 =	vpop (erf);
	v19 =	vmul.f32 $1.442695020e+00, v19  }
0x503: {  	v20 =	vadd.f32 $1.000000000e+00, v20;
	v27 =	vld [tilespmem:s4+$0xFFFFFFD0];
	[tilespmem:s6+$0xFFFFEBF0] =	vst v17;
	(erf) = vpow2.f32 v24;
	v1 =	vmul.f32 v1, v28;
	v28 =	vpop (erf)  }
0x504: {  	v17 =	vld [tilespmem:s25+$0x0];
	(erf) = vpow2.f32 v18;
	v24 =	vpop (erf)  }
0x505: {  	v18 =	vld [tilespmem:s13+$0x0];
	v22 =	vmul.f32 v28, v22;
	[tilespmem:s10+$0xFFFFFFE0] =	vst v1;
	v28 =	vpop (erf);
	v1 =	vadd.f32 v23, v13;
	v13 =	vadd.f32 $1.000000000e+00, v24  }
0x506: {  	v25 =	vld [tilespmem:s15+$0xFFFFFFE0];
	(erf) = vpow2.f32 v19;
	v19 =	vpop (erf)  }
0x507: {  	v31 =	vadd.f32 v26, v21;
	v26 =	vld [tilespmem:s17+$0xFFFFEBE0];
	(erf) = vrcp.f32 v20;
	[tilespmem:s10+$0xFFFFEBE0] =	vst v22;
	v20 =	vpop (erf)  }
0x508: {  	v4 =	vmul.f32 v29, v4;
	v22 =	vld [tilespmem:s24+$0xFFFFFFF0];
	v24 =	vsub.f32 $0.0e+00, v1;
	v29 =	vpop (erf)  }
0x509: {  	v21 =	vadd.f32 v27, v21;
	v23 =	vld [tilespmem:s12+$0xFFFFEBF0];
	v16 =	vmul.f32 v19, v16;
	(erf) = vrcp.f32 v13;
	v13 =	vpop (erf)  }
0x50a: {  	v19 =	vld [tilespmem:s12+$0xFFFFFFF0];
	v24 =	vmul.f32 $1.442695020e+00, v24;
	v27 =	vadd.f32 $1.000000000e+00, v13;
	v13 =	vadd.f32 v18, v17  }
0x50b: {  	v30 =	vsub.f32 $0.0e+00, v31  }
0x50c: {  	v15 =	vmul.f32 v20, v15;
	v20 =	vld [tilespmem:s17+$0xFFFFFFE0];
	(erf) = vpow2.f32 v24;
	v24 =	vsub.f32 $0.0e+00, v13  }
0x50d: {  	v32 =	vsub.f32 $0.0e+00, v21;
	v18 =	vld [tilespmem:s4+$0xFFFFEB50];
	(erf) = vrcp.f32 v27  }
0x50e: {  	[tilespmem:s11+$0xFFFFEB50] =	vst v15;
	v15 =	vld [tilespmem:s19+$0xFFFFFF50];
	v23 =	vadd.f32 v23, v22;
	v27 =	vmul.f32 $1.442695020e+00, v30;
	v24 =	vmul.f32 $1.442695020e+00, v24  }
0x50f: {  	v33 =	vadd.f32 v26, v25;
	[tilespmem:s11+$0xFFFFFF50] =	vst v16;
	v16 =	vld [tilespmem:s4+$0xFFFFFF50];
	v22 =	vadd.f32 v19, v22  }
0x510: {  	v41 =	vld [tilespmem:s15+$0xFFFFFF60];
	v30 =	vmul.f32 $1.442695020e+00, v32;
	v19 =	vsub.f32 $0.0e+00, v23;
	(erf) = vpow2.f32 v27  }
0x511: {  	v26 =	vld [tilespmem:s17+$0xFFFFEB60];
	v20 =	vadd.f32 v20, v25;
	v25 =	vsub.f32 $0.0e+00, v22;
	(erf) = vpow2.f32 v24  }
0x512: {  	v27 =	vsub.f32 $0.0e+00, v33;
	v19 =	vmul.f32 $1.442695020e+00, v19;
	(erf) = vpow2.f32 v30;
	v24 =	vpop (erf)  }
0x513: {  	[tilespmem:s0+$0xFFFFFF70] =	vst v4;
	v4 =	vmul.f32 v29, v12;
	v18 =	vadd.f32 v18, v15;
	v25 =	vmul.f32 $1.442695020e+00, v25;
	v34 =	vpop (erf)  }
0x514: {  	v27 =	vmul.f32 $1.442695020e+00, v27;
	v30 =	vsub.f32 $0.0e+00, v20;
	(erf) = vpow2.f32 v19;
	v35 =	vpop (erf)  }
0x515: {  	v19 =	vadd.f32 v16, v15;
	(erf) = vpow2.f32 v25;
	v25 =	vsub.f32 $0.0e+00, v18;
	v15 =	vpop (erf)  }
0x516: {  	v3 =	vmul.f32 v28, v3;
	v16 =	vadd.f32 v26, v41;
	v30 =	vmul.f32 $1.442695020e+00, v30;
	v26 =	vpop (erf)  }
0x517: {  	(erf) = vpow2.f32 v27;
	v27 =	vsub.f32 $0.0e+00, v19;
	v25 =	vmul.f32 $1.442695020e+00, v25;
	v28 =	vpop (erf)  }
0x518: {  	[tilespmem:s0+$0xFFFFEB70] =	vst v3;
	v12 =	vld [tilespmem:s17+$0xFFFFFF60];
	v29 =	vsub.f32 $0.0e+00, v16;
	(erf) = vpow2.f32 v30;
	v3 =	vmul.f32 v26, v14;
	v36 =	vpop (erf)  }
0x519: {  	[tilespmem:s10+$0xFFFFFF60] =	vst v4;
	v14 =	vmul.f32 $1.442695020e+00, v27;
	v4 =	vpop (erf)  }
0x51a: {  	v27 =	vld [tilespmem:s9+$0xFFFFFF80];
	(erf) = vpow2.f32 v25;
	v25 =	vmul.f32 $1.442695020e+00, v29;
	[tilespmem:s10+$0xFFFFEB60] =	vst v3;
	v3 =	vadd.f32 $1.000000000e+00, v4;
	v4 =	vpop (erf)  }
0x51b: {  	v29 =	vld [tilespmem:s8+$0xFFFFEB80];
	(erf) = vpow2.f32 v14;
	v30 =	vpop (erf)  }
0x51c: {  	v14 =	vld [tilespmem:s24+$0xFFFFFF70];
	(erf) = vpow2.f32 v25;
	v25 =	vadd.f32 $1.000000000e+00, v30  }
0x51d: {  	v26 =	vadd.f32 v12, v41;
	v12 =	vld [tilespmem:s12+$0xFFFFEB70];
	v4 =	vadd.f32 $1.000000000e+00, v4  }
0x51e: {  	(erf) = vrcp.f32 v3;
	v30 =	vld [tilespmem:s12+$0xFFFFFF70];
	v3 =	vpop (erf)  }
0x51f: {  	v38 =	vsub.f32 $0.0e+00, v26;
	(erf) = vrcp.f32 v4;
	v42 =	vpop (erf)  }
0x520: {  	v4 =	vadd.f32 v29, v27;
	v3 =	vadd.f32 $1.000000000e+00, v3;
	(erf) = vrcp.f32 v25;
	v25 =	vpop (erf)  }
0x521: {  	v32 =	vadd.f32 $1.000000000e+00, v42;
	v29 =	vadd.f32 $1.000000000e+00, v25;
	v25 =	vpop (erf)  }
0x522: {  	(erf) = vrcp.f32 v3;
	v3 =	vadd.f32 $1.000000000e+00, v25;
	v25 =	vadd.f32 v12, v14  }
0x523: {  	v24 =	vadd.f32 $1.000000000e+00, v24;
	(erf) = vrcp.f32 v32;
	v12 =	vadd.f32 v30, v14  }
0x524: {  	v14 =	vpop (erf);
	(erf) = vrcp.f32 v29;
	v29 =	vmul.f32 $1.442695020e+00, v38;
	v30 =	vsub.f32 $0.0e+00, v25  }
0x525: {  	v37 =	vld [tilespmem:s8+$0xFFFFFF80];
	v44 =	vpop (erf);
	(erf) = vrcp.f32 v3  }
0x526: {  	v14 =	vadd.f32 $1.000000000e+00, v14;
	v45 =	vpop (erf);
	(erf) = vpow2.f32 v29  }
0x527: {  	v43 =	vsub.f32 $0.0e+00, v4;
	v32 =	vadd.f32 $1.000000000e+00, v44;
	(erf) = vrcp.f32 v24;
	v24 =	vpop (erf)  }
0x528: {  	v46 =	vmul.f32 $1.442695020e+00, v30;
	(erf) = vrcp.f32 v14;
	v14 =	vadd.f32 $1.000000000e+00, v45;
	v30 =	vpop (erf)  }
0x529: {  	v29 =	vsub.f32 $0.0e+00, v12;
	v24 =	vmul.f32 v24, v31;
	(erf) = vrcp.f32 v32;
	v31 =	vpop (erf)  }
0x52a: {  	v3 =	vadd.f32 v37, v27;
	(erf) = vrcp.f32 v14;
	v14 =	vmul.f32 v31, v21  }
0x52b: {  	s2 =	simm.s32 $0x1BF30;
	s8 =	simm.s32 $0x1E630;
	v27 =	vmul.f32 $1.442695020e+00, v43;
	v29 =	vmul.f32 $1.442695020e+00, v29;
	v21 =	vpop (erf)  }
0x52c: {  	v49 =	vld [tilespmem:s2+$0xFFFFEBD0];
	v47 =	vsub.f32 $0.0e+00, v3;
	[tilespmem:s8+$0xFFFFFFD0] =	vst v24;
	(erf) = vpow2.f32 v46;
	v21 =	vmul.f32 v21, v23;
	v23 =	vpop (erf)  }
0x52d: {  	s9 =	simm.s32 $0x16F30;
	v24 =	vld [tilespmem:s13+$0xFFFFEC00];
	(erf) = vpow2.f32 v29;
	[tilespmem:s8+$0xFFFFEBD0] =	vst v14;
	v22 =	vmul.f32 v23, v22  }
0x52e: {  	v48 =	vld [tilespmem:s9+$0xFFFFFFD0];
	v31 =	vmul.f32 $1.442695020e+00, v47;
	(erf) = vpow2.f32 v27;
	[tilespmem:s10+$0xFFFFFFF0] =	vst v21;
	v21 =	vadd.f32 $1.000000000e+00, v34;
	v14 =	vpop (erf)  }
0x52f: {  	v27 =	vmul.f32 v6, v5;
	v6 =	vadd.f32 $1.000000000e+00, v35;
	v14 =	vmul.f32 v14, v33;
	v29 =	vpop (erf)  }
0x530: {  	v23 =	vld [tilespmem:s2+$0xFFFFFFD0];
	(erf) = vpow2.f32 v31;
	[tilespmem:s10+$0xFFFFEBF0] =	vst v22;
	v20 =	vmul.f32 v29, v20  }
0x531: {  	v28 =	vadd.f32 $1.000000000e+00, v28;
	v22 =	vpop (erf);
	(erf) = vrcp.f32 v21;
	[tilespmem:s11+$0xFFFFFFE0] =	vst v14;
	v14 =	vld [tilespmem:s24+$0x0]  }
0x532: {  	v5 =	vadd.f32 v24, v17;
	v21 =	vpop (erf);
	v17 =	vadd.f32 $1.000000000e+00, v22;
	(erf) = vrcp.f32 v6;
	[tilespmem:s11+$0xFFFFEBE0] =	vst v20;
	v20 =	vld [tilespmem:s12+$0x0]  }
0x533: {  	v29 =	vadd.f32 v49, v48;
	v6 =	vpop (erf);
	(erf) = vrcp.f32 v28;
	v22 =	vld [tilespmem:s15+$0xFFFFFFF0]  }
0x534: {  	v24 =	vsub.f32 $0.0e+00, v5;
	v31 =	vmul.f32 v21, v8;
	v8 =	vpop (erf);
	(erf) = vrcp.f32 v17;
	v17 =	vld [tilespmem:s17+$0xFFFFFFF0]  }
0x535: {  	v53 =	vsub.f32 $0.0e+00, v29;
	v21 =	vld [tilespmem:s17+$0xFFFFEBF0];
	v51 =	vpop (erf)  }
0x536: {  	v6 =	vmul.f32 v6, v18;
	v18 =	vadd.f32 v23, v48;
	v23 =	vmul.f32 $1.442695020e+00, v24;
	v28 =	vpop (erf)  }
0x537: {  	v50 =	vld [tilespmem:s19+$0xFFFFFFE0];
	v8 =	vmul.f32 v8, v19;
	v24 =	vadd.f32 $1.000000000e+00, v28;
	v28 =	vadd.f32 v20, v14  }
0x538: {  	v52 =	vld [tilespmem:s4+$0xFFFFEBE0];
	(erf) = vpow2.f32 v23;
	[tilespmem:s8+$0xFFFFFF50] =	vst v6  }
0x539: {  	v19 =	vld [tilespmem:s4+$0xFFFFFFE0];
	[tilespmem:s8+$0xFFFFEB50] =	vst v8;
	v8 =	vmul.f32 $1.442695020e+00, v53;
	v23 =	vadd.f32 v17, v22;
	v6 =	vsub.f32 $0.0e+00, v28  }
0x53a: {  	v56 =	vld [tilespmem:s9+$0xFFFFFF50];
	v21 =	vadd.f32 v21, v22;
	(erf) = vrcp.f32 v24  }
0x53b: {  	v20 =	vld [tilespmem:s2+$0xFFFFEB50];
	(erf) = vpow2.f32 v8;
	v8 =	vsub.f32 $0.0e+00, v23;
	v6 =	vmul.f32 $1.442695020e+00, v6  }
0x53c: {  	v55 =	vld [tilespmem:s2+$0xFFFFFF50];
	v7 =	vmul.f32 v36, v7;
	v54 =	vsub.f32 $0.0e+00, v18;
	v59 =	vpop (erf)  }
0x53d: {  	v58 =	vld [tilespmem:s19+$0xFFFFFF60];
	v60 =	vpop (erf);
	v22 =	vadd.f32 v52, v50;
	v17 =	vsub.f32 $0.0e+00, v21;
	(erf) = vpow2.f32 v6  }
0x53e: {  	v57 =	vmul.f32 $1.442695020e+00, v54;
	v39 =	vld [tilespmem:s4+$0xFFFFEB60];
	v40 =	vpop (erf);
	v24 =	vadd.f32 v19, v50  }
0x53f: {  	v19 =	vsub.f32 $0.0e+00, v22;
	v17 =	vmul.f32 $1.442695020e+00, v17;
	v41 =	vmul.f32 $1.442695020e+00, v8;
	v8 =	vpop (erf)  }
0x540: {  	v63 =	vmul.f32 v11, v10;
	v20 =	vadd.f32 v20, v56;
	(erf) = vpow2.f32 v57;
	v6 =	vpop (erf)  }
0x541: {  	[tilespmem:s6+$0xFFFFFF70] =	vst v7;
	v61 =	vsub.f32 $0.0e+00, v24;
	v42 =	vmul.f32 $1.442695020e+00, v19;
	(erf) = vpow2.f32 v17;
	v7 =	vpop (erf)  }
0x542: {  	v19 =	vadd.f32 v55, v56;
	v62 =	vsub.f32 $0.0e+00, v20;
	(erf) = vpow2.f32 v41;
	v11 =	vpop (erf)  }
0x543: {  	v43 =	vmul.f32 v30, v13;
	v10 =	vmul.f32 v51, v16;
	v17 =	vadd.f32 v39, v58;
	v46 =	vpop (erf)  }
0x544: {  	[tilespmem:s6+$0xFFFFEB70] =	vst v31;
	v35 =	vmul.f32 $1.442695020e+00, v61;
	v31 =	vsub.f32 $0.0e+00, v19;
	v47 =	vmul.f32 $1.442695020e+00, v62;
	v50 =	vpop (erf)  }
0x545: {  	v16 =	vld [tilespmem:s4+$0xFFFFFF60];
	(erf) = vpow2.f32 v42;
	v48 =	vsub.f32 $0.0e+00, v17;
	v11 =	vmul.f32 v11, v26;
	v51 =	vpop (erf)  }
0x546: {  	[tilespmem:s11+$0xFFFFFF60] =	vst v10;
	(erf) = vpow2.f32 v35;
	v26 =	vmul.f32 $1.442695020e+00, v31;
	v10 =	vadd.f32 $1.000000000e+00, v51;
	v13 =	vpop (erf)  }
0x547: {  	v45 =	vld [tilespmem:s25+$0xFFFFFF80];
	(erf) = vpow2.f32 v47;
	v37 =	vmul.f32 $1.442695020e+00, v48;
	[tilespmem:s11+$0xFFFFEB60] =	vst v11;
	v11 =	vadd.f32 $1.000000000e+00, v13  }
0x548: {  	v31 =	vld [tilespmem:s13+$0xFFFFFF80];
	(erf) = vpow2.f32 v26  }
0x549: {  	v26 =	vmul.f32 v15, v9;
	(erf) = vpow2.f32 v37;
	v9 =	vpop (erf)  }
0x54a: {  	v49 =	vld [tilespmem:s13+$0xFFFFEB80];
	v15 =	vadd.f32 v16, v58;
	(erf) = vrcp.f32 v10;
	v16 =	vadd.f32 $1.000000000e+00, v9;
	v10 =	vpop (erf)  }
0x54b: {  	v30 =	vld [tilespmem:s17+$0xFFFFEB70];
	(erf) = vrcp.f32 v11;
	v11 =	vpop (erf)  }
0x54c: {  	v13 =	vld [tilespmem:s15+$0xFFFFFF70];
	v11 =	vadd.f32 $1.000000000e+00, v11  }
0x54d: {  	v52 =	vadd.f32 $1.000000000e+00, v10;
	v10 =	vadd.f32 v31, v45;
	v31 =	vld [tilespmem:s17+$0xFFFFFF70]  }
0x54e: {  	v54 =	vadd.f32 $1.000000000e+00, v59;
	(erf) = vrcp.f32 v16;
	v16 =	vpop (erf)  }
0x54f: {  	v32 =	vadd.f32 $1.000000000e+00, v60;
	(erf) = vrcp.f32 v52;
	v16 =	vadd.f32 $1.000000000e+00, v16  }
0x550: {  	v25 =	vmul.f32 v50, v25;
	v53 =	vsub.f32 $0.0e+00, v15;
	(erf) = vrcp.f32 v11;
	v11 =	vpop (erf)  }
0x551: {  	v9 =	vadd.f32 v49, v45;
	(erf) = vrcp.f32 v16;
	v57 =	vadd.f32 $1.000000000e+00, v11  }
0x552: {  	v16 =	vmul.f32 $1.442695020e+00, v53;
	v11 =	vadd.f32 v30, v13;
	v13 =	vadd.f32 v31, v13  }
0x553: {  	v55 =	vsub.f32 $0.0e+00, v9;
	v56 =	vsub.f32 $0.0e+00, v10;
	v58 =	vpop (erf);
	(erf) = vrcp.f32 v57  }
0x554: {  	v60 =	vpop (erf);
	v59 =	vsub.f32 $0.0e+00, v11;
	(erf) = vpow2.f32 v16;
	v16 =	vsub.f32 $0.0e+00, v13  }
0x555: {  	[tilespmem:s31+$0xFFFFEC00] =	vst v27;
	v30 =	vmul.f32 $1.442695020e+00, v55;
	v31 =	vmul.f32 $1.442695020e+00, v56;
	v27 =	vadd.f32 $1.000000000e+00, v58;
	v62 =	vpop (erf)  }
0x556: {  	[tilespmem:s0+$0xFFFFEC00] =	vst v63;
	v61 =	vadd.f32 $1.000000000e+00, v60;
	v63 =	vpop (erf);
	(erf) = vrcp.f32 v54;
	v33 =	vmul.f32 $1.442695020e+00, v59  }
0x557: {  	[tilespmem:s6+$0xFFFFEC00] =	vst v43;
	v35 =	vadd.f32 $1.000000000e+00, v62;
	v29 =	vmul.f32 v63, v29;
	(erf) = vrcp.f32 v27  }
0x558: {  	s18 =	simm.s32 $0xC;
	[tilespmem:s31+$0x0] =	vst v26;
	v26 =	vadd.f32 $1.000000000e+00, v40;
	v27 =	vmul.f32 $1.442695020e+00, v16;
	(erf) = vrcp.f32 v61;
	v16 =	vpop (erf)  }
0x559: {  	s20 =	simm.s32 $0x17030;
	s25 =	simm.s32 $0x1BF30;
	s13 =	simm.s32 $0x1E730;
	[tilespmem:s10+$0xFFFFFF70] =	vst v25;
	v25 =	vadd.f32 $1.000000000e+00, v46;
	(erf) = vrcp.f32 v35;
	v34 =	vpop (erf);
	v16 =	vmul.f32 v16, v28  }
.LBB2_12:
0x55a: {  	v28 =	vld [tilespmem:s20+$0xFFFFFFD0];
	[tilespmem:s13+$0xFFFFFFD0] =	vst v29;
	v34 =	vmul.f32 v34, v18;
	(erf) = vpow2.f32 v33;
	v29 =	vpop (erf)  }
0x55b: {  	s2 =	sadd.s32 $0x100, s2;
	v21 =	vmul.f32 v29, v21;
	(erf) = vpow2.f32 v27;
	v27 =	vpop (erf);
	v29 =	vld [tilespmem:s12+$0xFFFFEC00];
	[tilespmem:s10+$0xFFFFEC00] =	vst v16  }
0x55c: {  	v16 =	vld [tilespmem:s2+$0xFFFFEBD0];
	[tilespmem:s13+$0xFFFFEBD0] =	vst v34;
	v18 =	vpop (erf);
	v23 =	vmul.f32 v27, v23;
	(erf) = vpow2.f32 v30  }
0x55d: {  	v27 =	vld [tilespmem:s2+$0xFFFFFFD0];
	v33 =	vmul.f32 v18, v22;
	v22 =	vpop (erf);
	[tilespmem:s11+$0xFFFFFFF0] =	vst v21;
	(erf) = vpow2.f32 v31  }
0x55e: {  	v30 =	vld [tilespmem:s9+$0xFFFFFFE0];
	v21 =	vmul.f32 v22, v24;
	v22 =	vpop (erf);
	[tilespmem:s11+$0xFFFFEBF0] =	vst v23;
	(erf) = vrcp.f32 v32  }
0x55f: {  	v24 =	vmul.f32 v8, v0;
	v22 =	vadd.f32 $1.000000000e+00, v22;
	[tilespmem:s8+$0xFFFFFFE0] =	vst v33;
	v23 =	vld [tilespmem:s15+$0x0];
	v18 =	vpop (erf);
	(erf) = vrcp.f32 v26  }
0x560: {  	v8 =	vpop (erf);
	[tilespmem:s8+$0xFFFFEBE0] =	vst v21;
	v21 =	vld [tilespmem:s17+$0x0];
	v12 =	vmul.f32 v18, v12;
	v29 =	vadd.f32 v29, v14;
	(erf) = vrcp.f32 v25  }
0x561: {  	v0 =	vmov v4;
	v18 =	vmul.f32 v8, v20;
	v14 =	vpop (erf);
	v20 =	vld [tilespmem:s19+$0xFFFFFFF0];
	(erf) = vrcp.f32 v22;
	[tilespmem:s31+$0xFFFFFF80] =	vst v24  }
0x562: {  	v2 =	vmul.f32 v6, v2;
	v4 =	vmul.f32 v14, v19;
	v19 =	vld [tilespmem:s4+$0xFFFFEBF0];
	v14 =	vpop (erf);
	[tilespmem:s10+$0xFFFFEB70] =	vst v12;
	v12 =	vsub.f32 $0.0e+00, v29  }
0x563: {  	v7 =	vmul.f32 v7, v1;
	v1 =	vmov v5;
	[tilespmem:s13+$0xFFFFFF50] =	vst v18;
	v6 =	vmul.f32 v14, v17;
	v17 =	vld [tilespmem:s4+$0xFFFFFFF0];
	v8 =	vpop (erf)  }
0x564: {  	v16 =	vadd.f32 v16, v28;
	v18 =	vadd.f32 v27, v28;
	[tilespmem:s13+$0xFFFFEB50] =	vst v4;
	v4 =	vld [tilespmem:s25+$0xFFFFEBE0];
	v28 =	vpop (erf);
	v5 =	vmul.f32 $1.442695020e+00, v12  }
0x565: {  	v24 =	vadd.f32 $1.000000000e+00, v8;
	v14 =	vmov v23;
	v12 =	vld [tilespmem:s25+$0xFFFFFFE0];
	[tilespmem:s8+$0xFFFFFF60] =	vst v6;
	v25 =	vadd.f32 v21, v23;
	v27 =	vpop (erf)  }
0x566: {  	v22 =	vsub.f32 $0.0e+00, v16;
	v23 =	vsub.f32 $0.0e+00, v18;
	v31 =	vld [tilespmem:s2+$0xFFFFEB50];
	(erf) = vpow2.f32 v5;
	v26 =	vpop (erf);
	[tilespmem:s31+$0xFFFFEB80] =	vst v2;
	s31 =	smov.u32 s0;
	s0 =	smov.u32 s6;
	s6 =	smov.u32 s10  }
0x567: {  	s10 =	smov.u32 s11;
	s11 =	smov.u32 s8;
	s8 =	smov.u32 s13;
	v32 =	vld [tilespmem:s2+$0xFFFFFF50];
	v21 =	vadd.f32 v19, v20;
	v2 =	vsub.f32 $0.0e+00, v25;
	(erf) = vrcp.f32 v24;
	[tilespmem:s31+$0x0] =	vst v7;
	v8 =	vpop (erf)  }
0x568: {  	v38 =	vmul.f32 $1.442695020e+00, v22;
	v33 =	vmul.f32 $1.442695020e+00, v23;
	v19 =	vld [tilespmem:s20+$0xFFFFFF50];
	v23 =	vadd.f32 v17, v20;
	v6 =	vpop (erf)  }
0x569: {  	v34 =	vld [tilespmem:s9+$0xFFFFFF60];
	v22 =	vadd.f32 v4, v30;
	v20 =	vsub.f32 $0.0e+00, v21;
	v39 =	vmul.f32 $1.442695020e+00, v2;
	v7 =	vpop (erf)  }
0x56a: {  	(erf) = vpow2.f32 v38;
	v17 =	vld [tilespmem:s25+$0xFFFFEB60];
	v24 =	vadd.f32 v12, v30;
	v38 =	vsub.f32 $0.0e+00, v23;
	v30 =	vpop (erf)  }
0x56b: {  	v5 =	vmovc v29;
	v4 =	vmovc v9;
	v35 =	vld [tilespmem:s25+$0xFFFFFF60];
	v36 =	vsub.f32 $0.0e+00, v22;
	v37 =	vmul.f32 $1.442695020e+00, v20;
	(erf) = vpow2.f32 v39  }
0x56c: {  	s18 =	sadd.s32 $0x2, s18;
	v2 =	vmovc v3;
	v3 =	vmovc v10;
	(erf) = vpow2.f32 v33;
	v9 =	vsub.f32 $0.0e+00, v24;
	v29 =	vmul.f32 $1.442695020e+00, v38;
	v33 =	vld [tilespmem:s24+$0xFFFFFF80];
	s24 =	smov.u32 s15;
	s15 =	smov.u32 s19  }
0x56d: {  	p3 =	slt.u32 s18, $0x26;
	v12 =	vmovc v13;
	s19 =	smov.u32 s9;
	s9 =	smov.u32 s20;
	v20 =	vadd.f32 v31, v19;
	v10 =	vmul.f32 $1.442695020e+00, v36;
	(erf) = vpow2.f32 v37;
	v31 =	vld [tilespmem:s12+$0xFFFFEB80]  }
0x56e: {  	v19 =	vadd.f32 v32, v19;
	v9 =	vmul.f32 $1.442695020e+00, v9;
	(erf) = vpow2.f32 v29;
	v13 =	vld [tilespmem:s12+$0xFFFFFF80];
	s12 =	smov.u32 s17;
	s17 =	smov.u32 s4;
	s4 =	smov.u32 s25  }
0x56f: {  	s25 =	smov.u32 s2;
	v29 =	vsub.f32 $0.0e+00, v20;
	v17 =	vadd.f32 v17, v34;
	(erf) = vpow2.f32 v10;
	v36 =	vpop (erf)  }
0x570: {  	v10 =	vsub.f32 $0.0e+00, v19;
	v37 =	vadd.f32 v35, v34;
	(erf) = vpow2.f32 v9;
	v34 =	vpop (erf)  }
0x571: {  	v30 =	vmul.f32 v30, v15;
	v9 =	vmul.f32 $1.442695020e+00, v29;
	v29 =	vsub.f32 $0.0e+00, v17  }
0x572: {  	v28 =	vadd.f32 $1.000000000e+00, v28;
	v38 =	vmul.f32 $1.442695020e+00, v10;
	v35 =	vsub.f32 $0.0e+00, v37;
	v15 =	vmovc v37  }
0x573: {  	(erf) = vpow2.f32 v9;
	v32 =	vpop (erf);
	v29 =	vmul.f32 $1.442695020e+00, v29;
	[tilespmem:s11+$0xFFFFEB60] =	vst v30;
	v9 =	vadd.f32 v31, v33  }
0x574: {  	v39 =	vadd.f32 $1.000000000e+00, v32;
	(erf) = vpow2.f32 v38;
	v35 =	vmul.f32 $1.442695020e+00, v35;
	v31 =	vld [tilespmem:s15+$0xFFFFFF70];
	v10 =	vpop (erf)  }
0x575: {  	v11 =	vmul.f32 v34, v11;
	v32 =	vpop (erf);
	(erf) = vpow2.f32 v29;
	v29 =	vld [tilespmem:s17+$0xFFFFEB70];
	v34 =	vadd.f32 $1.000000000e+00, v10  }
0x576: {  	v10 =	vadd.f32 v13, v33;
	v40 =	vadd.f32 $1.000000000e+00, v32;
	(erf) = vrcp.f32 v39;
	v37 =	vld [tilespmem:s17+$0xFFFFFF70];
	v30 =	vpop (erf)  }
0x577: {  	v13 =	vadd.f32 $1.000000000e+00, v30;
	v30 =	vpop (erf);
	[tilespmem:s10+$0xFFFFFF70] =	vst v11;
	(erf) = vrcp.f32 v34;
	v11 =	vsub.f32 $0.0e+00, v9  }
0x578: {  	v34 =	vsub.f32 $0.0e+00, v10;
	(erf) = vrcp.f32 v40;
	v32 =	vpop (erf);
	v33 =	vadd.f32 $1.000000000e+00, v30  }
0x579: {  	v32 =	vadd.f32 $1.000000000e+00, v32;
	v38 =	vpop (erf);
	(erf) = vrcp.f32 v13;
	v30 =	vmul.f32 $1.442695020e+00, v11  }
0x57a: {  	v38 =	vadd.f32 $1.000000000e+00, v38;
	v11 =	vadd.f32 v29, v31;
	(erf) = vrcp.f32 v33  }
0x57b: {  	(erf) = vrcp.f32 v32;
	v13 =	vadd.f32 v37, v31;
	v31 =	vmul.f32 $1.442695020e+00, v34  }
0x57c: {  	v32 =	vadd.f32 $1.000000000e+00, v27;
	v29 =	vpop (erf);
	(erf) = vrcp.f32 v38;
	v33 =	vsub.f32 $0.0e+00, v11  }
.Ltmp9:
0x57d: {  	v27 =	vadd.f32 $1.000000000e+00, v29;
	v29 =	vpop (erf);
	(erf) = vpow2.f32 v35;
	v34 =	vsub.f32 $0.0e+00, v13;
	(pc) =	sbr.rel @p3 .LBB2_12-.Ltmp9, $4  }
0x57e: {  	v35 =	vadd.f32 $1.000000000e+00, v29;
	v29 =	vpop (erf);
	v33 =	vmul.f32 $1.442695020e+00, v33;
	(erf) = vrcp.f32 v28  }
0x57f: {  	(erf) = vrcp.f32 v27;
	v28 =	vpop (erf);
	v37 =	vadd.f32 $1.000000000e+00, v29;
	v27 =	vmul.f32 $1.442695020e+00, v34  }
0x580: {  	v26 =	vadd.f32 $1.000000000e+00, v26;
	v29 =	vmul.f32 v28, v16;
	(erf) = vrcp.f32 v35;
	v16 =	vpop (erf)  }
0x581: {  	s13 =	sadd.s32 $0x100, s13;
	s20 =	sadd.s32 $0x100, s20;
	v34 =	vpop (erf);
	(erf) = vrcp.f32 v37;
	v16 =	vmul.f32 v16, v25;
	v25 =	vadd.f32 $1.000000000e+00, v36  }
0x582: {  	v18 =	vmul.f32 v34, v18  }
0x583: {  	v28 =	vpop (erf);
	[tilespmem:s13+$0xFFFFFFD0] =	vst v29  }
0x584: {  	v53 =	vld [tilespmem:s12+$0xFFFFEC00];
	v21 =	vmul.f32 v28, v21;
	v51 =	vpop (erf);
	[tilespmem:s13+$0xFFFFEBD0] =	vst v18  }
0x585: {  	v52 =	vpop (erf);
	v23 =	vmul.f32 v51, v23;
	v55 =	vld [tilespmem:s9+$0xFFFFFFE0]  }
0x586: {  	v18 =	vmul.f32 v52, v22;
	v54 =	vpop (erf);
	[tilespmem:s11+$0xFFFFFFF0] =	vst v21;
	v62 =	vld [tilespmem:s25+$0xFFFFEBE0]  }
0x587: {  	v39 =	vld [tilespmem:s25+$0xFFFFFFE0];
	v24 =	vmul.f32 v54, v24;
	[tilespmem:s11+$0xFFFFEBF0] =	vst v23  }
0x588: {  	(erf) = vpow2.f32 v33;
	[tilespmem:s8+$0xFFFFFFE0] =	vst v18;
	v22 =	vld [tilespmem:s15+$0x0]  }
0x589: {  	v56 =	vld [tilespmem:s17+$0x0];
	[tilespmem:s8+$0xFFFFEBE0] =	vst v24  }
0x58a: {  	(erf) = vpow2.f32 v27;
	v24 =	vld [tilespmem:s19+$0xFFFFFFF0]  }
0x58b: {  	(erf) = vpow2.f32 v30;
	v58 =	vld [tilespmem:s4+$0xFFFFEBF0]  }
0x58c: {  	v57 =	vpop (erf);
	(erf) = vpow2.f32 v31;
	v14 =	vadd.f32 v53, v14;
	v60 =	vld [tilespmem:s4+$0xFFFFFFF0]  }
0x58d: {  	v27 =	vpop (erf);
	(erf) = vrcp.f32 v32  }
0x58e: {  	v23 =	vadd.f32 $1.000000000e+00, v57;
	v59 =	vpop (erf);
	(erf) = vrcp.f32 v26;
	v38 =	vsub.f32 $0.0e+00, v14  }
0x58f: {  	v61 =	vpop (erf);
	v20 =	vmul.f32 v59, v20;
	(erf) = vrcp.f32 v25;
	v28 =	vadd.f32 v62, v55  }
0x590: {  	v63 =	vpop (erf);
	v19 =	vmul.f32 v61, v19;
	v26 =	vadd.f32 v39, v55;
	v18 =	vadd.f32 v56, v22  }
0x591: {  	v41 =	vmul.f32 $1.442695020e+00, v38;
	v40 =	vpop (erf);
	v29 =	vadd.f32 v58, v24;
	v24 =	vadd.f32 v60, v24  }
0x592: {  	(erf) = vrcp.f32 v23;
	v23 =	vadd.f32 $1.000000000e+00, v40;
	v42 =	vsub.f32 $0.0e+00, v18  }
0x593: {  	[tilespmem:s13+$0xFFFFFF50] =	vst v20;
	(erf) = vpow2.f32 v41;
	v43 =	vsub.f32 $0.0e+00, v29;
	v45 =	vsub.f32 $0.0e+00, v24  }
0x594: {  	[tilespmem:s13+$0xFFFFEB50] =	vst v19;
	v47 =	vsub.f32 $0.0e+00, v28;
	v44 =	vmul.f32 $1.442695020e+00, v42;
	(erf) = vrcp.f32 v23  }
0x595: {  	v50 =	vsub.f32 $0.0e+00, v26;
	v46 =	vld [tilespmem:s9+$0xFFFFFF60];
	v20 =	vmul.f32 $1.442695020e+00, v43;
	v21 =	vmul.f32 $1.442695020e+00, v45  }
0x596: {  	v49 =	vld [tilespmem:s25+$0xFFFFEB60];
	v48 =	vpop (erf);
	v30 =	vmul.f32 $1.442695020e+00, v47;
	(erf) = vpow2.f32 v44  }
0x597: {  	v19 =	vmul.f32 $1.442695020e+00, v50;
	v33 =	vpop (erf);
	(erf) = vpow2.f32 v20  }
0x598: {  	v34 =	vpop (erf);
	(erf) = vpow2.f32 v21  }
0x599: {  	v21 =	vpop (erf);
	(erf) = vpow2.f32 v30  }
0x59a: {  	v20 =	vpop (erf);
	(erf) = vpow2.f32 v19  }
0x59b: {  	v30 =	vadd.f32 v49, v46;
	v19 =	vpop (erf)  }
0x59c: {  	v51 =	vpop (erf)  }
0x59d: {  	v36 =	vsub.f32 $0.0e+00, v30;
	v35 =	vpop (erf)  }
0x59e: {  	v37 =	vpop (erf)  }
0x59f: {  	v36 =	vmul.f32 $1.442695020e+00, v36;
	v38 =	vpop (erf)  }
0x5a0: {  	v17 =	vmul.f32 v63, v17;
	v56 =	vld [tilespmem:s25+$0xFFFFFF60];
	v52 =	vadd.f32 $1.000000000e+00, v38;
	v53 =	vpop (erf)  }
0x5a1: {  	v15 =	vmul.f32 v51, v15;
	(erf) = vpow2.f32 v36;
	v54 =	vadd.f32 $1.000000000e+00, v53;
	v55 =	vpop (erf)  }
0x5a2: {  	[tilespmem:s8+$0xFFFFFF60] =	vst v17;
	(erf) = vrcp.f32 v52;
	v57 =	vpop (erf);
	v36 =	vadd.f32 $1.000000000e+00, v55  }
0x5a3: {  	[tilespmem:s8+$0xFFFFEB60] =	vst v15;
	v58 =	vadd.f32 $1.000000000e+00, v57;
	v59 =	vpop (erf);
	(erf) = vrcp.f32 v54  }
0x5a4: {  	v60 =	vld [tilespmem:s19+$0xFFFFFF70];
	v25 =	vadd.f32 $1.000000000e+00, v59;
	(erf) = vrcp.f32 v36  }
0x5a5: {  	v61 =	vld [tilespmem:s4+$0xFFFFEB70];
	v36 =	vadd.f32 v56, v46;
	(erf) = vrcp.f32 v58  }
0x5a6: {  	v12 =	vmul.f32 v27, v12;
	(erf) = vrcp.f32 v25  }
0x5a7: {  	v17 =	vsub.f32 $0.0e+00, v36  }
0x5a8: {  	[tilespmem:s10+$0xFFFFEB70] =	vst v12  }
0x5a9: {  	v62 =	vld [tilespmem:s24+$0xFFFFFF80]  }
0x5aa: {  	v44 =	vld [tilespmem:s4+$0xFFFFFF70];
	v25 =	vadd.f32 v61, v60;
	v39 =	vpop (erf)  }
0x5ab: {  	v63 =	vld [tilespmem:s12+$0xFFFFEB80];
	v40 =	vmul.f32 $1.442695020e+00, v17;
	v17 =	vpop (erf)  }
0x5ac: {  	v45 =	vld [tilespmem:s12+$0xFFFFFF80];
	v46 =	vsub.f32 $0.0e+00, v25;
	v41 =	vpop (erf)  }
0x5ad: {  	v31 =	vadd.f32 $1.000000000e+00, v48;
	(erf) = vpow2.f32 v40;
	v47 =	vmul.f32 v41, v29;
	v48 =	vpop (erf)  }
0x5ae: {  	v39 =	vadd.f32 $1.000000000e+00, v39;
	v32 =	vmul.f32 $1.442695020e+00, v46;
	v49 =	vpop (erf);
	v24 =	vmul.f32 v48, v24  }
0x5af: {  	v52 =	vld [tilespmem:s17+$0xFFFFEC00];
	v27 =	vadd.f32 v44, v60;
	(erf) = vrcp.f32 v31;
	v28 =	vmul.f32 v49, v28;
	v50 =	vpop (erf);
	[tilespmem:s8+$0xFFFFFFF0] =	vst v47  }
0x5b0: {  	v12 =	vadd.f32 v63, v62;
	(erf) = vrcp.f32 v39;
	v26 =	vmul.f32 v50, v26;
	[tilespmem:s8+$0xFFFFEBF0] =	vst v24  }
0x5b1: {  	v15 =	vadd.f32 v45, v62;
	v51 =	vsub.f32 $0.0e+00, v27;
	(erf) = vpow2.f32 v32;
	[tilespmem:s13+$0xFFFFFFE0] =	vst v28;
	v29 =	vld [tilespmem:s19+$0x0]  }
0x5b2: {  	v53 =	vsub.f32 $0.0e+00, v12;
	v55 =	vld [tilespmem:s4+$0x0];
	[tilespmem:s13+$0xFFFFEBE0] =	vst v26  }
0x5b3: {  	v54 =	vsub.f32 $0.0e+00, v15;
	v23 =	vmul.f32 $1.442695020e+00, v51;
	v56 =	vld [tilespmem:s9+$0xFFFFFFF0]  }
0x5b4: {  	v22 =	vadd.f32 v52, v22;
	v24 =	vmul.f32 $1.442695020e+00, v53;
	v57 =	vld [tilespmem:s25+$0xFFFFEBF0]  }
0x5b5: {  	(erf) = vpow2.f32 v23;
	v28 =	vmul.f32 $1.442695020e+00, v54;
	v59 =	vld [tilespmem:s25+$0xFFFFFFF0]  }
0x5b6: {  	v58 =	vadd.f32 $1.000000000e+00, v33;
	v43 =	vsub.f32 $0.0e+00, v22;
	(erf) = vpow2.f32 v24  }
0x5b7: {  	v60 =	vadd.f32 $1.000000000e+00, v34;
	v61 =	vadd.f32 $1.000000000e+00, v35;
	(erf) = vpow2.f32 v28;
	v62 =	vpop (erf)  }
0x5b8: {  	v33 =	vmul.f32 $1.442695020e+00, v43;
	(erf) = vrcp.f32 v58;
	v63 =	vpop (erf);
	v23 =	vadd.f32 v55, v29  }
0x5b9: {  	v44 =	vadd.f32 $1.000000000e+00, v62;
	(erf) = vrcp.f32 v60;
	v45 =	vpop (erf);
	v35 =	vadd.f32 v57, v56  }
0x5ba: {  	(erf) = vrcp.f32 v61;
	v46 =	vpop (erf);
	v47 =	vsub.f32 $0.0e+00, v23;
	v32 =	vadd.f32 v59, v56  }
0x5bb: {  	(erf) = vrcp.f32 v44;
	v48 =	vadd.f32 $1.000000000e+00, v46;
	v49 =	vsub.f32 $0.0e+00, v35  }
0x5bc: {  	(erf) = vpow2.f32 v33;
	v50 =	vmul.f32 $1.442695020e+00, v47;
	v51 =	vsub.f32 $0.0e+00, v32  }
0x5bd: {  	(erf) = vrcp.f32 v48;
	v52 =	vmul.f32 $1.442695020e+00, v49  }
0x5be: {  	v53 =	vpop (erf);
	(erf) = vpow2.f32 v50;
	v54 =	vmul.f32 $1.442695020e+00, v51  }
0x5bf: {  	v33 =	vpop (erf);
	(erf) = vpow2.f32 v52  }
0x5c0: {  	v39 =	vpop (erf);
	(erf) = vpow2.f32 v54  }
0x5c1: {  	v28 =	vpop (erf)  }
0x5c2: {  	v26 =	vpop (erf)  }
0x5c3: {  	v24 =	vpop (erf)  }
0x5c4: {  	v55 =	vpop (erf)  }
0x5c5: {  	v41 =	vpop (erf)  }
0x5c6: {  	v42 =	vpop (erf)  }
0x5c7: {  	v43 =	vpop (erf)  }
0x5c8: {  	v30 =	vmul.f32 v45, v30;
	v56 =	vadd.f32 $1.000000000e+00, v43;
	v57 =	vpop (erf)  }
0x5c9: {  	v36 =	vmul.f32 v55, v36;
	v58 =	vadd.f32 $1.000000000e+00, v57;
	v59 =	vpop (erf)  }
0x5ca: {  	[tilespmem:s13+$0xFFFFFF60] =	vst v30;
	(erf) = vrcp.f32 v56;
	v60 =	vadd.f32 $1.000000000e+00, v59  }
0x5cb: {  	[tilespmem:s13+$0xFFFFEB60] =	vst v36;
	(erf) = vrcp.f32 v58  }
0x5cc: {  	v61 =	vld [tilespmem:s9+$0xFFFFFF70];
	(erf) = vrcp.f32 v60  }
0x5cd: {  	v11 =	vmul.f32 v37, v11;
	v62 =	vld [tilespmem:s25+$0xFFFFEB70]  }
0x5ce: {  	v13 =	vmul.f32 v63, v13  }
0x5cf: {  	[tilespmem:s11+$0xFFFFFF70] =	vst v11  }
0x5d0: {  	[tilespmem:s11+$0xFFFFEB70] =	vst v13  }
0x5d1: {  	v13 =	vld [tilespmem:s15+$0xFFFFFF80]  }
0x5d2: {  	v63 =	vld [tilespmem:s25+$0xFFFFFF70];
	v30 =	vadd.f32 v62, v61  }
0x5d3: {  	v45 =	vld [tilespmem:s17+$0xFFFFEB80];
	v36 =	vpop (erf)  }
0x5d4: {  	v46 =	vld [tilespmem:s17+$0xFFFFFF80];
	v47 =	vsub.f32 $0.0e+00, v30;
	v48 =	vpop (erf)  }
0x5d5: {  	v38 =	vadd.f32 $1.000000000e+00, v53;
	v35 =	vmul.f32 v48, v35;
	v49 =	vpop (erf)  }
0x5d6: {  	v40 =	vmul.f32 $1.442695020e+00, v47;
	v32 =	vmul.f32 v49, v32  }
0x5d7: {  	v50 =	vld [tilespmem:s4+$0xFFFFEC00];
	v31 =	vadd.f32 v63, v61;
	(erf) = vrcp.f32 v38;
	[tilespmem:s13+$0xFFFFFFF0] =	vst v35  }
0x5d8: {  	v11 =	vadd.f32 v45, v13;
	(erf) = vpow2.f32 v40;
	[tilespmem:s13+$0xFFFFEBF0] =	vst v32  }
0x5d9: {  	v13 =	vadd.f32 v46, v13;
	v51 =	vsub.f32 $0.0e+00, v31;
	v35 =	vld [tilespmem:s9+$0x0]  }
0x5da: {  	v52 =	vsub.f32 $0.0e+00, v11;
	v53 =	vld [tilespmem:s25+$0x0]  }
0x5db: {  	v54 =	vsub.f32 $0.0e+00, v13;
	v32 =	vmul.f32 $1.442695020e+00, v51  }
0x5dc: {  	v37 =	vmul.f32 $1.442695020e+00, v52;
	v29 =	vadd.f32 v50, v29  }
0x5dd: {  	v40 =	vmul.f32 $1.442695020e+00, v54;
	(erf) = vpow2.f32 v32  }
0x5de: {  	v55 =	vadd.f32 $1.000000000e+00, v33;
	v34 =	vsub.f32 $0.0e+00, v29;
	(erf) = vpow2.f32 v37  }
0x5df: {  	v56 =	vadd.f32 $1.000000000e+00, v39;
	(erf) = vpow2.f32 v40;
	v37 =	vadd.f32 v53, v35  }
0x5e0: {  	v57 =	vadd.f32 $1.000000000e+00, v41;
	v58 =	vpop (erf);
	(erf) = vrcp.f32 v55  }
0x5e1: {  	v34 =	vmul.f32 $1.442695020e+00, v34;
	v59 =	vpop (erf);
	(erf) = vrcp.f32 v56;
	v60 =	vsub.f32 $0.0e+00, v37  }
0x5e2: {  	v33 =	vadd.f32 $1.000000000e+00, v59;
	(erf) = vrcp.f32 v57  }
0x5e3: {  	(erf) = vpow2.f32 v34;
	v61 =	vmul.f32 $1.442695020e+00, v60  }
0x5e4: {  	(erf) = vrcp.f32 v33  }
0x5e5: {  	(erf) = vpow2.f32 v61  }
0x5e6: {  	v62 =	vpop (erf)  }
0x5e7: {  	v63 =	vpop (erf)  }
0x5e8: {  	v48 =	vpop (erf)  }
0x5e9: {  	v39 =	vpop (erf)  }
0x5ea: {  	v40 =	vpop (erf)  }
0x5eb: {  	v41 =	vpop (erf)  }
0x5ec: {  	v49 =	vpop (erf)  }
0x5ed: {  	v44 =	vpop (erf)  }
0x5ee: {  	v45 =	vpop (erf)  }
0x5ef: {  	v45 =	vadd.f32 $1.000000000e+00, v45  }
0x5f0: {  	v33 =	vadd.f32 $1.000000000e+00, v62  }
0x5f1: {  	(erf) = vrcp.f32 v45  }
0x5f2: {  	(erf) = vrcp.f32 v33;
	_ =	sdelay $0x2  }
0x5f3: {  	v25 =	vmul.f32 v42, v25  }
0x5f4: {  	v27 =	vmul.f32 v58, v27  }
0x5f5: {  	[tilespmem:s8+$0xFFFFFF70] =	vst v25  }
0x5f6: {  	[tilespmem:s8+$0xFFFFEB70] =	vst v27  }
0x5f7: {  	v25 =	vld [tilespmem:s19+$0xFFFFFF80]  }
0x5f8: {  	v27 =	vld [tilespmem:s4+$0xFFFFEB80];
	v32 =	vpop (erf)  }
0x5f9: {  	v50 =	vld [tilespmem:s4+$0xFFFFFF80];
	v30 =	vmul.f32 v44, v30;
	v51 =	vpop (erf)  }
0x5fa: {  	v31 =	vmul.f32 v51, v31  }
0x5fb: {  	[tilespmem:s13+$0xFFFFFF70] =	vst v30  }
0x5fc: {  	v52 =	vld [tilespmem:s25+$0xFFFFEC00];
	[tilespmem:s13+$0xFFFFEB70] =	vst v31  }
0x5fd: {  	v27 =	vadd.f32 v27, v25;
	v31 =	vld [tilespmem:s9+$0xFFFFFF80]  }
0x5fe: {  	v25 =	vadd.f32 v50, v25;
	v53 =	vld [tilespmem:s25+$0xFFFFEB80]  }
0x5ff: {  	v54 =	vsub.f32 $0.0e+00, v27;
	v55 =	vld [tilespmem:s25+$0xFFFFFF80]  }
0x600: {  	v56 =	vsub.f32 $0.0e+00, v25  }
0x601: {  	v42 =	vmul.f32 $1.442695020e+00, v54  }
0x602: {  	v57 =	vmul.f32 $1.442695020e+00, v56;
	v34 =	vadd.f32 $1.000000000e+00, v63;
	v30 =	vadd.f32 v52, v35  }
0x603: {  	v38 =	vadd.f32 $1.000000000e+00, v48;
	(erf) = vpow2.f32 v42;
	v33 =	vadd.f32 v53, v31  }
0x604: {  	v58 =	vsub.f32 $0.0e+00, v30;
	(erf) = vpow2.f32 v57;
	v31 =	vadd.f32 v55, v31  }
0x605: {  	v59 =	vadd.f32 $1.000000000e+00, v49;
	(erf) = vrcp.f32 v34;
	v60 =	vsub.f32 $0.0e+00, v33  }
0x606: {  	v35 =	vmul.f32 $1.442695020e+00, v58;
	(erf) = vrcp.f32 v38;
	v61 =	vsub.f32 $0.0e+00, v31  }
0x607: {  	(erf) = vrcp.f32 v59;
	v34 =	vmul.f32 $1.442695020e+00, v60  }
0x608: {  	(erf) = vpow2.f32 v35;
	v62 =	vmul.f32 $1.442695020e+00, v61  }
0x609: {  	(erf) = vpow2.f32 v34  }
0x60a: {  	v0 =	vmul.f32 v8, v0;
	(erf) = vpow2.f32 v62  }
0x60b: {  	v2 =	vmul.f32 v6, v2;
	[tilespmem:s10+$0xFFFFEC00] =	vst v16  }
0x60c: {  	[tilespmem:s31+$0xFFFFFF80] =	vst v0;
	v17 =	vmul.f32 v17, v18;
	v16 =	vpop (erf)  }
0x60d: {  	[tilespmem:s31+$0xFFFFEB80] =	vst v2;
	v43 =	vmul.f32 v19, v5;
	v18 =	vpop (erf)  }
0x60e: {  	[tilespmem:s11+$0xFFFFEC00] =	vst v17;
	v47 =	vmul.f32 v28, v9;
	v35 =	vpop (erf)  }
0x60f: {  	[tilespmem:s6+$0x0] =	vst v43;
	v63 =	vmul.f32 v7, v1;
	v42 =	vpop (erf)  }
0x610: {  	[tilespmem:s6+$0xFFFFFF80] =	vst v47;
	v54 =	vmul.f32 v40, v15;
	v1 =	vadd.f32 $1.000000000e+00, v16;
	v44 =	vpop (erf)  }
0x611: {  	[tilespmem:s0+$0x0] =	vst v63;
	v49 =	vmul.f32 v26, v10;
	v6 =	vadd.f32 $1.000000000e+00, v18;
	v46 =	vpop (erf)  }
0x612: {  	[tilespmem:s10+$0xFFFFEB80] =	vst v54;
	v45 =	vmul.f32 v36, v23;
	v7 =	vadd.f32 $1.000000000e+00, v46;
	(erf) = vrcp.f32 v1;
	v48 =	vpop (erf)  }
0x613: {  	[tilespmem:s6+$0xFFFFEB80] =	vst v49;
	v38 =	vmul.f32 v20, v3;
	(erf) = vrcp.f32 v6;
	v50 =	vpop (erf);
	v1 =	vadd.f32 $1.000000000e+00, v48  }
0x614: {  	[tilespmem:s8+$0xFFFFEC00] =	vst v45;
	v52 =	vmul.f32 v32, v37;
	(erf) = vrcp.f32 v7;
	v6 =	vadd.f32 $1.000000000e+00, v50  }
0x615: {  	[tilespmem:s0+$0xFFFFEB80] =	vst v38;
	v51 =	vmul.f32 v24, v14;
	(erf) = vrcp.f32 v1  }
0x616: {  	[tilespmem:s13+$0xFFFFEC00] =	vst v52;
	v56 =	vmul.f32 v35, v11;
	(erf) = vrcp.f32 v6  }
0x617: {  	[tilespmem:s10+$0x0] =	vst v51;
	v57 =	vmul.f32 v42, v13  }
0x618: {  	[tilespmem:s11+$0xFFFFFF80] =	vst v56;
	v58 =	vmul.f32 v44, v29  }
0x619: {  	[tilespmem:s11+$0xFFFFEB80] =	vst v57;
	v53 =	vmul.f32 v39, v12  }
0x61a: {  	[tilespmem:s8+$0x0] =	vst v58;
	v55 =	vmul.f32 v41, v22  }
0x61b: {  	[tilespmem:s10+$0xFFFFFF80] =	vst v53;
	v34 =	vmul.f32 v21, v4;
	v59 =	vpop (erf)  }
0x61c: {  	[tilespmem:s11+$0x0] =	vst v55;
	v60 =	vpop (erf);
	v2 =	vmul.f32 v59, v27  }
0x61d: {  	[tilespmem:s0+$0xFFFFFF80] =	vst v34;
	v61 =	vpop (erf);
	v0 =	vmul.f32 v60, v25  }
.Ltmp10:
0x61e: {  	[tilespmem:s8+$0xFFFFFF80] =	vst v2;
	v1 =	vmul.f32 v61, v30;
	v62 =	vpop (erf);
	(pc) =	sbr.rel .LBB2_17-.Ltmp10, $4  }
0x61f: {  	[tilespmem:s8+$0xFFFFEB80] =	vst v0;
	v63 =	vpop (erf);
	v2 =	vmul.f32 v62, v33  }
0x620: {  	[tilespmem:s13+$0x0] =	vst v1;
	v0 =	vmul.f32 v63, v31  }
0x621: {  	[tilespmem:s13+$0xFFFFFF80] =	vst v2  }
0x622: {  	[tilespmem:s13+$0xFFFFEB80] =	vst v0  }
.LBB2_14:
0x623: {  	v0 =	vld [tilespmem:s4+$0xFFFFFFD0]  }
0x624: {  	v1 =	vld [tilespmem:s11+$0xFFFFEBD0]  }
0x625: {  	v2 =	vld [tilespmem:s11+$0xFFFFFFD0];
	_ =	sdelay $0x3  }
0x626: {  	v1 =	vadd.f32 v1, v0  }
0x627: {  	v3 =	vld [tilespmem:s11+$0xFFFFEB50];
	v0 =	vadd.f32 v2, v0  }
0x628: {  	v5 =	vld [tilespmem:s4+$0xFFFFFF50];
	v2 =	vsub.f32 $0.0e+00, v1  }
0x629: {  	v6 =	vld [tilespmem:s11+$0xFFFFFF50];
	v4 =	vsub.f32 $0.0e+00, v0  }
0x62a: {  	v2 =	vmul.f32 $1.442695020e+00, v2  }
0x62b: {  	v4 =	vmul.f32 $1.442695020e+00, v4  }
0x62c: {  	(erf) = vpow2.f32 v2  }
0x62d: {  	v2 =	vadd.f32 v3, v5;
	(erf) = vpow2.f32 v4  }
0x62e: {  	v3 =	vadd.f32 v6, v5  }
0x62f: {  	v4 =	vsub.f32 $0.0e+00, v2  }
0x630: {  	v5 =	vsub.f32 $0.0e+00, v3  }
0x631: {  	v4 =	vmul.f32 $1.442695020e+00, v4  }
0x632: {  	v5 =	vmul.f32 $1.442695020e+00, v5  }
0x633: {  	(erf) = vpow2.f32 v4;
	_ =	sdelay $0x1  }
0x634: {  	(erf) = vpow2.f32 v5;
	v4 =	vpop (erf)  }
0x635: {  	v4 =	vadd.f32 $1.000000000e+00, v4;
	v5 =	vpop (erf)  }
0x636: {  	v5 =	vadd.f32 $1.000000000e+00, v5  }
0x637: {  	(erf) = vrcp.f32 v4  }
0x638: {  	(erf) = vrcp.f32 v5;
	_ =	sdelay $0x2  }
0x639: {  	v4 =	vpop (erf)  }
0x63a: {  	v4 =	vadd.f32 $1.000000000e+00, v4  }
0x63b: {  	v5 =	vpop (erf)  }
0x63c: {  	v5 =	vadd.f32 $1.000000000e+00, v5  }
0x63d: {  	(erf) = vrcp.f32 v4  }
0x63e: {  	(erf) = vrcp.f32 v5;
	v4 =	vpop (erf)  }
0x63f: {  	s9 =	simm.s32 $0x16A70;
	v1 =	vmul.f32 v4, v1;
	v4 =	vpop (erf)  }
0x640: {  	s8 =	simm.s32 $0x1BA30;
	v5 =	vld [tilespmem:s9+$0xFFFFFFD0];
	v0 =	vmul.f32 v4, v0  }
0x641: {  	[tilespmem:s31+$0xFFFFFFD0] =	vst v1;
	v1 =	vld [tilespmem:s8+$0xFFFFEBD0]  }
0x642: {  	[tilespmem:s31+$0xFFFFEBD0] =	vst v0;
	v0 =	vld [tilespmem:s8+$0xFFFFFFD0]  }
0x643: {  	v4 =	vld [tilespmem:s4+$0xFFFFFFE0]  }
0x644: {  	v6 =	vld [tilespmem:s11+$0xFFFFEBE0]  }
0x645: {  	v7 =	vld [tilespmem:s11+$0xFFFFFFE0]  }
0x646: {  	v8 =	vpop (erf);
	v1 =	vadd.f32 v1, v5  }
0x647: {  	v2 =	vmul.f32 v8, v2;
	v8 =	vpop (erf)  }
0x648: {  	v9 =	vld [tilespmem:s8+$0xFFFFFF50];
	v3 =	vmul.f32 v8, v3;
	v0 =	vadd.f32 v0, v5;
	v8 =	vsub.f32 $0.0e+00, v1  }
0x649: {  	v5 =	vld [tilespmem:s8+$0xFFFFEB50];
	[tilespmem:s31+$0xFFFFFF50] =	vst v2;
	v6 =	vadd.f32 v6, v4  }
0x64a: {  	v4 =	vadd.f32 v7, v4;
	[tilespmem:s31+$0xFFFFEB50] =	vst v3;
	v3 =	vld [tilespmem:s9+$0xFFFFFF50];
	v2 =	vsub.f32 $0.0e+00, v0;
	v7 =	vmul.f32 $1.442695020e+00, v8  }
0x64b: {  	v10 =	vld [tilespmem:s4+$0xFFFFFF60];
	v8 =	vsub.f32 $0.0e+00, v6  }
0x64c: {  	v11 =	vsub.f32 $0.0e+00, v4;
	v2 =	vmul.f32 $1.442695020e+00, v2;
	(erf) = vpow2.f32 v7;
	v7 =	vld [tilespmem:s11+$0xFFFFEB60]  }
0x64d: {  	v8 =	vmul.f32 $1.442695020e+00, v8  }
0x64e: {  	(erf) = vpow2.f32 v2;
	v2 =	vmul.f32 $1.442695020e+00, v11  }
0x64f: {  	v5 =	vadd.f32 v5, v3;
	(erf) = vpow2.f32 v8  }
0x650: {  	(erf) = vpow2.f32 v2;
	v2 =	vadd.f32 v9, v3  }
0x651: {  	v3 =	vsub.f32 $0.0e+00, v5;
	v7 =	vadd.f32 v7, v10  }
0x652: {  	v8 =	vsub.f32 $0.0e+00, v2  }
0x653: {  	v3 =	vmul.f32 $1.442695020e+00, v3;
	v9 =	vsub.f32 $0.0e+00, v7  }
0x654: {  	v8 =	vmul.f32 $1.442695020e+00, v8  }
0x655: {  	v9 =	vmul.f32 $1.442695020e+00, v9;
	_ =	sdelay $0x1  }
0x656: {  	(erf) = vpow2.f32 v3;
	v3 =	vpop (erf)  }
0x657: {  	(erf) = vpow2.f32 v8;
	v3 =	vadd.f32 $1.000000000e+00, v3;
	v8 =	vpop (erf)  }
0x658: {  	v11 =	vld [tilespmem:s11+$0xFFFFFF60];
	(erf) = vpow2.f32 v9;
	v8 =	vadd.f32 $1.000000000e+00, v8;
	v9 =	vpop (erf)  }
0x659: {  	(erf) = vrcp.f32 v3;
	v3 =	vadd.f32 $1.000000000e+00, v9;
	v9 =	vpop (erf)  }
0x65a: {  	(erf) = vrcp.f32 v8;
	v8 =	vadd.f32 $1.000000000e+00, v9  }
0x65b: {  	(erf) = vrcp.f32 v3  }
0x65c: {  	(erf) = vrcp.f32 v8  }
0x65d: {  	v3 =	vadd.f32 v11, v10;
	_ =	sdelay $0x1  }
0x65e: {  	v9 =	vpop (erf);
	v8 =	vsub.f32 $0.0e+00, v3  }
0x65f: {  	v9 =	vadd.f32 $1.000000000e+00, v9;
	v10 =	vpop (erf)  }
0x660: {  	v8 =	vmul.f32 $1.442695020e+00, v8;
	v11 =	vpop (erf)  }
0x661: {  	v12 =	vpop (erf)  }
0x662: {  	(erf) = vpow2.f32 v8;
	v8 =	vadd.f32 $1.000000000e+00, v10;
	v1 =	vmul.f32 v12, v1;
	v10 =	vpop (erf)  }
0x663: {  	s25 =	simm.s32 $0x16B70;
	s0 =	simm.s32 $0x1E230;
	(erf) = vrcp.f32 v9;
	v0 =	vmul.f32 v10, v0;
	v9 =	vpop (erf)  }
0x664: {  	s13 =	simm.s32 $0x1BB30;
	(erf) = vrcp.f32 v8;
	v8 =	vld [tilespmem:s25+$0xFFFFFFD0];
	[tilespmem:s0+$0xFFFFFFD0] =	vst v1;
	v1 =	vmul.f32 v9, v6;
	v6 =	vpop (erf)  }
0x665: {  	v9 =	vld [tilespmem:s13+$0xFFFFEBD0];
	[tilespmem:s0+$0xFFFFEBD0] =	vst v0;
	v0 =	vmul.f32 v6, v4  }
0x666: {  	v4 =	vld [tilespmem:s13+$0xFFFFFFD0];
	[tilespmem:s31+$0xFFFFFFE0] =	vst v1  }
0x667: {  	v13 =	vld [tilespmem:s8+$0xFFFFEBE0];
	[tilespmem:s31+$0xFFFFEBE0] =	vst v0  }
0x668: {  	v10 =	vadd.f32 $1.000000000e+00, v11;
	v0 =	vld [tilespmem:s4+$0xFFFFFFF0]  }
0x669: {  	v6 =	vld [tilespmem:s11+$0xFFFFEBF0]  }
0x66a: {  	v11 =	vld [tilespmem:s11+$0xFFFFFFF0]  }
0x66b: {  	v1 =	vld [tilespmem:s9+$0xFFFFFFE0];
	v12 =	vpop (erf)  }
0x66c: {  	(erf) = vrcp.f32 v10;
	v14 =	vld [tilespmem:s8+$0xFFFFFFE0];
	v9 =	vadd.f32 v9, v8;
	v10 =	vpop (erf)  }
0x66d: {  	v12 =	vadd.f32 $1.000000000e+00, v12;
	v4 =	vadd.f32 v4, v8;
	v5 =	vmul.f32 v10, v5;
	v10 =	vpop (erf)  }
0x66e: {  	v8 =	vld [tilespmem:s13+$0xFFFFEB50];
	v2 =	vmul.f32 v10, v2;
	v10 =	vsub.f32 $0.0e+00, v9;
	v6 =	vadd.f32 v6, v0  }
0x66f: {  	(erf) = vrcp.f32 v12;
	[tilespmem:s0+$0xFFFFFF50] =	vst v5;
	v5 =	vsub.f32 $0.0e+00, v4;
	v11 =	vadd.f32 v11, v0;
	v0 =	vld [tilespmem:s25+$0xFFFFFF50]  }
0x670: {  	[tilespmem:s0+$0xFFFFEB50] =	vst v2;
	v2 =	vmul.f32 $1.442695020e+00, v10;
	v10 =	vadd.f32 v13, v1;
	v13 =	vsub.f32 $0.0e+00, v6  }
0x671: {  	v14 =	vadd.f32 v14, v1;
	v12 =	vld [tilespmem:s13+$0xFFFFFF50];
	v5 =	vmul.f32 $1.442695020e+00, v5;
	v1 =	vsub.f32 $0.0e+00, v11  }
0x672: {  	v15 =	vld [tilespmem:s9+$0xFFFFFF60];
	(erf) = vpow2.f32 v2;
	v13 =	vmul.f32 $1.442695020e+00, v13  }
0x673: {  	v2 =	vld [tilespmem:s8+$0xFFFFEB60];
	(erf) = vpow2.f32 v5;
	v1 =	vmul.f32 $1.442695020e+00, v1  }
0x674: {  	v16 =	vsub.f32 $0.0e+00, v10;
	(erf) = vpow2.f32 v13;
	v13 =	vadd.f32 v8, v0  }
0x675: {  	v5 =	vsub.f32 $0.0e+00, v14  }
0x676: {  	v16 =	vmul.f32 $1.442695020e+00, v16;
	v12 =	vadd.f32 v12, v0;
	v0 =	vsub.f32 $0.0e+00, v13  }
0x677: {  	v5 =	vmul.f32 $1.442695020e+00, v5;
	(erf) = vpow2.f32 v1;
	v1 =	vpop (erf)  }
0x678: {  	v2 =	vadd.f32 v2, v15;
	v1 =	vmul.f32 v1, v7;
	v7 =	vpop (erf);
	v0 =	vmul.f32 $1.442695020e+00, v0  }
0x679: {  	(erf) = vpow2.f32 v16;
	v3 =	vmul.f32 v7, v3  }
0x67a: {  	(erf) = vpow2.f32 v5;
	v8 =	vsub.f32 $0.0e+00, v2  }
0x67b: {  	v5 =	vsub.f32 $0.0e+00, v12  }
0x67c: {  	(erf) = vpow2.f32 v0;
	v7 =	vmul.f32 $1.442695020e+00, v8;
	v0 =	vpop (erf)  }
0x67d: {  	v5 =	vmul.f32 $1.442695020e+00, v5;
	[tilespmem:s31+$0xFFFFEB60] =	vst v3;
	v3 =	vpop (erf)  }
0x67e: {  	[tilespmem:s31+$0xFFFFFF60] =	vst v1;
	v1 =	vld [tilespmem:s8+$0xFFFFFF60];
	v3 =	vadd.f32 $1.000000000e+00, v3  }
0x67f: {  	(erf) = vpow2.f32 v5;
	v0 =	vadd.f32 $1.000000000e+00, v0  }
0x680: {  	(erf) = vpow2.f32 v7;
	v7 =	vpop (erf)  }
0x681: {  	(erf) = vrcp.f32 v0;
	v0 =	vadd.f32 $1.000000000e+00, v7;
	v7 =	vpop (erf)  }
0x682: {  	(erf) = vrcp.f32 v3;
	v3 =	vpop (erf)  }
0x683: {  	v5 =	vld [tilespmem:s4+$0xFFFFFF70];
	v15 =	vadd.f32 v1, v15;
	v1 =	vadd.f32 $1.000000000e+00, v3;
	v3 =	vpop (erf)  }
0x684: {  	v8 =	vld [tilespmem:s11+$0xFFFFEB70];
	v7 =	vadd.f32 $1.000000000e+00, v7;
	v3 =	vadd.f32 $1.000000000e+00, v3  }
0x685: {  	(erf) = vrcp.f32 v0  }
0x686: {  	(erf) = vrcp.f32 v7;
	v7 =	vsub.f32 $0.0e+00, v15  }
0x687: {  	(erf) = vrcp.f32 v1  }
0x688: {  	v1 =	vmul.f32 $1.442695020e+00, v7;
	(erf) = vrcp.f32 v3;
	v3 =	vpop (erf)  }
0x689: {  	v0 =	vadd.f32 v8, v5;
	v3 =	vadd.f32 $1.000000000e+00, v3;
	v8 =	vpop (erf)  }
0x68a: {  	(erf) = vpow2.f32 v1;
	v1 =	vadd.f32 $1.000000000e+00, v8  }
0x68b: {  	v7 =	vsub.f32 $0.0e+00, v0  }
0x68c: {  	v8 =	vpop (erf)  }
0x68d: {  	v16 =	vld [tilespmem:s11+$0xFFFFFF70];
	v7 =	vmul.f32 $1.442695020e+00, v7;
	(erf) = vrcp.f32 v3;
	v3 =	vpop (erf)  }
0x68e: {  	v8 =	vadd.f32 $1.000000000e+00, v8;
	(erf) = vrcp.f32 v1;
	v3 =	vmul.f32 v3, v9;
	v1 =	vpop (erf)  }
0x68f: {  	s24 =	simm.s32 $0x16C70;
	s6 =	simm.s32 $0x1E330;
	v1 =	vmul.f32 v1, v4;
	v4 =	vpop (erf)  }
0x690: {  	s12 =	simm.s32 $0x1BC30;
	(erf) = vrcp.f32 v8;
	v9 =	vld [tilespmem:s24+$0xFFFFFFD0];
	[tilespmem:s6+$0xFFFFFFD0] =	vst v3;
	v3 =	vmul.f32 v4, v6;
	v4 =	vpop (erf)  }
0x691: {  	(erf) = vpow2.f32 v7;
	v6 =	vld [tilespmem:s12+$0xFFFFEBD0];
	[tilespmem:s6+$0xFFFFEBD0] =	vst v1;
	v7 =	vpop (erf);
	v4 =	vmul.f32 v4, v11  }
0x692: {  	v1 =	vadd.f32 v16, v5;
	v5 =	vld [tilespmem:s12+$0xFFFFFFD0];
	v8 =	vpop (erf);
	[tilespmem:s31+$0xFFFFFFF0] =	vst v3  }
0x693: {  	v7 =	vmul.f32 v7, v10;
	v3 =	vld [tilespmem:s25+$0xFFFFFFE0];
	v10 =	vmul.f32 v8, v14;
	[tilespmem:s31+$0xFFFFEBF0] =	vst v4  }
0x694: {  	v4 =	vsub.f32 $0.0e+00, v1;
	v8 =	vld [tilespmem:s4+$0x0]  }
0x695: {  	[tilespmem:s0+$0xFFFFEBE0] =	vst v10;
	v10 =	vld [tilespmem:s11+$0x0]  }
0x696: {  	[tilespmem:s0+$0xFFFFFFE0] =	vst v7;
	v4 =	vmul.f32 $1.442695020e+00, v4;
	v19 =	vadd.f32 v6, v9;
	v6 =	vld [tilespmem:s13+$0xFFFFEBE0]  }
0x697: {  	v7 =	vpop (erf);
	v14 =	vld [tilespmem:s9+$0xFFFFFFF0]  }
0x698: {  	v17 =	vld [tilespmem:s8+$0xFFFFEBF0];
	v9 =	vadd.f32 v5, v9;
	v11 =	vpop (erf);
	(erf) = vpow2.f32 v4;
	v4 =	vadd.f32 $1.000000000e+00, v7  }
0x699: {  	v7 =	vld [tilespmem:s8+$0xFFFFFFF0];
	v16 =	vpop (erf)  }
0x69a: {  	v11 =	vmul.f32 v11, v13;
	v20 =	vsub.f32 $0.0e+00, v9;
	v18 =	vpop (erf);
	(erf) = vrcp.f32 v4  }
0x69b: {  	v4 =	vld [tilespmem:s13+$0xFFFFFFE0];
	v13 =	vpop (erf);
	v5 =	vadd.f32 v10, v8;
	v10 =	vmul.f32 v16, v12;
	v16 =	vsub.f32 $0.0e+00, v19  }
0x69c: {  	v12 =	vld [tilespmem:s12+$0xFFFFEB50];
	v22 =	vadd.f32 v6, v3;
	v13 =	vadd.f32 $1.000000000e+00, v13  }
0x69d: {  	v17 =	vadd.f32 v17, v14;
	v21 =	vsub.f32 $0.0e+00, v5;
	[tilespmem:s6+$0xFFFFEB50] =	vst v10;
	v10 =	vld [tilespmem:s24+$0xFFFFFF50]  }
0x69e: {  	v14 =	vadd.f32 v7, v14;
	(erf) = vrcp.f32 v13;
	v13 =	vmul.f32 $1.442695020e+00, v16  }
0x69f: {  	[tilespmem:s6+$0xFFFFFF50] =	vst v11;
	v11 =	vld [tilespmem:s12+$0xFFFFFF50];
	v16 =	vmul.f32 $1.442695020e+00, v20;
	v6 =	vsub.f32 $0.0e+00, v17;
	v7 =	vmul.f32 $1.442695020e+00, v21  }
0x6a0: {  	v21 =	vadd.f32 v4, v3;
	v3 =	vsub.f32 $0.0e+00, v14;
	(erf) = vpow2.f32 v13  }
0x6a1: {  	v20 =	vld [tilespmem:s25+$0xFFFFFF60];
	v4 =	vsub.f32 $0.0e+00, v22;
	v6 =	vmul.f32 $1.442695020e+00, v6;
	(erf) = vpow2.f32 v7  }
0x6a2: {  	v13 =	vld [tilespmem:s13+$0xFFFFEB60];
	v3 =	vmul.f32 $1.442695020e+00, v3;
	(erf) = vpow2.f32 v16;
	v12 =	vadd.f32 v12, v10  }
0x6a3: {  	v4 =	vmul.f32 $1.442695020e+00, v4;
	(erf) = vpow2.f32 v6  }
0x6a4: {  	v10 =	vadd.f32 v11, v10;
	(erf) = vpow2.f32 v3;
	v3 =	vsub.f32 $0.0e+00, v12  }
0x6a5: {  	v7 =	vsub.f32 $0.0e+00, v21  }
0x6a6: {  	(erf) = vpow2.f32 v4;
	v4 =	vsub.f32 $0.0e+00, v10;
	v3 =	vmul.f32 $1.442695020e+00, v3  }
0x6a7: {  	v6 =	vmul.f32 $1.442695020e+00, v7;
	v7 =	vadd.f32 v13, v20;
	v13 =	vpop (erf)  }
0x6a8: {  	v11 =	vpop (erf);
	v4 =	vmul.f32 $1.442695020e+00, v4  }
0x6a9: {  	(erf) = vpow2.f32 v6;
	v6 =	vmul.f32 v18, v2;
	v2 =	vpop (erf)  }
0x6aa: {  	v16 =	vsub.f32 $0.0e+00, v7;
	(erf) = vpow2.f32 v3;
	v3 =	vpop (erf)  }
0x6ab: {  	v11 =	vmul.f32 v11, v15;
	v3 =	vadd.f32 $1.000000000e+00, v3  }
0x6ac: {  	v15 =	vld [tilespmem:s13+$0xFFFFFF60];
	v16 =	vmul.f32 $1.442695020e+00, v16;
	(erf) = vpow2.f32 v4;
	v4 =	vpop (erf)  }
0x6ad: {  	v4 =	vadd.f32 $1.000000000e+00, v4  }
0x6ae: {  	[tilespmem:s0+$0xFFFFFF60] =	vst v6;
	(erf) = vpow2.f32 v16;
	v6 =	vpop (erf)  }
0x6af: {  	(erf) = vrcp.f32 v3;
	v3 =	vpop (erf)  }
0x6b0: {  	v6 =	vadd.f32 $1.000000000e+00, v6;
	v23 =	vpop (erf)  }
0x6b1: {  	[tilespmem:s0+$0xFFFFEB60] =	vst v11;
	v11 =	vadd.f32 v15, v20;
	(erf) = vrcp.f32 v4;
	v3 =	vadd.f32 $1.000000000e+00, v3;
	v4 =	vpop (erf)  }
0x6b2: {  	(erf) = vrcp.f32 v6;
	v6 =	vadd.f32 $1.000000000e+00, v23;
	v15 =	vpop (erf)  }
0x6b3: {  	(erf) = vrcp.f32 v3;
	v3 =	vsub.f32 $0.0e+00, v11;
	v15 =	vadd.f32 $1.000000000e+00, v15  }
0x6b4: {  	v18 =	vld [tilespmem:s8+$0xFFFFEB70];
	v4 =	vadd.f32 $1.000000000e+00, v4  }
0x6b5: {  	v16 =	vld [tilespmem:s9+$0xFFFFFF70];
	(erf) = vrcp.f32 v6;
	v3 =	vmul.f32 $1.442695020e+00, v3  }
0x6b6: {  	v13 =	vadd.f32 $1.000000000e+00, v13;
	(erf) = vrcp.f32 v4;
	v6 =	vpop (erf)  }
0x6b7: {  	(erf) = vrcp.f32 v15;
	v6 =	vadd.f32 $1.000000000e+00, v6;
	v15 =	vpop (erf)  }
0x6b8: {  	v15 =	vadd.f32 $1.000000000e+00, v15  }
0x6b9: {  	(erf) = vpow2.f32 v3;
	v3 =	vpop (erf)  }
0x6ba: {  	v4 =	vadd.f32 v18, v16;
	(erf) = vrcp.f32 v13;
	v13 =	vpop (erf)  }
0x6bb: {  	(erf) = vrcp.f32 v6;
	v3 =	vadd.f32 $1.000000000e+00, v3;
	v6 =	vpop (erf)  }
0x6bc: {  	v20 =	vld [tilespmem:s8+$0xFFFFFF70];
	v18 =	vsub.f32 $0.0e+00, v4;
	(erf) = vrcp.f32 v15;
	v15 =	vpop (erf)  }
0x6bd: {  	v9 =	vmul.f32 v15, v9  }
0x6be: {  	v18 =	vmul.f32 $1.442695020e+00, v18;
	v13 =	vmul.f32 v13, v19  }
0x6bf: {  	s15 =	simm.s32 $0x16D70;
	s10 =	simm.s32 $0x1E430;
	(erf) = vrcp.f32 v3;
	v3 =	vpop (erf)  }
0x6c0: {  	v19 =	vld [tilespmem:s15+$0xFFFFFFD0];
	[tilespmem:s10+$0xFFFFFFD0] =	vst v13;
	v13 =	vmul.f32 v3, v17;
	v15 =	vpop (erf)  }
0x6c1: {  	s17 =	simm.s32 $0x1BD30;
	v17 =	vld [tilespmem:s11+$0xFFFFEC00];
	v3 =	vadd.f32 v20, v16;
	[tilespmem:s10+$0xFFFFEBD0] =	vst v9;
	v14 =	vmul.f32 v15, v14;
	v9 =	vpop (erf)  }
0x6c2: {  	(erf) = vpow2.f32 v18;
	v16 =	vld [tilespmem:s17+$0xFFFFEBD0];
	[tilespmem:s0+$0xFFFFFFF0] =	vst v13;
	v9 =	vmul.f32 v9, v22;
	v18 =	vpop (erf)  }
0x6c3: {  	v15 =	vld [tilespmem:s17+$0xFFFFFFD0];
	v20 =	vsub.f32 $0.0e+00, v3;
	[tilespmem:s0+$0xFFFFEBF0] =	vst v14;
	v18 =	vmul.f32 v18, v21  }
0x6c4: {  	v13 =	vld [tilespmem:s9+$0x0];
	[tilespmem:s6+$0xFFFFFFE0] =	vst v9  }
0x6c5: {  	v20 =	vmul.f32 $1.442695020e+00, v20;
	v14 =	vpop (erf);
	[tilespmem:s6+$0xFFFFEBE0] =	vst v18;
	v18 =	vld [tilespmem:s8+$0x0]  }
0x6c6: {  	v21 =	vpop (erf);
	v9 =	vadd.f32 v17, v8;
	v8 =	vadd.f32 $1.000000000e+00, v14;
	v17 =	vld [tilespmem:s25+$0xFFFFFFF0]  }
0x6c7: {  	v14 =	vpop (erf);
	v23 =	vld [tilespmem:s13+$0xFFFFEBF0]  }
0x6c8: {  	v26 =	vadd.f32 v16, v19;
	v12 =	vmul.f32 v14, v12;
	v14 =	vld [tilespmem:s13+$0xFFFFFFF0]  }
0x6c9: {  	v22 =	vld [tilespmem:s24+$0xFFFFFFE0];
	(erf) = vpow2.f32 v20;
	v19 =	vadd.f32 v15, v19;
	v20 =	vpop (erf);
	v24 =	vsub.f32 $0.0e+00, v9  }
0x6ca: {  	v15 =	vld [tilespmem:s12+$0xFFFFEBE0];
	v27 =	vsub.f32 $0.0e+00, v26;
	(erf) = vrcp.f32 v8;
	v8 =	vpop (erf)  }
0x6cb: {  	v28 =	vsub.f32 $0.0e+00, v19;
	v20 =	vmul.f32 v20, v10;
	v16 =	vmul.f32 $1.442695020e+00, v24;
	v24 =	vld [tilespmem:s12+$0xFFFFFFE0];
	v25 =	vpop (erf)  }
0x6cc: {  	v25 =	vadd.f32 $1.000000000e+00, v25;
	v10 =	vadd.f32 v18, v13  }
0x6cd: {  	[tilespmem:s10+$0xFFFFEB50] =	vst v20;
	v20 =	vld [tilespmem:s15+$0xFFFFFF50];
	(erf) = vpow2.f32 v16;
	v23 =	vadd.f32 v23, v17;
	v17 =	vadd.f32 v14, v17  }
0x6ce: {  	v18 =	vld [tilespmem:s17+$0xFFFFEB50];
	v16 =	vsub.f32 $0.0e+00, v10;
	(erf) = vrcp.f32 v25;
	v25 =	vmul.f32 $1.442695020e+00, v27  }
0x6cf: {  	v27 =	vmul.f32 $1.442695020e+00, v28;
	v28 =	vadd.f32 v15, v22;
	v15 =	vsub.f32 $0.0e+00, v23  }
0x6d0: {  	[tilespmem:s10+$0xFFFFFF50] =	vst v12;
	v12 =	vld [tilespmem:s17+$0xFFFFFF50];
	v22 =	vadd.f32 v24, v22;
	v24 =	vsub.f32 $0.0e+00, v17;
	v16 =	vmul.f32 $1.442695020e+00, v16  }
0x6d1: {  	(erf) = vpow2.f32 v25;
	v15 =	vmul.f32 $1.442695020e+00, v15  }
0x6d2: {  	v29 =	vsub.f32 $0.0e+00, v28;
	v24 =	vmul.f32 $1.442695020e+00, v24;
	(erf) = vpow2.f32 v16  }
0x6d3: {  	v14 =	vld [tilespmem:s24+$0xFFFFFF60];
	v16 =	vadd.f32 v18, v20;
	(erf) = vpow2.f32 v27;
	v27 =	vsub.f32 $0.0e+00, v22  }
0x6d4: {  	v25 =	vld [tilespmem:s12+$0xFFFFEB60];
	v18 =	vmul.f32 $1.442695020e+00, v29;
	(erf) = vpow2.f32 v15  }
0x6d5: {  	v15 =	vadd.f32 v12, v20;
	v20 =	vmul.f32 $1.442695020e+00, v27;
	v27 =	vsub.f32 $0.0e+00, v16  }
0x6d6: {  	v7 =	vmul.f32 v8, v7  }
0x6d7: {  	(erf) = vpow2.f32 v24;
	v24 =	vpop (erf);
	v8 =	vmul.f32 $1.442695020e+00, v27  }
0x6d8: {  	(erf) = vpow2.f32 v18;
	v18 =	vpop (erf)  }
0x6d9: {  	v12 =	vadd.f32 v25, v14;
	(erf) = vpow2.f32 v20;
	v20 =	vpop (erf)  }
0x6da: {  	v25 =	vsub.f32 $0.0e+00, v15;
	v29 =	vpop (erf)  }
0x6db: {  	v27 =	vsub.f32 $0.0e+00, v12;
	(erf) = vpow2.f32 v8;
	v8 =	vpop (erf)  }
0x6dc: {  	[tilespmem:s6+$0xFFFFFF60] =	vst v7;
	v11 =	vmul.f32 v18, v11;
	v18 =	vmul.f32 $1.442695020e+00, v25;
	v25 =	vld [tilespmem:s12+$0xFFFFFF60];
	v7 =	vadd.f32 $1.000000000e+00, v8  }
0x6dd: {  	v27 =	vmul.f32 $1.442695020e+00, v27  }
0x6de: {  	v1 =	vmul.f32 v21, v1;
	(erf) = vpow2.f32 v18;
	v8 =	vpop (erf)  }
0x6df: {  	v0 =	vmul.f32 v2, v0;
	[tilespmem:s6+$0xFFFFEB60] =	vst v11;
	(erf) = vpow2.f32 v27;
	v2 =	vpop (erf);
	v8 =	vadd.f32 $1.000000000e+00, v8  }
0x6e0: {  	v18 =	vld [tilespmem:s25+$0xFFFFFF70];
	v2 =	vadd.f32 $1.000000000e+00, v2;
	(erf) = vrcp.f32 v7;
	v7 =	vpop (erf)  }
0x6e1: {  	[tilespmem:s31+$0xFFFFFF70] =	vst v0;
	v0 =	vld [tilespmem:s13+$0xFFFFEB70];
	v14 =	vadd.f32 v25, v14;
	(erf) = vrcp.f32 v8;
	v7 =	vadd.f32 $1.000000000e+00, v7;
	v11 =	vpop (erf)  }
0x6e2: {  	[tilespmem:s31+$0xFFFFEB70] =	vst v1;
	(erf) = vrcp.f32 v2;
	v1 =	vpop (erf);
	v2 =	vadd.f32 $1.000000000e+00, v11  }
0x6e3: {  	v1 =	vadd.f32 $1.000000000e+00, v1;
	(erf) = vrcp.f32 v7;
	v7 =	vsub.f32 $0.0e+00, v14  }
0x6e4: {  	v21 =	vld [tilespmem:s4+$0xFFFFFF80];
	v8 =	vpop (erf);
	(erf) = vrcp.f32 v2  }
0x6e5: {  	v11 =	vld [tilespmem:s11+$0xFFFFEB80];
	v8 =	vadd.f32 $1.000000000e+00, v8;
	(erf) = vrcp.f32 v1;
	v1 =	vmul.f32 $1.442695020e+00, v7  }
0x6e6: {  	v2 =	vld [tilespmem:s13+$0xFFFFFF70];
	v7 =	vadd.f32 v0, v18;
	v0 =	vpop (erf)  }
0x6e7: {  	v25 =	vld [tilespmem:s11+$0xFFFFFF80];
	(erf) = vrcp.f32 v8;
	v8 =	vadd.f32 $1.000000000e+00, v24;
	v24 =	vpop (erf)  }
0x6e8: {  	v27 =	vsub.f32 $0.0e+00, v7;
	v24 =	vadd.f32 $1.000000000e+00, v24  }
0x6e9: {  	v30 =	vadd.f32 $1.000000000e+00, v0;
	(erf) = vpow2.f32 v1;
	v1 =	vpop (erf)  }
0x6ea: {  	v0 =	vadd.f32 v11, v21;
	(erf) = vrcp.f32 v8;
	v27 =	vmul.f32 $1.442695020e+00, v27;
	v31 =	vpop (erf)  }
0x6eb: {  	v8 =	vadd.f32 v2, v18;
	(erf) = vrcp.f32 v30;
	v1 =	vadd.f32 $1.000000000e+00, v1;
	v11 =	vpop (erf)  }
0x6ec: {  	v2 =	vadd.f32 v25, v21;
	v18 =	vmul.f32 v31, v26;
	(erf) = vrcp.f32 v24;
	v24 =	vpop (erf)  }
0x6ed: {  	s11 =	simm.s32 $0x1E530;
	(erf) = vrcp.f32 v1;
	v1 =	vmul.f32 v24, v19;
	v19 =	vpop (erf);
	v24 =	vsub.f32 $0.0e+00, v8  }
0x6ee: {  	v25 =	vsub.f32 $0.0e+00, v0;
	[tilespmem:s11+$0xFFFFFFD0] =	vst v18;
	(erf) = vpow2.f32 v27;
	v18 =	vmul.f32 v19, v23;
	v19 =	vpop (erf)  }
0x6ef: {  	s19 =	simm.s32 $0x16E70;
	v23 =	vld [tilespmem:s8+$0xFFFFEC00];
	v17 =	vmul.f32 v19, v17;
	v19 =	vsub.f32 $0.0e+00, v2;
	v24 =	vmul.f32 $1.442695020e+00, v24  }
0x6f0: {  	s4 =	simm.s32 $0x1BE30;
	v21 =	vld [tilespmem:s19+$0xFFFFFFD0];
	[tilespmem:s11+$0xFFFFEBD0] =	vst v1  }
0x6f1: {  	v26 =	vld [tilespmem:s4+$0xFFFFEBD0];
	[tilespmem:s6+$0xFFFFFFF0] =	vst v18;
	v18 =	vmul.f32 $1.442695020e+00, v25;
	v1 =	vpop (erf);
	v19 =	vmul.f32 $1.442695020e+00, v19  }
0x6f2: {  	v20 =	vadd.f32 $1.000000000e+00, v20;
	v27 =	vld [tilespmem:s4+$0xFFFFFFD0];
	[tilespmem:s6+$0xFFFFEBF0] =	vst v17;
	(erf) = vpow2.f32 v24;
	v1 =	vmul.f32 v1, v28;
	v28 =	vpop (erf)  }
0x6f3: {  	v17 =	vld [tilespmem:s25+$0x0];
	(erf) = vpow2.f32 v18;
	v24 =	vpop (erf)  }
0x6f4: {  	v18 =	vld [tilespmem:s13+$0x0];
	v22 =	vmul.f32 v28, v22;
	[tilespmem:s10+$0xFFFFFFE0] =	vst v1;
	v28 =	vpop (erf);
	v1 =	vadd.f32 v23, v13;
	v13 =	vadd.f32 $1.000000000e+00, v24  }
0x6f5: {  	v25 =	vld [tilespmem:s15+$0xFFFFFFE0];
	(erf) = vpow2.f32 v19;
	v19 =	vpop (erf)  }
0x6f6: {  	v31 =	vadd.f32 v26, v21;
	v26 =	vld [tilespmem:s17+$0xFFFFEBE0];
	(erf) = vrcp.f32 v20;
	[tilespmem:s10+$0xFFFFEBE0] =	vst v22;
	v20 =	vpop (erf)  }
0x6f7: {  	v4 =	vmul.f32 v29, v4;
	v22 =	vld [tilespmem:s24+$0xFFFFFFF0];
	v24 =	vsub.f32 $0.0e+00, v1;
	v29 =	vpop (erf)  }
0x6f8: {  	v21 =	vadd.f32 v27, v21;
	v23 =	vld [tilespmem:s12+$0xFFFFEBF0];
	v16 =	vmul.f32 v19, v16;
	(erf) = vrcp.f32 v13;
	v13 =	vpop (erf)  }
0x6f9: {  	v19 =	vld [tilespmem:s12+$0xFFFFFFF0];
	v24 =	vmul.f32 $1.442695020e+00, v24;
	v27 =	vadd.f32 $1.000000000e+00, v13;
	v13 =	vadd.f32 v18, v17  }
0x6fa: {  	v30 =	vsub.f32 $0.0e+00, v31  }
0x6fb: {  	v15 =	vmul.f32 v20, v15;
	v20 =	vld [tilespmem:s17+$0xFFFFFFE0];
	(erf) = vpow2.f32 v24;
	v24 =	vsub.f32 $0.0e+00, v13  }
0x6fc: {  	v32 =	vsub.f32 $0.0e+00, v21;
	v18 =	vld [tilespmem:s4+$0xFFFFEB50];
	(erf) = vrcp.f32 v27  }
0x6fd: {  	[tilespmem:s11+$0xFFFFEB50] =	vst v15;
	v15 =	vld [tilespmem:s19+$0xFFFFFF50];
	v23 =	vadd.f32 v23, v22;
	v27 =	vmul.f32 $1.442695020e+00, v30;
	v24 =	vmul.f32 $1.442695020e+00, v24  }
0x6fe: {  	v33 =	vadd.f32 v26, v25;
	[tilespmem:s11+$0xFFFFFF50] =	vst v16;
	v16 =	vld [tilespmem:s4+$0xFFFFFF50];
	v22 =	vadd.f32 v19, v22  }
0x6ff: {  	v41 =	vld [tilespmem:s15+$0xFFFFFF60];
	v30 =	vmul.f32 $1.442695020e+00, v32;
	v19 =	vsub.f32 $0.0e+00, v23;
	(erf) = vpow2.f32 v27  }
0x700: {  	v26 =	vld [tilespmem:s17+$0xFFFFEB60];
	v20 =	vadd.f32 v20, v25;
	v25 =	vsub.f32 $0.0e+00, v22;
	(erf) = vpow2.f32 v24  }
0x701: {  	v27 =	vsub.f32 $0.0e+00, v33;
	v19 =	vmul.f32 $1.442695020e+00, v19;
	(erf) = vpow2.f32 v30;
	v24 =	vpop (erf)  }
0x702: {  	[tilespmem:s0+$0xFFFFFF70] =	vst v4;
	v4 =	vmul.f32 v29, v12;
	v18 =	vadd.f32 v18, v15;
	v25 =	vmul.f32 $1.442695020e+00, v25;
	v34 =	vpop (erf)  }
0x703: {  	v27 =	vmul.f32 $1.442695020e+00, v27;
	v30 =	vsub.f32 $0.0e+00, v20;
	(erf) = vpow2.f32 v19;
	v35 =	vpop (erf)  }
0x704: {  	v19 =	vadd.f32 v16, v15;
	(erf) = vpow2.f32 v25;
	v25 =	vsub.f32 $0.0e+00, v18;
	v15 =	vpop (erf)  }
0x705: {  	v3 =	vmul.f32 v28, v3;
	v16 =	vadd.f32 v26, v41;
	v30 =	vmul.f32 $1.442695020e+00, v30;
	v26 =	vpop (erf)  }
0x706: {  	(erf) = vpow2.f32 v27;
	v27 =	vsub.f32 $0.0e+00, v19;
	v25 =	vmul.f32 $1.442695020e+00, v25;
	v28 =	vpop (erf)  }
0x707: {  	[tilespmem:s0+$0xFFFFEB70] =	vst v3;
	v12 =	vld [tilespmem:s17+$0xFFFFFF60];
	v29 =	vsub.f32 $0.0e+00, v16;
	(erf) = vpow2.f32 v30;
	v3 =	vmul.f32 v26, v14;
	v36 =	vpop (erf)  }
0x708: {  	[tilespmem:s10+$0xFFFFFF60] =	vst v4;
	v14 =	vmul.f32 $1.442695020e+00, v27;
	v4 =	vpop (erf)  }
0x709: {  	v27 =	vld [tilespmem:s9+$0xFFFFFF80];
	(erf) = vpow2.f32 v25;
	v25 =	vmul.f32 $1.442695020e+00, v29;
	[tilespmem:s10+$0xFFFFEB60] =	vst v3;
	v3 =	vadd.f32 $1.000000000e+00, v4;
	v4 =	vpop (erf)  }
0x70a: {  	v29 =	vld [tilespmem:s8+$0xFFFFEB80];
	(erf) = vpow2.f32 v14;
	v30 =	vpop (erf)  }
0x70b: {  	v14 =	vld [tilespmem:s24+$0xFFFFFF70];
	(erf) = vpow2.f32 v25;
	v25 =	vadd.f32 $1.000000000e+00, v30  }
0x70c: {  	v26 =	vadd.f32 v12, v41;
	v12 =	vld [tilespmem:s12+$0xFFFFEB70];
	v4 =	vadd.f32 $1.000000000e+00, v4  }
0x70d: {  	(erf) = vrcp.f32 v3;
	v30 =	vld [tilespmem:s12+$0xFFFFFF70];
	v3 =	vpop (erf)  }
0x70e: {  	v38 =	vsub.f32 $0.0e+00, v26;
	(erf) = vrcp.f32 v4;
	v42 =	vpop (erf)  }
0x70f: {  	v4 =	vadd.f32 v29, v27;
	v3 =	vadd.f32 $1.000000000e+00, v3;
	(erf) = vrcp.f32 v25;
	v25 =	vpop (erf)  }
0x710: {  	v32 =	vadd.f32 $1.000000000e+00, v42;
	v29 =	vadd.f32 $1.000000000e+00, v25;
	v25 =	vpop (erf)  }
0x711: {  	(erf) = vrcp.f32 v3;
	v3 =	vadd.f32 $1.000000000e+00, v25;
	v25 =	vadd.f32 v12, v14  }
0x712: {  	v24 =	vadd.f32 $1.000000000e+00, v24;
	(erf) = vrcp.f32 v32;
	v12 =	vadd.f32 v30, v14  }
0x713: {  	v14 =	vpop (erf);
	(erf) = vrcp.f32 v29;
	v29 =	vmul.f32 $1.442695020e+00, v38;
	v30 =	vsub.f32 $0.0e+00, v25  }
0x714: {  	v37 =	vld [tilespmem:s8+$0xFFFFFF80];
	v44 =	vpop (erf);
	(erf) = vrcp.f32 v3  }
0x715: {  	v14 =	vadd.f32 $1.000000000e+00, v14;
	v45 =	vpop (erf);
	(erf) = vpow2.f32 v29  }
0x716: {  	v43 =	vsub.f32 $0.0e+00, v4;
	v32 =	vadd.f32 $1.000000000e+00, v44;
	(erf) = vrcp.f32 v24;
	v24 =	vpop (erf)  }
0x717: {  	v46 =	vmul.f32 $1.442695020e+00, v30;
	(erf) = vrcp.f32 v14;
	v14 =	vadd.f32 $1.000000000e+00, v45;
	v30 =	vpop (erf)  }
0x718: {  	v29 =	vsub.f32 $0.0e+00, v12;
	v24 =	vmul.f32 v24, v31;
	(erf) = vrcp.f32 v32;
	v31 =	vpop (erf)  }
0x719: {  	v3 =	vadd.f32 v37, v27;
	(erf) = vrcp.f32 v14;
	v14 =	vmul.f32 v31, v21  }
0x71a: {  	s2 =	simm.s32 $0x1BF30;
	s8 =	simm.s32 $0x1E630;
	v27 =	vmul.f32 $1.442695020e+00, v43;
	v29 =	vmul.f32 $1.442695020e+00, v29;
	v21 =	vpop (erf)  }
0x71b: {  	v49 =	vld [tilespmem:s2+$0xFFFFEBD0];
	v47 =	vsub.f32 $0.0e+00, v3;
	[tilespmem:s8+$0xFFFFFFD0] =	vst v24;
	(erf) = vpow2.f32 v46;
	v21 =	vmul.f32 v21, v23;
	v23 =	vpop (erf)  }
0x71c: {  	s9 =	simm.s32 $0x16F70;
	v24 =	vld [tilespmem:s13+$0xFFFFEC00];
	(erf) = vpow2.f32 v29;
	[tilespmem:s8+$0xFFFFEBD0] =	vst v14;
	v22 =	vmul.f32 v23, v22  }
0x71d: {  	v48 =	vld [tilespmem:s9+$0xFFFFFFD0];
	v31 =	vmul.f32 $1.442695020e+00, v47;
	(erf) = vpow2.f32 v27;
	[tilespmem:s10+$0xFFFFFFF0] =	vst v21;
	v21 =	vadd.f32 $1.000000000e+00, v34;
	v14 =	vpop (erf)  }
0x71e: {  	v27 =	vmul.f32 v6, v5;
	v6 =	vadd.f32 $1.000000000e+00, v35;
	v14 =	vmul.f32 v14, v33;
	v29 =	vpop (erf)  }
0x71f: {  	v23 =	vld [tilespmem:s2+$0xFFFFFFD0];
	(erf) = vpow2.f32 v31;
	[tilespmem:s10+$0xFFFFEBF0] =	vst v22;
	v20 =	vmul.f32 v29, v20  }
0x720: {  	v28 =	vadd.f32 $1.000000000e+00, v28;
	v22 =	vpop (erf);
	(erf) = vrcp.f32 v21;
	[tilespmem:s11+$0xFFFFFFE0] =	vst v14;
	v14 =	vld [tilespmem:s24+$0x0]  }
0x721: {  	v5 =	vadd.f32 v24, v17;
	v21 =	vpop (erf);
	v17 =	vadd.f32 $1.000000000e+00, v22;
	(erf) = vrcp.f32 v6;
	[tilespmem:s11+$0xFFFFEBE0] =	vst v20;
	v20 =	vld [tilespmem:s12+$0x0]  }
0x722: {  	v29 =	vadd.f32 v49, v48;
	v6 =	vpop (erf);
	(erf) = vrcp.f32 v28;
	v22 =	vld [tilespmem:s15+$0xFFFFFFF0]  }
0x723: {  	v24 =	vsub.f32 $0.0e+00, v5;
	v31 =	vmul.f32 v21, v8;
	v8 =	vpop (erf);
	(erf) = vrcp.f32 v17;
	v17 =	vld [tilespmem:s17+$0xFFFFFFF0]  }
0x724: {  	v53 =	vsub.f32 $0.0e+00, v29;
	v21 =	vld [tilespmem:s17+$0xFFFFEBF0];
	v51 =	vpop (erf)  }
0x725: {  	v6 =	vmul.f32 v6, v18;
	v18 =	vadd.f32 v23, v48;
	v23 =	vmul.f32 $1.442695020e+00, v24;
	v28 =	vpop (erf)  }
0x726: {  	v50 =	vld [tilespmem:s19+$0xFFFFFFE0];
	v8 =	vmul.f32 v8, v19;
	v24 =	vadd.f32 $1.000000000e+00, v28;
	v28 =	vadd.f32 v20, v14  }
0x727: {  	v52 =	vld [tilespmem:s4+$0xFFFFEBE0];
	(erf) = vpow2.f32 v23;
	[tilespmem:s8+$0xFFFFFF50] =	vst v6  }
0x728: {  	v19 =	vld [tilespmem:s4+$0xFFFFFFE0];
	[tilespmem:s8+$0xFFFFEB50] =	vst v8;
	v8 =	vmul.f32 $1.442695020e+00, v53;
	v23 =	vadd.f32 v17, v22;
	v6 =	vsub.f32 $0.0e+00, v28  }
0x729: {  	v56 =	vld [tilespmem:s9+$0xFFFFFF50];
	v21 =	vadd.f32 v21, v22;
	(erf) = vrcp.f32 v24  }
0x72a: {  	v20 =	vld [tilespmem:s2+$0xFFFFEB50];
	(erf) = vpow2.f32 v8;
	v8 =	vsub.f32 $0.0e+00, v23;
	v6 =	vmul.f32 $1.442695020e+00, v6  }
0x72b: {  	v55 =	vld [tilespmem:s2+$0xFFFFFF50];
	v7 =	vmul.f32 v36, v7;
	v54 =	vsub.f32 $0.0e+00, v18;
	v59 =	vpop (erf)  }
0x72c: {  	v58 =	vld [tilespmem:s19+$0xFFFFFF60];
	v60 =	vpop (erf);
	v22 =	vadd.f32 v52, v50;
	v17 =	vsub.f32 $0.0e+00, v21;
	(erf) = vpow2.f32 v6  }
0x72d: {  	v57 =	vmul.f32 $1.442695020e+00, v54;
	v39 =	vld [tilespmem:s4+$0xFFFFEB60];
	v40 =	vpop (erf);
	v24 =	vadd.f32 v19, v50  }
0x72e: {  	v19 =	vsub.f32 $0.0e+00, v22;
	v17 =	vmul.f32 $1.442695020e+00, v17;
	v41 =	vmul.f32 $1.442695020e+00, v8;
	v8 =	vpop (erf)  }
0x72f: {  	v63 =	vmul.f32 v11, v10;
	v20 =	vadd.f32 v20, v56;
	(erf) = vpow2.f32 v57;
	v6 =	vpop (erf)  }
0x730: {  	[tilespmem:s6+$0xFFFFFF70] =	vst v7;
	v61 =	vsub.f32 $0.0e+00, v24;
	v42 =	vmul.f32 $1.442695020e+00, v19;
	(erf) = vpow2.f32 v17;
	v7 =	vpop (erf)  }
0x731: {  	v19 =	vadd.f32 v55, v56;
	v62 =	vsub.f32 $0.0e+00, v20;
	(erf) = vpow2.f32 v41;
	v11 =	vpop (erf)  }
0x732: {  	v43 =	vmul.f32 v30, v13;
	v10 =	vmul.f32 v51, v16;
	v17 =	vadd.f32 v39, v58;
	v46 =	vpop (erf)  }
0x733: {  	[tilespmem:s6+$0xFFFFEB70] =	vst v31;
	v35 =	vmul.f32 $1.442695020e+00, v61;
	v31 =	vsub.f32 $0.0e+00, v19;
	v47 =	vmul.f32 $1.442695020e+00, v62;
	v50 =	vpop (erf)  }
0x734: {  	v16 =	vld [tilespmem:s4+$0xFFFFFF60];
	(erf) = vpow2.f32 v42;
	v48 =	vsub.f32 $0.0e+00, v17;
	v11 =	vmul.f32 v11, v26;
	v51 =	vpop (erf)  }
0x735: {  	[tilespmem:s11+$0xFFFFFF60] =	vst v10;
	(erf) = vpow2.f32 v35;
	v26 =	vmul.f32 $1.442695020e+00, v31;
	v10 =	vadd.f32 $1.000000000e+00, v51;
	v13 =	vpop (erf)  }
0x736: {  	v45 =	vld [tilespmem:s25+$0xFFFFFF80];
	(erf) = vpow2.f32 v47;
	v37 =	vmul.f32 $1.442695020e+00, v48;
	[tilespmem:s11+$0xFFFFEB60] =	vst v11;
	v11 =	vadd.f32 $1.000000000e+00, v13  }
0x737: {  	v31 =	vld [tilespmem:s13+$0xFFFFFF80];
	(erf) = vpow2.f32 v26  }
0x738: {  	v26 =	vmul.f32 v15, v9;
	(erf) = vpow2.f32 v37;
	v9 =	vpop (erf)  }
0x739: {  	v49 =	vld [tilespmem:s13+$0xFFFFEB80];
	v15 =	vadd.f32 v16, v58;
	(erf) = vrcp.f32 v10;
	v16 =	vadd.f32 $1.000000000e+00, v9;
	v10 =	vpop (erf)  }
0x73a: {  	v30 =	vld [tilespmem:s17+$0xFFFFEB70];
	(erf) = vrcp.f32 v11;
	v11 =	vpop (erf)  }
0x73b: {  	v13 =	vld [tilespmem:s15+$0xFFFFFF70];
	v11 =	vadd.f32 $1.000000000e+00, v11  }
0x73c: {  	v52 =	vadd.f32 $1.000000000e+00, v10;
	v10 =	vadd.f32 v31, v45;
	v31 =	vld [tilespmem:s17+$0xFFFFFF70]  }
0x73d: {  	v54 =	vadd.f32 $1.000000000e+00, v59;
	(erf) = vrcp.f32 v16;
	v16 =	vpop (erf)  }
0x73e: {  	v32 =	vadd.f32 $1.000000000e+00, v60;
	(erf) = vrcp.f32 v52;
	v16 =	vadd.f32 $1.000000000e+00, v16  }
0x73f: {  	v25 =	vmul.f32 v50, v25;
	v53 =	vsub.f32 $0.0e+00, v15;
	(erf) = vrcp.f32 v11;
	v11 =	vpop (erf)  }
0x740: {  	v9 =	vadd.f32 v49, v45;
	(erf) = vrcp.f32 v16;
	v57 =	vadd.f32 $1.000000000e+00, v11  }
0x741: {  	v16 =	vmul.f32 $1.442695020e+00, v53;
	v11 =	vadd.f32 v30, v13;
	v13 =	vadd.f32 v31, v13  }
0x742: {  	v55 =	vsub.f32 $0.0e+00, v9;
	v56 =	vsub.f32 $0.0e+00, v10;
	v58 =	vpop (erf);
	(erf) = vrcp.f32 v57  }
0x743: {  	v60 =	vpop (erf);
	v59 =	vsub.f32 $0.0e+00, v11;
	(erf) = vpow2.f32 v16;
	v16 =	vsub.f32 $0.0e+00, v13  }
0x744: {  	[tilespmem:s31+$0xFFFFEC00] =	vst v27;
	v30 =	vmul.f32 $1.442695020e+00, v55;
	v31 =	vmul.f32 $1.442695020e+00, v56;
	v27 =	vadd.f32 $1.000000000e+00, v58;
	v62 =	vpop (erf)  }
0x745: {  	[tilespmem:s0+$0xFFFFEC00] =	vst v63;
	v61 =	vadd.f32 $1.000000000e+00, v60;
	v63 =	vpop (erf);
	(erf) = vrcp.f32 v54;
	v33 =	vmul.f32 $1.442695020e+00, v59  }
0x746: {  	[tilespmem:s6+$0xFFFFEC00] =	vst v43;
	v35 =	vadd.f32 $1.000000000e+00, v62;
	v29 =	vmul.f32 v63, v29;
	(erf) = vrcp.f32 v27  }
0x747: {  	s18 =	simm.s32 $0xC;
	[tilespmem:s31+$0x0] =	vst v26;
	v26 =	vadd.f32 $1.000000000e+00, v40;
	v27 =	vmul.f32 $1.442695020e+00, v16;
	(erf) = vrcp.f32 v61;
	v16 =	vpop (erf)  }
0x748: {  	s20 =	simm.s32 $0x17070;
	s25 =	simm.s32 $0x1BF30;
	s13 =	simm.s32 $0x1E730;
	[tilespmem:s10+$0xFFFFFF70] =	vst v25;
	v25 =	vadd.f32 $1.000000000e+00, v46;
	(erf) = vrcp.f32 v35;
	v34 =	vpop (erf);
	v16 =	vmul.f32 v16, v28  }
.LBB2_15:
0x749: {  	v28 =	vld [tilespmem:s20+$0xFFFFFFD0];
	[tilespmem:s13+$0xFFFFFFD0] =	vst v29;
	v34 =	vmul.f32 v34, v18;
	(erf) = vpow2.f32 v33;
	v29 =	vpop (erf)  }
0x74a: {  	s2 =	sadd.s32 $0x100, s2;
	v21 =	vmul.f32 v29, v21;
	(erf) = vpow2.f32 v27;
	v27 =	vpop (erf);
	v29 =	vld [tilespmem:s12+$0xFFFFEC00];
	[tilespmem:s10+$0xFFFFEC00] =	vst v16  }
0x74b: {  	v16 =	vld [tilespmem:s2+$0xFFFFEBD0];
	[tilespmem:s13+$0xFFFFEBD0] =	vst v34;
	v18 =	vpop (erf);
	v23 =	vmul.f32 v27, v23;
	(erf) = vpow2.f32 v30  }
0x74c: {  	v27 =	vld [tilespmem:s2+$0xFFFFFFD0];
	v33 =	vmul.f32 v18, v22;
	v22 =	vpop (erf);
	[tilespmem:s11+$0xFFFFFFF0] =	vst v21;
	(erf) = vpow2.f32 v31  }
0x74d: {  	v30 =	vld [tilespmem:s9+$0xFFFFFFE0];
	v21 =	vmul.f32 v22, v24;
	v22 =	vpop (erf);
	[tilespmem:s11+$0xFFFFEBF0] =	vst v23;
	(erf) = vrcp.f32 v32  }
0x74e: {  	v24 =	vmul.f32 v8, v0;
	v22 =	vadd.f32 $1.000000000e+00, v22;
	[tilespmem:s8+$0xFFFFFFE0] =	vst v33;
	v23 =	vld [tilespmem:s15+$0x0];
	v18 =	vpop (erf);
	(erf) = vrcp.f32 v26  }
0x74f: {  	v8 =	vpop (erf);
	[tilespmem:s8+$0xFFFFEBE0] =	vst v21;
	v21 =	vld [tilespmem:s17+$0x0];
	v12 =	vmul.f32 v18, v12;
	v29 =	vadd.f32 v29, v14;
	(erf) = vrcp.f32 v25  }
0x750: {  	v0 =	vmov v4;
	v18 =	vmul.f32 v8, v20;
	v14 =	vpop (erf);
	v20 =	vld [tilespmem:s19+$0xFFFFFFF0];
	(erf) = vrcp.f32 v22;
	[tilespmem:s31+$0xFFFFFF80] =	vst v24  }
0x751: {  	v2 =	vmul.f32 v6, v2;
	v4 =	vmul.f32 v14, v19;
	v19 =	vld [tilespmem:s4+$0xFFFFEBF0];
	v14 =	vpop (erf);
	[tilespmem:s10+$0xFFFFEB70] =	vst v12;
	v12 =	vsub.f32 $0.0e+00, v29  }
0x752: {  	v7 =	vmul.f32 v7, v1;
	v1 =	vmov v5;
	[tilespmem:s13+$0xFFFFFF50] =	vst v18;
	v6 =	vmul.f32 v14, v17;
	v17 =	vld [tilespmem:s4+$0xFFFFFFF0];
	v8 =	vpop (erf)  }
0x753: {  	v16 =	vadd.f32 v16, v28;
	v18 =	vadd.f32 v27, v28;
	[tilespmem:s13+$0xFFFFEB50] =	vst v4;
	v4 =	vld [tilespmem:s25+$0xFFFFEBE0];
	v28 =	vpop (erf);
	v5 =	vmul.f32 $1.442695020e+00, v12  }
0x754: {  	v24 =	vadd.f32 $1.000000000e+00, v8;
	v14 =	vmov v23;
	v12 =	vld [tilespmem:s25+$0xFFFFFFE0];
	[tilespmem:s8+$0xFFFFFF60] =	vst v6;
	v25 =	vadd.f32 v21, v23;
	v27 =	vpop (erf)  }
0x755: {  	v22 =	vsub.f32 $0.0e+00, v16;
	v23 =	vsub.f32 $0.0e+00, v18;
	v31 =	vld [tilespmem:s2+$0xFFFFEB50];
	(erf) = vpow2.f32 v5;
	v26 =	vpop (erf);
	[tilespmem:s31+$0xFFFFEB80] =	vst v2;
	s31 =	smov.u32 s0;
	s0 =	smov.u32 s6;
	s6 =	smov.u32 s10  }
0x756: {  	s10 =	smov.u32 s11;
	s11 =	smov.u32 s8;
	s8 =	smov.u32 s13;
	v32 =	vld [tilespmem:s2+$0xFFFFFF50];
	v21 =	vadd.f32 v19, v20;
	v2 =	vsub.f32 $0.0e+00, v25;
	(erf) = vrcp.f32 v24;
	[tilespmem:s31+$0x0] =	vst v7;
	v8 =	vpop (erf)  }
0x757: {  	v38 =	vmul.f32 $1.442695020e+00, v22;
	v33 =	vmul.f32 $1.442695020e+00, v23;
	v19 =	vld [tilespmem:s20+$0xFFFFFF50];
	v23 =	vadd.f32 v17, v20;
	v6 =	vpop (erf)  }
0x758: {  	v34 =	vld [tilespmem:s9+$0xFFFFFF60];
	v22 =	vadd.f32 v4, v30;
	v20 =	vsub.f32 $0.0e+00, v21;
	v39 =	vmul.f32 $1.442695020e+00, v2;
	v7 =	vpop (erf)  }
0x759: {  	(erf) = vpow2.f32 v38;
	v17 =	vld [tilespmem:s25+$0xFFFFEB60];
	v24 =	vadd.f32 v12, v30;
	v38 =	vsub.f32 $0.0e+00, v23;
	v30 =	vpop (erf)  }
0x75a: {  	v5 =	vmovc v29;
	v4 =	vmovc v9;
	v35 =	vld [tilespmem:s25+$0xFFFFFF60];
	v36 =	vsub.f32 $0.0e+00, v22;
	v37 =	vmul.f32 $1.442695020e+00, v20;
	(erf) = vpow2.f32 v39  }
0x75b: {  	s18 =	sadd.s32 $0x2, s18;
	v2 =	vmovc v3;
	v3 =	vmovc v10;
	(erf) = vpow2.f32 v33;
	v9 =	vsub.f32 $0.0e+00, v24;
	v29 =	vmul.f32 $1.442695020e+00, v38;
	v33 =	vld [tilespmem:s24+$0xFFFFFF80];
	s24 =	smov.u32 s15;
	s15 =	smov.u32 s19  }
0x75c: {  	p3 =	slt.u32 s18, $0x26;
	v12 =	vmovc v13;
	s19 =	smov.u32 s9;
	s9 =	smov.u32 s20;
	v20 =	vadd.f32 v31, v19;
	v10 =	vmul.f32 $1.442695020e+00, v36;
	(erf) = vpow2.f32 v37;
	v31 =	vld [tilespmem:s12+$0xFFFFEB80]  }
0x75d: {  	v19 =	vadd.f32 v32, v19;
	v9 =	vmul.f32 $1.442695020e+00, v9;
	(erf) = vpow2.f32 v29;
	v13 =	vld [tilespmem:s12+$0xFFFFFF80];
	s12 =	smov.u32 s17;
	s17 =	smov.u32 s4;
	s4 =	smov.u32 s25  }
0x75e: {  	s25 =	smov.u32 s2;
	v29 =	vsub.f32 $0.0e+00, v20;
	v17 =	vadd.f32 v17, v34;
	(erf) = vpow2.f32 v10;
	v36 =	vpop (erf)  }
0x75f: {  	v10 =	vsub.f32 $0.0e+00, v19;
	v37 =	vadd.f32 v35, v34;
	(erf) = vpow2.f32 v9;
	v34 =	vpop (erf)  }
0x760: {  	v30 =	vmul.f32 v30, v15;
	v9 =	vmul.f32 $1.442695020e+00, v29;
	v29 =	vsub.f32 $0.0e+00, v17  }
0x761: {  	v28 =	vadd.f32 $1.000000000e+00, v28;
	v38 =	vmul.f32 $1.442695020e+00, v10;
	v35 =	vsub.f32 $0.0e+00, v37;
	v15 =	vmovc v37  }
0x762: {  	(erf) = vpow2.f32 v9;
	v32 =	vpop (erf);
	v29 =	vmul.f32 $1.442695020e+00, v29;
	[tilespmem:s11+$0xFFFFEB60] =	vst v30;
	v9 =	vadd.f32 v31, v33  }
0x763: {  	v39 =	vadd.f32 $1.000000000e+00, v32;
	(erf) = vpow2.f32 v38;
	v35 =	vmul.f32 $1.442695020e+00, v35;
	v31 =	vld [tilespmem:s15+$0xFFFFFF70];
	v10 =	vpop (erf)  }
0x764: {  	v11 =	vmul.f32 v34, v11;
	v32 =	vpop (erf);
	(erf) = vpow2.f32 v29;
	v29 =	vld [tilespmem:s17+$0xFFFFEB70];
	v34 =	vadd.f32 $1.000000000e+00, v10  }
0x765: {  	v10 =	vadd.f32 v13, v33;
	v40 =	vadd.f32 $1.000000000e+00, v32;
	(erf) = vrcp.f32 v39;
	v37 =	vld [tilespmem:s17+$0xFFFFFF70];
	v30 =	vpop (erf)  }
0x766: {  	v13 =	vadd.f32 $1.000000000e+00, v30;
	v30 =	vpop (erf);
	[tilespmem:s10+$0xFFFFFF70] =	vst v11;
	(erf) = vrcp.f32 v34;
	v11 =	vsub.f32 $0.0e+00, v9  }
0x767: {  	v34 =	vsub.f32 $0.0e+00, v10;
	(erf) = vrcp.f32 v40;
	v32 =	vpop (erf);
	v33 =	vadd.f32 $1.000000000e+00, v30  }
0x768: {  	v32 =	vadd.f32 $1.000000000e+00, v32;
	v38 =	vpop (erf);
	(erf) = vrcp.f32 v13;
	v30 =	vmul.f32 $1.442695020e+00, v11  }
0x769: {  	v38 =	vadd.f32 $1.000000000e+00, v38;
	v11 =	vadd.f32 v29, v31;
	(erf) = vrcp.f32 v33  }
0x76a: {  	(erf) = vrcp.f32 v32;
	v13 =	vadd.f32 v37, v31;
	v31 =	vmul.f32 $1.442695020e+00, v34  }
0x76b: {  	v32 =	vadd.f32 $1.000000000e+00, v27;
	v29 =	vpop (erf);
	(erf) = vrcp.f32 v38;
	v33 =	vsub.f32 $0.0e+00, v11  }
.Ltmp11:
0x76c: {  	v27 =	vadd.f32 $1.000000000e+00, v29;
	v29 =	vpop (erf);
	(erf) = vpow2.f32 v35;
	v34 =	vsub.f32 $0.0e+00, v13;
	(pc) =	sbr.rel @p3 .LBB2_15-.Ltmp11, $4  }
0x76d: {  	v35 =	vadd.f32 $1.000000000e+00, v29;
	v29 =	vpop (erf);
	v33 =	vmul.f32 $1.442695020e+00, v33;
	(erf) = vrcp.f32 v28  }
0x76e: {  	(erf) = vrcp.f32 v27;
	v28 =	vpop (erf);
	v37 =	vadd.f32 $1.000000000e+00, v29;
	v27 =	vmul.f32 $1.442695020e+00, v34  }
0x76f: {  	v26 =	vadd.f32 $1.000000000e+00, v26;
	v29 =	vmul.f32 v28, v16;
	(erf) = vrcp.f32 v35;
	v16 =	vpop (erf)  }
0x770: {  	s13 =	sadd.s32 $0x100, s13;
	s20 =	sadd.s32 $0x100, s20;
	v34 =	vpop (erf);
	(erf) = vrcp.f32 v37;
	v16 =	vmul.f32 v16, v25;
	v25 =	vadd.f32 $1.000000000e+00, v36  }
0x771: {  	v18 =	vmul.f32 v34, v18  }
0x772: {  	v28 =	vpop (erf);
	[tilespmem:s13+$0xFFFFFFD0] =	vst v29  }
0x773: {  	v53 =	vld [tilespmem:s12+$0xFFFFEC00];
	v21 =	vmul.f32 v28, v21;
	v51 =	vpop (erf);
	[tilespmem:s13+$0xFFFFEBD0] =	vst v18  }
0x774: {  	v52 =	vpop (erf);
	v23 =	vmul.f32 v51, v23;
	v55 =	vld [tilespmem:s9+$0xFFFFFFE0]  }
0x775: {  	v18 =	vmul.f32 v52, v22;
	v54 =	vpop (erf);
	[tilespmem:s11+$0xFFFFFFF0] =	vst v21;
	v62 =	vld [tilespmem:s25+$0xFFFFEBE0]  }
0x776: {  	v39 =	vld [tilespmem:s25+$0xFFFFFFE0];
	v24 =	vmul.f32 v54, v24;
	[tilespmem:s11+$0xFFFFEBF0] =	vst v23  }
0x777: {  	(erf) = vpow2.f32 v33;
	[tilespmem:s8+$0xFFFFFFE0] =	vst v18;
	v22 =	vld [tilespmem:s15+$0x0]  }
0x778: {  	v56 =	vld [tilespmem:s17+$0x0];
	[tilespmem:s8+$0xFFFFEBE0] =	vst v24  }
0x779: {  	(erf) = vpow2.f32 v27;
	v24 =	vld [tilespmem:s19+$0xFFFFFFF0]  }
0x77a: {  	(erf) = vpow2.f32 v30;
	v58 =	vld [tilespmem:s4+$0xFFFFEBF0]  }
0x77b: {  	v57 =	vpop (erf);
	(erf) = vpow2.f32 v31;
	v14 =	vadd.f32 v53, v14;
	v60 =	vld [tilespmem:s4+$0xFFFFFFF0]  }
0x77c: {  	v27 =	vpop (erf);
	(erf) = vrcp.f32 v32  }
0x77d: {  	v23 =	vadd.f32 $1.000000000e+00, v57;
	v59 =	vpop (erf);
	(erf) = vrcp.f32 v26;
	v38 =	vsub.f32 $0.0e+00, v14  }
0x77e: {  	v61 =	vpop (erf);
	v20 =	vmul.f32 v59, v20;
	(erf) = vrcp.f32 v25;
	v28 =	vadd.f32 v62, v55  }
0x77f: {  	v63 =	vpop (erf);
	v19 =	vmul.f32 v61, v19;
	v26 =	vadd.f32 v39, v55;
	v18 =	vadd.f32 v56, v22  }
0x780: {  	v41 =	vmul.f32 $1.442695020e+00, v38;
	v40 =	vpop (erf);
	v29 =	vadd.f32 v58, v24;
	v24 =	vadd.f32 v60, v24  }
0x781: {  	(erf) = vrcp.f32 v23;
	v23 =	vadd.f32 $1.000000000e+00, v40;
	v42 =	vsub.f32 $0.0e+00, v18  }
0x782: {  	[tilespmem:s13+$0xFFFFFF50] =	vst v20;
	(erf) = vpow2.f32 v41;
	v43 =	vsub.f32 $0.0e+00, v29;
	v45 =	vsub.f32 $0.0e+00, v24  }
0x783: {  	[tilespmem:s13+$0xFFFFEB50] =	vst v19;
	v47 =	vsub.f32 $0.0e+00, v28;
	v44 =	vmul.f32 $1.442695020e+00, v42;
	(erf) = vrcp.f32 v23  }
0x784: {  	v50 =	vsub.f32 $0.0e+00, v26;
	v46 =	vld [tilespmem:s9+$0xFFFFFF60];
	v20 =	vmul.f32 $1.442695020e+00, v43;
	v21 =	vmul.f32 $1.442695020e+00, v45  }
0x785: {  	v49 =	vld [tilespmem:s25+$0xFFFFEB60];
	v48 =	vpop (erf);
	v30 =	vmul.f32 $1.442695020e+00, v47;
	(erf) = vpow2.f32 v44  }
0x786: {  	v19 =	vmul.f32 $1.442695020e+00, v50;
	v33 =	vpop (erf);
	(erf) = vpow2.f32 v20  }
0x787: {  	v34 =	vpop (erf);
	(erf) = vpow2.f32 v21  }
0x788: {  	v21 =	vpop (erf);
	(erf) = vpow2.f32 v30  }
0x789: {  	v20 =	vpop (erf);
	(erf) = vpow2.f32 v19  }
0x78a: {  	v30 =	vadd.f32 v49, v46;
	v19 =	vpop (erf)  }
0x78b: {  	v51 =	vpop (erf)  }
0x78c: {  	v36 =	vsub.f32 $0.0e+00, v30;
	v35 =	vpop (erf)  }
0x78d: {  	v37 =	vpop (erf)  }
0x78e: {  	v36 =	vmul.f32 $1.442695020e+00, v36;
	v38 =	vpop (erf)  }
0x78f: {  	v17 =	vmul.f32 v63, v17;
	v56 =	vld [tilespmem:s25+$0xFFFFFF60];
	v52 =	vadd.f32 $1.000000000e+00, v38;
	v53 =	vpop (erf)  }
0x790: {  	v15 =	vmul.f32 v51, v15;
	(erf) = vpow2.f32 v36;
	v54 =	vadd.f32 $1.000000000e+00, v53;
	v55 =	vpop (erf)  }
0x791: {  	[tilespmem:s8+$0xFFFFFF60] =	vst v17;
	(erf) = vrcp.f32 v52;
	v57 =	vpop (erf);
	v36 =	vadd.f32 $1.000000000e+00, v55  }
0x792: {  	[tilespmem:s8+$0xFFFFEB60] =	vst v15;
	v58 =	vadd.f32 $1.000000000e+00, v57;
	v59 =	vpop (erf);
	(erf) = vrcp.f32 v54  }
0x793: {  	v60 =	vld [tilespmem:s19+$0xFFFFFF70];
	v25 =	vadd.f32 $1.000000000e+00, v59;
	(erf) = vrcp.f32 v36  }
0x794: {  	v61 =	vld [tilespmem:s4+$0xFFFFEB70];
	v36 =	vadd.f32 v56, v46;
	(erf) = vrcp.f32 v58  }
0x795: {  	v12 =	vmul.f32 v27, v12;
	(erf) = vrcp.f32 v25  }
0x796: {  	v17 =	vsub.f32 $0.0e+00, v36  }
0x797: {  	[tilespmem:s10+$0xFFFFEB70] =	vst v12  }
0x798: {  	v62 =	vld [tilespmem:s24+$0xFFFFFF80]  }
0x799: {  	v44 =	vld [tilespmem:s4+$0xFFFFFF70];
	v25 =	vadd.f32 v61, v60;
	v39 =	vpop (erf)  }
0x79a: {  	v63 =	vld [tilespmem:s12+$0xFFFFEB80];
	v40 =	vmul.f32 $1.442695020e+00, v17;
	v17 =	vpop (erf)  }
0x79b: {  	v45 =	vld [tilespmem:s12+$0xFFFFFF80];
	v46 =	vsub.f32 $0.0e+00, v25;
	v41 =	vpop (erf)  }
0x79c: {  	v31 =	vadd.f32 $1.000000000e+00, v48;
	(erf) = vpow2.f32 v40;
	v47 =	vmul.f32 v41, v29;
	v48 =	vpop (erf)  }
0x79d: {  	v39 =	vadd.f32 $1.000000000e+00, v39;
	v32 =	vmul.f32 $1.442695020e+00, v46;
	v49 =	vpop (erf);
	v24 =	vmul.f32 v48, v24  }
0x79e: {  	v52 =	vld [tilespmem:s17+$0xFFFFEC00];
	v27 =	vadd.f32 v44, v60;
	(erf) = vrcp.f32 v31;
	v28 =	vmul.f32 v49, v28;
	v50 =	vpop (erf);
	[tilespmem:s8+$0xFFFFFFF0] =	vst v47  }
0x79f: {  	v12 =	vadd.f32 v63, v62;
	(erf) = vrcp.f32 v39;
	v26 =	vmul.f32 v50, v26;
	[tilespmem:s8+$0xFFFFEBF0] =	vst v24  }
0x7a0: {  	v15 =	vadd.f32 v45, v62;
	v51 =	vsub.f32 $0.0e+00, v27;
	(erf) = vpow2.f32 v32;
	[tilespmem:s13+$0xFFFFFFE0] =	vst v28;
	v29 =	vld [tilespmem:s19+$0x0]  }
0x7a1: {  	v53 =	vsub.f32 $0.0e+00, v12;
	v55 =	vld [tilespmem:s4+$0x0];
	[tilespmem:s13+$0xFFFFEBE0] =	vst v26  }
0x7a2: {  	v54 =	vsub.f32 $0.0e+00, v15;
	v23 =	vmul.f32 $1.442695020e+00, v51;
	v56 =	vld [tilespmem:s9+$0xFFFFFFF0]  }
0x7a3: {  	v22 =	vadd.f32 v52, v22;
	v24 =	vmul.f32 $1.442695020e+00, v53;
	v57 =	vld [tilespmem:s25+$0xFFFFEBF0]  }
0x7a4: {  	(erf) = vpow2.f32 v23;
	v28 =	vmul.f32 $1.442695020e+00, v54;
	v59 =	vld [tilespmem:s25+$0xFFFFFFF0]  }
0x7a5: {  	v58 =	vadd.f32 $1.000000000e+00, v33;
	v43 =	vsub.f32 $0.0e+00, v22;
	(erf) = vpow2.f32 v24  }
0x7a6: {  	v60 =	vadd.f32 $1.000000000e+00, v34;
	v61 =	vadd.f32 $1.000000000e+00, v35;
	(erf) = vpow2.f32 v28;
	v62 =	vpop (erf)  }
0x7a7: {  	v33 =	vmul.f32 $1.442695020e+00, v43;
	(erf) = vrcp.f32 v58;
	v63 =	vpop (erf);
	v23 =	vadd.f32 v55, v29  }
0x7a8: {  	v44 =	vadd.f32 $1.000000000e+00, v62;
	(erf) = vrcp.f32 v60;
	v45 =	vpop (erf);
	v35 =	vadd.f32 v57, v56  }
0x7a9: {  	(erf) = vrcp.f32 v61;
	v46 =	vpop (erf);
	v47 =	vsub.f32 $0.0e+00, v23;
	v32 =	vadd.f32 v59, v56  }
0x7aa: {  	(erf) = vrcp.f32 v44;
	v48 =	vadd.f32 $1.000000000e+00, v46;
	v49 =	vsub.f32 $0.0e+00, v35  }
0x7ab: {  	(erf) = vpow2.f32 v33;
	v50 =	vmul.f32 $1.442695020e+00, v47;
	v51 =	vsub.f32 $0.0e+00, v32  }
0x7ac: {  	(erf) = vrcp.f32 v48;
	v52 =	vmul.f32 $1.442695020e+00, v49  }
0x7ad: {  	v53 =	vpop (erf);
	(erf) = vpow2.f32 v50;
	v54 =	vmul.f32 $1.442695020e+00, v51  }
0x7ae: {  	v33 =	vpop (erf);
	(erf) = vpow2.f32 v52  }
0x7af: {  	v39 =	vpop (erf);
	(erf) = vpow2.f32 v54  }
0x7b0: {  	v28 =	vpop (erf)  }
0x7b1: {  	v26 =	vpop (erf)  }
0x7b2: {  	v24 =	vpop (erf)  }
0x7b3: {  	v55 =	vpop (erf)  }
0x7b4: {  	v41 =	vpop (erf)  }
0x7b5: {  	v42 =	vpop (erf)  }
0x7b6: {  	v43 =	vpop (erf)  }
0x7b7: {  	v30 =	vmul.f32 v45, v30;
	v56 =	vadd.f32 $1.000000000e+00, v43;
	v57 =	vpop (erf)  }
0x7b8: {  	v36 =	vmul.f32 v55, v36;
	v58 =	vadd.f32 $1.000000000e+00, v57;
	v59 =	vpop (erf)  }
0x7b9: {  	[tilespmem:s13+$0xFFFFFF60] =	vst v30;
	(erf) = vrcp.f32 v56;
	v60 =	vadd.f32 $1.000000000e+00, v59  }
0x7ba: {  	[tilespmem:s13+$0xFFFFEB60] =	vst v36;
	(erf) = vrcp.f32 v58  }
0x7bb: {  	v61 =	vld [tilespmem:s9+$0xFFFFFF70];
	(erf) = vrcp.f32 v60  }
0x7bc: {  	v11 =	vmul.f32 v37, v11;
	v62 =	vld [tilespmem:s25+$0xFFFFEB70]  }
0x7bd: {  	v13 =	vmul.f32 v63, v13  }
0x7be: {  	[tilespmem:s11+$0xFFFFFF70] =	vst v11  }
0x7bf: {  	[tilespmem:s11+$0xFFFFEB70] =	vst v13  }
0x7c0: {  	v13 =	vld [tilespmem:s15+$0xFFFFFF80]  }
0x7c1: {  	v63 =	vld [tilespmem:s25+$0xFFFFFF70];
	v30 =	vadd.f32 v62, v61  }
0x7c2: {  	v45 =	vld [tilespmem:s17+$0xFFFFEB80];
	v36 =	vpop (erf)  }
0x7c3: {  	v46 =	vld [tilespmem:s17+$0xFFFFFF80];
	v47 =	vsub.f32 $0.0e+00, v30;
	v48 =	vpop (erf)  }
0x7c4: {  	v38 =	vadd.f32 $1.000000000e+00, v53;
	v35 =	vmul.f32 v48, v35;
	v49 =	vpop (erf)  }
0x7c5: {  	v40 =	vmul.f32 $1.442695020e+00, v47;
	v32 =	vmul.f32 v49, v32  }
0x7c6: {  	v50 =	vld [tilespmem:s4+$0xFFFFEC00];
	v31 =	vadd.f32 v63, v61;
	(erf) = vrcp.f32 v38;
	[tilespmem:s13+$0xFFFFFFF0] =	vst v35  }
0x7c7: {  	v11 =	vadd.f32 v45, v13;
	(erf) = vpow2.f32 v40;
	[tilespmem:s13+$0xFFFFEBF0] =	vst v32  }
0x7c8: {  	v13 =	vadd.f32 v46, v13;
	v51 =	vsub.f32 $0.0e+00, v31;
	v35 =	vld [tilespmem:s9+$0x0]  }
0x7c9: {  	v52 =	vsub.f32 $0.0e+00, v11;
	v53 =	vld [tilespmem:s25+$0x0]  }
0x7ca: {  	v54 =	vsub.f32 $0.0e+00, v13;
	v32 =	vmul.f32 $1.442695020e+00, v51  }
0x7cb: {  	v37 =	vmul.f32 $1.442695020e+00, v52;
	v29 =	vadd.f32 v50, v29  }
0x7cc: {  	v40 =	vmul.f32 $1.442695020e+00, v54;
	(erf) = vpow2.f32 v32  }
0x7cd: {  	v55 =	vadd.f32 $1.000000000e+00, v33;
	v34 =	vsub.f32 $0.0e+00, v29;
	(erf) = vpow2.f32 v37  }
0x7ce: {  	v56 =	vadd.f32 $1.000000000e+00, v39;
	(erf) = vpow2.f32 v40;
	v37 =	vadd.f32 v53, v35  }
0x7cf: {  	v57 =	vadd.f32 $1.000000000e+00, v41;
	v58 =	vpop (erf);
	(erf) = vrcp.f32 v55  }
0x7d0: {  	v34 =	vmul.f32 $1.442695020e+00, v34;
	v59 =	vpop (erf);
	(erf) = vrcp.f32 v56;
	v60 =	vsub.f32 $0.0e+00, v37  }
0x7d1: {  	v33 =	vadd.f32 $1.000000000e+00, v59;
	(erf) = vrcp.f32 v57  }
0x7d2: {  	(erf) = vpow2.f32 v34;
	v61 =	vmul.f32 $1.442695020e+00, v60  }
0x7d3: {  	(erf) = vrcp.f32 v33  }
0x7d4: {  	(erf) = vpow2.f32 v61  }
0x7d5: {  	v62 =	vpop (erf)  }
0x7d6: {  	v63 =	vpop (erf)  }
0x7d7: {  	v48 =	vpop (erf)  }
0x7d8: {  	v39 =	vpop (erf)  }
0x7d9: {  	v40 =	vpop (erf)  }
0x7da: {  	v41 =	vpop (erf)  }
0x7db: {  	v49 =	vpop (erf)  }
0x7dc: {  	v44 =	vpop (erf)  }
0x7dd: {  	v45 =	vpop (erf)  }
0x7de: {  	v45 =	vadd.f32 $1.000000000e+00, v45  }
0x7df: {  	v33 =	vadd.f32 $1.000000000e+00, v62  }
0x7e0: {  	(erf) = vrcp.f32 v45  }
0x7e1: {  	(erf) = vrcp.f32 v33;
	_ =	sdelay $0x2  }
0x7e2: {  	v25 =	vmul.f32 v42, v25  }
0x7e3: {  	v27 =	vmul.f32 v58, v27  }
0x7e4: {  	[tilespmem:s8+$0xFFFFFF70] =	vst v25  }
0x7e5: {  	[tilespmem:s8+$0xFFFFEB70] =	vst v27  }
0x7e6: {  	v25 =	vld [tilespmem:s19+$0xFFFFFF80]  }
0x7e7: {  	v27 =	vld [tilespmem:s4+$0xFFFFEB80];
	v32 =	vpop (erf)  }
0x7e8: {  	v50 =	vld [tilespmem:s4+$0xFFFFFF80];
	v30 =	vmul.f32 v44, v30;
	v51 =	vpop (erf)  }
0x7e9: {  	v31 =	vmul.f32 v51, v31  }
0x7ea: {  	[tilespmem:s13+$0xFFFFFF70] =	vst v30  }
0x7eb: {  	v52 =	vld [tilespmem:s25+$0xFFFFEC00];
	[tilespmem:s13+$0xFFFFEB70] =	vst v31  }
0x7ec: {  	v27 =	vadd.f32 v27, v25;
	v31 =	vld [tilespmem:s9+$0xFFFFFF80]  }
0x7ed: {  	v25 =	vadd.f32 v50, v25;
	v53 =	vld [tilespmem:s25+$0xFFFFEB80]  }
0x7ee: {  	v54 =	vsub.f32 $0.0e+00, v27;
	v55 =	vld [tilespmem:s25+$0xFFFFFF80]  }
0x7ef: {  	v56 =	vsub.f32 $0.0e+00, v25  }
0x7f0: {  	v42 =	vmul.f32 $1.442695020e+00, v54  }
0x7f1: {  	v57 =	vmul.f32 $1.442695020e+00, v56;
	v34 =	vadd.f32 $1.000000000e+00, v63;
	v30 =	vadd.f32 v52, v35  }
0x7f2: {  	v38 =	vadd.f32 $1.000000000e+00, v48;
	(erf) = vpow2.f32 v42;
	v33 =	vadd.f32 v53, v31  }
0x7f3: {  	v58 =	vsub.f32 $0.0e+00, v30;
	(erf) = vpow2.f32 v57;
	v31 =	vadd.f32 v55, v31  }
0x7f4: {  	v59 =	vadd.f32 $1.000000000e+00, v49;
	(erf) = vrcp.f32 v34;
	v60 =	vsub.f32 $0.0e+00, v33  }
0x7f5: {  	v35 =	vmul.f32 $1.442695020e+00, v58;
	(erf) = vrcp.f32 v38;
	v61 =	vsub.f32 $0.0e+00, v31  }
0x7f6: {  	(erf) = vrcp.f32 v59;
	v34 =	vmul.f32 $1.442695020e+00, v60  }
0x7f7: {  	(erf) = vpow2.f32 v35;
	v62 =	vmul.f32 $1.442695020e+00, v61  }
0x7f8: {  	(erf) = vpow2.f32 v34  }
0x7f9: {  	v0 =	vmul.f32 v8, v0;
	(erf) = vpow2.f32 v62  }
0x7fa: {  	v2 =	vmul.f32 v6, v2;
	[tilespmem:s10+$0xFFFFEC00] =	vst v16  }
0x7fb: {  	[tilespmem:s31+$0xFFFFFF80] =	vst v0;
	v17 =	vmul.f32 v17, v18;
	v16 =	vpop (erf)  }
0x7fc: {  	[tilespmem:s31+$0xFFFFEB80] =	vst v2;
	v43 =	vmul.f32 v19, v5;
	v18 =	vpop (erf)  }
0x7fd: {  	[tilespmem:s11+$0xFFFFEC00] =	vst v17;
	v47 =	vmul.f32 v28, v9;
	v35 =	vpop (erf)  }
0x7fe: {  	[tilespmem:s6+$0x0] =	vst v43;
	v63 =	vmul.f32 v7, v1;
	v42 =	vpop (erf)  }
0x7ff: {  	[tilespmem:s6+$0xFFFFFF80] =	vst v47;
	v54 =	vmul.f32 v40, v15;
	v1 =	vadd.f32 $1.000000000e+00, v16;
	v44 =	vpop (erf)  }
0x800: {  	[tilespmem:s0+$0x0] =	vst v63;
	v49 =	vmul.f32 v26, v10;
	v6 =	vadd.f32 $1.000000000e+00, v18;
	v46 =	vpop (erf)  }
0x801: {  	[tilespmem:s10+$0xFFFFEB80] =	vst v54;
	v45 =	vmul.f32 v36, v23;
	v7 =	vadd.f32 $1.000000000e+00, v46;
	(erf) = vrcp.f32 v1;
	v48 =	vpop (erf)  }
0x802: {  	[tilespmem:s6+$0xFFFFEB80] =	vst v49;
	v38 =	vmul.f32 v20, v3;
	(erf) = vrcp.f32 v6;
	v50 =	vpop (erf);
	v1 =	vadd.f32 $1.000000000e+00, v48  }
0x803: {  	[tilespmem:s8+$0xFFFFEC00] =	vst v45;
	v52 =	vmul.f32 v32, v37;
	(erf) = vrcp.f32 v7;
	v6 =	vadd.f32 $1.000000000e+00, v50  }
0x804: {  	[tilespmem:s0+$0xFFFFEB80] =	vst v38;
	v51 =	vmul.f32 v24, v14;
	(erf) = vrcp.f32 v1  }
0x805: {  	[tilespmem:s13+$0xFFFFEC00] =	vst v52;
	v56 =	vmul.f32 v35, v11;
	(erf) = vrcp.f32 v6  }
0x806: {  	[tilespmem:s10+$0x0] =	vst v51;
	v57 =	vmul.f32 v42, v13  }
0x807: {  	[tilespmem:s11+$0xFFFFFF80] =	vst v56;
	v58 =	vmul.f32 v44, v29  }
0x808: {  	[tilespmem:s11+$0xFFFFEB80] =	vst v57;
	v53 =	vmul.f32 v39, v12  }
0x809: {  	[tilespmem:s8+$0x0] =	vst v58;
	v55 =	vmul.f32 v41, v22  }
0x80a: {  	[tilespmem:s10+$0xFFFFFF80] =	vst v53;
	v34 =	vmul.f32 v21, v4;
	v59 =	vpop (erf)  }
0x80b: {  	[tilespmem:s11+$0x0] =	vst v55;
	v60 =	vpop (erf);
	v2 =	vmul.f32 v59, v27  }
0x80c: {  	[tilespmem:s0+$0xFFFFFF80] =	vst v34;
	v61 =	vpop (erf);
	v0 =	vmul.f32 v60, v25  }
0x80d: {  	[tilespmem:s8+$0xFFFFFF80] =	vst v2;
	v1 =	vmul.f32 v61, v30;
	v62 =	vpop (erf)  }
0x80e: {  	[tilespmem:s8+$0xFFFFEB80] =	vst v0;
	v63 =	vpop (erf);
	v2 =	vmul.f32 v62, v33  }
0x80f: {  	[tilespmem:s13+$0x0] =	vst v1;
	v0 =	vmul.f32 v63, v31  }
0x810: {  	[tilespmem:s13+$0xFFFFFF80] =	vst v2  }
0x811: {  	[tilespmem:s13+$0xFFFFEB80] =	vst v0  }
.LBB2_17:
.Ltmp12:
0x812: {  	s0 =	sadd.s32 $0x13900, s30;
	(pc) =	sbr.rel @p2 .LBB2_19-.Ltmp12, $4  }
0x813: {  	[spmem:s1] =	stream.indirect.scatter.add.f32 [tilespmem:s22], [sflag:$0x3], $0x80, s0, s16, $0xb8;
	[tilespmem:$0x1F480] =	vst v63  }
0x814: {  	_ =	swait.ge [sflag:s14], $0x2800  }
0x815: {  	[sflag:s14] =	ssyncset.done $0x0  }
0x816: {  	[sflag:s14] =	ssyncadd.s32 $0xFFFFD800  }
0x817: {  	s0 =	sadd.s32 $0x3, s29  }
0x818: {  	s2 =	sadd.s32 s28, s0  }
0x819: {  	s2 =	smul.u32 $0x28, s2;
	_ =	sdelay $0x1  }
0x81a: {  	s4 =	simm.s32 $0x0;
	s2 =	sadd.s32 s7, s2  }
.Ltmp13:
0x81b: {  	s0 =	sshll.u32 s0, $0x7;
	s2 =	sshll.u32 s2, $0x4;
	(pc) =	sbr.rel .LBB2_3-.Ltmp13, $4  }
0x81c: {  	s6 =	simm.s32 $0x16880;
	s0 =	sand.u32 $0x3FFFFF80, s0;
	s2 =	sadd.s32 s5, s2  }
0x81d: {  	[tilespmem:s6], [sflag:$0x2] =	stream.linear.gather [hbm4b:s2+s4], $0x1400, $0x38;
	[tilespmem:$0x1F480] =	vst v63  }
0x81e: {  	s31 =	simm.s32 $0x1A480;
	s26 =	sadd.s32 $0x1, s26;
	s0 =	sadd.s32 $0x13880, s0  }
0x81f: {  	[tilespmem:s31], [sflag:$0x2] =	stream.indirect.gather [hbm4b:s3+s16], $0x80, s0, s16, $0xb8;
	[tilespmem:$0x1F480] =	vst v63  }
.LBB2_21:
0x820: {  	_ =	sfence.sel $0x180000  }
0x821: {  	[bflag:$0x0] =	sbarrier.arrive $0xFFFF  }
0x822: {  	_ =	strace $0x90000047  }
0x823: {  	[bflag:$0x2] =	sbarrier.arrive $0xFFFF  }
0x824: {  	s0 =	rddreg [dreg:$0x2]  }
0x825: {  	s0 =	sadd.s32 @!p0 $0x100000, s0  }
0x826: {  	[sflag:s0] =	ssyncadd.tile.s32 @!p0 $0x1;
	_ =	shalt  }
.Lfunc_end2:
_tile_overlayer_lowered:
.L_overlay_start_2:
0x827: {  	(tag) =	ssettag $0x2  }
0x828: {  	s0 =	rddreg [dreg:$0x0];
	s2 =	stileid.u32  }
0x829: {  	s1 =	rddreg [dreg:$0x1];
	p0 =	sne.s32 s2, $0x0  }
0x82a: {  	s3 =	rddreg [dreg:$0x2];
	[bflag:$0x3] =	sbarrier.arrive $0xFFFF;
	s2 =	simm.s32 @!p0 $0x1C03  }
0x82b: {  	[timem:s3], [sflag:s2] =	dma.local @!p0 [hbm:s0], s1  }
0x82c: {  	s0 =	simm.s32 @!p0 $0x3  }
0x82d: {  	_ =	swait.ge @!p0 [sflag:s0], s1  }
0x82e: {  	s1 =	ssub.s32 @!p0 $0x0, s1;
	[sflag:s0] =	ssyncset.done @!p0 $0x0  }
0x82f: {  	[sflag:s0] =	ssyncadd.s32 @!p0 s1  }
0x830: {  	[bflag:$0x3] =	sbarrier.arrive $0xFFFF  }
0x831: {  	_ =	shalt  }

</sc_bundles>
